<compile_context>
chip_gen: v7x
topology: tpu7x:2x2x1
jax: 0.10.2.dev20260603
libtpu: 0.0.44.dev20260713+nightly
codegen_flags: <defaults>
</compile_context>

<pallas_src>
import functools

import jax
import jax.numpy as jnp
from jax import lax
from jax.experimental import pallas as pl
from jax.experimental.pallas import tpu as pltpu
from jax.experimental.pallas import tpu_sc as plsc

N = 10000
D = 128
H = 64
NG = 256

_NC, _NS = 2, 16
_NW = _NC * _NS
_NP = 10112
_ZR = _NP // _NS
_EC = 128
_ER = 2560
_RPT = _ER // _NW
_BLK = 2528

_CPS = 2
_NCH = _RPT // _CPS
_ZT = _NP - N

_mesh = plsc.VectorSubcoreMesh(core_axis_name="c", subcore_axis_name="s")


@functools.partial(
    pl.kernel,
    out_type=jax.ShapeDtypeStruct((_NC, _NP, H), jnp.float32),
    mesh=_mesh,
    scratch_types=[
        pltpu.VMEM((_NCH, _CPS * _EC), jnp.int32),
        pltpu.VMEM((2, _CPS * _EC), jnp.int32),
        pltpu.VMEM((2, _CPS * _EC, H), jnp.float32),
        pltpu.VMEM_SHARED((_NP, H), jnp.float32),
        pltpu.VMEM_SHARED((_NP, H), jnp.float32),
        pltpu.SemaphoreType.DMA,
        pltpu.SemaphoreType.DMA,
        pltpu.SemaphoreType.DMA,
        pltpu.SemaphoreType.DMA,
    ],
    compiler_params=pltpu.CompilerParams(use_tc_tiling_on_sc=False),
)
def _sc_agg(y_hbm, src_hbm, dst_hbm, out_hbm, srcv, dring, rows,
            accum, ycopy, gsem, ssem, dsem, csem):
    cid = lax.axis_index("c")
    sid = lax.axis_index("s")
    wid = sid * _NC + cid

    pltpu.async_copy(y_hbm.at[pl.ds(sid * _ZR, _ZR)],
                     ycopy.at[pl.ds(sid * _ZR, _ZR)], ssem)

    _rem = _ZR - (_ZR // _ZT) * _ZT
    for q in range(_ZR // _ZT):
        pltpu.async_copy(y_hbm.at[pl.ds(N, _ZT)],
                         accum.at[pl.ds(sid * _ZR + q * _ZT, _ZT)], csem)
    if _rem:
        pltpu.async_copy(y_hbm.at[pl.ds(N, _rem)],
                         accum.at[pl.ds(sid * _ZR + (_ZR // _ZT) * _ZT, _rem)],
                         csem)

    pltpu.sync_copy(src_hbm.at[wid], srcv)
    pltpu.async_copy(dst_hbm.at[wid, 0], dring.at[0], dsem)
    for q in range(_ZR // _ZT):
        pltpu.make_async_copy(y_hbm.at[pl.ds(N, _ZT)],
                              accum.at[pl.ds(sid * _ZR + q * _ZT, _ZT)],
                              csem).wait()
    if _rem:
        pltpu.make_async_copy(
            y_hbm.at[pl.ds(N, _rem)],
            accum.at[pl.ds(sid * _ZR + (_ZR // _ZT) * _ZT, _rem)],
            csem).wait()
    pltpu.make_async_copy(y_hbm.at[pl.ds(sid * _ZR, _ZR)],
                          ycopy.at[pl.ds(sid * _ZR, _ZR)], ssem).wait()
    plsc.subcore_barrier()

    pltpu.async_copy(ycopy.at[srcv.at[0]], rows.at[0], gsem)

    def _outer(i, carry):
        for b in range(2):
            g = i * 2 + b
            nxt = g + 1

            pltpu.make_async_copy(ycopy.at[pl.ds(0, _CPS * _EC)],
                                  rows.at[b], gsem).wait()

            @pl.when(nxt < _NCH)
            def _():
                pltpu.async_copy(ycopy.at[srcv.at[nxt]], rows.at[1 - b],
                                 gsem)
                pltpu.async_copy(dst_hbm.at[wid, nxt], dring.at[1 - b],
                                 dsem)

            pltpu.make_async_copy(dst_hbm.at[wid, 0], dring.at[b],
                                  dsem).wait()
            pltpu.sync_copy(rows.at[b], accum.at[dring.at[b]], add=True)
        return carry

    lax.fori_loop(0, _NCH // 2, _outer, 0)

    plsc.subcore_barrier()
    pltpu.sync_copy(accum.at[pl.ds(sid * _ZR, _ZR)],
                    out_hbm.at[cid, pl.ds(sid * _ZR, _ZR)])


def _dot(a, b):
    return jnp.dot(a, b, preferred_element_type=jnp.float32)


def _tc_first_body(x_ref, w_ref, o_ref):
    o_ref[...] = _dot(x_ref[...], w_ref[...])


def _tc_first(x_pad, w):
    return pl.pallas_call(
        _tc_first_body,
        grid=(_NP // _BLK,),
        in_specs=[
            pl.BlockSpec((_BLK, D), lambda i: (i, 0)),
            pl.BlockSpec((D, H), lambda i: (0, 0)),
        ],
        out_specs=pl.BlockSpec((_BLK, H), lambda i: (i, 0)),
        out_shape=jax.ShapeDtypeStruct((_NP, H), jnp.float32),
    )(x_pad, w)


def _row_mask(i, v, blk):
    rowid = i * blk + lax.broadcasted_iota(jnp.int32, (blk, 1), 0)
    return jnp.where(rowid < N, v, 0.0)


def _tc_mid_body(y_ref, p_ref, b1_ref, w2_ref, b2_ref, w1n_ref, o_ref):
    i = pl.program_id(0)
    h = jnp.maximum(y_ref[...] + p_ref[0] + p_ref[1] + b1_ref[...], 0.0)
    h = _dot(h, w2_ref[...]) + b2_ref[...]
    x = jnp.maximum(h, 0.0)
    o_ref[...] = _row_mask(i, _dot(x, w1n_ref[...]), _BLK)


def _tc_mid(y, p, b1, w2, b2, w1n):
    return pl.pallas_call(
        _tc_mid_body,
        grid=(_NP // _BLK,),
        in_specs=[
            pl.BlockSpec((_BLK, H), lambda i: (i, 0)),
            pl.BlockSpec((_NC, _BLK, H), lambda i: (0, i, 0)),
            pl.BlockSpec((1, H), lambda i: (0, 0)),
            pl.BlockSpec((H, H), lambda i: (0, 0)),
            pl.BlockSpec((1, H), lambda i: (0, 0)),
            pl.BlockSpec((H, H), lambda i: (0, 0)),
        ],
        out_specs=pl.BlockSpec((_BLK, H), lambda i: (i, 0)),
        out_shape=jax.ShapeDtypeStruct((_NP, H), jnp.float32),
    )(y, p, b1, w2, b2, w1n)


def _tc_final_body(y_ref, p_ref, b1_ref, w2_ref, b2_ref, batch_ref,
                   mw1_ref, mb1_ref, mw2_ref, mb2_ref, o_ref, g_acc):
    i = pl.program_id(0)

    @pl.when(i == 0)
    def _():
        g_acc[...] = jnp.zeros_like(g_acc)

    h = jnp.maximum(y_ref[...] + p_ref[0] + p_ref[1] + b1_ref[...], 0.0)
    h = _dot(h, w2_ref[...]) + b2_ref[...]
    x = _row_mask(i, jnp.maximum(h, 0.0), _BLK)
    b = batch_ref[0, 0]
    oh = (b[:, None] == lax.broadcasted_iota(jnp.int32, (_BLK, NG), 1)
          ).astype(jnp.float32)
    g_acc[...] += lax.dot_general(
        oh, x, (((0,), (0,)), ((), ())),
        preferred_element_type=jnp.float32)

    @pl.when(i == _NP // _BLK - 1)
    def _():
        g = jnp.maximum(_dot(g_acc[...], mw1_ref[...]) + mb1_ref[...], 0.0)
        o_ref[...] = _dot(g, mw2_ref[...]) + mb2_ref[...]


def _tc_final(y, p, b1, w2, b2, batch3, mw1, mb1, mw2, mb2):
    return pl.pallas_call(
        _tc_final_body,
        grid=(_NP // _BLK,),
        in_specs=[
            pl.BlockSpec((_BLK, H), lambda i: (i, 0)),
            pl.BlockSpec((_NC, _BLK, H), lambda i: (0, i, 0)),
            pl.BlockSpec((1, H), lambda i: (0, 0)),
            pl.BlockSpec((H, H), lambda i: (0, 0)),
            pl.BlockSpec((1, H), lambda i: (0, 0)),
            pl.BlockSpec((1, 1, _BLK), lambda i: (i, 0, 0)),
            pl.BlockSpec((H, H), lambda i: (0, 0)),
            pl.BlockSpec((1, H), lambda i: (0, 0)),
            pl.BlockSpec((H, H), lambda i: (0, 0)),
            pl.BlockSpec((1, H), lambda i: (0, 0)),
        ],
        out_specs=pl.BlockSpec((NG, H), lambda i: (0, 0)),
        out_shape=jax.ShapeDtypeStruct((NG, H), jnp.float32),
        scratch_shapes=[pltpu.VMEM((NG, H), jnp.float32)],
    )(y, p, b1, w2, b2, batch3, mw1, mb1, mw2, mb2)


def kernel(x, edge_index, batch,
           w1_0, b1_0, w2_0, b2_0, w1_1, b1_1, w2_1, b2_1,
           w1_2, b1_2, w2_2, b2_2, w1_3, b1_3, w2_3, b2_3,
           w1_4, b1_4, w2_4, b2_4, mw1, mb1, mw2, mb2):
    conv = [(w1_0, b1_0, w2_0, b2_0), (w1_1, b1_1, w2_1, b2_1),
            (w1_2, b1_2, w2_2, b2_2), (w1_3, b1_3, w2_3, b2_3),
            (w1_4, b1_4, w2_4, b2_4)]

    epad = _ER * _EC - edge_index.shape[1]
    fill = jnp.full((epad,), N, jnp.int32)
    srcp = jnp.concatenate([edge_index[0], fill]).reshape(
        _NW, _NCH, _CPS * _EC)
    dstp = jnp.concatenate([edge_index[1], fill]).reshape(
        _NW, _NCH, _CPS * _EC)
    x_pad = jnp.zeros((_NP, D), jnp.float32).at[:N].set(x)
    batch3 = jnp.concatenate(
        [batch, jnp.zeros((_NP - N,), jnp.int32)]).reshape(_NP // _BLK, 1, _BLK)

    y = _tc_first(x_pad, w1_0)
    for i in range(5):
        _, b1, w2, b2 = conv[i]
        p = _sc_agg(y, srcp, dstp)
        b1r = b1.reshape(1, H)
        b2r = b2.reshape(1, H)
        if i < 4:
            y = _tc_mid(y, p, b1r, w2, b2r, conv[i + 1][0])
        else:
            out = _tc_final(y, p, b1r, w2, b2r, batch3,
                            mw1, mb1.reshape(1, H), mw2, mb2.reshape(1, H))
    return out

# --- scband reference (transcript-rebuilt; emitter-appended) ---
"""Pipeline reference for scband-pure-gin-88364657148568 (READ-ONLY COPY).

The authoritative reference and input builder live on the scoring server;
editing this copy changes nothing except your own understanding.
"""

import jax, jax.numpy as jnp
import numpy as np

N = 10000
E = 320000
D = 128
H = 64
OUT = 64
NG = 256

def setup_inputs(seed: int = 0):
    key = jax.random.key(seed)
    inp = {}
    inp["x"] = jax.random.normal(jax.random.fold_in(key, 0), (N, D), dtype=jnp.float32)
    inp["edge_index"] = jax.random.randint(jax.random.fold_in(key, 1), (2, E), 0, N, dtype=jnp.int32)
    inp["batch"] = jnp.sort(jax.random.randint(jax.random.fold_in(key, 2), (N,), 0, NG, dtype=jnp.int32))
    for i in range(5):
        din = D if i == 0 else H
        inp["w1_%d" % i] = jax.random.normal(jax.random.fold_in(key, 10 + 4 * i), (din, H), dtype=jnp.float32) * (1.0 / np.sqrt(din))
        inp["b1_%d" % i] = jnp.zeros((H,), dtype=jnp.float32)
        inp["w2_%d" % i] = jax.random.normal(jax.random.fold_in(key, 11 + 4 * i), (H, H), dtype=jnp.float32) * (1.0 / np.sqrt(H))
        inp["b2_%d" % i] = jnp.zeros((H,), dtype=jnp.float32)
    inp["mw1"] = jax.random.normal(jax.random.fold_in(key, 50), (H, H), dtype=jnp.float32) * (1.0 / np.sqrt(H))
    inp["mb1"] = jnp.zeros((H,), dtype=jnp.float32)
    inp["mw2"] = jax.random.normal(jax.random.fold_in(key, 51), (H, OUT), dtype=jnp.float32) * (1.0 / np.sqrt(H))
    inp["mb2"] = jnp.zeros((OUT,), dtype=jnp.float32)
    return inp

def _forward(x, conv_params, mw1, mb1, mw2, mb2, edge_index, batch):
    src = edge_index[0]
    dst = edge_index[1]
    for (w1, b1, w2, b2) in conv_params:
        # GINConv, train_eps=False, eps=0: mlp((1+eps)*x + sum_{j in N(i)} x_j)
        agg = jax.ops.segment_sum(x[src], dst, num_segments=x.shape[0])
        h = x + agg
        # MLP([in, 64, 64], norm=None): Linear -> ReLU -> Linear (plain last)
        h = jnp.maximum(h @ w1 + b1, 0.0)
        h = h @ w2 + b2
        # outer x = conv(x).relu()
        x = jnp.maximum(h, 0.0)
    # global_add_pool
    g = jax.ops.segment_sum(x, batch, num_segments=NG)
    # final MLP([64, 64, out]); dropout=0.5 is identity in eval
    g = jnp.maximum(g @ mw1 + mb1, 0.0)
    return g @ mw2 + mb2

def reference(x, edge_index, batch, w1_0, b1_0, w2_0, b2_0, w1_1, b1_1, w2_1, b2_1, w1_2, b1_2, w2_2, b2_2, w1_3, b1_3, w2_3, b2_3, w1_4, b1_4, w2_4, b2_4, mw1, mb1, mw2, mb2):
    conv_params = [(w1_0, b1_0, w2_0, b2_0), (w1_1, b1_1, w2_1, b2_1), (w1_2, b1_2, w2_2, b2_2), (w1_3, b1_3, w2_3, b2_3), (w1_4, b1_4, w2_4, b2_4)]
    return _forward(x, conv_params, mw1, mb1, mw2, mb2, edge_index, batch)

if __name__ == "__main__":
    import jax
    _d = setup_inputs()
    print(jax.jit(kernel)(*tuple(_d.values())))

</pallas_src>

<mosaic_0001>
#map = affine_map<(d0, d1) -> (0, 0)>
#map1 = affine_map<(d0, d1) -> (0, 0, 0)>
module attributes {stable_mosaic.version = 14 : i64} {
  func.func @_sc_agg(%arg0: i32, %arg1: i32, %arg2: memref<10112x64xf32, #tpu.memory_space<hbm>>, %arg3: memref<32x40x256xi32, #tpu.memory_space<hbm>>, %arg4: memref<32x40x256xi32, #tpu.memory_space<hbm>>, %arg5: memref<2x10112x64xf32, #tpu.memory_space<hbm>>, %arg6: memref<40x256xi32, #tpu.memory_space<vmem>>, %arg7: memref<2x256xi32, #tpu.memory_space<vmem>>, %arg8: memref<2x256x64xf32, #tpu.memory_space<vmem>>, %arg9: memref<10112x64xf32, #tpu.memory_space<vmem_shared>>, %arg10: memref<10112x64xf32, #tpu.memory_space<vmem_shared>>, %arg11: memref<!tpu.dma_semaphore, #tpu.memory_space<semaphore_mem>>, %arg12: memref<!tpu.dma_semaphore, #tpu.memory_space<semaphore_mem>>, %arg13: memref<!tpu.dma_semaphore, #tpu.memory_space<semaphore_mem>>, %arg14: memref<!tpu.dma_semaphore, #tpu.memory_space<semaphore_mem>>) attributes {dimension_semantics = [#tpu.dimension_semantics<core_parallel>, #tpu.dimension_semantics<subcore_parallel>], iteration_bounds = array<i64: 2, 16>, scalar_prefetch = 0 : i64, scratch_operands = 9 : i64, tpu.core_type = #tpu.core_type<sc_vector_subcore>, window_params = [{transform_indices = #map}, {transform_indices = #map1}, {transform_indices = #map1}, {transform_indices = #map1}]} {
    %mul3A = arith.constant 2 : i32
    %mul3A_0 = arith.muli %arg1, %mul3A : i32
    %add3A = arith.addi %mul3A_0, %arg0 : i32
    %mul3A_1 = arith.constant 632 : i32
    %mul3A_2 = arith.muli %arg1, %mul3A_1 : i32
    %mul3A_3 = arith.constant 632 : i32
    %mul3A_4 = arith.muli %arg1, %mul3A_3 : i32
    %dma_start3A = arith.constant 0 : i32
    %dma_start3A_5 = tpu.memref_slice %arg10[%mul3A_4, %dma_start3A] : memref<10112x64xf32, #tpu.memory_space<vmem_shared>> -> memref<632x64xf32, #tpu.memory_space<vmem_shared>>
    %dma_start3A_6 = arith.constant 0 : i32
    %dma_start3A_7 = tpu.memref_slice %arg2[%mul3A_2, %dma_start3A_6] : memref<10112x64xf32, #tpu.memory_space<hbm>> -> memref<632x64xf32, #tpu.memory_space<hbm>>
    tpu.enqueue_dma source(%dma_start3A_7 : memref<632x64xf32, #tpu.memory_space<hbm>>) target(%dma_start3A_5 : memref<632x64xf32, #tpu.memory_space<vmem_shared>>) target_semaphore(%arg12 : memref<!tpu.dma_semaphore, #tpu.memory_space<semaphore_mem>>)
    %mul3A_8 = arith.constant 632 : i32
    %mul3A_9 = arith.muli %arg1, %mul3A_8 : i32
    %add3A_10 = arith.constant 0 : i32
    %add3A_11 = arith.addi %mul3A_9, %add3A_10 : i32
    %dma_start3A_12 = arith.constant 0 : i32
    %dma_start3A_13 = tpu.memref_slice %arg9[%add3A_11, %dma_start3A_12] : memref<10112x64xf32, #tpu.memory_space<vmem_shared>> -> memref<112x64xf32, #tpu.memory_space<vmem_shared>>
    %dma_start3A_14 = arith.constant 10000 : i32
    %dma_start3A_15 = arith.constant 0 : i32
    %dma_start3A_16 = tpu.memref_slice %arg2[%dma_start3A_14, %dma_start3A_15] : memref<10112x64xf32, #tpu.memory_space<hbm>> -> memref<112x64xf32, #tpu.memory_space<hbm>>
    tpu.enqueue_dma source(%dma_start3A_16 : memref<112x64xf32, #tpu.memory_space<hbm>>) target(%dma_start3A_13 : memref<112x64xf32, #tpu.memory_space<vmem_shared>>) target_semaphore(%arg14 : memref<!tpu.dma_semaphore, #tpu.memory_space<semaphore_mem>>)
    %mul3A_17 = arith.constant 632 : i32
    %mul3A_18 = arith.muli %arg1, %mul3A_17 : i32
    %add3A_19 = arith.constant 112 : i32
    %add3A_20 = arith.addi %mul3A_18, %add3A_19 : i32
    %dma_start3A_21 = arith.constant 0 : i32
    %dma_start3A_22 = tpu.memref_slice %arg9[%add3A_20, %dma_start3A_21] : memref<10112x64xf32, #tpu.memory_space<vmem_shared>> -> memref<112x64xf32, #tpu.memory_space<vmem_shared>>
    %dma_start3A_23 = arith.constant 10000 : i32
    %dma_start3A_24 = arith.constant 0 : i32
    %dma_start3A_25 = tpu.memref_slice %arg2[%dma_start3A_23, %dma_start3A_24] : memref<10112x64xf32, #tpu.memory_space<hbm>> -> memref<112x64xf32, #tpu.memory_space<hbm>>
    tpu.enqueue_dma source(%dma_start3A_25 : memref<112x64xf32, #tpu.memory_space<hbm>>) target(%dma_start3A_22 : memref<112x64xf32, #tpu.memory_space<vmem_shared>>) target_semaphore(%arg14 : memref<!tpu.dma_semaphore, #tpu.memory_space<semaphore_mem>>)
    %mul3A_26 = arith.constant 632 : i32
    %mul3A_27 = arith.muli %arg1, %mul3A_26 : i32
    %add3A_28 = arith.constant 224 : i32
    %add3A_29 = arith.addi %mul3A_27, %add3A_28 : i32
    %dma_start3A_30 = arith.constant 0 : i32
    %dma_start3A_31 = tpu.memref_slice %arg9[%add3A_29, %dma_start3A_30] : memref<10112x64xf32, #tpu.memory_space<vmem_shared>> -> memref<112x64xf32, #tpu.memory_space<vmem_shared>>
    %dma_start3A_32 = arith.constant 10000 : i32
    %dma_start3A_33 = arith.constant 0 : i32
    %dma_start3A_34 = tpu.memref_slice %arg2[%dma_start3A_32, %dma_start3A_33] : memref<10112x64xf32, #tpu.memory_space<hbm>> -> memref<112x64xf32, #tpu.memory_space<hbm>>
    tpu.enqueue_dma source(%dma_start3A_34 : memref<112x64xf32, #tpu.memory_space<hbm>>) target(%dma_start3A_31 : memref<112x64xf32, #tpu.memory_space<vmem_shared>>) target_semaphore(%arg14 : memref<!tpu.dma_semaphore, #tpu.memory_space<semaphore_mem>>)
    %mul3A_35 = arith.constant 632 : i32
    %mul3A_36 = arith.muli %arg1, %mul3A_35 : i32
    %add3A_37 = arith.constant 336 : i32
    %add3A_38 = arith.addi %mul3A_36, %add3A_37 : i32
    %dma_start3A_39 = arith.constant 0 : i32
    %dma_start3A_40 = tpu.memref_slice %arg9[%add3A_38, %dma_start3A_39] : memref<10112x64xf32, #tpu.memory_space<vmem_shared>> -> memref<112x64xf32, #tpu.memory_space<vmem_shared>>
    %dma_start3A_41 = arith.constant 10000 : i32
    %dma_start3A_42 = arith.constant 0 : i32
    %dma_start3A_43 = tpu.memref_slice %arg2[%dma_start3A_41, %dma_start3A_42] : memref<10112x64xf32, #tpu.memory_space<hbm>> -> memref<112x64xf32, #tpu.memory_space<hbm>>
    tpu.enqueue_dma source(%dma_start3A_43 : memref<112x64xf32, #tpu.memory_space<hbm>>) target(%dma_start3A_40 : memref<112x64xf32, #tpu.memory_space<vmem_shared>>) target_semaphore(%arg14 : memref<!tpu.dma_semaphore, #tpu.memory_space<semaphore_mem>>)
    %mul3A_44 = arith.constant 632 : i32
    %mul3A_45 = arith.muli %arg1, %mul3A_44 : i32
    %add3A_46 = arith.constant 448 : i32
    %add3A_47 = arith.addi %mul3A_45, %add3A_46 : i32
    %dma_start3A_48 = arith.constant 0 : i32
    %dma_start3A_49 = tpu.memref_slice %arg9[%add3A_47, %dma_start3A_48] : memref<10112x64xf32, #tpu.memory_space<vmem_shared>> -> memref<112x64xf32, #tpu.memory_space<vmem_shared>>
    %dma_start3A_50 = arith.constant 10000 : i32
    %dma_start3A_51 = arith.constant 0 : i32
    %dma_start3A_52 = tpu.memref_slice %arg2[%dma_start3A_50, %dma_start3A_51] : memref<10112x64xf32, #tpu.memory_space<hbm>> -> memref<112x64xf32, #tpu.memory_space<hbm>>
    tpu.enqueue_dma source(%dma_start3A_52 : memref<112x64xf32, #tpu.memory_space<hbm>>) target(%dma_start3A_49 : memref<112x64xf32, #tpu.memory_space<vmem_shared>>) target_semaphore(%arg14 : memref<!tpu.dma_semaphore, #tpu.memory_space<semaphore_mem>>)
    %mul3A_53 = arith.constant 632 : i32
    %mul3A_54 = arith.muli %arg1, %mul3A_53 : i32
    %add3A_55 = arith.constant 560 : i32
    %add3A_56 = arith.addi %mul3A_54, %add3A_55 : i32
    %dma_start3A_57 = arith.constant 0 : i32
    %dma_start3A_58 = tpu.memref_slice %arg9[%add3A_56, %dma_start3A_57] : memref<10112x64xf32, #tpu.memory_space<vmem_shared>> -> memref<72x64xf32, #tpu.memory_space<vmem_shared>>
    %dma_start3A_59 = arith.constant 10000 : i32
    %dma_start3A_60 = arith.constant 0 : i32
    %dma_start3A_61 = tpu.memref_slice %arg2[%dma_start3A_59, %dma_start3A_60] : memref<10112x64xf32, #tpu.memory_space<hbm>> -> memref<72x64xf32, #tpu.memory_space<hbm>>
    tpu.enqueue_dma source(%dma_start3A_61 : memref<72x64xf32, #tpu.memory_space<hbm>>) target(%dma_start3A_58 : memref<72x64xf32, #tpu.memory_space<vmem_shared>>) target_semaphore(%arg14 : memref<!tpu.dma_semaphore, #tpu.memory_space<semaphore_mem>>)
    "tpu.region"() ({
      %run_scoped3A = tpu.sem_alloc : memref<!tpu.dma_semaphore, #tpu.memory_space<semaphore_mem>>
      %dma_start3A_159 = arith.constant 0 : i32
      %dma_start3A_160 = arith.constant 0 : i32
      %dma_start3A_161 = tpu.memref_slice %arg3[%add3A, %dma_start3A_159, %dma_start3A_160] : memref<32x40x256xi32, #tpu.memory_space<hbm>> -> memref<1x40x256xi32, #tpu.memory_space<hbm>>
      %dma_start3A_162 = tpu.memref_squeeze %dma_start3A_161 : memref<1x40x256xi32, #tpu.memory_space<hbm>> -> memref<40x256xi32, #tpu.memory_space<hbm>>
      %dma_start3A_163 = arith.constant 0 : i32
      %dma_start3A_164 = arith.constant 0 : i32
      %dma_start3A_165 = tpu.memref_slice %arg3[%add3A, %dma_start3A_163, %dma_start3A_164] : memref<32x40x256xi32, #tpu.memory_space<hbm>> -> memref<1x40x256xi32, #tpu.memory_space<hbm>>
      %dma_start3A_166 = tpu.memref_squeeze %dma_start3A_165 : memref<1x40x256xi32, #tpu.memory_space<hbm>> -> memref<40x256xi32, #tpu.memory_space<hbm>>
      tpu.enqueue_dma source(%dma_start3A_166 : memref<40x256xi32, #tpu.memory_space<hbm>>) target(%arg6 : memref<40x256xi32, #tpu.memory_space<vmem>>) target_semaphore(%run_scoped3A : memref<!tpu.dma_semaphore, #tpu.memory_space<semaphore_mem>>)
      %dma_wait3A_167 = arith.constant 0 : i32
      %dma_wait3A_168 = arith.constant 0 : i32
      %dma_wait3A_169 = tpu.memref_slice %arg3[%add3A, %dma_wait3A_167, %dma_wait3A_168] : memref<32x40x256xi32, #tpu.memory_space<hbm>> -> memref<1x40x256xi32, #tpu.memory_space<hbm>>
      %dma_wait3A_170 = tpu.memref_squeeze %dma_wait3A_169 : memref<1x40x256xi32, #tpu.memory_space<hbm>> -> memref<40x256xi32, #tpu.memory_space<hbm>>
      %dma_wait3A_171 = arith.constant 0 : i32
      %dma_wait3A_172 = arith.constant 0 : i32
      %dma_wait3A_173 = tpu.memref_slice %arg3[%add3A, %dma_wait3A_171, %dma_wait3A_172] : memref<32x40x256xi32, #tpu.memory_space<hbm>> -> memref<1x40x256xi32, #tpu.memory_space<hbm>>
      %dma_wait3A_174 = tpu.memref_squeeze %dma_wait3A_173 : memref<1x40x256xi32, #tpu.memory_space<hbm>> -> memref<40x256xi32, #tpu.memory_space<hbm>>
      tpu.wait_dma2 semaphore(%run_scoped3A : memref<!tpu.dma_semaphore, #tpu.memory_space<semaphore_mem>>) src(%dma_wait3A_174 : memref<40x256xi32, #tpu.memory_space<hbm>>) dst(%arg6 : memref<40x256xi32, #tpu.memory_space<vmem>>)
      tpu.yield
    }) : () -> ()
    %dma_start3A_62 = arith.constant 0 : i32
    %dma_start3A_63 = arith.constant 0 : i32
    %dma_start3A_64 = arith.constant 0 : i32
    %dma_start3A_65 = tpu.memref_slice %arg7[%dma_start3A_63, %dma_start3A_64] : memref<2x256xi32, #tpu.memory_space<vmem>> -> memref<1x256xi32, #tpu.memory_space<vmem>>
    %dma_start3A_66 = tpu.memref_squeeze %dma_start3A_65 : memref<1x256xi32, #tpu.memory_space<vmem>> -> memref<256xi32, #tpu.memory_space<vmem>>
    %dma_start3A_67 = arith.constant 0 : i32
    %dma_start3A_68 = tpu.memref_slice %arg4[%add3A, %dma_start3A_62, %dma_start3A_67] : memref<32x40x256xi32, #tpu.memory_space<hbm>> -> memref<1x1x256xi32, #tpu.memory_space<hbm>>
    %dma_start3A_69 = tpu.memref_squeeze %dma_start3A_68 : memref<1x1x256xi32, #tpu.memory_space<hbm>> -> memref<256xi32, #tpu.memory_space<hbm>>
    %dma_start3A_70 = arith.constant 0 : i32
    %dma_start3A_71 = tpu.memref_slice %arg7[%dma_start3A_63, %dma_start3A_70] : memref<2x256xi32, #tpu.memory_space<vmem>> -> memref<1x256xi32, #tpu.memory_space<vmem>>
    %dma_start3A_72 = tpu.memref_squeeze %dma_start3A_71 : memref<1x256xi32, #tpu.memory_space<vmem>> -> memref<256xi32, #tpu.memory_space<vmem>>
    %dma_start3A_73 = arith.constant 0 : i32
    %dma_start3A_74 = tpu.memref_slice %arg4[%add3A, %dma_start3A_62, %dma_start3A_73] : memref<32x40x256xi32, #tpu.memory_space<hbm>> -> memref<1x1x256xi32, #tpu.memory_space<hbm>>
    %dma_start3A_75 = tpu.memref_squeeze %dma_start3A_74 : memref<1x1x256xi32, #tpu.memory_space<hbm>> -> memref<256xi32, #tpu.memory_space<hbm>>
    tpu.enqueue_dma source(%dma_start3A_75 : memref<256xi32, #tpu.memory_space<hbm>>) target(%dma_start3A_72 : memref<256xi32, #tpu.memory_space<vmem>>) target_semaphore(%arg13 : memref<!tpu.dma_semaphore, #tpu.memory_space<semaphore_mem>>)
    %mul3A_76 = arith.constant 632 : i32
    %mul3A_77 = arith.muli %arg1, %mul3A_76 : i32
    %add3A_78 = arith.constant 0 : i32
    %add3A_79 = arith.addi %mul3A_77, %add3A_78 : i32
    %dma_wait3A = arith.constant 0 : i32
    %dma_wait3A_80 = tpu.memref_slice %arg9[%add3A_79, %dma_wait3A] : memref<10112x64xf32, #tpu.memory_space<vmem_shared>> -> memref<112x64xf32, #tpu.memory_space<vmem_shared>>
    %dma_wait3A_81 = arith.constant 10000 : i32
    %dma_wait3A_82 = arith.constant 0 : i32
    %dma_wait3A_83 = tpu.memref_slice %arg2[%dma_wait3A_81, %dma_wait3A_82] : memref<10112x64xf32, #tpu.memory_space<hbm>> -> memref<112x64xf32, #tpu.memory_space<hbm>>
    tpu.wait_dma2 semaphore(%arg14 : memref<!tpu.dma_semaphore, #tpu.memory_space<semaphore_mem>>) src(%dma_wait3A_83 : memref<112x64xf32, #tpu.memory_space<hbm>>) dst(%dma_wait3A_80 : memref<112x64xf32, #tpu.memory_space<vmem_shared>>)
    %mul3A_84 = arith.constant 632 : i32
    %mul3A_85 = arith.muli %arg1, %mul3A_84 : i32
    %add3A_86 = arith.constant 112 : i32
    %add3A_87 = arith.addi %mul3A_85, %add3A_86 : i32
    %dma_wait3A_88 = arith.constant 0 : i32
    %dma_wait3A_89 = tpu.memref_slice %arg9[%add3A_87, %dma_wait3A_88] : memref<10112x64xf32, #tpu.memory_space<vmem_shared>> -> memref<112x64xf32, #tpu.memory_space<vmem_shared>>
    %dma_wait3A_90 = arith.constant 10000 : i32
    %dma_wait3A_91 = arith.constant 0 : i32
    %dma_wait3A_92 = tpu.memref_slice %arg2[%dma_wait3A_90, %dma_wait3A_91] : memref<10112x64xf32, #tpu.memory_space<hbm>> -> memref<112x64xf32, #tpu.memory_space<hbm>>
    tpu.wait_dma2 semaphore(%arg14 : memref<!tpu.dma_semaphore, #tpu.memory_space<semaphore_mem>>) src(%dma_wait3A_92 : memref<112x64xf32, #tpu.memory_space<hbm>>) dst(%dma_wait3A_89 : memref<112x64xf32, #tpu.memory_space<vmem_shared>>)
    %mul3A_93 = arith.constant 632 : i32
    %mul3A_94 = arith.muli %arg1, %mul3A_93 : i32
    %add3A_95 = arith.constant 224 : i32
    %add3A_96 = arith.addi %mul3A_94, %add3A_95 : i32
    %dma_wait3A_97 = arith.constant 0 : i32
    %dma_wait3A_98 = tpu.memref_slice %arg9[%add3A_96, %dma_wait3A_97] : memref<10112x64xf32, #tpu.memory_space<vmem_shared>> -> memref<112x64xf32, #tpu.memory_space<vmem_shared>>
    %dma_wait3A_99 = arith.constant 10000 : i32
    %dma_wait3A_100 = arith.constant 0 : i32
    %dma_wait3A_101 = tpu.memref_slice %arg2[%dma_wait3A_99, %dma_wait3A_100] : memref<10112x64xf32, #tpu.memory_space<hbm>> -> memref<112x64xf32, #tpu.memory_space<hbm>>
    tpu.wait_dma2 semaphore(%arg14 : memref<!tpu.dma_semaphore, #tpu.memory_space<semaphore_mem>>) src(%dma_wait3A_101 : memref<112x64xf32, #tpu.memory_space<hbm>>) dst(%dma_wait3A_98 : memref<112x64xf32, #tpu.memory_space<vmem_shared>>)
    %mul3A_102 = arith.constant 632 : i32
    %mul3A_103 = arith.muli %arg1, %mul3A_102 : i32
    %add3A_104 = arith.constant 336 : i32
    %add3A_105 = arith.addi %mul3A_103, %add3A_104 : i32
    %dma_wait3A_106 = arith.constant 0 : i32
    %dma_wait3A_107 = tpu.memref_slice %arg9[%add3A_105, %dma_wait3A_106] : memref<10112x64xf32, #tpu.memory_space<vmem_shared>> -> memref<112x64xf32, #tpu.memory_space<vmem_shared>>
    %dma_wait3A_108 = arith.constant 10000 : i32
    %dma_wait3A_109 = arith.constant 0 : i32
    %dma_wait3A_110 = tpu.memref_slice %arg2[%dma_wait3A_108, %dma_wait3A_109] : memref<10112x64xf32, #tpu.memory_space<hbm>> -> memref<112x64xf32, #tpu.memory_space<hbm>>
    tpu.wait_dma2 semaphore(%arg14 : memref<!tpu.dma_semaphore, #tpu.memory_space<semaphore_mem>>) src(%dma_wait3A_110 : memref<112x64xf32, #tpu.memory_space<hbm>>) dst(%dma_wait3A_107 : memref<112x64xf32, #tpu.memory_space<vmem_shared>>)
    %mul3A_111 = arith.constant 632 : i32
    %mul3A_112 = arith.muli %arg1, %mul3A_111 : i32
    %add3A_113 = arith.constant 448 : i32
    %add3A_114 = arith.addi %mul3A_112, %add3A_113 : i32
    %dma_wait3A_115 = arith.constant 0 : i32
    %dma_wait3A_116 = tpu.memref_slice %arg9[%add3A_114, %dma_wait3A_115] : memref<10112x64xf32, #tpu.memory_space<vmem_shared>> -> memref<112x64xf32, #tpu.memory_space<vmem_shared>>
    %dma_wait3A_117 = arith.constant 10000 : i32
    %dma_wait3A_118 = arith.constant 0 : i32
    %dma_wait3A_119 = tpu.memref_slice %arg2[%dma_wait3A_117, %dma_wait3A_118] : memref<10112x64xf32, #tpu.memory_space<hbm>> -> memref<112x64xf32, #tpu.memory_space<hbm>>
    tpu.wait_dma2 semaphore(%arg14 : memref<!tpu.dma_semaphore, #tpu.memory_space<semaphore_mem>>) src(%dma_wait3A_119 : memref<112x64xf32, #tpu.memory_space<hbm>>) dst(%dma_wait3A_116 : memref<112x64xf32, #tpu.memory_space<vmem_shared>>)
    %mul3A_120 = arith.constant 632 : i32
    %mul3A_121 = arith.muli %arg1, %mul3A_120 : i32
    %add3A_122 = arith.constant 560 : i32
    %add3A_123 = arith.addi %mul3A_121, %add3A_122 : i32
    %dma_wait3A_124 = arith.constant 0 : i32
    %dma_wait3A_125 = tpu.memref_slice %arg9[%add3A_123, %dma_wait3A_124] : memref<10112x64xf32, #tpu.memory_space<vmem_shared>> -> memref<72x64xf32, #tpu.memory_space<vmem_shared>>
    %dma_wait3A_126 = arith.constant 10000 : i32
    %dma_wait3A_127 = arith.constant 0 : i32
    %dma_wait3A_128 = tpu.memref_slice %arg2[%dma_wait3A_126, %dma_wait3A_127] : memref<10112x64xf32, #tpu.memory_space<hbm>> -> memref<72x64xf32, #tpu.memory_space<hbm>>
    tpu.wait_dma2 semaphore(%arg14 : memref<!tpu.dma_semaphore, #tpu.memory_space<semaphore_mem>>) src(%dma_wait3A_128 : memref<72x64xf32, #tpu.memory_space<hbm>>) dst(%dma_wait3A_125 : memref<72x64xf32, #tpu.memory_space<vmem_shared>>)
    %mul3A_129 = arith.constant 632 : i32
    %mul3A_130 = arith.muli %arg1, %mul3A_129 : i32
    %mul3A_131 = arith.constant 632 : i32
    %mul3A_132 = arith.muli %arg1, %mul3A_131 : i32
    %dma_wait3A_133 = arith.constant 0 : i32
    %dma_wait3A_134 = tpu.memref_slice %arg10[%mul3A_132, %dma_wait3A_133] : memref<10112x64xf32, #tpu.memory_space<vmem_shared>> -> memref<632x64xf32, #tpu.memory_space<vmem_shared>>
    %dma_wait3A_135 = arith.constant 0 : i32
    %dma_wait3A_136 = tpu.memref_slice %arg2[%mul3A_130, %dma_wait3A_135] : memref<10112x64xf32, #tpu.memory_space<hbm>> -> memref<632x64xf32, #tpu.memory_space<hbm>>
    tpu.wait_dma2 semaphore(%arg12 : memref<!tpu.dma_semaphore, #tpu.memory_space<semaphore_mem>>) src(%dma_wait3A_136 : memref<632x64xf32, #tpu.memory_space<hbm>>) dst(%dma_wait3A_134 : memref<632x64xf32, #tpu.memory_space<vmem_shared>>)
    %barrier3A = arith.constant 0 : index
    tpu.barrier barrier_id(%barrier3A)
    %dma_start3A_137 = arith.constant 0 : i32
    %dma_start3A_138 = arith.constant 0 : i32
    %dma_start3A_139 = arith.constant 0 : i32
    %dma_start3A_140 = arith.constant 0 : i32
    %dma_start3A_141 = tpu.memref_slice %arg8[%dma_start3A_138, %dma_start3A_139, %dma_start3A_140] : memref<2x256x64xf32, #tpu.memory_space<vmem>> -> memref<1x256x64xf32, #tpu.memory_space<vmem>>
    %dma_start3A_142 = tpu.memref_squeeze %dma_start3A_141 : memref<1x256x64xf32, #tpu.memory_space<vmem>> -> memref<256x64xf32, #tpu.memory_space<vmem>>
    %dma_start3A_143 = arith.constant 0 : i32
    %dma_start3A_144 = tpu.memref_slice %arg6[%dma_start3A_137, %dma_start3A_143] : memref<40x256xi32, #tpu.memory_space<vmem>> -> memref<1x256xi32, #tpu.memory_space<vmem>>
    %dma_start3A_145 = tpu.memref_squeeze %dma_start3A_144 : memref<1x256xi32, #tpu.memory_space<vmem>> -> memref<256xi32, #tpu.memory_space<vmem>>
    %dma_start3A_146 = arith.constant 0 : i32
    %dma_start3A_147 = arith.constant 0 : i32
    %dma_start3A_148 = tpu.memref_slice %arg10[%dma_start3A_146, %dma_start3A_147] : memref<10112x64xf32, #tpu.memory_space<vmem_shared>> -> memref<10112x64xf32, #tpu.memory_space<vmem_shared>>
    tpu.enqueue_indirect_dma source(%dma_start3A_148 : memref<10112x64xf32, #tpu.memory_space<vmem_shared>>) target(%dma_start3A_142 : memref<256x64xf32, #tpu.memory_space<vmem>>) offsets(%dma_start3A_145 : memref<256xi32, #tpu.memory_space<vmem>>) semaphore(%arg11 : memref<!tpu.dma_semaphore, #tpu.memory_space<semaphore_mem>>)
    %scan3A = arith.constant 0 : i32
    %scan3A_149 = arith.constant 0 : i32
    %scan3A_150 = arith.constant 20 : i32
    %scan3A_151 = arith.addi %scan3A_149, %scan3A_150 : i32
    %scan3A_152 = arith.constant 1 : i32
    scf.for %scan3A_159 = %scan3A_149 to %scan3A_151 step %scan3A_152  : i32 {
      %mul3A_160 = arith.constant 2 : i32
      %mul3A_161 = arith.muli %scan3A_159, %mul3A_160 : i32
      %add3A_162 = arith.constant 0 : i32
      %add3A_163 = arith.addi %mul3A_161, %add3A_162 : i32
      %add3A_164 = arith.constant 1 : i32
      %add3A_165 = arith.addi %add3A_163, %add3A_164 : i32
      %dma_wait3A_166 = arith.constant 0 : i32
      %dma_wait3A_167 = arith.constant 0 : i32
      %dma_wait3A_168 = arith.constant 0 : i32
      %dma_wait3A_169 = tpu.memref_slice %arg8[%dma_wait3A_166, %dma_wait3A_167, %dma_wait3A_168] : memref<2x256x64xf32, #tpu.memory_space<vmem>> -> memref<1x256x64xf32, #tpu.memory_space<vmem>>
      %dma_wait3A_170 = tpu.memref_squeeze %dma_wait3A_169 : memref<1x256x64xf32, #tpu.memory_space<vmem>> -> memref<256x64xf32, #tpu.memory_space<vmem>>
      %dma_wait3A_171 = arith.constant 0 : i32
      %dma_wait3A_172 = arith.constant 0 : i32
      %dma_wait3A_173 = tpu.memref_slice %arg10[%dma_wait3A_171, %dma_wait3A_172] : memref<10112x64xf32, #tpu.memory_space<vmem_shared>> -> memref<256x64xf32, #tpu.memory_space<vmem_shared>>
      %dma_wait3A_174 = arith.constant 0 : i32
      %dma_wait3A_175 = arith.constant 0 : i32
      %dma_wait3A_176 = tpu.memref_slice %arg8[%dma_wait3A_166, %dma_wait3A_174, %dma_wait3A_175] : memref<2x256x64xf32, #tpu.memory_space<vmem>> -> memref<1x256x64xf32, #tpu.memory_space<vmem>>
      %dma_wait3A_177 = tpu.memref_squeeze %dma_wait3A_176 : memref<1x256x64xf32, #tpu.memory_space<vmem>> -> memref<256x64xf32, #tpu.memory_space<vmem>>
      %dma_wait3A_178 = arith.constant 0 : i32
      %dma_wait3A_179 = arith.constant 0 : i32
      %dma_wait3A_180 = tpu.memref_slice %arg10[%dma_wait3A_178, %dma_wait3A_179] : memref<10112x64xf32, #tpu.memory_space<vmem_shared>> -> memref<256x64xf32, #tpu.memory_space<vmem_shared>>
      tpu.wait_dma2 semaphore(%arg11 : memref<!tpu.dma_semaphore, #tpu.memory_space<semaphore_mem>>) src(%dma_wait3A_180 : memref<256x64xf32, #tpu.memory_space<vmem_shared>>) dst(%dma_wait3A_177 : memref<256x64xf32, #tpu.memory_space<vmem>>)
      %lt3A = arith.constant 40 : i32
      %lt3A_181 = arith.cmpi slt, %add3A_165, %lt3A : i32
      %convert_element_type3A = arith.extui %lt3A_181 : i1 to i32
      %cond3A = arith.constant 0 : i32
      %cond3A_182 = arith.cmpi ne, %convert_element_type3A, %cond3A : i32
      scf.if %cond3A_182 {
        %dma_start3A_240 = arith.constant 1 : i32
        %dma_start3A_241 = arith.constant 0 : i32
        %dma_start3A_242 = arith.constant 0 : i32
        %dma_start3A_243 = tpu.memref_slice %arg8[%dma_start3A_240, %dma_start3A_241, %dma_start3A_242] : memref<2x256x64xf32, #tpu.memory_space<vmem>> -> memref<1x256x64xf32, #tpu.memory_space<vmem>>
        %dma_start3A_244 = tpu.memref_squeeze %dma_start3A_243 : memref<1x256x64xf32, #tpu.memory_space<vmem>> -> memref<256x64xf32, #tpu.memory_space<vmem>>
        %dma_start3A_245 = arith.constant 0 : i32
        %dma_start3A_246 = tpu.memref_slice %arg6[%add3A_165, %dma_start3A_245] : memref<40x256xi32, #tpu.memory_space<vmem>> -> memref<1x256xi32, #tpu.memory_space<vmem>>
        %dma_start3A_247 = tpu.memref_squeeze %dma_start3A_246 : memref<1x256xi32, #tpu.memory_space<vmem>> -> memref<256xi32, #tpu.memory_space<vmem>>
        %dma_start3A_248 = arith.constant 0 : i32
        %dma_start3A_249 = arith.constant 0 : i32
        %dma_start3A_250 = tpu.memref_slice %arg10[%dma_start3A_248, %dma_start3A_249] : memref<10112x64xf32, #tpu.memory_space<vmem_shared>> -> memref<10112x64xf32, #tpu.memory_space<vmem_shared>>
        tpu.enqueue_indirect_dma source(%dma_start3A_250 : memref<10112x64xf32, #tpu.memory_space<vmem_shared>>) target(%dma_start3A_244 : memref<256x64xf32, #tpu.memory_space<vmem>>) offsets(%dma_start3A_247 : memref<256xi32, #tpu.memory_space<vmem>>) semaphore(%arg11 : memref<!tpu.dma_semaphore, #tpu.memory_space<semaphore_mem>>)
        %dma_start3A_251 = arith.constant 1 : i32
        %dma_start3A_252 = arith.constant 0 : i32
        %dma_start3A_253 = tpu.memref_slice %arg7[%dma_start3A_251, %dma_start3A_252] : memref<2x256xi32, #tpu.memory_space<vmem>> -> memref<1x256xi32, #tpu.memory_space<vmem>>
        %dma_start3A_254 = tpu.memref_squeeze %dma_start3A_253 : memref<1x256xi32, #tpu.memory_space<vmem>> -> memref<256xi32, #tpu.memory_space<vmem>>
        %dma_start3A_255 = arith.constant 0 : i32
        %dma_start3A_256 = tpu.memref_slice %arg4[%add3A, %add3A_165, %dma_start3A_255] : memref<32x40x256xi32, #tpu.memory_space<hbm>> -> memref<1x1x256xi32, #tpu.memory_space<hbm>>
        %dma_start3A_257 = tpu.memref_squeeze %dma_start3A_256 : memref<1x1x256xi32, #tpu.memory_space<hbm>> -> memref<256xi32, #tpu.memory_space<hbm>>
        %dma_start3A_258 = arith.constant 0 : i32
        %dma_start3A_259 = tpu.memref_slice %arg7[%dma_start3A_251, %dma_start3A_258] : memref<2x256xi32, #tpu.memory_space<vmem>> -> memref<1x256xi32, #tpu.memory_space<vmem>>
        %dma_start3A_260 = tpu.memref_squeeze %dma_start3A_259 : memref<1x256xi32, #tpu.memory_space<vmem>> -> memref<256xi32, #tpu.memory_space<vmem>>
        %dma_start3A_261 = arith.constant 0 : i32
        %dma_start3A_262 = tpu.memref_slice %arg4[%add3A, %add3A_165, %dma_start3A_261] : memref<32x40x256xi32, #tpu.memory_space<hbm>> -> memref<1x1x256xi32, #tpu.memory_space<hbm>>
        %dma_start3A_263 = tpu.memref_squeeze %dma_start3A_262 : memref<1x1x256xi32, #tpu.memory_space<hbm>> -> memref<256xi32, #tpu.memory_space<hbm>>
        tpu.enqueue_dma source(%dma_start3A_263 : memref<256xi32, #tpu.memory_space<hbm>>) target(%dma_start3A_260 : memref<256xi32, #tpu.memory_space<vmem>>) target_semaphore(%arg13 : memref<!tpu.dma_semaphore, #tpu.memory_space<semaphore_mem>>)
      } else {
      }
      %dma_wait3A_183 = arith.constant 0 : i32
      %dma_wait3A_184 = arith.constant 0 : i32
      %dma_wait3A_185 = arith.constant 0 : i32
      %dma_wait3A_186 = tpu.memref_slice %arg7[%dma_wait3A_184, %dma_wait3A_185] : memref<2x256xi32, #tpu.memory_space<vmem>> -> memref<1x256xi32, #tpu.memory_space<vmem>>
      %dma_wait3A_187 = tpu.memref_squeeze %dma_wait3A_186 : memref<1x256xi32, #tpu.memory_space<vmem>> -> memref<256xi32, #tpu.memory_space<vmem>>
      %dma_wait3A_188 = arith.constant 0 : i32
      %dma_wait3A_189 = tpu.memref_slice %arg4[%add3A, %dma_wait3A_183, %dma_wait3A_188] : memref<32x40x256xi32, #tpu.memory_space<hbm>> -> memref<1x1x256xi32, #tpu.memory_space<hbm>>
      %dma_wait3A_190 = tpu.memref_squeeze %dma_wait3A_189 : memref<1x1x256xi32, #tpu.memory_space<hbm>> -> memref<256xi32, #tpu.memory_space<hbm>>
      %dma_wait3A_191 = arith.constant 0 : i32
      %dma_wait3A_192 = tpu.memref_slice %arg7[%dma_wait3A_184, %dma_wait3A_191] : memref<2x256xi32, #tpu.memory_space<vmem>> -> memref<1x256xi32, #tpu.memory_space<vmem>>
      %dma_wait3A_193 = tpu.memref_squeeze %dma_wait3A_192 : memref<1x256xi32, #tpu.memory_space<vmem>> -> memref<256xi32, #tpu.memory_space<vmem>>
      %dma_wait3A_194 = arith.constant 0 : i32
      %dma_wait3A_195 = tpu.memref_slice %arg4[%add3A, %dma_wait3A_183, %dma_wait3A_194] : memref<32x40x256xi32, #tpu.memory_space<hbm>> -> memref<1x1x256xi32, #tpu.memory_space<hbm>>
      %dma_wait3A_196 = tpu.memref_squeeze %dma_wait3A_195 : memref<1x1x256xi32, #tpu.memory_space<hbm>> -> memref<256xi32, #tpu.memory_space<hbm>>
      tpu.wait_dma2 semaphore(%arg13 : memref<!tpu.dma_semaphore, #tpu.memory_space<semaphore_mem>>) src(%dma_wait3A_196 : memref<256xi32, #tpu.memory_space<hbm>>) dst(%dma_wait3A_193 : memref<256xi32, #tpu.memory_space<vmem>>)
      %run_scoped3A = arith.constant 0 : i32
      %run_scoped3A_197 = arith.constant 0 : i32
      "tpu.region"() ({
        %run_scoped3A_240 = tpu.sem_alloc : memref<!tpu.dma_semaphore, #tpu.memory_space<semaphore_mem>>
        %dma_start3A_241 = arith.constant 0 : i32
        %dma_start3A_242 = arith.constant 0 : i32
        %dma_start3A_243 = tpu.memref_slice %arg8[%run_scoped3A, %dma_start3A_241, %dma_start3A_242] : memref<2x256x64xf32, #tpu.memory_space<vmem>> -> memref<1x256x64xf32, #tpu.memory_space<vmem>>
        %dma_start3A_244 = tpu.memref_squeeze %dma_start3A_243 : memref<1x256x64xf32, #tpu.memory_space<vmem>> -> memref<256x64xf32, #tpu.memory_space<vmem>>
        %dma_start3A_245 = arith.constant 0 : i32
        %dma_start3A_246 = tpu.memref_slice %arg7[%run_scoped3A_197, %dma_start3A_245] : memref<2x256xi32, #tpu.memory_space<vmem>> -> memref<1x256xi32, #tpu.memory_space<vmem>>
        %dma_start3A_247 = tpu.memref_squeeze %dma_start3A_246 : memref<1x256xi32, #tpu.memory_space<vmem>> -> memref<256xi32, #tpu.memory_space<vmem>>
        %dma_start3A_248 = arith.constant 0 : i32
        %dma_start3A_249 = arith.constant 0 : i32
        %dma_start3A_250 = tpu.memref_slice %arg9[%dma_start3A_248, %dma_start3A_249] : memref<10112x64xf32, #tpu.memory_space<vmem_shared>> -> memref<10112x64xf32, #tpu.memory_space<vmem_shared>>
        tpu.enqueue_indirect_dma source(%dma_start3A_244 : memref<256x64xf32, #tpu.memory_space<vmem>>) target(%dma_start3A_250 : memref<10112x64xf32, #tpu.memory_space<vmem_shared>>) offsets(%dma_start3A_247 : memref<256xi32, #tpu.memory_space<vmem>>) semaphore(%run_scoped3A_240 : memref<!tpu.dma_semaphore, #tpu.memory_space<semaphore_mem>>) {add = true}
        %dma_wait3A_251 = arith.constant 0 : i32
        %dma_wait3A_252 = arith.constant 0 : i32
        %dma_wait3A_253 = tpu.memref_slice %arg8[%run_scoped3A, %dma_wait3A_251, %dma_wait3A_252] : memref<2x256x64xf32, #tpu.memory_space<vmem>> -> memref<1x256x64xf32, #tpu.memory_space<vmem>>
        %dma_wait3A_254 = tpu.memref_squeeze %dma_wait3A_253 : memref<1x256x64xf32, #tpu.memory_space<vmem>> -> memref<256x64xf32, #tpu.memory_space<vmem>>
        %dma_wait3A_255 = arith.constant 0 : i32
        %dma_wait3A_256 = tpu.memref_slice %arg7[%run_scoped3A_197, %dma_wait3A_255] : memref<2x256xi32, #tpu.memory_space<vmem>> -> memref<1x256xi32, #tpu.memory_space<vmem>>
        %dma_wait3A_257 = tpu.memref_squeeze %dma_wait3A_256 : memref<1x256xi32, #tpu.memory_space<vmem>> -> memref<256xi32, #tpu.memory_space<vmem>>
        %dma_wait3A_258 = arith.constant 0 : i32
        %dma_wait3A_259 = arith.constant 0 : i32
        %dma_wait3A_260 = tpu.memref_slice %arg9[%dma_wait3A_258, %dma_wait3A_259] : memref<10112x64xf32, #tpu.memory_space<vmem_shared>> -> memref<10112x64xf32, #tpu.memory_space<vmem_shared>>
        tpu.wait_indirect_dma semaphore(%run_scoped3A_240 : memref<!tpu.dma_semaphore, #tpu.memory_space<semaphore_mem>>) src(%dma_wait3A_254 : memref<256x64xf32, #tpu.memory_space<vmem>>) dst(%dma_wait3A_260 : memref<10112x64xf32, #tpu.memory_space<vmem_shared>>)
        tpu.yield
      }) : () -> ()
      %mul3A_198 = arith.constant 2 : i32
      %mul3A_199 = arith.muli %scan3A_159, %mul3A_198 : i32
      %add3A_200 = arith.constant 1 : i32
      %add3A_201 = arith.addi %mul3A_199, %add3A_200 : i32
      %add3A_202 = arith.constant 1 : i32
      %add3A_203 = arith.addi %add3A_201, %add3A_202 : i32
      %dma_wait3A_204 = arith.constant 1 : i32
      %dma_wait3A_205 = arith.constant 0 : i32
      %dma_wait3A_206 = arith.constant 0 : i32
      %dma_wait3A_207 = tpu.memref_slice %arg8[%dma_wait3A_204, %dma_wait3A_205, %dma_wait3A_206] : memref<2x256x64xf32, #tpu.memory_space<vmem>> -> memref<1x256x64xf32, #tpu.memory_space<vmem>>
      %dma_wait3A_208 = tpu.memref_squeeze %dma_wait3A_207 : memref<1x256x64xf32, #tpu.memory_space<vmem>> -> memref<256x64xf32, #tpu.memory_space<vmem>>
      %dma_wait3A_209 = arith.constant 0 : i32
      %dma_wait3A_210 = arith.constant 0 : i32
      %dma_wait3A_211 = tpu.memref_slice %arg10[%dma_wait3A_209, %dma_wait3A_210] : memref<10112x64xf32, #tpu.memory_space<vmem_shared>> -> memref<256x64xf32, #tpu.memory_space<vmem_shared>>
      %dma_wait3A_212 = arith.constant 0 : i32
      %dma_wait3A_213 = arith.constant 0 : i32
      %dma_wait3A_214 = tpu.memref_slice %arg8[%dma_wait3A_204, %dma_wait3A_212, %dma_wait3A_213] : memref<2x256x64xf32, #tpu.memory_space<vmem>> -> memref<1x256x64xf32, #tpu.memory_space<vmem>>
      %dma_wait3A_215 = tpu.memref_squeeze %dma_wait3A_214 : memref<1x256x64xf32, #tpu.memory_space<vmem>> -> memref<256x64xf32, #tpu.memory_space<vmem>>
      %dma_wait3A_216 = arith.constant 0 : i32
      %dma_wait3A_217 = arith.constant 0 : i32
      %dma_wait3A_218 = tpu.memref_slice %arg10[%dma_wait3A_216, %dma_wait3A_217] : memref<10112x64xf32, #tpu.memory_space<vmem_shared>> -> memref<256x64xf32, #tpu.memory_space<vmem_shared>>
      tpu.wait_dma2 semaphore(%arg11 : memref<!tpu.dma_semaphore, #tpu.memory_space<semaphore_mem>>) src(%dma_wait3A_218 : memref<256x64xf32, #tpu.memory_space<vmem_shared>>) dst(%dma_wait3A_215 : memref<256x64xf32, #tpu.memory_space<vmem>>)
      %lt3A_219 = arith.constant 40 : i32
      %lt3A_220 = arith.cmpi slt, %add3A_203, %lt3A_219 : i32
      %convert_element_type3A_221 = arith.extui %lt3A_220 : i1 to i32
      %cond3A_222 = arith.constant 0 : i32
      %cond3A_223 = arith.cmpi ne, %convert_element_type3A_221, %cond3A_222 : i32
      scf.if %cond3A_223 {
        %dma_start3A_240 = arith.constant 0 : i32
        %dma_start3A_241 = arith.constant 0 : i32
        %dma_start3A_242 = arith.constant 0 : i32
        %dma_start3A_243 = tpu.memref_slice %arg8[%dma_start3A_240, %dma_start3A_241, %dma_start3A_242] : memref<2x256x64xf32, #tpu.memory_space<vmem>> -> memref<1x256x64xf32, #tpu.memory_space<vmem>>
        %dma_start3A_244 = tpu.memref_squeeze %dma_start3A_243 : memref<1x256x64xf32, #tpu.memory_space<vmem>> -> memref<256x64xf32, #tpu.memory_space<vmem>>
        %dma_start3A_245 = arith.constant 0 : i32
        %dma_start3A_246 = tpu.memref_slice %arg6[%add3A_203, %dma_start3A_245] : memref<40x256xi32, #tpu.memory_space<vmem>> -> memref<1x256xi32, #tpu.memory_space<vmem>>
        %dma_start3A_247 = tpu.memref_squeeze %dma_start3A_246 : memref<1x256xi32, #tpu.memory_space<vmem>> -> memref<256xi32, #tpu.memory_space<vmem>>
        %dma_start3A_248 = arith.constant 0 : i32
        %dma_start3A_249 = arith.constant 0 : i32
        %dma_start3A_250 = tpu.memref_slice %arg10[%dma_start3A_248, %dma_start3A_249] : memref<10112x64xf32, #tpu.memory_space<vmem_shared>> -> memref<10112x64xf32, #tpu.memory_space<vmem_shared>>
        tpu.enqueue_indirect_dma source(%dma_start3A_250 : memref<10112x64xf32, #tpu.memory_space<vmem_shared>>) target(%dma_start3A_244 : memref<256x64xf32, #tpu.memory_space<vmem>>) offsets(%dma_start3A_247 : memref<256xi32, #tpu.memory_space<vmem>>) semaphore(%arg11 : memref<!tpu.dma_semaphore, #tpu.memory_space<semaphore_mem>>)
        %dma_start3A_251 = arith.constant 0 : i32
        %dma_start3A_252 = arith.constant 0 : i32
        %dma_start3A_253 = tpu.memref_slice %arg7[%dma_start3A_251, %dma_start3A_252] : memref<2x256xi32, #tpu.memory_space<vmem>> -> memref<1x256xi32, #tpu.memory_space<vmem>>
        %dma_start3A_254 = tpu.memref_squeeze %dma_start3A_253 : memref<1x256xi32, #tpu.memory_space<vmem>> -> memref<256xi32, #tpu.memory_space<vmem>>
        %dma_start3A_255 = arith.constant 0 : i32
        %dma_start3A_256 = tpu.memref_slice %arg4[%add3A, %add3A_203, %dma_start3A_255] : memref<32x40x256xi32, #tpu.memory_space<hbm>> -> memref<1x1x256xi32, #tpu.memory_space<hbm>>
        %dma_start3A_257 = tpu.memref_squeeze %dma_start3A_256 : memref<1x1x256xi32, #tpu.memory_space<hbm>> -> memref<256xi32, #tpu.memory_space<hbm>>
        %dma_start3A_258 = arith.constant 0 : i32
        %dma_start3A_259 = tpu.memref_slice %arg7[%dma_start3A_251, %dma_start3A_258] : memref<2x256xi32, #tpu.memory_space<vmem>> -> memref<1x256xi32, #tpu.memory_space<vmem>>
        %dma_start3A_260 = tpu.memref_squeeze %dma_start3A_259 : memref<1x256xi32, #tpu.memory_space<vmem>> -> memref<256xi32, #tpu.memory_space<vmem>>
        %dma_start3A_261 = arith.constant 0 : i32
        %dma_start3A_262 = tpu.memref_slice %arg4[%add3A, %add3A_203, %dma_start3A_261] : memref<32x40x256xi32, #tpu.memory_space<hbm>> -> memref<1x1x256xi32, #tpu.memory_space<hbm>>
        %dma_start3A_263 = tpu.memref_squeeze %dma_start3A_262 : memref<1x1x256xi32, #tpu.memory_space<hbm>> -> memref<256xi32, #tpu.memory_space<hbm>>
        tpu.enqueue_dma source(%dma_start3A_263 : memref<256xi32, #tpu.memory_space<hbm>>) target(%dma_start3A_260 : memref<256xi32, #tpu.memory_space<vmem>>) target_semaphore(%arg13 : memref<!tpu.dma_semaphore, #tpu.memory_space<semaphore_mem>>)
      } else {
      }
      %dma_wait3A_224 = arith.constant 0 : i32
      %dma_wait3A_225 = arith.constant 1 : i32
      %dma_wait3A_226 = arith.constant 0 : i32
      %dma_wait3A_227 = tpu.memref_slice %arg7[%dma_wait3A_225, %dma_wait3A_226] : memref<2x256xi32, #tpu.memory_space<vmem>> -> memref<1x256xi32, #tpu.memory_space<vmem>>
      %dma_wait3A_228 = tpu.memref_squeeze %dma_wait3A_227 : memref<1x256xi32, #tpu.memory_space<vmem>> -> memref<256xi32, #tpu.memory_space<vmem>>
      %dma_wait3A_229 = arith.constant 0 : i32
      %dma_wait3A_230 = tpu.memref_slice %arg4[%add3A, %dma_wait3A_224, %dma_wait3A_229] : memref<32x40x256xi32, #tpu.memory_space<hbm>> -> memref<1x1x256xi32, #tpu.memory_space<hbm>>
      %dma_wait3A_231 = tpu.memref_squeeze %dma_wait3A_230 : memref<1x1x256xi32, #tpu.memory_space<hbm>> -> memref<256xi32, #tpu.memory_space<hbm>>
      %dma_wait3A_232 = arith.constant 0 : i32
      %dma_wait3A_233 = tpu.memref_slice %arg7[%dma_wait3A_225, %dma_wait3A_232] : memref<2x256xi32, #tpu.memory_space<vmem>> -> memref<1x256xi32, #tpu.memory_space<vmem>>
      %dma_wait3A_234 = tpu.memref_squeeze %dma_wait3A_233 : memref<1x256xi32, #tpu.memory_space<vmem>> -> memref<256xi32, #tpu.memory_space<vmem>>
      %dma_wait3A_235 = arith.constant 0 : i32
      %dma_wait3A_236 = tpu.memref_slice %arg4[%add3A, %dma_wait3A_224, %dma_wait3A_235] : memref<32x40x256xi32, #tpu.memory_space<hbm>> -> memref<1x1x256xi32, #tpu.memory_space<hbm>>
      %dma_wait3A_237 = tpu.memref_squeeze %dma_wait3A_236 : memref<1x1x256xi32, #tpu.memory_space<hbm>> -> memref<256xi32, #tpu.memory_space<hbm>>
      tpu.wait_dma2 semaphore(%arg13 : memref<!tpu.dma_semaphore, #tpu.memory_space<semaphore_mem>>) src(%dma_wait3A_237 : memref<256xi32, #tpu.memory_space<hbm>>) dst(%dma_wait3A_234 : memref<256xi32, #tpu.memory_space<vmem>>)
      %run_scoped3A_238 = arith.constant 1 : i32
      %run_scoped3A_239 = arith.constant 1 : i32
      "tpu.region"() ({
        %run_scoped3A_240 = tpu.sem_alloc : memref<!tpu.dma_semaphore, #tpu.memory_space<semaphore_mem>>
        %dma_start3A_241 = arith.constant 0 : i32
        %dma_start3A_242 = arith.constant 0 : i32
        %dma_start3A_243 = tpu.memref_slice %arg8[%run_scoped3A_238, %dma_start3A_241, %dma_start3A_242] : memref<2x256x64xf32, #tpu.memory_space<vmem>> -> memref<1x256x64xf32, #tpu.memory_space<vmem>>
        %dma_start3A_244 = tpu.memref_squeeze %dma_start3A_243 : memref<1x256x64xf32, #tpu.memory_space<vmem>> -> memref<256x64xf32, #tpu.memory_space<vmem>>
        %dma_start3A_245 = arith.constant 0 : i32
        %dma_start3A_246 = tpu.memref_slice %arg7[%run_scoped3A_239, %dma_start3A_245] : memref<2x256xi32, #tpu.memory_space<vmem>> -> memref<1x256xi32, #tpu.memory_space<vmem>>
        %dma_start3A_247 = tpu.memref_squeeze %dma_start3A_246 : memref<1x256xi32, #tpu.memory_space<vmem>> -> memref<256xi32, #tpu.memory_space<vmem>>
        %dma_start3A_248 = arith.constant 0 : i32
        %dma_start3A_249 = arith.constant 0 : i32
        %dma_start3A_250 = tpu.memref_slice %arg9[%dma_start3A_248, %dma_start3A_249] : memref<10112x64xf32, #tpu.memory_space<vmem_shared>> -> memref<10112x64xf32, #tpu.memory_space<vmem_shared>>
        tpu.enqueue_indirect_dma source(%dma_start3A_244 : memref<256x64xf32, #tpu.memory_space<vmem>>) target(%dma_start3A_250 : memref<10112x64xf32, #tpu.memory_space<vmem_shared>>) offsets(%dma_start3A_247 : memref<256xi32, #tpu.memory_space<vmem>>) semaphore(%run_scoped3A_240 : memref<!tpu.dma_semaphore, #tpu.memory_space<semaphore_mem>>) {add = true}
        %dma_wait3A_251 = arith.constant 0 : i32
        %dma_wait3A_252 = arith.constant 0 : i32
        %dma_wait3A_253 = tpu.memref_slice %arg8[%run_scoped3A_238, %dma_wait3A_251, %dma_wait3A_252] : memref<2x256x64xf32, #tpu.memory_space<vmem>> -> memref<1x256x64xf32, #tpu.memory_space<vmem>>
        %dma_wait3A_254 = tpu.memref_squeeze %dma_wait3A_253 : memref<1x256x64xf32, #tpu.memory_space<vmem>> -> memref<256x64xf32, #tpu.memory_space<vmem>>
        %dma_wait3A_255 = arith.constant 0 : i32
        %dma_wait3A_256 = tpu.memref_slice %arg7[%run_scoped3A_239, %dma_wait3A_255] : memref<2x256xi32, #tpu.memory_space<vmem>> -> memref<1x256xi32, #tpu.memory_space<vmem>>
        %dma_wait3A_257 = tpu.memref_squeeze %dma_wait3A_256 : memref<1x256xi32, #tpu.memory_space<vmem>> -> memref<256xi32, #tpu.memory_space<vmem>>
        %dma_wait3A_258 = arith.constant 0 : i32
        %dma_wait3A_259 = arith.constant 0 : i32
        %dma_wait3A_260 = tpu.memref_slice %arg9[%dma_wait3A_258, %dma_wait3A_259] : memref<10112x64xf32, #tpu.memory_space<vmem_shared>> -> memref<10112x64xf32, #tpu.memory_space<vmem_shared>>
        tpu.wait_indirect_dma semaphore(%run_scoped3A_240 : memref<!tpu.dma_semaphore, #tpu.memory_space<semaphore_mem>>) src(%dma_wait3A_254 : memref<256x64xf32, #tpu.memory_space<vmem>>) dst(%dma_wait3A_260 : memref<10112x64xf32, #tpu.memory_space<vmem_shared>>)
        tpu.yield
      }) : () -> ()
    }
    %scan3A_153 = arith.constant 20 : i32
    %barrier3A_154 = arith.constant 0 : index
    tpu.barrier barrier_id(%barrier3A_154)
    %mul3A_155 = arith.constant 632 : i32
    %mul3A_156 = arith.muli %arg1, %mul3A_155 : i32
    %mul3A_157 = arith.constant 632 : i32
    %mul3A_158 = arith.muli %arg1, %mul3A_157 : i32
    "tpu.region"() ({
      %run_scoped3A = tpu.sem_alloc : memref<!tpu.dma_semaphore, #tpu.memory_space<semaphore_mem>>
      %dma_start3A_159 = arith.constant 0 : i32
      %dma_start3A_160 = tpu.memref_slice %arg5[%arg0, %mul3A_158, %dma_start3A_159] : memref<2x10112x64xf32, #tpu.memory_space<hbm>> -> memref<1x632x64xf32, #tpu.memory_space<hbm>>
      %dma_start3A_161 = tpu.memref_squeeze %dma_start3A_160 : memref<1x632x64xf32, #tpu.memory_space<hbm>> -> memref<632x64xf32, #tpu.memory_space<hbm>>
      %dma_start3A_162 = arith.constant 0 : i32
      %dma_start3A_163 = tpu.memref_slice %arg9[%mul3A_156, %dma_start3A_162] : memref<10112x64xf32, #tpu.memory_space<vmem_shared>> -> memref<632x64xf32, #tpu.memory_space<vmem_shared>>
      tpu.enqueue_dma source(%dma_start3A_163 : memref<632x64xf32, #tpu.memory_space<vmem_shared>>) target(%dma_start3A_161 : memref<632x64xf32, #tpu.memory_space<hbm>>) target_semaphore(%run_scoped3A : memref<!tpu.dma_semaphore, #tpu.memory_space<semaphore_mem>>)
      %dma_wait3A_164 = arith.constant 0 : i32
      %dma_wait3A_165 = tpu.memref_slice %arg5[%arg0, %mul3A_158, %dma_wait3A_164] : memref<2x10112x64xf32, #tpu.memory_space<hbm>> -> memref<1x632x64xf32, #tpu.memory_space<hbm>>
      %dma_wait3A_166 = tpu.memref_squeeze %dma_wait3A_165 : memref<1x632x64xf32, #tpu.memory_space<hbm>> -> memref<632x64xf32, #tpu.memory_space<hbm>>
      %dma_wait3A_167 = arith.constant 0 : i32
      %dma_wait3A_168 = tpu.memref_slice %arg9[%mul3A_156, %dma_wait3A_167] : memref<10112x64xf32, #tpu.memory_space<vmem_shared>> -> memref<632x64xf32, #tpu.memory_space<vmem_shared>>
      tpu.wait_dma2 semaphore(%run_scoped3A : memref<!tpu.dma_semaphore, #tpu.memory_space<semaphore_mem>>) src(%dma_wait3A_168 : memref<632x64xf32, #tpu.memory_space<vmem_shared>>) dst(%dma_wait3A_166 : memref<632x64xf32, #tpu.memory_space<hbm>>)
      tpu.yield
    }) : () -> ()
    return
  }
}

#map = affine_map<(d0, d1) -> (0, 0)>
#map1 = affine_map<(d0, d1) -> (0, 0, 0)>
module attributes {stable_mosaic.version = 14 : i64} {
  func.func @_sc_agg(%arg0: i32, %arg1: i32, %arg2: memref<10112x64xf32, #tpu.memory_space<hbm>>, %arg3: memref<32x40x256xi32, #tpu.memory_space<hbm>>, %arg4: memref<32x40x256xi32, #tpu.memory_space<hbm>>, %arg5: memref<2x10112x64xf32, #tpu.memory_space<hbm>>, %arg6: memref<40x256xi32, #tpu.memory_space<vmem>>, %arg7: memref<2x256xi32, #tpu.memory_space<vmem>>, %arg8: memref<2x256x64xf32, #tpu.memory_space<vmem>>, %arg9: memref<10112x64xf32, #tpu.memory_space<vmem_shared>>, %arg10: memref<10112x64xf32, #tpu.memory_space<vmem_shared>>, %arg11: memref<!tpu.dma_semaphore, #tpu.memory_space<semaphore_mem>>, %arg12: memref<!tpu.dma_semaphore, #tpu.memory_space<semaphore_mem>>, %arg13: memref<!tpu.dma_semaphore, #tpu.memory_space<semaphore_mem>>, %arg14: memref<!tpu.dma_semaphore, #tpu.memory_space<semaphore_mem>>) attributes {dimension_semantics = [#tpu.dimension_semantics<core_parallel>, #tpu.dimension_semantics<subcore_parallel>], iteration_bounds = array<i64: 2, 16>, scalar_prefetch = 0 : i64, scratch_operands = 9 : i64, tpu.core_type = #tpu.core_type<sc_vector_subcore>, window_params = [{transform_indices = #map}, {transform_indices = #map1}, {transform_indices = #map1}, {transform_indices = #map1}]} {
    %mul3A = arith.constant 2 : i32
    %mul3A_0 = arith.muli %arg1, %mul3A : i32
    %add3A = arith.addi %mul3A_0, %arg0 : i32
    %mul3A_1 = arith.constant 632 : i32
    %mul3A_2 = arith.muli %arg1, %mul3A_1 : i32
    %mul3A_3 = arith.constant 632 : i32
    %mul3A_4 = arith.muli %arg1, %mul3A_3 : i32
    %dma_start3A = arith.constant 0 : i32
    %dma_start3A_5 = tpu.memref_slice %arg10[%mul3A_4, %dma_start3A] : memref<10112x64xf32, #tpu.memory_space<vmem_shared>> -> memref<632x64xf32, #tpu.memory_space<vmem_shared>>
    %dma_start3A_6 = arith.constant 0 : i32
    %dma_start3A_7 = tpu.memref_slice %arg2[%mul3A_2, %dma_start3A_6] : memref<10112x64xf32, #tpu.memory_space<hbm>> -> memref<632x64xf32, #tpu.memory_space<hbm>>
    tpu.enqueue_dma source(%dma_start3A_7 : memref<632x64xf32, #tpu.memory_space<hbm>>) target(%dma_start3A_5 : memref<632x64xf32, #tpu.memory_space<vmem_shared>>) target_semaphore(%arg12 : memref<!tpu.dma_semaphore, #tpu.memory_space<semaphore_mem>>)
    %mul3A_8 = arith.constant 632 : i32
    %mul3A_9 = arith.muli %arg1, %mul3A_8 : i32
    %add3A_10 = arith.constant 0 : i32
    %add3A_11 = arith.addi %mul3A_9, %add3A_10 : i32
    %dma_start3A_12 = arith.constant 0 : i32
    %dma_start3A_13 = tpu.memref_slice %arg9[%add3A_11, %dma_start3A_12] : memref<10112x64xf32, #tpu.memory_space<vmem_shared>> -> memref<112x64xf32, #tpu.memory_space<vmem_shared>>
    %dma_start3A_14 = arith.constant 10000 : i32
    %dma_start3A_15 = arith.constant 0 : i32
    %dma_start3A_16 = tpu.memref_slice %arg2[%dma_start3A_14, %dma_start3A_15] : memref<10112x64xf32, #tpu.memory_space<hbm>> -> memref<112x64xf32, #tpu.memory_space<hbm>>
    tpu.enqueue_dma source(%dma_start3A_16 : memref<112x64xf32, #tpu.memory_space<hbm>>) target(%dma_start3A_13 : memref<112x64xf32, #tpu.memory_space<vmem_shared>>) target_semaphore(%arg14 : memref<!tpu.dma_semaphore, #tpu.memory_space<semaphore_mem>>)
    %mul3A_17 = arith.constant 632 : i32
    %mul3A_18 = arith.muli %arg1, %mul3A_17 : i32
    %add3A_19 = arith.constant 112 : i32
    %add3A_20 = arith.addi %mul3A_18, %add3A_19 : i32
    %dma_start3A_21 = arith.constant 0 : i32
    %dma_start3A_22 = tpu.memref_slice %arg9[%add3A_20, %dma_start3A_21] : memref<10112x64xf32, #tpu.memory_space<vmem_shared>> -> memref<112x64xf32, #tpu.memory_space<vmem_shared>>
    %dma_start3A_23 = arith.constant 10000 : i32
    %dma_start3A_24 = arith.constant 0 : i32
    %dma_start3A_25 = tpu.memref_slice %arg2[%dma_start3A_23, %dma_start3A_24] : memref<10112x64xf32, #tpu.memory_space<hbm>> -> memref<112x64xf32, #tpu.memory_space<hbm>>
    tpu.enqueue_dma source(%dma_start3A_25 : memref<112x64xf32, #tpu.memory_space<hbm>>) target(%dma_start3A_22 : memref<112x64xf32, #tpu.memory_space<vmem_shared>>) target_semaphore(%arg14 : memref<!tpu.dma_semaphore, #tpu.memory_space<semaphore_mem>>)
    %mul3A_26 = arith.constant 632 : i32
    %mul3A_27 = arith.muli %arg1, %mul3A_26 : i32
    %add3A_28 = arith.constant 224 : i32
    %add3A_29 = arith.addi %mul3A_27, %add3A_28 : i32
    %dma_start3A_30 = arith.constant 0 : i32
    %dma_start3A_31 = tpu.memref_slice %arg9[%add3A_29, %dma_start3A_30] : memref<10112x64xf32, #tpu.memory_space<vmem_shared>> -> memref<112x64xf32, #tpu.memory_space<vmem_shared>>
    %dma_start3A_32 = arith.constant 10000 : i32
    %dma_start3A_33 = arith.constant 0 : i32
    %dma_start3A_34 = tpu.memref_slice %arg2[%dma_start3A_32, %dma_start3A_33] : memref<10112x64xf32, #tpu.memory_space<hbm>> -> memref<112x64xf32, #tpu.memory_space<hbm>>
    tpu.enqueue_dma source(%dma_start3A_34 : memref<112x64xf32, #tpu.memory_space<hbm>>) target(%dma_start3A_31 : memref<112x64xf32, #tpu.memory_space<vmem_shared>>) target_semaphore(%arg14 : memref<!tpu.dma_semaphore, #tpu.memory_space<semaphore_mem>>)
    %mul3A_35 = arith.constant 632 : i32
    %mul3A_36 = arith.muli %arg1, %mul3A_35 : i32
    %add3A_37 = arith.constant 336 : i32
    %add3A_38 = arith.addi %mul3A_36, %add3A_37 : i32
    %dma_start3A_39 = arith.constant 0 : i32
    %dma_start3A_40 = tpu.memref_slice %arg9[%add3A_38, %dma_start3A_39] : memref<10112x64xf32, #tpu.memory_space<vmem_shared>> -> memref<112x64xf32, #tpu.memory_space<vmem_shared>>
    %dma_start3A_41 = arith.constant 10000 : i32
    %dma_start3A_42 = arith.constant 0 : i32
    %dma_start3A_43 = tpu.memref_slice %arg2[%dma_start3A_41, %dma_start3A_42] : memref<10112x64xf32, #tpu.memory_space<hbm>> -> memref<112x64xf32, #tpu.memory_space<hbm>>
    tpu.enqueue_dma source(%dma_start3A_43 : memref<112x64xf32, #tpu.memory_space<hbm>>) target(%dma_start3A_40 : memref<112x64xf32, #tpu.memory_space<vmem_shared>>) target_semaphore(%arg14 : memref<!tpu.dma_semaphore, #tpu.memory_space<semaphore_mem>>)
    %mul3A_44 = arith.constant 632 : i32
    %mul3A_45 = arith.muli %arg1, %mul3A_44 : i32
    %add3A_46 = arith.constant 448 : i32
    %add3A_47 = arith.addi %mul3A_45, %add3A_46 : i32
    %dma_start3A_48 = arith.constant 0 : i32
    %dma_start3A_49 = tpu.memref_slice %arg9[%add3A_47, %dma_start3A_48] : memref<10112x64xf32, #tpu.memory_space<vmem_shared>> -> memref<112x64xf32, #tpu.memory_space<vmem_shared>>
    %dma_start3A_50 = arith.constant 10000 : i32
    %dma_start3A_51 = arith.constant 0 : i32
    %dma_start3A_52 = tpu.memref_slice %arg2[%dma_start3A_50, %dma_start3A_51] : memref<10112x64xf32, #tpu.memory_space<hbm>> -> memref<112x64xf32, #tpu.memory_space<hbm>>
    tpu.enqueue_dma source(%dma_start3A_52 : memref<112x64xf32, #tpu.memory_space<hbm>>) target(%dma_start3A_49 : memref<112x64xf32, #tpu.memory_space<vmem_shared>>) target_semaphore(%arg14 : memref<!tpu.dma_semaphore, #tpu.memory_space<semaphore_mem>>)
    %mul3A_53 = arith.constant 632 : i32
    %mul3A_54 = arith.muli %arg1, %mul3A_53 : i32
    %add3A_55 = arith.constant 560 : i32
    %add3A_56 = arith.addi %mul3A_54, %add3A_55 : i32
    %dma_start3A_57 = arith.constant 0 : i32
    %dma_start3A_58 = tpu.memref_slice %arg9[%add3A_56, %dma_start3A_57] : memref<10112x64xf32, #tpu.memory_space<vmem_shared>> -> memref<72x64xf32, #tpu.memory_space<vmem_shared>>
    %dma_start3A_59 = arith.constant 10000 : i32
    %dma_start3A_60 = arith.constant 0 : i32
    %dma_start3A_61 = tpu.memref_slice %arg2[%dma_start3A_59, %dma_start3A_60] : memref<10112x64xf32, #tpu.memory_space<hbm>> -> memref<72x64xf32, #tpu.memory_space<hbm>>
    tpu.enqueue_dma source(%dma_start3A_61 : memref<72x64xf32, #tpu.memory_space<hbm>>) target(%dma_start3A_58 : memref<72x64xf32, #tpu.memory_space<vmem_shared>>) target_semaphore(%arg14 : memref<!tpu.dma_semaphore, #tpu.memory_space<semaphore_mem>>)
    "tpu.region"() ({
      %run_scoped3A = tpu.sem_alloc : memref<!tpu.dma_semaphore, #tpu.memory_space<semaphore_mem>>
      %dma_start3A_159 = arith.constant 0 : i32
      %dma_start3A_160 = arith.constant 0 : i32
      %dma_start3A_161 = tpu.memref_slice %arg3[%add3A, %dma_start3A_159, %dma_start3A_160] : memref<32x40x256xi32, #tpu.memory_space<hbm>> -> memref<1x40x256xi32, #tpu.memory_space<hbm>>
      %dma_start3A_162 = tpu.memref_squeeze %dma_start3A_161 : memref<1x40x256xi32, #tpu.memory_space<hbm>> -> memref<40x256xi32, #tpu.memory_space<hbm>>
      %dma_start3A_163 = arith.constant 0 : i32
      %dma_start3A_164 = arith.constant 0 : i32
      %dma_start3A_165 = tpu.memref_slice %arg3[%add3A, %dma_start3A_163, %dma_start3A_164] : memref<32x40x256xi32, #tpu.memory_space<hbm>> -> memref<1x40x256xi32, #tpu.memory_space<hbm>>
      %dma_start3A_166 = tpu.memref_squeeze %dma_start3A_165 : memref<1x40x256xi32, #tpu.memory_space<hbm>> -> memref<40x256xi32, #tpu.memory_space<hbm>>
      tpu.enqueue_dma source(%dma_start3A_166 : memref<40x256xi32, #tpu.memory_space<hbm>>) target(%arg6 : memref<40x256xi32, #tpu.memory_space<vmem>>) target_semaphore(%run_scoped3A : memref<!tpu.dma_semaphore, #tpu.memory_space<semaphore_mem>>)
      %dma_wait3A_167 = arith.constant 0 : i32
      %dma_wait3A_168 = arith.constant 0 : i32
      %dma_wait3A_169 = tpu.memref_slice %arg3[%add3A, %dma_wait3A_167, %dma_wait3A_168] : memref<32x40x256xi32, #tpu.memory_space<hbm>> -> memref<1x40x256xi32, #tpu.memory_space<hbm>>
      %dma_wait3A_170 = tpu.memref_squeeze %dma_wait3A_169 : memref<1x40x256xi32, #tpu.memory_space<hbm>> -> memref<40x256xi32, #tpu.memory_space<hbm>>
      %dma_wait3A_171 = arith.constant 0 : i32
      %dma_wait3A_172 = arith.constant 0 : i32
      %dma_wait3A_173 = tpu.memref_slice %arg3[%add3A, %dma_wait3A_171, %dma_wait3A_172] : memref<32x40x256xi32, #tpu.memory_space<hbm>> -> memref<1x40x256xi32, #tpu.memory_space<hbm>>
      %dma_wait3A_174 = tpu.memref_squeeze %dma_wait3A_173 : memref<1x40x256xi32, #tpu.memory_space<hbm>> -> memref<40x256xi32, #tpu.memory_space<hbm>>
      tpu.wait_dma2 semaphore(%run_scoped3A : memref<!tpu.dma_semaphore, #tpu.memory_space<semaphore_mem>>) src(%dma_wait3A_174 : memref<40x256xi32, #tpu.memory_space<hbm>>) dst(%arg6 : memref<40x256xi32, #tpu.memory_space<vmem>>)
      tpu.yield
    }) : () -> ()
    %dma_start3A_62 = arith.constant 0 : i32
    %dma_start3A_63 = arith.constant 0 : i32
    %dma_start3A_64 = arith.constant 0 : i32
    %dma_start3A_65 = tpu.memref_slice %arg7[%dma_start3A_63, %dma_start3A_64] : memref<2x256xi32, #tpu.memory_space<vmem>> -> memref<1x256xi32, #tpu.memory_space<vmem>>
    %dma_start3A_66 = tpu.memref_squeeze %dma_start3A_65 : memref<1x256xi32, #tpu.memory_space<vmem>> -> memref<256xi32, #tpu.memory_space<vmem>>
    %dma_start3A_67 = arith.constant 0 : i32
    %dma_start3A_68 = tpu.memref_slice %arg4[%add3A, %dma_start3A_62, %dma_start3A_67] : memref<32x40x256xi32, #tpu.memory_space<hbm>> -> memref<1x1x256xi32, #tpu.memory_space<hbm>>
    %dma_start3A_69 = tpu.memref_squeeze %dma_start3A_68 : memref<1x1x256xi32, #tpu.memory_space<hbm>> -> memref<256xi32, #tpu.memory_space<hbm>>
    %dma_start3A_70 = arith.constant 0 : i32
    %dma_start3A_71 = tpu.memref_slice %arg7[%dma_start3A_63, %dma_start3A_70] : memref<2x256xi32, #tpu.memory_space<vmem>> -> memref<1x256xi32, #tpu.memory_space<vmem>>
    %dma_start3A_72 = tpu.memref_squeeze %dma_start3A_71 : memref<1x256xi32, #tpu.memory_space<vmem>> -> memref<256xi32, #tpu.memory_space<vmem>>
    %dma_start3A_73 = arith.constant 0 : i32
    %dma_start3A_74 = tpu.memref_slice %arg4[%add3A, %dma_start3A_62, %dma_start3A_73] : memref<32x40x256xi32, #tpu.memory_space<hbm>> -> memref<1x1x256xi32, #tpu.memory_space<hbm>>
    %dma_start3A_75 = tpu.memref_squeeze %dma_start3A_74 : memref<1x1x256xi32, #tpu.memory_space<hbm>> -> memref<256xi32, #tpu.memory_space<hbm>>
    tpu.enqueue_dma source(%dma_start3A_75 : memref<256xi32, #tpu.memory_space<hbm>>) target(%dma_start3A_72 : memref<256xi32, #tpu.memory_space<vmem>>) target_semaphore(%arg13 : memref<!tpu.dma_semaphore, #tpu.memory_space<semaphore_mem>>)
    %mul3A_76 = arith.constant 632 : i32
    %mul3A_77 = arith.muli %arg1, %mul3A_76 : i32
    %add3A_78 = arith.constant 0 : i32
    %add3A_79 = arith.addi %mul3A_77, %add3A_78 : i32
    %dma_wait3A = arith.constant 0 : i32
    %dma_wait3A_80 = tpu.memref_slice %arg9[%add3A_79, %dma_wait3A] : memref<10112x64xf32, #tpu.memory_space<vmem_shared>> -> memref<112x64xf32, #tpu.memory_space<vmem_shared>>
    %dma_wait3A_81 = arith.constant 10000 : i32
    %dma_wait3A_82 = arith.constant 0 : i32
    %dma_wait3A_83 = tpu.memref_slice %arg2[%dma_wait3A_81, %dma_wait3A_82] : memref<10112x64xf32, #tpu.memory_space<hbm>> -> memref<112x64xf32, #tpu.memory_space<hbm>>
    tpu.wait_dma2 semaphore(%arg14 : memref<!tpu.dma_semaphore, #tpu.memory_space<semaphore_mem>>) src(%dma_wait3A_83 : memref<112x64xf32, #tpu.memory_space<hbm>>) dst(%dma_wait3A_80 : memref<112x64xf32, #tpu.memory_space<vmem_shared>>)
    %mul3A_84 = arith.constant 632 : i32
    %mul3A_85 = arith.muli %arg1, %mul3A_84 : i32
    %add3A_86 = arith.constant 112 : i32
    %add3A_87 = arith.addi %mul3A_85, %add3A_86 : i32
    %dma_wait3A_88 = arith.constant 0 : i32
    %dma_wait3A_89 = tpu.memref_slice %arg9[%add3A_87, %dma_wait3A_88] : memref<10112x64xf32, #tpu.memory_space<vmem_shared>> -> memref<112x64xf32, #tpu.memory_space<vmem_shared>>
    %dma_wait3A_90 = arith.constant 10000 : i32
    %dma_wait3A_91 = arith.constant 0 : i32
    %dma_wait3A_92 = tpu.memref_slice %arg2[%dma_wait3A_90, %dma_wait3A_91] : memref<10112x64xf32, #tpu.memory_space<hbm>> -> memref<112x64xf32, #tpu.memory_space<hbm>>
    tpu.wait_dma2 semaphore(%arg14 : memref<!tpu.dma_semaphore, #tpu.memory_space<semaphore_mem>>) src(%dma_wait3A_92 : memref<112x64xf32, #tpu.memory_space<hbm>>) dst(%dma_wait3A_89 : memref<112x64xf32, #tpu.memory_space<vmem_shared>>)
    %mul3A_93 = arith.constant 632 : i32
    %mul3A_94 = arith.muli %arg1, %mul3A_93 : i32
    %add3A_95 = arith.constant 224 : i32
    %add3A_96 = arith.addi %mul3A_94, %add3A_95 : i32
    %dma_wait3A_97 = arith.constant 0 : i32
    %dma_wait3A_98 = tpu.memref_slice %arg9[%add3A_96, %dma_wait3A_97] : memref<10112x64xf32, #tpu.memory_space<vmem_shared>> -> memref<112x64xf32, #tpu.memory_space<vmem_shared>>
    %dma_wait3A_99 = arith.constant 10000 : i32
    %dma_wait3A_100 = arith.constant 0 : i32
    %dma_wait3A_101 = tpu.memref_slice %arg2[%dma_wait3A_99, %dma_wait3A_100] : memref<10112x64xf32, #tpu.memory_space<hbm>> -> memref<112x64xf32, #tpu.memory_space<hbm>>
    tpu.wait_dma2 semaphore(%arg14 : memref<!tpu.dma_semaphore, #tpu.memory_space<semaphore_mem>>) src(%dma_wait3A_101 : memref<112x64xf32, #tpu.memory_space<hbm>>) dst(%dma_wait3A_98 : memref<112x64xf32, #tpu.memory_space<vmem_shared>>)
    %mul3A_102 = arith.constant 632 : i32
    %mul3A_103 = arith.muli %arg1, %mul3A_102 : i32
    %add3A_104 = arith.constant 336 : i32
    %add3A_105 = arith.addi %mul3A_103, %add3A_104 : i32
    %dma_wait3A_106 = arith.constant 0 : i32
    %dma_wait3A_107 = tpu.memref_slice %arg9[%add3A_105, %dma_wait3A_106] : memref<10112x64xf32, #tpu.memory_space<vmem_shared>> -> memref<112x64xf32, #tpu.memory_space<vmem_shared>>
    %dma_wait3A_108 = arith.constant 10000 : i32
    %dma_wait3A_109 = arith.constant 0 : i32
    %dma_wait3A_110 = tpu.memref_slice %arg2[%dma_wait3A_108, %dma_wait3A_109] : memref<10112x64xf32, #tpu.memory_space<hbm>> -> memref<112x64xf32, #tpu.memory_space<hbm>>
    tpu.wait_dma2 semaphore(%arg14 : memref<!tpu.dma_semaphore, #tpu.memory_space<semaphore_mem>>) src(%dma_wait3A_110 : memref<112x64xf32, #tpu.memory_space<hbm>>) dst(%dma_wait3A_107 : memref<112x64xf32, #tpu.memory_space<vmem_shared>>)
    %mul3A_111 = arith.constant 632 : i32
    %mul3A_112 = arith.muli %arg1, %mul3A_111 : i32
    %add3A_113 = arith.constant 448 : i32
    %add3A_114 = arith.addi %mul3A_112, %add3A_113 : i32
    %dma_wait3A_115 = arith.constant 0 : i32
    %dma_wait3A_116 = tpu.memref_slice %arg9[%add3A_114, %dma_wait3A_115] : memref<10112x64xf32, #tpu.memory_space<vmem_shared>> -> memref<112x64xf32, #tpu.memory_space<vmem_shared>>
    %dma_wait3A_117 = arith.constant 10000 : i32
    %dma_wait3A_118 = arith.constant 0 : i32
    %dma_wait3A_119 = tpu.memref_slice %arg2[%dma_wait3A_117, %dma_wait3A_118] : memref<10112x64xf32, #tpu.memory_space<hbm>> -> memref<112x64xf32, #tpu.memory_space<hbm>>
    tpu.wait_dma2 semaphore(%arg14 : memref<!tpu.dma_semaphore, #tpu.memory_space<semaphore_mem>>) src(%dma_wait3A_119 : memref<112x64xf32, #tpu.memory_space<hbm>>) dst(%dma_wait3A_116 : memref<112x64xf32, #tpu.memory_space<vmem_shared>>)
    %mul3A_120 = arith.constant 632 : i32
    %mul3A_121 = arith.muli %arg1, %mul3A_120 : i32
    %add3A_122 = arith.constant 560 : i32
    %add3A_123 = arith.addi %mul3A_121, %add3A_122 : i32
    %dma_wait3A_124 = arith.constant 0 : i32
    %dma_wait3A_125 = tpu.memref_slice %arg9[%add3A_123, %dma_wait3A_124] : memref<10112x64xf32, #tpu.memory_space<vmem_shared>> -> memref<72x64xf32, #tpu.memory_space<vmem_shared>>
    %dma_wait3A_126 = arith.constant 10000 : i32
    %dma_wait3A_127 = arith.constant 0 : i32
    %dma_wait3A_128 = tpu.memref_slice %arg2[%dma_wait3A_126, %dma_wait3A_127] : memref<10112x64xf32, #tpu.memory_space<hbm>> -> memref<72x64xf32, #tpu.memory_space<hbm>>
    tpu.wait_dma2 semaphore(%arg14 : memref<!tpu.dma_semaphore, #tpu.memory_space<semaphore_mem>>) src(%dma_wait3A_128 : memref<72x64xf32, #tpu.memory_space<hbm>>) dst(%dma_wait3A_125 : memref<72x64xf32, #tpu.memory_space<vmem_shared>>)
    %mul3A_129 = arith.constant 632 : i32
    %mul3A_130 = arith.muli %arg1, %mul3A_129 : i32
    %mul3A_131 = arith.constant 632 : i32
    %mul3A_132 = arith.muli %arg1, %mul3A_131 : i32
    %dma_wait3A_133 = arith.constant 0 : i32
    %dma_wait3A_134 = tpu.memref_slice %arg10[%mul3A_132, %dma_wait3A_133] : memref<10112x64xf32, #tpu.memory_space<vmem_shared>> -> memref<632x64xf32, #tpu.memory_space<vmem_shared>>
    %dma_wait3A_135 = arith.constant 0 : i32
    %dma_wait3A_136 = tpu.memref_slice %arg2[%mul3A_130, %dma_wait3A_135] : memref<10112x64xf32, #tpu.memory_space<hbm>> -> memref<632x64xf32, #tpu.memory_space<hbm>>
    tpu.wait_dma2 semaphore(%arg12 : memref<!tpu.dma_semaphore, #tpu.memory_space<semaphore_mem>>) src(%dma_wait3A_136 : memref<632x64xf32, #tpu.memory_space<hbm>>) dst(%dma_wait3A_134 : memref<632x64xf32, #tpu.memory_space<vmem_shared>>)
    %barrier3A = arith.constant 0 : index
    tpu.barrier barrier_id(%barrier3A)
    %dma_start3A_137 = arith.constant 0 : i32
    %dma_start3A_138 = arith.constant 0 : i32
    %dma_start3A_139 = arith.constant 0 : i32
    %dma_start3A_140 = arith.constant 0 : i32
    %dma_start3A_141 = tpu.memref_slice %arg8[%dma_start3A_138, %dma_start3A_139, %dma_start3A_140] : memref<2x256x64xf32, #tpu.memory_space<vmem>> -> memref<1x256x64xf32, #tpu.memory_space<vmem>>
    %dma_start3A_142 = tpu.memref_squeeze %dma_start3A_141 : memref<1x256x64xf32, #tpu.memory_space<vmem>> -> memref<256x64xf32, #tpu.memory_space<vmem>>
    %dma_start3A_143 = arith.constant 0 : i32
    %dma_start3A_144 = tpu.memref_slice %arg6[%dma_start3A_137, %dma_start3A_143] : memref<40x256xi32, #tpu.memory_space<vmem>> -> memref<1x256xi32, #tpu.memory_space<vmem>>
    %dma_start3A_145 = tpu.memref_squeeze %dma_start3A_144 : memref<1x256xi32, #tpu.memory_space<vmem>> -> memref<256xi32, #tpu.memory_space<vmem>>
    %dma_start3A_146 = arith.constant 0 : i32
    %dma_start3A_147 = arith.constant 0 : i32
    %dma_start3A_148 = tpu.memref_slice %arg10[%dma_start3A_146, %dma_start3A_147] : memref<10112x64xf32, #tpu.memory_space<vmem_shared>> -> memref<10112x64xf32, #tpu.memory_space<vmem_shared>>
    tpu.enqueue_indirect_dma source(%dma_start3A_148 : memref<10112x64xf32, #tpu.memory_space<vmem_shared>>) target(%dma_start3A_142 : memref<256x64xf32, #tpu.memory_space<vmem>>) offsets(%dma_start3A_145 : memref<256xi32, #tpu.memory_space<vmem>>) semaphore(%arg11 : memref<!tpu.dma_semaphore, #tpu.memory_space<semaphore_mem>>)
    %scan3A = arith.constant 0 : i32
    %scan3A_149 = arith.constant 0 : i32
    %scan3A_150 = arith.constant 20 : i32
    %scan3A_151 = arith.addi %scan3A_149, %scan3A_150 : i32
    %scan3A_152 = arith.constant 1 : i32
    scf.for %scan3A_159 = %scan3A_149 to %scan3A_151 step %scan3A_152  : i32 {
      %mul3A_160 = arith.constant 2 : i32
      %mul3A_161 = arith.muli %scan3A_159, %mul3A_160 : i32
      %add3A_162 = arith.constant 0 : i32
      %add3A_163 = arith.addi %mul3A_161, %add3A_162 : i32
      %add3A_164 = arith.constant 1 : i32
      %add3A_165 = arith.addi %add3A_163, %add3A_164 : i32
      %dma_wait3A_166 = arith.constant 0 : i32
      %dma_wait3A_167 = arith.constant 0 : i32
      %dma_wait3A_168 = arith.constant 0 : i32
      %dma_wait3A_169 = tpu.memref_slice %arg8[%dma_wait3A_166, %dma_wait3A_167, %dma_wait3A_168] : memref<2x256x64xf32, #tpu.memory_space<vmem>> -> memref<1x256x64xf32, #tpu.memory_space<vmem>>
      %dma_wait3A_170 = tpu.memref_squeeze %dma_wait3A_169 : memref<1x256x64xf32, #tpu.memory_space<vmem>> -> memref<256x64xf32, #tpu.memory_space<vmem>>
      %dma_wait3A_171 = arith.constant 0 : i32
      %dma_wait3A_172 = arith.constant 0 : i32
      %dma_wait3A_173 = tpu.memref_slice %arg10[%dma_wait3A_171, %dma_wait3A_172] : memref<10112x64xf32, #tpu.memory_space<vmem_shared>> -> memref<256x64xf32, #tpu.memory_space<vmem_shared>>
      %dma_wait3A_174 = arith.constant 0 : i32
      %dma_wait3A_175 = arith.constant 0 : i32
      %dma_wait3A_176 = tpu.memref_slice %arg8[%dma_wait3A_166, %dma_wait3A_174, %dma_wait3A_175] : memref<2x256x64xf32, #tpu.memory_space<vmem>> -> memref<1x256x64xf32, #tpu.memory_space<vmem>>
      %dma_wait3A_177 = tpu.memref_squeeze %dma_wait3A_176 : memref<1x256x64xf32, #tpu.memory_space<vmem>> -> memref<256x64xf32, #tpu.memory_space<vmem>>
      %dma_wait3A_178 = arith.constant 0 : i32
      %dma_wait3A_179 = arith.constant 0 : i32
      %dma_wait3A_180 = tpu.memref_slice %arg10[%dma_wait3A_178, %dma_wait3A_179] : memref<10112x64xf32, #tpu.memory_space<vmem_shared>> -> memref<256x64xf32, #tpu.memory_space<vmem_shared>>
      tpu.wait_dma2 semaphore(%arg11 : memref<!tpu.dma_semaphore, #tpu.memory_space<semaphore_mem>>) src(%dma_wait3A_180 : memref<256x64xf32, #tpu.memory_space<vmem_shared>>) dst(%dma_wait3A_177 : memref<256x64xf32, #tpu.memory_space<vmem>>)
      %lt3A = arith.constant 40 : i32
      %lt3A_181 = arith.cmpi slt, %add3A_165, %lt3A : i32
      %convert_element_type3A = arith.extui %lt3A_181 : i1 to i32
      %cond3A = arith.constant 0 : i32
      %cond3A_182 = arith.cmpi ne, %convert_element_type3A, %cond3A : i32
      scf.if %cond3A_182 {
        %dma_start3A_240 = arith.constant 1 : i32
        %dma_start3A_241 = arith.constant 0 : i32
        %dma_start3A_242 = arith.constant 0 : i32
        %dma_start3A_243 = tpu.memref_slice %arg8[%dma_start3A_240, %dma_start3A_241, %dma_start3A_242] : memref<2x256x64xf32, #tpu.memory_space<vmem>> -> memref<1x256x64xf32, #tpu.memory_space<vmem>>
        %dma_start3A_244 = tpu.memref_squeeze %dma_start3A_243 : memref<1x256x64xf32, #tpu.memory_space<vmem>> -> memref<256x64xf32, #tpu.memory_space<vmem>>
        %dma_start3A_245 = arith.constant 0 : i32
        %dma_start3A_246 = tpu.memref_slice %arg6[%add3A_165, %dma_start3A_245] : memref<40x256xi32, #tpu.memory_space<vmem>> -> memref<1x256xi32, #tpu.memory_space<vmem>>
        %dma_start3A_247 = tpu.memref_squeeze %dma_start3A_246 : memref<1x256xi32, #tpu.memory_space<vmem>> -> memref<256xi32, #tpu.memory_space<vmem>>
        %dma_start3A_248 = arith.constant 0 : i32
        %dma_start3A_249 = arith.constant 0 : i32
        %dma_start3A_250 = tpu.memref_slice %arg10[%dma_start3A_248, %dma_start3A_249] : memref<10112x64xf32, #tpu.memory_space<vmem_shared>> -> memref<10112x64xf32, #tpu.memory_space<vmem_shared>>
        tpu.enqueue_indirect_dma source(%dma_start3A_250 : memref<10112x64xf32, #tpu.memory_space<vmem_shared>>) target(%dma_start3A_244 : memref<256x64xf32, #tpu.memory_space<vmem>>) offsets(%dma_start3A_247 : memref<256xi32, #tpu.memory_space<vmem>>) semaphore(%arg11 : memref<!tpu.dma_semaphore, #tpu.memory_space<semaphore_mem>>)
        %dma_start3A_251 = arith.constant 1 : i32
        %dma_start3A_252 = arith.constant 0 : i32
        %dma_start3A_253 = tpu.memref_slice %arg7[%dma_start3A_251, %dma_start3A_252] : memref<2x256xi32, #tpu.memory_space<vmem>> -> memref<1x256xi32, #tpu.memory_space<vmem>>
        %dma_start3A_254 = tpu.memref_squeeze %dma_start3A_253 : memref<1x256xi32, #tpu.memory_space<vmem>> -> memref<256xi32, #tpu.memory_space<vmem>>
        %dma_start3A_255 = arith.constant 0 : i32
        %dma_start3A_256 = tpu.memref_slice %arg4[%add3A, %add3A_165, %dma_start3A_255] : memref<32x40x256xi32, #tpu.memory_space<hbm>> -> memref<1x1x256xi32, #tpu.memory_space<hbm>>
        %dma_start3A_257 = tpu.memref_squeeze %dma_start3A_256 : memref<1x1x256xi32, #tpu.memory_space<hbm>> -> memref<256xi32, #tpu.memory_space<hbm>>
        %dma_start3A_258 = arith.constant 0 : i32
        %dma_start3A_259 = tpu.memref_slice %arg7[%dma_start3A_251, %dma_start3A_258] : memref<2x256xi32, #tpu.memory_space<vmem>> -> memref<1x256xi32, #tpu.memory_space<vmem>>
        %dma_start3A_260 = tpu.memref_squeeze %dma_start3A_259 : memref<1x256xi32, #tpu.memory_space<vmem>> -> memref<256xi32, #tpu.memory_space<vmem>>
        %dma_start3A_261 = arith.constant 0 : i32
        %dma_start3A_262 = tpu.memref_slice %arg4[%add3A, %add3A_165, %dma_start3A_261] : memref<32x40x256xi32, #tpu.memory_space<hbm>> -> memref<1x1x256xi32, #tpu.memory_space<hbm>>
        %dma_start3A_263 = tpu.memref_squeeze %dma_start3A_262 : memref<1x1x256xi32, #tpu.memory_space<hbm>> -> memref<256xi32, #tpu.memory_space<hbm>>
        tpu.enqueue_dma source(%dma_start3A_263 : memref<256xi32, #tpu.memory_space<hbm>>) target(%dma_start3A_260 : memref<256xi32, #tpu.memory_space<vmem>>) target_semaphore(%arg13 : memref<!tpu.dma_semaphore, #tpu.memory_space<semaphore_mem>>)
      } else {
      }
      %dma_wait3A_183 = arith.constant 0 : i32
      %dma_wait3A_184 = arith.constant 0 : i32
      %dma_wait3A_185 = arith.constant 0 : i32
      %dma_wait3A_186 = tpu.memref_slice %arg7[%dma_wait3A_184, %dma_wait3A_185] : memref<2x256xi32, #tpu.memory_space<vmem>> -> memref<1x256xi32, #tpu.memory_space<vmem>>
      %dma_wait3A_187 = tpu.memref_squeeze %dma_wait3A_186 : memref<1x256xi32, #tpu.memory_space<vmem>> -> memref<256xi32, #tpu.memory_space<vmem>>
      %dma_wait3A_188 = arith.constant 0 : i32
      %dma_wait3A_189 = tpu.memref_slice %arg4[%add3A, %dma_wait3A_183, %dma_wait3A_188] : memref<32x40x256xi32, #tpu.memory_space<hbm>> -> memref<1x1x256xi32, #tpu.memory_space<hbm>>
      %dma_wait3A_190 = tpu.memref_squeeze %dma_wait3A_189 : memref<1x1x256xi32, #tpu.memory_space<hbm>> -> memref<256xi32, #tpu.memory_space<hbm>>
      %dma_wait3A_191 = arith.constant 0 : i32
      %dma_wait3A_192 = tpu.memref_slice %arg7[%dma_wait3A_184, %dma_wait3A_191] : memref<2x256xi32, #tpu.memory_space<vmem>> -> memref<1x256xi32, #tpu.memory_space<vmem>>
      %dma_wait3A_193 = tpu.memref_squeeze %dma_wait3A_192 : memref<1x256xi32, #tpu.memory_space<vmem>> -> memref<256xi32, #tpu.memory_space<vmem>>
      %dma_wait3A_194 = arith.constant 0 : i32
      %dma_wait3A_195 = tpu.memref_slice %arg4[%add3A, %dma_wait3A_183, %dma_wait3A_194] : memref<32x40x256xi32, #tpu.memory_space<hbm>> -> memref<1x1x256xi32, #tpu.memory_space<hbm>>
      %dma_wait3A_196 = tpu.memref_squeeze %dma_wait3A_195 : memref<1x1x256xi32, #tpu.memory_space<hbm>> -> memref<256xi32, #tpu.memory_space<hbm>>
      tpu.wait_dma2 semaphore(%arg13 : memref<!tpu.dma_semaphore, #tpu.memory_space<semaphore_mem>>) src(%dma_wait3A_196 : memref<256xi32, #tpu.memory_space<hbm>>) dst(%dma_wait3A_193 : memref<256xi32, #tpu.memory_space<vmem>>)
      %run_scoped3A = arith.constant 0 : i32
      %run_scoped3A_197 = arith.constant 0 : i32
      "tpu.region"() ({
        %run_scoped3A_240 = tpu.sem_alloc : memref<!tpu.dma_semaphore, #tpu.memory_space<semaphore_mem>>
        %dma_start3A_241 = arith.constant 0 : i32
        %dma_start3A_242 = arith.constant 0 : i32
        %dma_start3A_243 = tpu.memref_slice %arg8[%run_scoped3A, %dma_start3A_241, %dma_start3A_242] : memref<2x256x64xf32, #tpu.memory_space<vmem>> -> memref<1x256x64xf32, #tpu.memory_space<vmem>>
        %dma_start3A_244 = tpu.memref_squeeze %dma_start3A_243 : memref<1x256x64xf32, #tpu.memory_space<vmem>> -> memref<256x64xf32, #tpu.memory_space<vmem>>
        %dma_start3A_245 = arith.constant 0 : i32
        %dma_start3A_246 = tpu.memref_slice %arg7[%run_scoped3A_197, %dma_start3A_245] : memref<2x256xi32, #tpu.memory_space<vmem>> -> memref<1x256xi32, #tpu.memory_space<vmem>>
        %dma_start3A_247 = tpu.memref_squeeze %dma_start3A_246 : memref<1x256xi32, #tpu.memory_space<vmem>> -> memref<256xi32, #tpu.memory_space<vmem>>
        %dma_start3A_248 = arith.constant 0 : i32
        %dma_start3A_249 = arith.constant 0 : i32
        %dma_start3A_250 = tpu.memref_slice %arg9[%dma_start3A_248, %dma_start3A_249] : memref<10112x64xf32, #tpu.memory_space<vmem_shared>> -> memref<10112x64xf32, #tpu.memory_space<vmem_shared>>
        tpu.enqueue_indirect_dma source(%dma_start3A_244 : memref<256x64xf32, #tpu.memory_space<vmem>>) target(%dma_start3A_250 : memref<10112x64xf32, #tpu.memory_space<vmem_shared>>) offsets(%dma_start3A_247 : memref<256xi32, #tpu.memory_space<vmem>>) semaphore(%run_scoped3A_240 : memref<!tpu.dma_semaphore, #tpu.memory_space<semaphore_mem>>) {add = true}
        %dma_wait3A_251 = arith.constant 0 : i32
        %dma_wait3A_252 = arith.constant 0 : i32
        %dma_wait3A_253 = tpu.memref_slice %arg8[%run_scoped3A, %dma_wait3A_251, %dma_wait3A_252] : memref<2x256x64xf32, #tpu.memory_space<vmem>> -> memref<1x256x64xf32, #tpu.memory_space<vmem>>
        %dma_wait3A_254 = tpu.memref_squeeze %dma_wait3A_253 : memref<1x256x64xf32, #tpu.memory_space<vmem>> -> memref<256x64xf32, #tpu.memory_space<vmem>>
        %dma_wait3A_255 = arith.constant 0 : i32
        %dma_wait3A_256 = tpu.memref_slice %arg7[%run_scoped3A_197, %dma_wait3A_255] : memref<2x256xi32, #tpu.memory_space<vmem>> -> memref<1x256xi32, #tpu.memory_space<vmem>>
        %dma_wait3A_257 = tpu.memref_squeeze %dma_wait3A_256 : memref<1x256xi32, #tpu.memory_space<vmem>> -> memref<256xi32, #tpu.memory_space<vmem>>
        %dma_wait3A_258 = arith.constant 0 : i32
        %dma_wait3A_259 = arith.constant 0 : i32
        %dma_wait3A_260 = tpu.memref_slice %arg9[%dma_wait3A_258, %dma_wait3A_259] : memref<10112x64xf32, #tpu.memory_space<vmem_shared>> -> memref<10112x64xf32, #tpu.memory_space<vmem_shared>>
        tpu.wait_indirect_dma semaphore(%run_scoped3A_240 : memref<!tpu.dma_semaphore, #tpu.memory_space<semaphore_mem>>) src(%dma_wait3A_254 : memref<256x64xf32, #tpu.memory_space<vmem>>) dst(%dma_wait3A_260 : memref<10112x64xf32, #tpu.memory_space<vmem_shared>>)
        tpu.yield
      }) : () -> ()
      %mul3A_198 = arith.constant 2 : i32
      %mul3A_199 = arith.muli %scan3A_159, %mul3A_198 : i32
      %add3A_200 = arith.constant 1 : i32
      %add3A_201 = arith.addi %mul3A_199, %add3A_200 : i32
      %add3A_202 = arith.constant 1 : i32
      %add3A_203 = arith.addi %add3A_201, %add3A_202 : i32
      %dma_wait3A_204 = arith.constant 1 : i32
      %dma_wait3A_205 = arith.constant 0 : i32
      %dma_wait3A_206 = arith.constant 0 : i32
      %dma_wait3A_207 = tpu.memref_slice %arg8[%dma_wait3A_204, %dma_wait3A_205, %dma_wait3A_206] : memref<2x256x64xf32, #tpu.memory_space<vmem>> -> memref<1x256x64xf32, #tpu.memory_space<vmem>>
      %dma_wait3A_208 = tpu.memref_squeeze %dma_wait3A_207 : memref<1x256x64xf32, #tpu.memory_space<vmem>> -> memref<256x64xf32, #tpu.memory_space<vmem>>
      %dma_wait3A_209 = arith.constant 0 : i32
      %dma_wait3A_210 = arith.constant 0 : i32
      %dma_wait3A_211 = tpu.memref_slice %arg10[%dma_wait3A_209, %dma_wait3A_210] : memref<10112x64xf32, #tpu.memory_space<vmem_shared>> -> memref<256x64xf32, #tpu.memory_space<vmem_shared>>
      %dma_wait3A_212 = arith.constant 0 : i32
      %dma_wait3A_213 = arith.constant 0 : i32
      %dma_wait3A_214 = tpu.memref_slice %arg8[%dma_wait3A_204, %dma_wait3A_212, %dma_wait3A_213] : memref<2x256x64xf32, #tpu.memory_space<vmem>> -> memref<1x256x64xf32, #tpu.memory_space<vmem>>
      %dma_wait3A_215 = tpu.memref_squeeze %dma_wait3A_214 : memref<1x256x64xf32, #tpu.memory_space<vmem>> -> memref<256x64xf32, #tpu.memory_space<vmem>>
      %dma_wait3A_216 = arith.constant 0 : i32
      %dma_wait3A_217 = arith.constant 0 : i32
      %dma_wait3A_218 = tpu.memref_slice %arg10[%dma_wait3A_216, %dma_wait3A_217] : memref<10112x64xf32, #tpu.memory_space<vmem_shared>> -> memref<256x64xf32, #tpu.memory_space<vmem_shared>>
      tpu.wait_dma2 semaphore(%arg11 : memref<!tpu.dma_semaphore, #tpu.memory_space<semaphore_mem>>) src(%dma_wait3A_218 : memref<256x64xf32, #tpu.memory_space<vmem_shared>>) dst(%dma_wait3A_215 : memref<256x64xf32, #tpu.memory_space<vmem>>)
      %lt3A_219 = arith.constant 40 : i32
      %lt3A_220 = arith.cmpi slt, %add3A_203, %lt3A_219 : i32
      %convert_element_type3A_221 = arith.extui %lt3A_220 : i1 to i32
      %cond3A_222 = arith.constant 0 : i32
      %cond3A_223 = arith.cmpi ne, %convert_element_type3A_221, %cond3A_222 : i32
      scf.if %cond3A_223 {
        %dma_start3A_240 = arith.constant 0 : i32
        %dma_start3A_241 = arith.constant 0 : i32
        %dma_start3A_242 = arith.constant 0 : i32
        %dma_start3A_243 = tpu.memref_slice %arg8[%dma_start3A_240, %dma_start3A_241, %dma_start3A_242] : memref<2x256x64xf32, #tpu.memory_space<vmem>> -> memref<1x256x64xf32, #tpu.memory_space<vmem>>
        %dma_start3A_244 = tpu.memref_squeeze %dma_start3A_243 : memref<1x256x64xf32, #tpu.memory_space<vmem>> -> memref<256x64xf32, #tpu.memory_space<vmem>>
        %dma_start3A_245 = arith.constant 0 : i32
        %dma_start3A_246 = tpu.memref_slice %arg6[%add3A_203, %dma_start3A_245] : memref<40x256xi32, #tpu.memory_space<vmem>> -> memref<1x256xi32, #tpu.memory_space<vmem>>
        %dma_start3A_247 = tpu.memref_squeeze %dma_start3A_246 : memref<1x256xi32, #tpu.memory_space<vmem>> -> memref<256xi32, #tpu.memory_space<vmem>>
        %dma_start3A_248 = arith.constant 0 : i32
        %dma_start3A_249 = arith.constant 0 : i32
        %dma_start3A_250 = tpu.memref_slice %arg10[%dma_start3A_248, %dma_start3A_249] : memref<10112x64xf32, #tpu.memory_space<vmem_shared>> -> memref<10112x64xf32, #tpu.memory_space<vmem_shared>>
        tpu.enqueue_indirect_dma source(%dma_start3A_250 : memref<10112x64xf32, #tpu.memory_space<vmem_shared>>) target(%dma_start3A_244 : memref<256x64xf32, #tpu.memory_space<vmem>>) offsets(%dma_start3A_247 : memref<256xi32, #tpu.memory_space<vmem>>) semaphore(%arg11 : memref<!tpu.dma_semaphore, #tpu.memory_space<semaphore_mem>>)
        %dma_start3A_251 = arith.constant 0 : i32
        %dma_start3A_252 = arith.constant 0 : i32
        %dma_start3A_253 = tpu.memref_slice %arg7[%dma_start3A_251, %dma_start3A_252] : memref<2x256xi32, #tpu.memory_space<vmem>> -> memref<1x256xi32, #tpu.memory_space<vmem>>
        %dma_start3A_254 = tpu.memref_squeeze %dma_start3A_253 : memref<1x256xi32, #tpu.memory_space<vmem>> -> memref<256xi32, #tpu.memory_space<vmem>>
        %dma_start3A_255 = arith.constant 0 : i32
        %dma_start3A_256 = tpu.memref_slice %arg4[%add3A, %add3A_203, %dma_start3A_255] : memref<32x40x256xi32, #tpu.memory_space<hbm>> -> memref<1x1x256xi32, #tpu.memory_space<hbm>>
        %dma_start3A_257 = tpu.memref_squeeze %dma_start3A_256 : memref<1x1x256xi32, #tpu.memory_space<hbm>> -> memref<256xi32, #tpu.memory_space<hbm>>
        %dma_start3A_258 = arith.constant 0 : i32
        %dma_start3A_259 = tpu.memref_slice %arg7[%dma_start3A_251, %dma_start3A_258] : memref<2x256xi32, #tpu.memory_space<vmem>> -> memref<1x256xi32, #tpu.memory_space<vmem>>
        %dma_start3A_260 = tpu.memref_squeeze %dma_start3A_259 : memref<1x256xi32, #tpu.memory_space<vmem>> -> memref<256xi32, #tpu.memory_space<vmem>>
        %dma_start3A_261 = arith.constant 0 : i32
        %dma_start3A_262 = tpu.memref_slice %arg4[%add3A, %add3A_203, %dma_start3A_261] : memref<32x40x256xi32, #tpu.memory_space<hbm>> -> memref<1x1x256xi32, #tpu.memory_space<hbm>>
        %dma_start3A_263 = tpu.memref_squeeze %dma_start3A_262 : memref<1x1x256xi32, #tpu.memory_space<hbm>> -> memref<256xi32, #tpu.memory_space<hbm>>
        tpu.enqueue_dma source(%dma_start3A_263 : memref<256xi32, #tpu.memory_space<hbm>>) target(%dma_start3A_260 : memref<256xi32, #tpu.memory_space<vmem>>) target_semaphore(%arg13 : memref<!tpu.dma_semaphore, #tpu.memory_space<semaphore_mem>>)
      } else {
      }
      %dma_wait3A_224 = arith.constant 0 : i32
      %dma_wait3A_225 = arith.constant 1 : i32
      %dma_wait3A_226 = arith.constant 0 : i32
      %dma_wait3A_227 = tpu.memref_slice %arg7[%dma_wait3A_225, %dma_wait3A_226] : memref<2x256xi32, #tpu.memory_space<vmem>> -> memref<1x256xi32, #tpu.memory_space<vmem>>
      %dma_wait3A_228 = tpu.memref_squeeze %dma_wait3A_227 : memref<1x256xi32, #tpu.memory_space<vmem>> -> memref<256xi32, #tpu.memory_space<vmem>>
      %dma_wait3A_229 = arith.constant 0 : i32
      %dma_wait3A_230 = tpu.memref_slice %arg4[%add3A, %dma_wait3A_224, %dma_wait3A_229] : memref<32x40x256xi32, #tpu.memory_space<hbm>> -> memref<1x1x256xi32, #tpu.memory_space<hbm>>
      %dma_wait3A_231 = tpu.memref_squeeze %dma_wait3A_230 : memref<1x1x256xi32, #tpu.memory_space<hbm>> -> memref<256xi32, #tpu.memory_space<hbm>>
      %dma_wait3A_232 = arith.constant 0 : i32
      %dma_wait3A_233 = tpu.memref_slice %arg7[%dma_wait3A_225, %dma_wait3A_232] : memref<2x256xi32, #tpu.memory_space<vmem>> -> memref<1x256xi32, #tpu.memory_space<vmem>>
      %dma_wait3A_234 = tpu.memref_squeeze %dma_wait3A_233 : memref<1x256xi32, #tpu.memory_space<vmem>> -> memref<256xi32, #tpu.memory_space<vmem>>
      %dma_wait3A_235 = arith.constant 0 : i32
      %dma_wait3A_236 = tpu.memref_slice %arg4[%add3A, %dma_wait3A_224, %dma_wait3A_235] : memref<32x40x256xi32, #tpu.memory_space<hbm>> -> memref<1x1x256xi32, #tpu.memory_space<hbm>>
      %dma_wait3A_237 = tpu.memref_squeeze %dma_wait3A_236 : memref<1x1x256xi32, #tpu.memory_space<hbm>> -> memref<256xi32, #tpu.memory_space<hbm>>
      tpu.wait_dma2 semaphore(%arg13 : memref<!tpu.dma_semaphore, #tpu.memory_space<semaphore_mem>>) src(%dma_wait3A_237 : memref<256xi32, #tpu.memory_space<hbm>>) dst(%dma_wait3A_234 : memref<256xi32, #tpu.memory_space<vmem>>)
      %run_scoped3A_238 = arith.constant 1 : i32
      %run_scoped3A_239 = arith.constant 1 : i32
      "tpu.region"() ({
        %run_scoped3A_240 = tpu.sem_alloc : memref<!tpu.dma_semaphore, #tpu.memory_space<semaphore_mem>>
        %dma_start3A_241 = arith.constant 0 : i32
        %dma_start3A_242 = arith.constant 0 : i32
        %dma_start3A_243 = tpu.memref_slice %arg8[%run_scoped3A_238, %dma_start3A_241, %dma_start3A_242] : memref<2x256x64xf32, #tpu.memory_space<vmem>> -> memref<1x256x64xf32, #tpu.memory_space<vmem>>
        %dma_start3A_244 = tpu.memref_squeeze %dma_start3A_243 : memref<1x256x64xf32, #tpu.memory_space<vmem>> -> memref<256x64xf32, #tpu.memory_space<vmem>>
        %dma_start3A_245 = arith.constant 0 : i32
        %dma_start3A_246 = tpu.memref_slice %arg7[%run_scoped3A_239, %dma_start3A_245] : memref<2x256xi32, #tpu.memory_space<vmem>> -> memref<1x256xi32, #tpu.memory_space<vmem>>
        %dma_start3A_247 = tpu.memref_squeeze %dma_start3A_246 : memref<1x256xi32, #tpu.memory_space<vmem>> -> memref<256xi32, #tpu.memory_space<vmem>>
        %dma_start3A_248 = arith.constant 0 : i32
        %dma_start3A_249 = arith.constant 0 : i32
        %dma_start3A_250 = tpu.memref_slice %arg9[%dma_start3A_248, %dma_start3A_249] : memref<10112x64xf32, #tpu.memory_space<vmem_shared>> -> memref<10112x64xf32, #tpu.memory_space<vmem_shared>>
        tpu.enqueue_indirect_dma source(%dma_start3A_244 : memref<256x64xf32, #tpu.memory_space<vmem>>) target(%dma_start3A_250 : memref<10112x64xf32, #tpu.memory_space<vmem_shared>>) offsets(%dma_start3A_247 : memref<256xi32, #tpu.memory_space<vmem>>) semaphore(%run_scoped3A_240 : memref<!tpu.dma_semaphore, #tpu.memory_space<semaphore_mem>>) {add = true}
        %dma_wait3A_251 = arith.constant 0 : i32
        %dma_wait3A_252 = arith.constant 0 : i32
        %dma_wait3A_253 = tpu.memref_slice %arg8[%run_scoped3A_238, %dma_wait3A_251, %dma_wait3A_252] : memref<2x256x64xf32, #tpu.memory_space<vmem>> -> memref<1x256x64xf32, #tpu.memory_space<vmem>>
        %dma_wait3A_254 = tpu.memref_squeeze %dma_wait3A_253 : memref<1x256x64xf32, #tpu.memory_space<vmem>> -> memref<256x64xf32, #tpu.memory_space<vmem>>
        %dma_wait3A_255 = arith.constant 0 : i32
        %dma_wait3A_256 = tpu.memref_slice %arg7[%run_scoped3A_239, %dma_wait3A_255] : memref<2x256xi32, #tpu.memory_space<vmem>> -> memref<1x256xi32, #tpu.memory_space<vmem>>
        %dma_wait3A_257 = tpu.memref_squeeze %dma_wait3A_256 : memref<1x256xi32, #tpu.memory_space<vmem>> -> memref<256xi32, #tpu.memory_space<vmem>>
        %dma_wait3A_258 = arith.constant 0 : i32
        %dma_wait3A_259 = arith.constant 0 : i32
        %dma_wait3A_260 = tpu.memref_slice %arg9[%dma_wait3A_258, %dma_wait3A_259] : memref<10112x64xf32, #tpu.memory_space<vmem_shared>> -> memref<10112x64xf32, #tpu.memory_space<vmem_shared>>
        tpu.wait_indirect_dma semaphore(%run_scoped3A_240 : memref<!tpu.dma_semaphore, #tpu.memory_space<semaphore_mem>>) src(%dma_wait3A_254 : memref<256x64xf32, #tpu.memory_space<vmem>>) dst(%dma_wait3A_260 : memref<10112x64xf32, #tpu.memory_space<vmem_shared>>)
        tpu.yield
      }) : () -> ()
    }
    %scan3A_153 = arith.constant 20 : i32
    %barrier3A_154 = arith.constant 0 : index
    tpu.barrier barrier_id(%barrier3A_154)
    %mul3A_155 = arith.constant 632 : i32
    %mul3A_156 = arith.muli %arg1, %mul3A_155 : i32
    %mul3A_157 = arith.constant 632 : i32
    %mul3A_158 = arith.muli %arg1, %mul3A_157 : i32
    "tpu.region"() ({
      %run_scoped3A = tpu.sem_alloc : memref<!tpu.dma_semaphore, #tpu.memory_space<semaphore_mem>>
      %dma_start3A_159 = arith.constant 0 : i32
      %dma_start3A_160 = tpu.memref_slice %arg5[%arg0, %mul3A_158, %dma_start3A_159] : memref<2x10112x64xf32, #tpu.memory_space<hbm>> -> memref<1x632x64xf32, #tpu.memory_space<hbm>>
      %dma_start3A_161 = tpu.memref_squeeze %dma_start3A_160 : memref<1x632x64xf32, #tpu.memory_space<hbm>> -> memref<632x64xf32, #tpu.memory_space<hbm>>
      %dma_start3A_162 = arith.constant 0 : i32
      %dma_start3A_163 = tpu.memref_slice %arg9[%mul3A_156, %dma_start3A_162] : memref<10112x64xf32, #tpu.memory_space<vmem_shared>> -> memref<632x64xf32, #tpu.memory_space<vmem_shared>>
      tpu.enqueue_dma source(%dma_start3A_163 : memref<632x64xf32, #tpu.memory_space<vmem_shared>>) target(%dma_start3A_161 : memref<632x64xf32, #tpu.memory_space<hbm>>) target_semaphore(%run_scoped3A : memref<!tpu.dma_semaphore, #tpu.memory_space<semaphore_mem>>)
      %dma_wait3A_164 = arith.constant 0 : i32
      %dma_wait3A_165 = tpu.memref_slice %arg5[%arg0, %mul3A_158, %dma_wait3A_164] : memref<2x10112x64xf32, #tpu.memory_space<hbm>> -> memref<1x632x64xf32, #tpu.memory_space<hbm>>
      %dma_wait3A_166 = tpu.memref_squeeze %dma_wait3A_165 : memref<1x632x64xf32, #tpu.memory_space<hbm>> -> memref<632x64xf32, #tpu.memory_space<hbm>>
      %dma_wait3A_167 = arith.constant 0 : i32
      %dma_wait3A_168 = tpu.memref_slice %arg9[%mul3A_156, %dma_wait3A_167] : memref<10112x64xf32, #tpu.memory_space<vmem_shared>> -> memref<632x64xf32, #tpu.memory_space<vmem_shared>>
      tpu.wait_dma2 semaphore(%run_scoped3A : memref<!tpu.dma_semaphore, #tpu.memory_space<semaphore_mem>>) src(%dma_wait3A_168 : memref<632x64xf32, #tpu.memory_space<vmem_shared>>) dst(%dma_wait3A_166 : memref<632x64xf32, #tpu.memory_space<hbm>>)
      tpu.yield
    }) : () -> ()
    return
  }
}

#map = affine_map<(d0, d1) -> (0, 0)>
#map1 = affine_map<(d0, d1) -> (0, 0, 0)>
module attributes {stable_mosaic.version = 14 : i64} {
  func.func @_sc_agg(%arg0: i32, %arg1: i32, %arg2: memref<10112x64xf32, #tpu.memory_space<hbm>>, %arg3: memref<32x40x256xi32, #tpu.memory_space<hbm>>, %arg4: memref<32x40x256xi32, #tpu.memory_space<hbm>>, %arg5: memref<2x10112x64xf32, #tpu.memory_space<hbm>>, %arg6: memref<40x256xi32, #tpu.memory_space<vmem>>, %arg7: memref<2x256xi32, #tpu.memory_space<vmem>>, %arg8: memref<2x256x64xf32, #tpu.memory_space<vmem>>, %arg9: memref<10112x64xf32, #tpu.memory_space<vmem_shared>>, %arg10: memref<10112x64xf32, #tpu.memory_space<vmem_shared>>, %arg11: memref<!tpu.dma_semaphore, #tpu.memory_space<semaphore_mem>>, %arg12: memref<!tpu.dma_semaphore, #tpu.memory_space<semaphore_mem>>, %arg13: memref<!tpu.dma_semaphore, #tpu.memory_space<semaphore_mem>>, %arg14: memref<!tpu.dma_semaphore, #tpu.memory_space<semaphore_mem>>) attributes {dimension_semantics = [#tpu.dimension_semantics<core_parallel>, #tpu.dimension_semantics<subcore_parallel>], iteration_bounds = array<i64: 2, 16>, scalar_prefetch = 0 : i64, scratch_operands = 9 : i64, tpu.core_type = #tpu.core_type<sc_vector_subcore>, window_params = [{transform_indices = #map}, {transform_indices = #map1}, {transform_indices = #map1}, {transform_indices = #map1}]} {
    %mul3A = arith.constant 2 : i32
    %mul3A_0 = arith.muli %arg1, %mul3A : i32
    %add3A = arith.addi %mul3A_0, %arg0 : i32
    %mul3A_1 = arith.constant 632 : i32
    %mul3A_2 = arith.muli %arg1, %mul3A_1 : i32
    %mul3A_3 = arith.constant 632 : i32
    %mul3A_4 = arith.muli %arg1, %mul3A_3 : i32
    %dma_start3A = arith.constant 0 : i32
    %dma_start3A_5 = tpu.memref_slice %arg10[%mul3A_4, %dma_start3A] : memref<10112x64xf32, #tpu.memory_space<vmem_shared>> -> memref<632x64xf32, #tpu.memory_space<vmem_shared>>
    %dma_start3A_6 = arith.constant 0 : i32
    %dma_start3A_7 = tpu.memref_slice %arg2[%mul3A_2, %dma_start3A_6] : memref<10112x64xf32, #tpu.memory_space<hbm>> -> memref<632x64xf32, #tpu.memory_space<hbm>>
    tpu.enqueue_dma source(%dma_start3A_7 : memref<632x64xf32, #tpu.memory_space<hbm>>) target(%dma_start3A_5 : memref<632x64xf32, #tpu.memory_space<vmem_shared>>) target_semaphore(%arg12 : memref<!tpu.dma_semaphore, #tpu.memory_space<semaphore_mem>>)
    %mul3A_8 = arith.constant 632 : i32
    %mul3A_9 = arith.muli %arg1, %mul3A_8 : i32
    %add3A_10 = arith.constant 0 : i32
    %add3A_11 = arith.addi %mul3A_9, %add3A_10 : i32
    %dma_start3A_12 = arith.constant 0 : i32
    %dma_start3A_13 = tpu.memref_slice %arg9[%add3A_11, %dma_start3A_12] : memref<10112x64xf32, #tpu.memory_space<vmem_shared>> -> memref<112x64xf32, #tpu.memory_space<vmem_shared>>
    %dma_start3A_14 = arith.constant 10000 : i32
    %dma_start3A_15 = arith.constant 0 : i32
    %dma_start3A_16 = tpu.memref_slice %arg2[%dma_start3A_14, %dma_start3A_15] : memref<10112x64xf32, #tpu.memory_space<hbm>> -> memref<112x64xf32, #tpu.memory_space<hbm>>
    tpu.enqueue_dma source(%dma_start3A_16 : memref<112x64xf32, #tpu.memory_space<hbm>>) target(%dma_start3A_13 : memref<112x64xf32, #tpu.memory_space<vmem_shared>>) target_semaphore(%arg14 : memref<!tpu.dma_semaphore, #tpu.memory_space<semaphore_mem>>)
    %mul3A_17 = arith.constant 632 : i32
    %mul3A_18 = arith.muli %arg1, %mul3A_17 : i32
    %add3A_19 = arith.constant 112 : i32
    %add3A_20 = arith.addi %mul3A_18, %add3A_19 : i32
    %dma_start3A_21 = arith.constant 0 : i32
    %dma_start3A_22 = tpu.memref_slice %arg9[%add3A_20, %dma_start3A_21] : memref<10112x64xf32, #tpu.memory_space<vmem_shared>> -> memref<112x64xf32, #tpu.memory_space<vmem_shared>>
    %dma_start3A_23 = arith.constant 10000 : i32
    %dma_start3A_24 = arith.constant 0 : i32
    %dma_start3A_25 = tpu.memref_slice %arg2[%dma_start3A_23, %dma_start3A_24] : memref<10112x64xf32, #tpu.memory_space<hbm>> -> memref<112x64xf32, #tpu.memory_space<hbm>>
    tpu.enqueue_dma source(%dma_start3A_25 : memref<112x64xf32, #tpu.memory_space<hbm>>) target(%dma_start3A_22 : memref<112x64xf32, #tpu.memory_space<vmem_shared>>) target_semaphore(%arg14 : memref<!tpu.dma_semaphore, #tpu.memory_space<semaphore_mem>>)
    %mul3A_26 = arith.constant 632 : i32
    %mul3A_27 = arith.muli %arg1, %mul3A_26 : i32
    %add3A_28 = arith.constant 224 : i32
    %add3A_29 = arith.addi %mul3A_27, %add3A_28 : i32
    %dma_start3A_30 = arith.constant 0 : i32
    %dma_start3A_31 = tpu.memref_slice %arg9[%add3A_29, %dma_start3A_30] : memref<10112x64xf32, #tpu.memory_space<vmem_shared>> -> memref<112x64xf32, #tpu.memory_space<vmem_shared>>
    %dma_start3A_32 = arith.constant 10000 : i32
    %dma_start3A_33 = arith.constant 0 : i32
    %dma_start3A_34 = tpu.memref_slice %arg2[%dma_start3A_32, %dma_start3A_33] : memref<10112x64xf32, #tpu.memory_space<hbm>> -> memref<112x64xf32, #tpu.memory_space<hbm>>
    tpu.enqueue_dma source(%dma_start3A_34 : memref<112x64xf32, #tpu.memory_space<hbm>>) target(%dma_start3A_31 : memref<112x64xf32, #tpu.memory_space<vmem_shared>>) target_semaphore(%arg14 : memref<!tpu.dma_semaphore, #tpu.memory_space<semaphore_mem>>)
    %mul3A_35 = arith.constant 632 : i32
    %mul3A_36 = arith.muli %arg1, %mul3A_35 : i32
    %add3A_37 = arith.constant 336 : i32
    %add3A_38 = arith.addi %mul3A_36, %add3A_37 : i32
    %dma_start3A_39 = arith.constant 0 : i32
    %dma_start3A_40 = tpu.memref_slice %arg9[%add3A_38, %dma_start3A_39] : memref<10112x64xf32, #tpu.memory_space<vmem_shared>> -> memref<112x64xf32, #tpu.memory_space<vmem_shared>>
    %dma_start3A_41 = arith.constant 10000 : i32
    %dma_start3A_42 = arith.constant 0 : i32
    %dma_start3A_43 = tpu.memref_slice %arg2[%dma_start3A_41, %dma_start3A_42] : memref<10112x64xf32, #tpu.memory_space<hbm>> -> memref<112x64xf32, #tpu.memory_space<hbm>>
    tpu.enqueue_dma source(%dma_start3A_43 : memref<112x64xf32, #tpu.memory_space<hbm>>) target(%dma_start3A_40 : memref<112x64xf32, #tpu.memory_space<vmem_shared>>) target_semaphore(%arg14 : memref<!tpu.dma_semaphore, #tpu.memory_space<semaphore_mem>>)
    %mul3A_44 = arith.constant 632 : i32
    %mul3A_45 = arith.muli %arg1, %mul3A_44 : i32
    %add3A_46 = arith.constant 448 : i32
    %add3A_47 = arith.addi %mul3A_45, %add3A_46 : i32
    %dma_start3A_48 = arith.constant 0 : i32
    %dma_start3A_49 = tpu.memref_slice %arg9[%add3A_47, %dma_start3A_48] : memref<10112x64xf32, #tpu.memory_space<vmem_shared>> -> memref<112x64xf32, #tpu.memory_space<vmem_shared>>
    %dma_start3A_50 = arith.constant 10000 : i32
    %dma_start3A_51 = arith.constant 0 : i32
    %dma_start3A_52 = tpu.memref_slice %arg2[%dma_start3A_50, %dma_start3A_51] : memref<10112x64xf32, #tpu.memory_space<hbm>> -> memref<112x64xf32, #tpu.memory_space<hbm>>
    tpu.enqueue_dma source(%dma_start3A_52 : memref<112x64xf32, #tpu.memory_space<hbm>>) target(%dma_start3A_49 : memref<112x64xf32, #tpu.memory_space<vmem_shared>>) target_semaphore(%arg14 : memref<!tpu.dma_semaphore, #tpu.memory_space<semaphore_mem>>)
    %mul3A_53 = arith.constant 632 : i32
    %mul3A_54 = arith.muli %arg1, %mul3A_53 : i32
    %add3A_55 = arith.constant 560 : i32
    %add3A_56 = arith.addi %mul3A_54, %add3A_55 : i32
    %dma_start3A_57 = arith.constant 0 : i32
    %dma_start3A_58 = tpu.memref_slice %arg9[%add3A_56, %dma_start3A_57] : memref<10112x64xf32, #tpu.memory_space<vmem_shared>> -> memref<72x64xf32, #tpu.memory_space<vmem_shared>>
    %dma_start3A_59 = arith.constant 10000 : i32
    %dma_start3A_60 = arith.constant 0 : i32
    %dma_start3A_61 = tpu.memref_slice %arg2[%dma_start3A_59, %dma_start3A_60] : memref<10112x64xf32, #tpu.memory_space<hbm>> -> memref<72x64xf32, #tpu.memory_space<hbm>>
    tpu.enqueue_dma source(%dma_start3A_61 : memref<72x64xf32, #tpu.memory_space<hbm>>) target(%dma_start3A_58 : memref<72x64xf32, #tpu.memory_space<vmem_shared>>) target_semaphore(%arg14 : memref<!tpu.dma_semaphore, #tpu.memory_space<semaphore_mem>>)
    "tpu.region"() ({
      %run_scoped3A = tpu.sem_alloc : memref<!tpu.dma_semaphore, #tpu.memory_space<semaphore_mem>>
      %dma_start3A_159 = arith.constant 0 : i32
      %dma_start3A_160 = arith.constant 0 : i32
      %dma_start3A_161 = tpu.memref_slice %arg3[%add3A, %dma_start3A_159, %dma_start3A_160] : memref<32x40x256xi32, #tpu.memory_space<hbm>> -> memref<1x40x256xi32, #tpu.memory_space<hbm>>
      %dma_start3A_162 = tpu.memref_squeeze %dma_start3A_161 : memref<1x40x256xi32, #tpu.memory_space<hbm>> -> memref<40x256xi32, #tpu.memory_space<hbm>>
      %dma_start3A_163 = arith.constant 0 : i32
      %dma_start3A_164 = arith.constant 0 : i32
      %dma_start3A_165 = tpu.memref_slice %arg3[%add3A, %dma_start3A_163, %dma_start3A_164] : memref<32x40x256xi32, #tpu.memory_space<hbm>> -> memref<1x40x256xi32, #tpu.memory_space<hbm>>
      %dma_start3A_166 = tpu.memref_squeeze %dma_start3A_165 : memref<1x40x256xi32, #tpu.memory_space<hbm>> -> memref<40x256xi32, #tpu.memory_space<hbm>>
      tpu.enqueue_dma source(%dma_start3A_166 : memref<40x256xi32, #tpu.memory_space<hbm>>) target(%arg6 : memref<40x256xi32, #tpu.memory_space<vmem>>) target_semaphore(%run_scoped3A : memref<!tpu.dma_semaphore, #tpu.memory_space<semaphore_mem>>)
      %dma_wait3A_167 = arith.constant 0 : i32
      %dma_wait3A_168 = arith.constant 0 : i32
      %dma_wait3A_169 = tpu.memref_slice %arg3[%add3A, %dma_wait3A_167, %dma_wait3A_168] : memref<32x40x256xi32, #tpu.memory_space<hbm>> -> memref<1x40x256xi32, #tpu.memory_space<hbm>>
      %dma_wait3A_170 = tpu.memref_squeeze %dma_wait3A_169 : memref<1x40x256xi32, #tpu.memory_space<hbm>> -> memref<40x256xi32, #tpu.memory_space<hbm>>
      %dma_wait3A_171 = arith.constant 0 : i32
      %dma_wait3A_172 = arith.constant 0 : i32
      %dma_wait3A_173 = tpu.memref_slice %arg3[%add3A, %dma_wait3A_171, %dma_wait3A_172] : memref<32x40x256xi32, #tpu.memory_space<hbm>> -> memref<1x40x256xi32, #tpu.memory_space<hbm>>
      %dma_wait3A_174 = tpu.memref_squeeze %dma_wait3A_173 : memref<1x40x256xi32, #tpu.memory_space<hbm>> -> memref<40x256xi32, #tpu.memory_space<hbm>>
      tpu.wait_dma2 semaphore(%run_scoped3A : memref<!tpu.dma_semaphore, #tpu.memory_space<semaphore_mem>>) src(%dma_wait3A_174 : memref<40x256xi32, #tpu.memory_space<hbm>>) dst(%arg6 : memref<40x256xi32, #tpu.memory_space<vmem>>)
      tpu.yield
    }) : () -> ()
    %dma_start3A_62 = arith.constant 0 : i32
    %dma_start3A_63 = arith.constant 0 : i32
    %dma_start3A_64 = arith.constant 0 : i32
    %dma_start3A_65 = tpu.memref_slice %arg7[%dma_start3A_63, %dma_start3A_64] : memref<2x256xi32, #tpu.memory_space<vmem>> -> memref<1x256xi32, #tpu.memory_space<vmem>>
    %dma_start3A_66 = tpu.memref_squeeze %dma_start3A_65 : memref<1x256xi32, #tpu.memory_space<vmem>> -> memref<256xi32, #tpu.memory_space<vmem>>
    %dma_start3A_67 = arith.constant 0 : i32
    %dma_start3A_68 = tpu.memref_slice %arg4[%add3A, %dma_start3A_62, %dma_start3A_67] : memref<32x40x256xi32, #tpu.memory_space<hbm>> -> memref<1x1x256xi32, #tpu.memory_space<hbm>>
    %dma_start3A_69 = tpu.memref_squeeze %dma_start3A_68 : memref<1x1x256xi32, #tpu.memory_space<hbm>> -> memref<256xi32, #tpu.memory_space<hbm>>
    %dma_start3A_70 = arith.constant 0 : i32
    %dma_start3A_71 = tpu.memref_slice %arg7[%dma_start3A_63, %dma_start3A_70] : memref<2x256xi32, #tpu.memory_space<vmem>> -> memref<1x256xi32, #tpu.memory_space<vmem>>
    %dma_start3A_72 = tpu.memref_squeeze %dma_start3A_71 : memref<1x256xi32, #tpu.memory_space<vmem>> -> memref<256xi32, #tpu.memory_space<vmem>>
    %dma_start3A_73 = arith.constant 0 : i32
    %dma_start3A_74 = tpu.memref_slice %arg4[%add3A, %dma_start3A_62, %dma_start3A_73] : memref<32x40x256xi32, #tpu.memory_space<hbm>> -> memref<1x1x256xi32, #tpu.memory_space<hbm>>
    %dma_start3A_75 = tpu.memref_squeeze %dma_start3A_74 : memref<1x1x256xi32, #tpu.memory_space<hbm>> -> memref<256xi32, #tpu.memory_space<hbm>>
    tpu.enqueue_dma source(%dma_start3A_75 : memref<256xi32, #tpu.memory_space<hbm>>) target(%dma_start3A_72 : memref<256xi32, #tpu.memory_space<vmem>>) target_semaphore(%arg13 : memref<!tpu.dma_semaphore, #tpu.memory_space<semaphore_mem>>)
    %mul3A_76 = arith.constant 632 : i32
    %mul3A_77 = arith.muli %arg1, %mul3A_76 : i32
    %add3A_78 = arith.constant 0 : i32
    %add3A_79 = arith.addi %mul3A_77, %add3A_78 : i32
    %dma_wait3A = arith.constant 0 : i32
    %dma_wait3A_80 = tpu.memref_slice %arg9[%add3A_79, %dma_wait3A] : memref<10112x64xf32, #tpu.memory_space<vmem_shared>> -> memref<112x64xf32, #tpu.memory_space<vmem_shared>>
    %dma_wait3A_81 = arith.constant 10000 : i32
    %dma_wait3A_82 = arith.constant 0 : i32
    %dma_wait3A_83 = tpu.memref_slice %arg2[%dma_wait3A_81, %dma_wait3A_82] : memref<10112x64xf32, #tpu.memory_space<hbm>> -> memref<112x64xf32, #tpu.memory_space<hbm>>
    tpu.wait_dma2 semaphore(%arg14 : memref<!tpu.dma_semaphore, #tpu.memory_space<semaphore_mem>>) src(%dma_wait3A_83 : memref<112x64xf32, #tpu.memory_space<hbm>>) dst(%dma_wait3A_80 : memref<112x64xf32, #tpu.memory_space<vmem_shared>>)
    %mul3A_84 = arith.constant 632 : i32
    %mul3A_85 = arith.muli %arg1, %mul3A_84 : i32
    %add3A_86 = arith.constant 112 : i32
    %add3A_87 = arith.addi %mul3A_85, %add3A_86 : i32
    %dma_wait3A_88 = arith.constant 0 : i32
    %dma_wait3A_89 = tpu.memref_slice %arg9[%add3A_87, %dma_wait3A_88] : memref<10112x64xf32, #tpu.memory_space<vmem_shared>> -> memref<112x64xf32, #tpu.memory_space<vmem_shared>>
    %dma_wait3A_90 = arith.constant 10000 : i32
    %dma_wait3A_91 = arith.constant 0 : i32
    %dma_wait3A_92 = tpu.memref_slice %arg2[%dma_wait3A_90, %dma_wait3A_91] : memref<10112x64xf32, #tpu.memory_space<hbm>> -> memref<112x64xf32, #tpu.memory_space<hbm>>
    tpu.wait_dma2 semaphore(%arg14 : memref<!tpu.dma_semaphore, #tpu.memory_space<semaphore_mem>>) src(%dma_wait3A_92 : memref<112x64xf32, #tpu.memory_space<hbm>>) dst(%dma_wait3A_89 : memref<112x64xf32, #tpu.memory_space<vmem_shared>>)
    %mul3A_93 = arith.constant 632 : i32
    %mul3A_94 = arith.muli %arg1, %mul3A_93 : i32
    %add3A_95 = arith.constant 224 : i32
    %add3A_96 = arith.addi %mul3A_94, %add3A_95 : i32
    %dma_wait3A_97 = arith.constant 0 : i32
    %dma_wait3A_98 = tpu.memref_slice %arg9[%add3A_96, %dma_wait3A_97] : memref<10112x64xf32, #tpu.memory_space<vmem_shared>> -> memref<112x64xf32, #tpu.memory_space<vmem_shared>>
    %dma_wait3A_99 = arith.constant 10000 : i32
    %dma_wait3A_100 = arith.constant 0 : i32
    %dma_wait3A_101 = tpu.memref_slice %arg2[%dma_wait3A_99, %dma_wait3A_100] : memref<10112x64xf32, #tpu.memory_space<hbm>> -> memref<112x64xf32, #tpu.memory_space<hbm>>
    tpu.wait_dma2 semaphore(%arg14 : memref<!tpu.dma_semaphore, #tpu.memory_space<semaphore_mem>>) src(%dma_wait3A_101 : memref<112x64xf32, #tpu.memory_space<hbm>>) dst(%dma_wait3A_98 : memref<112x64xf32, #tpu.memory_space<vmem_shared>>)
    %mul3A_102 = arith.constant 632 : i32
    %mul3A_103 = arith.muli %arg1, %mul3A_102 : i32
    %add3A_104 = arith.constant 336 : i32
    %add3A_105 = arith.addi %mul3A_103, %add3A_104 : i32
    %dma_wait3A_106 = arith.constant 0 : i32
    %dma_wait3A_107 = tpu.memref_slice %arg9[%add3A_105, %dma_wait3A_106] : memref<10112x64xf32, #tpu.memory_space<vmem_shared>> -> memref<112x64xf32, #tpu.memory_space<vmem_shared>>
    %dma_wait3A_108 = arith.constant 10000 : i32
    %dma_wait3A_109 = arith.constant 0 : i32
    %dma_wait3A_110 = tpu.memref_slice %arg2[%dma_wait3A_108, %dma_wait3A_109] : memref<10112x64xf32, #tpu.memory_space<hbm>> -> memref<112x64xf32, #tpu.memory_space<hbm>>
    tpu.wait_dma2 semaphore(%arg14 : memref<!tpu.dma_semaphore, #tpu.memory_space<semaphore_mem>>) src(%dma_wait3A_110 : memref<112x64xf32, #tpu.memory_space<hbm>>) dst(%dma_wait3A_107 : memref<112x64xf32, #tpu.memory_space<vmem_shared>>)
    %mul3A_111 = arith.constant 632 : i32
    %mul3A_112 = arith.muli %arg1, %mul3A_111 : i32
    %add3A_113 = arith.constant 448 : i32
    %add3A_114 = arith.addi %mul3A_112, %add3A_113 : i32
    %dma_wait3A_115 = arith.constant 0 : i32
    %dma_wait3A_116 = tpu.memref_slice %arg9[%add3A_114, %dma_wait3A_115] : memref<10112x64xf32, #tpu.memory_space<vmem_shared>> -> memref<112x64xf32, #tpu.memory_space<vmem_shared>>
    %dma_wait3A_117 = arith.constant 10000 : i32
    %dma_wait3A_118 = arith.constant 0 : i32
    %dma_wait3A_119 = tpu.memref_slice %arg2[%dma_wait3A_117, %dma_wait3A_118] : memref<10112x64xf32, #tpu.memory_space<hbm>> -> memref<112x64xf32, #tpu.memory_space<hbm>>
    tpu.wait_dma2 semaphore(%arg14 : memref<!tpu.dma_semaphore, #tpu.memory_space<semaphore_mem>>) src(%dma_wait3A_119 : memref<112x64xf32, #tpu.memory_space<hbm>>) dst(%dma_wait3A_116 : memref<112x64xf32, #tpu.memory_space<vmem_shared>>)
    %mul3A_120 = arith.constant 632 : i32
    %mul3A_121 = arith.muli %arg1, %mul3A_120 : i32
    %add3A_122 = arith.constant 560 : i32
    %add3A_123 = arith.addi %mul3A_121, %add3A_122 : i32
    %dma_wait3A_124 = arith.constant 0 : i32
    %dma_wait3A_125 = tpu.memref_slice %arg9[%add3A_123, %dma_wait3A_124] : memref<10112x64xf32, #tpu.memory_space<vmem_shared>> -> memref<72x64xf32, #tpu.memory_space<vmem_shared>>
    %dma_wait3A_126 = arith.constant 10000 : i32
    %dma_wait3A_127 = arith.constant 0 : i32
    %dma_wait3A_128 = tpu.memref_slice %arg2[%dma_wait3A_126, %dma_wait3A_127] : memref<10112x64xf32, #tpu.memory_space<hbm>> -> memref<72x64xf32, #tpu.memory_space<hbm>>
    tpu.wait_dma2 semaphore(%arg14 : memref<!tpu.dma_semaphore, #tpu.memory_space<semaphore_mem>>) src(%dma_wait3A_128 : memref<72x64xf32, #tpu.memory_space<hbm>>) dst(%dma_wait3A_125 : memref<72x64xf32, #tpu.memory_space<vmem_shared>>)
    %mul3A_129 = arith.constant 632 : i32
    %mul3A_130 = arith.muli %arg1, %mul3A_129 : i32
    %mul3A_131 = arith.constant 632 : i32
    %mul3A_132 = arith.muli %arg1, %mul3A_131 : i32
    %dma_wait3A_133 = arith.constant 0 : i32
    %dma_wait3A_134 = tpu.memref_slice %arg10[%mul3A_132, %dma_wait3A_133] : memref<10112x64xf32, #tpu.memory_space<vmem_shared>> -> memref<632x64xf32, #tpu.memory_space<vmem_shared>>
    %dma_wait3A_135 = arith.constant 0 : i32
    %dma_wait3A_136 = tpu.memref_slice %arg2[%mul3A_130, %dma_wait3A_135] : memref<10112x64xf32, #tpu.memory_space<hbm>> -> memref<632x64xf32, #tpu.memory_space<hbm>>
    tpu.wait_dma2 semaphore(%arg12 : memref<!tpu.dma_semaphore, #tpu.memory_space<semaphore_mem>>) src(%dma_wait3A_136 : memref<632x64xf32, #tpu.memory_space<hbm>>) dst(%dma_wait3A_134 : memref<632x64xf32, #tpu.memory_space<vmem_shared>>)
    %barrier3A = arith.constant 0 : index
    tpu.barrier barrier_id(%barrier3A)
    %dma_start3A_137 = arith.constant 0 : i32
    %dma_start3A_138 = arith.constant 0 : i32
    %dma_start3A_139 = arith.constant 0 : i32
    %dma_start3A_140 = arith.constant 0 : i32
    %dma_start3A_141 = tpu.memref_slice %arg8[%dma_start3A_138, %dma_start3A_139, %dma_start3A_140] : memref<2x256x64xf32, #tpu.memory_space<vmem>> -> memref<1x256x64xf32, #tpu.memory_space<vmem>>
    %dma_start3A_142 = tpu.memref_squeeze %dma_start3A_141 : memref<1x256x64xf32, #tpu.memory_space<vmem>> -> memref<256x64xf32, #tpu.memory_space<vmem>>
    %dma_start3A_143 = arith.constant 0 : i32
    %dma_start3A_144 = tpu.memref_slice %arg6[%dma_start3A_137, %dma_start3A_143] : memref<40x256xi32, #tpu.memory_space<vmem>> -> memref<1x256xi32, #tpu.memory_space<vmem>>
    %dma_start3A_145 = tpu.memref_squeeze %dma_start3A_144 : memref<1x256xi32, #tpu.memory_space<vmem>> -> memref<256xi32, #tpu.memory_space<vmem>>
    %dma_start3A_146 = arith.constant 0 : i32
    %dma_start3A_147 = arith.constant 0 : i32
    %dma_start3A_148 = tpu.memref_slice %arg10[%dma_start3A_146, %dma_start3A_147] : memref<10112x64xf32, #tpu.memory_space<vmem_shared>> -> memref<10112x64xf32, #tpu.memory_space<vmem_shared>>
    tpu.enqueue_indirect_dma source(%dma_start3A_148 : memref<10112x64xf32, #tpu.memory_space<vmem_shared>>) target(%dma_start3A_142 : memref<256x64xf32, #tpu.memory_space<vmem>>) offsets(%dma_start3A_145 : memref<256xi32, #tpu.memory_space<vmem>>) semaphore(%arg11 : memref<!tpu.dma_semaphore, #tpu.memory_space<semaphore_mem>>)
    %scan3A = arith.constant 0 : i32
    %scan3A_149 = arith.constant 0 : i32
    %scan3A_150 = arith.constant 20 : i32
    %scan3A_151 = arith.addi %scan3A_149, %scan3A_150 : i32
    %scan3A_152 = arith.constant 1 : i32
    scf.for %scan3A_159 = %scan3A_149 to %scan3A_151 step %scan3A_152  : i32 {
      %mul3A_160 = arith.constant 2 : i32
      %mul3A_161 = arith.muli %scan3A_159, %mul3A_160 : i32
      %add3A_162 = arith.constant 0 : i32
      %add3A_163 = arith.addi %mul3A_161, %add3A_162 : i32
      %add3A_164 = arith.constant 1 : i32
      %add3A_165 = arith.addi %add3A_163, %add3A_164 : i32
      %dma_wait3A_166 = arith.constant 0 : i32
      %dma_wait3A_167 = arith.constant 0 : i32
      %dma_wait3A_168 = arith.constant 0 : i32
      %dma_wait3A_169 = tpu.memref_slice %arg8[%dma_wait3A_166, %dma_wait3A_167, %dma_wait3A_168] : memref<2x256x64xf32, #tpu.memory_space<vmem>> -> memref<1x256x64xf32, #tpu.memory_space<vmem>>
      %dma_wait3A_170 = tpu.memref_squeeze %dma_wait3A_169 : memref<1x256x64xf32, #tpu.memory_space<vmem>> -> memref<256x64xf32, #tpu.memory_space<vmem>>
      %dma_wait3A_171 = arith.constant 0 : i32
      %dma_wait3A_172 = arith.constant 0 : i32
      %dma_wait3A_173 = tpu.memref_slice %arg10[%dma_wait3A_171, %dma_wait3A_172] : memref<10112x64xf32, #tpu.memory_space<vmem_shared>> -> memref<256x64xf32, #tpu.memory_space<vmem_shared>>
      %dma_wait3A_174 = arith.constant 0 : i32
      %dma_wait3A_175 = arith.constant 0 : i32
      %dma_wait3A_176 = tpu.memref_slice %arg8[%dma_wait3A_166, %dma_wait3A_174, %dma_wait3A_175] : memref<2x256x64xf32, #tpu.memory_space<vmem>> -> memref<1x256x64xf32, #tpu.memory_space<vmem>>
      %dma_wait3A_177 = tpu.memref_squeeze %dma_wait3A_176 : memref<1x256x64xf32, #tpu.memory_space<vmem>> -> memref<256x64xf32, #tpu.memory_space<vmem>>
      %dma_wait3A_178 = arith.constant 0 : i32
      %dma_wait3A_179 = arith.constant 0 : i32
      %dma_wait3A_180 = tpu.memref_slice %arg10[%dma_wait3A_178, %dma_wait3A_179] : memref<10112x64xf32, #tpu.memory_space<vmem_shared>> -> memref<256x64xf32, #tpu.memory_space<vmem_shared>>
      tpu.wait_dma2 semaphore(%arg11 : memref<!tpu.dma_semaphore, #tpu.memory_space<semaphore_mem>>) src(%dma_wait3A_180 : memref<256x64xf32, #tpu.memory_space<vmem_shared>>) dst(%dma_wait3A_177 : memref<256x64xf32, #tpu.memory_space<vmem>>)
      %lt3A = arith.constant 40 : i32
      %lt3A_181 = arith.cmpi slt, %add3A_165, %lt3A : i32
      %convert_element_type3A = arith.extui %lt3A_181 : i1 to i32
      %cond3A = arith.constant 0 : i32
      %cond3A_182 = arith.cmpi ne, %convert_element_type3A, %cond3A : i32
      scf.if %cond3A_182 {
        %dma_start3A_240 = arith.constant 1 : i32
        %dma_start3A_241 = arith.constant 0 : i32
        %dma_start3A_242 = arith.constant 0 : i32
        %dma_start3A_243 = tpu.memref_slice %arg8[%dma_start3A_240, %dma_start3A_241, %dma_start3A_242] : memref<2x256x64xf32, #tpu.memory_space<vmem>> -> memref<1x256x64xf32, #tpu.memory_space<vmem>>
        %dma_start3A_244 = tpu.memref_squeeze %dma_start3A_243 : memref<1x256x64xf32, #tpu.memory_space<vmem>> -> memref<256x64xf32, #tpu.memory_space<vmem>>
        %dma_start3A_245 = arith.constant 0 : i32
        %dma_start3A_246 = tpu.memref_slice %arg6[%add3A_165, %dma_start3A_245] : memref<40x256xi32, #tpu.memory_space<vmem>> -> memref<1x256xi32, #tpu.memory_space<vmem>>
        %dma_start3A_247 = tpu.memref_squeeze %dma_start3A_246 : memref<1x256xi32, #tpu.memory_space<vmem>> -> memref<256xi32, #tpu.memory_space<vmem>>
        %dma_start3A_248 = arith.constant 0 : i32
        %dma_start3A_249 = arith.constant 0 : i32
        %dma_start3A_250 = tpu.memref_slice %arg10[%dma_start3A_248, %dma_start3A_249] : memref<10112x64xf32, #tpu.memory_space<vmem_shared>> -> memref<10112x64xf32, #tpu.memory_space<vmem_shared>>
        tpu.enqueue_indirect_dma source(%dma_start3A_250 : memref<10112x64xf32, #tpu.memory_space<vmem_shared>>) target(%dma_start3A_244 : memref<256x64xf32, #tpu.memory_space<vmem>>) offsets(%dma_start3A_247 : memref<256xi32, #tpu.memory_space<vmem>>) semaphore(%arg11 : memref<!tpu.dma_semaphore, #tpu.memory_space<semaphore_mem>>)
        %dma_start3A_251 = arith.constant 1 : i32
        %dma_start3A_252 = arith.constant 0 : i32
        %dma_start3A_253 = tpu.memref_slice %arg7[%dma_start3A_251, %dma_start3A_252] : memref<2x256xi32, #tpu.memory_space<vmem>> -> memref<1x256xi32, #tpu.memory_space<vmem>>
        %dma_start3A_254 = tpu.memref_squeeze %dma_start3A_253 : memref<1x256xi32, #tpu.memory_space<vmem>> -> memref<256xi32, #tpu.memory_space<vmem>>
        %dma_start3A_255 = arith.constant 0 : i32
        %dma_start3A_256 = tpu.memref_slice %arg4[%add3A, %add3A_165, %dma_start3A_255] : memref<32x40x256xi32, #tpu.memory_space<hbm>> -> memref<1x1x256xi32, #tpu.memory_space<hbm>>
        %dma_start3A_257 = tpu.memref_squeeze %dma_start3A_256 : memref<1x1x256xi32, #tpu.memory_space<hbm>> -> memref<256xi32, #tpu.memory_space<hbm>>
        %dma_start3A_258 = arith.constant 0 : i32
        %dma_start3A_259 = tpu.memref_slice %arg7[%dma_start3A_251, %dma_start3A_258] : memref<2x256xi32, #tpu.memory_space<vmem>> -> memref<1x256xi32, #tpu.memory_space<vmem>>
        %dma_start3A_260 = tpu.memref_squeeze %dma_start3A_259 : memref<1x256xi32, #tpu.memory_space<vmem>> -> memref<256xi32, #tpu.memory_space<vmem>>
        %dma_start3A_261 = arith.constant 0 : i32
        %dma_start3A_262 = tpu.memref_slice %arg4[%add3A, %add3A_165, %dma_start3A_261] : memref<32x40x256xi32, #tpu.memory_space<hbm>> -> memref<1x1x256xi32, #tpu.memory_space<hbm>>
        %dma_start3A_263 = tpu.memref_squeeze %dma_start3A_262 : memref<1x1x256xi32, #tpu.memory_space<hbm>> -> memref<256xi32, #tpu.memory_space<hbm>>
        tpu.enqueue_dma source(%dma_start3A_263 : memref<256xi32, #tpu.memory_space<hbm>>) target(%dma_start3A_260 : memref<256xi32, #tpu.memory_space<vmem>>) target_semaphore(%arg13 : memref<!tpu.dma_semaphore, #tpu.memory_space<semaphore_mem>>)
      } else {
      }
      %dma_wait3A_183 = arith.constant 0 : i32
      %dma_wait3A_184 = arith.constant 0 : i32
      %dma_wait3A_185 = arith.constant 0 : i32
      %dma_wait3A_186 = tpu.memref_slice %arg7[%dma_wait3A_184, %dma_wait3A_185] : memref<2x256xi32, #tpu.memory_space<vmem>> -> memref<1x256xi32, #tpu.memory_space<vmem>>
      %dma_wait3A_187 = tpu.memref_squeeze %dma_wait3A_186 : memref<1x256xi32, #tpu.memory_space<vmem>> -> memref<256xi32, #tpu.memory_space<vmem>>
      %dma_wait3A_188 = arith.constant 0 : i32
      %dma_wait3A_189 = tpu.memref_slice %arg4[%add3A, %dma_wait3A_183, %dma_wait3A_188] : memref<32x40x256xi32, #tpu.memory_space<hbm>> -> memref<1x1x256xi32, #tpu.memory_space<hbm>>
      %dma_wait3A_190 = tpu.memref_squeeze %dma_wait3A_189 : memref<1x1x256xi32, #tpu.memory_space<hbm>> -> memref<256xi32, #tpu.memory_space<hbm>>
      %dma_wait3A_191 = arith.constant 0 : i32
      %dma_wait3A_192 = tpu.memref_slice %arg7[%dma_wait3A_184, %dma_wait3A_191] : memref<2x256xi32, #tpu.memory_space<vmem>> -> memref<1x256xi32, #tpu.memory_space<vmem>>
      %dma_wait3A_193 = tpu.memref_squeeze %dma_wait3A_192 : memref<1x256xi32, #tpu.memory_space<vmem>> -> memref<256xi32, #tpu.memory_space<vmem>>
      %dma_wait3A_194 = arith.constant 0 : i32
      %dma_wait3A_195 = tpu.memref_slice %arg4[%add3A, %dma_wait3A_183, %dma_wait3A_194] : memref<32x40x256xi32, #tpu.memory_space<hbm>> -> memref<1x1x256xi32, #tpu.memory_space<hbm>>
      %dma_wait3A_196 = tpu.memref_squeeze %dma_wait3A_195 : memref<1x1x256xi32, #tpu.memory_space<hbm>> -> memref<256xi32, #tpu.memory_space<hbm>>
      tpu.wait_dma2 semaphore(%arg13 : memref<!tpu.dma_semaphore, #tpu.memory_space<semaphore_mem>>) src(%dma_wait3A_196 : memref<256xi32, #tpu.memory_space<hbm>>) dst(%dma_wait3A_193 : memref<256xi32, #tpu.memory_space<vmem>>)
      %run_scoped3A = arith.constant 0 : i32
      %run_scoped3A_197 = arith.constant 0 : i32
      "tpu.region"() ({
        %run_scoped3A_240 = tpu.sem_alloc : memref<!tpu.dma_semaphore, #tpu.memory_space<semaphore_mem>>
        %dma_start3A_241 = arith.constant 0 : i32
        %dma_start3A_242 = arith.constant 0 : i32
        %dma_start3A_243 = tpu.memref_slice %arg8[%run_scoped3A, %dma_start3A_241, %dma_start3A_242] : memref<2x256x64xf32, #tpu.memory_space<vmem>> -> memref<1x256x64xf32, #tpu.memory_space<vmem>>
        %dma_start3A_244 = tpu.memref_squeeze %dma_start3A_243 : memref<1x256x64xf32, #tpu.memory_space<vmem>> -> memref<256x64xf32, #tpu.memory_space<vmem>>
        %dma_start3A_245 = arith.constant 0 : i32
        %dma_start3A_246 = tpu.memref_slice %arg7[%run_scoped3A_197, %dma_start3A_245] : memref<2x256xi32, #tpu.memory_space<vmem>> -> memref<1x256xi32, #tpu.memory_space<vmem>>
        %dma_start3A_247 = tpu.memref_squeeze %dma_start3A_246 : memref<1x256xi32, #tpu.memory_space<vmem>> -> memref<256xi32, #tpu.memory_space<vmem>>
        %dma_start3A_248 = arith.constant 0 : i32
        %dma_start3A_249 = arith.constant 0 : i32
        %dma_start3A_250 = tpu.memref_slice %arg9[%dma_start3A_248, %dma_start3A_249] : memref<10112x64xf32, #tpu.memory_space<vmem_shared>> -> memref<10112x64xf32, #tpu.memory_space<vmem_shared>>
        tpu.enqueue_indirect_dma source(%dma_start3A_244 : memref<256x64xf32, #tpu.memory_space<vmem>>) target(%dma_start3A_250 : memref<10112x64xf32, #tpu.memory_space<vmem_shared>>) offsets(%dma_start3A_247 : memref<256xi32, #tpu.memory_space<vmem>>) semaphore(%run_scoped3A_240 : memref<!tpu.dma_semaphore, #tpu.memory_space<semaphore_mem>>) {add = true}
        %dma_wait3A_251 = arith.constant 0 : i32
        %dma_wait3A_252 = arith.constant 0 : i32
        %dma_wait3A_253 = tpu.memref_slice %arg8[%run_scoped3A, %dma_wait3A_251, %dma_wait3A_252] : memref<2x256x64xf32, #tpu.memory_space<vmem>> -> memref<1x256x64xf32, #tpu.memory_space<vmem>>
        %dma_wait3A_254 = tpu.memref_squeeze %dma_wait3A_253 : memref<1x256x64xf32, #tpu.memory_space<vmem>> -> memref<256x64xf32, #tpu.memory_space<vmem>>
        %dma_wait3A_255 = arith.constant 0 : i32
        %dma_wait3A_256 = tpu.memref_slice %arg7[%run_scoped3A_197, %dma_wait3A_255] : memref<2x256xi32, #tpu.memory_space<vmem>> -> memref<1x256xi32, #tpu.memory_space<vmem>>
        %dma_wait3A_257 = tpu.memref_squeeze %dma_wait3A_256 : memref<1x256xi32, #tpu.memory_space<vmem>> -> memref<256xi32, #tpu.memory_space<vmem>>
        %dma_wait3A_258 = arith.constant 0 : i32
        %dma_wait3A_259 = arith.constant 0 : i32
        %dma_wait3A_260 = tpu.memref_slice %arg9[%dma_wait3A_258, %dma_wait3A_259] : memref<10112x64xf32, #tpu.memory_space<vmem_shared>> -> memref<10112x64xf32, #tpu.memory_space<vmem_shared>>
        tpu.wait_indirect_dma semaphore(%run_scoped3A_240 : memref<!tpu.dma_semaphore, #tpu.memory_space<semaphore_mem>>) src(%dma_wait3A_254 : memref<256x64xf32, #tpu.memory_space<vmem>>) dst(%dma_wait3A_260 : memref<10112x64xf32, #tpu.memory_space<vmem_shared>>)
        tpu.yield
      }) : () -> ()
      %mul3A_198 = arith.constant 2 : i32
      %mul3A_199 = arith.muli %scan3A_159, %mul3A_198 : i32
      %add3A_200 = arith.constant 1 : i32
      %add3A_201 = arith.addi %mul3A_199, %add3A_200 : i32
      %add3A_202 = arith.constant 1 : i32
      %add3A_203 = arith.addi %add3A_201, %add3A_202 : i32
      %dma_wait3A_204 = arith.constant 1 : i32
      %dma_wait3A_205 = arith.constant 0 : i32
      %dma_wait3A_206 = arith.constant 0 : i32
      %dma_wait3A_207 = tpu.memref_slice %arg8[%dma_wait3A_204, %dma_wait3A_205, %dma_wait3A_206] : memref<2x256x64xf32, #tpu.memory_space<vmem>> -> memref<1x256x64xf32, #tpu.memory_space<vmem>>
      %dma_wait3A_208 = tpu.memref_squeeze %dma_wait3A_207 : memref<1x256x64xf32, #tpu.memory_space<vmem>> -> memref<256x64xf32, #tpu.memory_space<vmem>>
      %dma_wait3A_209 = arith.constant 0 : i32
      %dma_wait3A_210 = arith.constant 0 : i32
      %dma_wait3A_211 = tpu.memref_slice %arg10[%dma_wait3A_209, %dma_wait3A_210] : memref<10112x64xf32, #tpu.memory_space<vmem_shared>> -> memref<256x64xf32, #tpu.memory_space<vmem_shared>>
      %dma_wait3A_212 = arith.constant 0 : i32
      %dma_wait3A_213 = arith.constant 0 : i32
      %dma_wait3A_214 = tpu.memref_slice %arg8[%dma_wait3A_204, %dma_wait3A_212, %dma_wait3A_213] : memref<2x256x64xf32, #tpu.memory_space<vmem>> -> memref<1x256x64xf32, #tpu.memory_space<vmem>>
      %dma_wait3A_215 = tpu.memref_squeeze %dma_wait3A_214 : memref<1x256x64xf32, #tpu.memory_space<vmem>> -> memref<256x64xf32, #tpu.memory_space<vmem>>
      %dma_wait3A_216 = arith.constant 0 : i32
      %dma_wait3A_217 = arith.constant 0 : i32
      %dma_wait3A_218 = tpu.memref_slice %arg10[%dma_wait3A_216, %dma_wait3A_217] : memref<10112x64xf32, #tpu.memory_space<vmem_shared>> -> memref<256x64xf32, #tpu.memory_space<vmem_shared>>
      tpu.wait_dma2 semaphore(%arg11 : memref<!tpu.dma_semaphore, #tpu.memory_space<semaphore_mem>>) src(%dma_wait3A_218 : memref<256x64xf32, #tpu.memory_space<vmem_shared>>) dst(%dma_wait3A_215 : memref<256x64xf32, #tpu.memory_space<vmem>>)
      %lt3A_219 = arith.constant 40 : i32
      %lt3A_220 = arith.cmpi slt, %add3A_203, %lt3A_219 : i32
      %convert_element_type3A_221 = arith.extui %lt3A_220 : i1 to i32
      %cond3A_222 = arith.constant 0 : i32
      %cond3A_223 = arith.cmpi ne, %convert_element_type3A_221, %cond3A_222 : i32
      scf.if %cond3A_223 {
        %dma_start3A_240 = arith.constant 0 : i32
        %dma_start3A_241 = arith.constant 0 : i32
        %dma_start3A_242 = arith.constant 0 : i32
        %dma_start3A_243 = tpu.memref_slice %arg8[%dma_start3A_240, %dma_start3A_241, %dma_start3A_242] : memref<2x256x64xf32, #tpu.memory_space<vmem>> -> memref<1x256x64xf32, #tpu.memory_space<vmem>>
        %dma_start3A_244 = tpu.memref_squeeze %dma_start3A_243 : memref<1x256x64xf32, #tpu.memory_space<vmem>> -> memref<256x64xf32, #tpu.memory_space<vmem>>
        %dma_start3A_245 = arith.constant 0 : i32
        %dma_start3A_246 = tpu.memref_slice %arg6[%add3A_203, %dma_start3A_245] : memref<40x256xi32, #tpu.memory_space<vmem>> -> memref<1x256xi32, #tpu.memory_space<vmem>>
        %dma_start3A_247 = tpu.memref_squeeze %dma_start3A_246 : memref<1x256xi32, #tpu.memory_space<vmem>> -> memref<256xi32, #tpu.memory_space<vmem>>
        %dma_start3A_248 = arith.constant 0 : i32
        %dma_start3A_249 = arith.constant 0 : i32
        %dma_start3A_250 = tpu.memref_slice %arg10[%dma_start3A_248, %dma_start3A_249] : memref<10112x64xf32, #tpu.memory_space<vmem_shared>> -> memref<10112x64xf32, #tpu.memory_space<vmem_shared>>
        tpu.enqueue_indirect_dma source(%dma_start3A_250 : memref<10112x64xf32, #tpu.memory_space<vmem_shared>>) target(%dma_start3A_244 : memref<256x64xf32, #tpu.memory_space<vmem>>) offsets(%dma_start3A_247 : memref<256xi32, #tpu.memory_space<vmem>>) semaphore(%arg11 : memref<!tpu.dma_semaphore, #tpu.memory_space<semaphore_mem>>)
        %dma_start3A_251 = arith.constant 0 : i32
        %dma_start3A_252 = arith.constant 0 : i32
        %dma_start3A_253 = tpu.memref_slice %arg7[%dma_start3A_251, %dma_start3A_252] : memref<2x256xi32, #tpu.memory_space<vmem>> -> memref<1x256xi32, #tpu.memory_space<vmem>>
        %dma_start3A_254 = tpu.memref_squeeze %dma_start3A_253 : memref<1x256xi32, #tpu.memory_space<vmem>> -> memref<256xi32, #tpu.memory_space<vmem>>
        %dma_start3A_255 = arith.constant 0 : i32
        %dma_start3A_256 = tpu.memref_slice %arg4[%add3A, %add3A_203, %dma_start3A_255] : memref<32x40x256xi32, #tpu.memory_space<hbm>> -> memref<1x1x256xi32, #tpu.memory_space<hbm>>
        %dma_start3A_257 = tpu.memref_squeeze %dma_start3A_256 : memref<1x1x256xi32, #tpu.memory_space<hbm>> -> memref<256xi32, #tpu.memory_space<hbm>>
        %dma_start3A_258 = arith.constant 0 : i32
        %dma_start3A_259 = tpu.memref_slice %arg7[%dma_start3A_251, %dma_start3A_258] : memref<2x256xi32, #tpu.memory_space<vmem>> -> memref<1x256xi32, #tpu.memory_space<vmem>>
        %dma_start3A_260 = tpu.memref_squeeze %dma_start3A_259 : memref<1x256xi32, #tpu.memory_space<vmem>> -> memref<256xi32, #tpu.memory_space<vmem>>
        %dma_start3A_261 = arith.constant 0 : i32
        %dma_start3A_262 = tpu.memref_slice %arg4[%add3A, %add3A_203, %dma_start3A_261] : memref<32x40x256xi32, #tpu.memory_space<hbm>> -> memref<1x1x256xi32, #tpu.memory_space<hbm>>
        %dma_start3A_263 = tpu.memref_squeeze %dma_start3A_262 : memref<1x1x256xi32, #tpu.memory_space<hbm>> -> memref<256xi32, #tpu.memory_space<hbm>>
        tpu.enqueue_dma source(%dma_start3A_263 : memref<256xi32, #tpu.memory_space<hbm>>) target(%dma_start3A_260 : memref<256xi32, #tpu.memory_space<vmem>>) target_semaphore(%arg13 : memref<!tpu.dma_semaphore, #tpu.memory_space<semaphore_mem>>)
      } else {
      }
      %dma_wait3A_224 = arith.constant 0 : i32
      %dma_wait3A_225 = arith.constant 1 : i32
      %dma_wait3A_226 = arith.constant 0 : i32
      %dma_wait3A_227 = tpu.memref_slice %arg7[%dma_wait3A_225, %dma_wait3A_226] : memref<2x256xi32, #tpu.memory_space<vmem>> -> memref<1x256xi32, #tpu.memory_space<vmem>>
      %dma_wait3A_228 = tpu.memref_squeeze %dma_wait3A_227 : memref<1x256xi32, #tpu.memory_space<vmem>> -> memref<256xi32, #tpu.memory_space<vmem>>
      %dma_wait3A_229 = arith.constant 0 : i32
      %dma_wait3A_230 = tpu.memref_slice %arg4[%add3A, %dma_wait3A_224, %dma_wait3A_229] : memref<32x40x256xi32, #tpu.memory_space<hbm>> -> memref<1x1x256xi32, #tpu.memory_space<hbm>>
      %dma_wait3A_231 = tpu.memref_squeeze %dma_wait3A_230 : memref<1x1x256xi32, #tpu.memory_space<hbm>> -> memref<256xi32, #tpu.memory_space<hbm>>
      %dma_wait3A_232 = arith.constant 0 : i32
      %dma_wait3A_233 = tpu.memref_slice %arg7[%dma_wait3A_225, %dma_wait3A_232] : memref<2x256xi32, #tpu.memory_space<vmem>> -> memref<1x256xi32, #tpu.memory_space<vmem>>
      %dma_wait3A_234 = tpu.memref_squeeze %dma_wait3A_233 : memref<1x256xi32, #tpu.memory_space<vmem>> -> memref<256xi32, #tpu.memory_space<vmem>>
      %dma_wait3A_235 = arith.constant 0 : i32
      %dma_wait3A_236 = tpu.memref_slice %arg4[%add3A, %dma_wait3A_224, %dma_wait3A_235] : memref<32x40x256xi32, #tpu.memory_space<hbm>> -> memref<1x1x256xi32, #tpu.memory_space<hbm>>
      %dma_wait3A_237 = tpu.memref_squeeze %dma_wait3A_236 : memref<1x1x256xi32, #tpu.memory_space<hbm>> -> memref<256xi32, #tpu.memory_space<hbm>>
      tpu.wait_dma2 semaphore(%arg13 : memref<!tpu.dma_semaphore, #tpu.memory_space<semaphore_mem>>) src(%dma_wait3A_237 : memref<256xi32, #tpu.memory_space<hbm>>) dst(%dma_wait3A_234 : memref<256xi32, #tpu.memory_space<vmem>>)
      %run_scoped3A_238 = arith.constant 1 : i32
      %run_scoped3A_239 = arith.constant 1 : i32
      "tpu.region"() ({
        %run_scoped3A_240 = tpu.sem_alloc : memref<!tpu.dma_semaphore, #tpu.memory_space<semaphore_mem>>
        %dma_start3A_241 = arith.constant 0 : i32
        %dma_start3A_242 = arith.constant 0 : i32
        %dma_start3A_243 = tpu.memref_slice %arg8[%run_scoped3A_238, %dma_start3A_241, %dma_start3A_242] : memref<2x256x64xf32, #tpu.memory_space<vmem>> -> memref<1x256x64xf32, #tpu.memory_space<vmem>>
        %dma_start3A_244 = tpu.memref_squeeze %dma_start3A_243 : memref<1x256x64xf32, #tpu.memory_space<vmem>> -> memref<256x64xf32, #tpu.memory_space<vmem>>
        %dma_start3A_245 = arith.constant 0 : i32
        %dma_start3A_246 = tpu.memref_slice %arg7[%run_scoped3A_239, %dma_start3A_245] : memref<2x256xi32, #tpu.memory_space<vmem>> -> memref<1x256xi32, #tpu.memory_space<vmem>>
        %dma_start3A_247 = tpu.memref_squeeze %dma_start3A_246 : memref<1x256xi32, #tpu.memory_space<vmem>> -> memref<256xi32, #tpu.memory_space<vmem>>
        %dma_start3A_248 = arith.constant 0 : i32
        %dma_start3A_249 = arith.constant 0 : i32
        %dma_start3A_250 = tpu.memref_slice %arg9[%dma_start3A_248, %dma_start3A_249] : memref<10112x64xf32, #tpu.memory_space<vmem_shared>> -> memref<10112x64xf32, #tpu.memory_space<vmem_shared>>
        tpu.enqueue_indirect_dma source(%dma_start3A_244 : memref<256x64xf32, #tpu.memory_space<vmem>>) target(%dma_start3A_250 : memref<10112x64xf32, #tpu.memory_space<vmem_shared>>) offsets(%dma_start3A_247 : memref<256xi32, #tpu.memory_space<vmem>>) semaphore(%run_scoped3A_240 : memref<!tpu.dma_semaphore, #tpu.memory_space<semaphore_mem>>) {add = true}
        %dma_wait3A_251 = arith.constant 0 : i32
        %dma_wait3A_252 = arith.constant 0 : i32
        %dma_wait3A_253 = tpu.memref_slice %arg8[%run_scoped3A_238, %dma_wait3A_251, %dma_wait3A_252] : memref<2x256x64xf32, #tpu.memory_space<vmem>> -> memref<1x256x64xf32, #tpu.memory_space<vmem>>
        %dma_wait3A_254 = tpu.memref_squeeze %dma_wait3A_253 : memref<1x256x64xf32, #tpu.memory_space<vmem>> -> memref<256x64xf32, #tpu.memory_space<vmem>>
        %dma_wait3A_255 = arith.constant 0 : i32
        %dma_wait3A_256 = tpu.memref_slice %arg7[%run_scoped3A_239, %dma_wait3A_255] : memref<2x256xi32, #tpu.memory_space<vmem>> -> memref<1x256xi32, #tpu.memory_space<vmem>>
        %dma_wait3A_257 = tpu.memref_squeeze %dma_wait3A_256 : memref<1x256xi32, #tpu.memory_space<vmem>> -> memref<256xi32, #tpu.memory_space<vmem>>
        %dma_wait3A_258 = arith.constant 0 : i32
        %dma_wait3A_259 = arith.constant 0 : i32
        %dma_wait3A_260 = tpu.memref_slice %arg9[%dma_wait3A_258, %dma_wait3A_259] : memref<10112x64xf32, #tpu.memory_space<vmem_shared>> -> memref<10112x64xf32, #tpu.memory_space<vmem_shared>>
        tpu.wait_indirect_dma semaphore(%run_scoped3A_240 : memref<!tpu.dma_semaphore, #tpu.memory_space<semaphore_mem>>) src(%dma_wait3A_254 : memref<256x64xf32, #tpu.memory_space<vmem>>) dst(%dma_wait3A_260 : memref<10112x64xf32, #tpu.memory_space<vmem_shared>>)
        tpu.yield
      }) : () -> ()
    }
    %scan3A_153 = arith.constant 20 : i32
    %barrier3A_154 = arith.constant 0 : index
    tpu.barrier barrier_id(%barrier3A_154)
    %mul3A_155 = arith.constant 632 : i32
    %mul3A_156 = arith.muli %arg1, %mul3A_155 : i32
    %mul3A_157 = arith.constant 632 : i32
    %mul3A_158 = arith.muli %arg1, %mul3A_157 : i32
    "tpu.region"() ({
      %run_scoped3A = tpu.sem_alloc : memref<!tpu.dma_semaphore, #tpu.memory_space<semaphore_mem>>
      %dma_start3A_159 = arith.constant 0 : i32
      %dma_start3A_160 = tpu.memref_slice %arg5[%arg0, %mul3A_158, %dma_start3A_159] : memref<2x10112x64xf32, #tpu.memory_space<hbm>> -> memref<1x632x64xf32, #tpu.memory_space<hbm>>
      %dma_start3A_161 = tpu.memref_squeeze %dma_start3A_160 : memref<1x632x64xf32, #tpu.memory_space<hbm>> -> memref<632x64xf32, #tpu.memory_space<hbm>>
      %dma_start3A_162 = arith.constant 0 : i32
      %dma_start3A_163 = tpu.memref_slice %arg9[%mul3A_156, %dma_start3A_162] : memref<10112x64xf32, #tpu.memory_space<vmem_shared>> -> memref<632x64xf32, #tpu.memory_space<vmem_shared>>
      tpu.enqueue_dma source(%dma_start3A_163 : memref<632x64xf32, #tpu.memory_space<vmem_shared>>) target(%dma_start3A_161 : memref<632x64xf32, #tpu.memory_space<hbm>>) target_semaphore(%run_scoped3A : memref<!tpu.dma_semaphore, #tpu.memory_space<semaphore_mem>>)
      %dma_wait3A_164 = arith.constant 0 : i32
      %dma_wait3A_165 = tpu.memref_slice %arg5[%arg0, %mul3A_158, %dma_wait3A_164] : memref<2x10112x64xf32, #tpu.memory_space<hbm>> -> memref<1x632x64xf32, #tpu.memory_space<hbm>>
      %dma_wait3A_166 = tpu.memref_squeeze %dma_wait3A_165 : memref<1x632x64xf32, #tpu.memory_space<hbm>> -> memref<632x64xf32, #tpu.memory_space<hbm>>
      %dma_wait3A_167 = arith.constant 0 : i32
      %dma_wait3A_168 = tpu.memref_slice %arg9[%mul3A_156, %dma_wait3A_167] : memref<10112x64xf32, #tpu.memory_space<vmem_shared>> -> memref<632x64xf32, #tpu.memory_space<vmem_shared>>
      tpu.wait_dma2 semaphore(%run_scoped3A : memref<!tpu.dma_semaphore, #tpu.memory_space<semaphore_mem>>) src(%dma_wait3A_168 : memref<632x64xf32, #tpu.memory_space<vmem_shared>>) dst(%dma_wait3A_166 : memref<632x64xf32, #tpu.memory_space<hbm>>)
      tpu.yield
    }) : () -> ()
    return
  }
}

#map = affine_map<(d0, d1) -> (0, 0)>
#map1 = affine_map<(d0, d1) -> (0, 0, 0)>
module attributes {stable_mosaic.version = 14 : i64} {
  func.func @_sc_agg(%arg0: i32, %arg1: i32, %arg2: memref<10112x64xf32, #tpu.memory_space<hbm>>, %arg3: memref<32x40x256xi32, #tpu.memory_space<hbm>>, %arg4: memref<32x40x256xi32, #tpu.memory_space<hbm>>, %arg5: memref<2x10112x64xf32, #tpu.memory_space<hbm>>, %arg6: memref<40x256xi32, #tpu.memory_space<vmem>>, %arg7: memref<2x256xi32, #tpu.memory_space<vmem>>, %arg8: memref<2x256x64xf32, #tpu.memory_space<vmem>>, %arg9: memref<10112x64xf32, #tpu.memory_space<vmem_shared>>, %arg10: memref<10112x64xf32, #tpu.memory_space<vmem_shared>>, %arg11: memref<!tpu.dma_semaphore, #tpu.memory_space<semaphore_mem>>, %arg12: memref<!tpu.dma_semaphore, #tpu.memory_space<semaphore_mem>>, %arg13: memref<!tpu.dma_semaphore, #tpu.memory_space<semaphore_mem>>, %arg14: memref<!tpu.dma_semaphore, #tpu.memory_space<semaphore_mem>>) attributes {dimension_semantics = [#tpu.dimension_semantics<core_parallel>, #tpu.dimension_semantics<subcore_parallel>], iteration_bounds = array<i64: 2, 16>, scalar_prefetch = 0 : i64, scratch_operands = 9 : i64, tpu.core_type = #tpu.core_type<sc_vector_subcore>, window_params = [{transform_indices = #map}, {transform_indices = #map1}, {transform_indices = #map1}, {transform_indices = #map1}]} {
    %mul3A = arith.constant 2 : i32
    %mul3A_0 = arith.muli %arg1, %mul3A : i32
    %add3A = arith.addi %mul3A_0, %arg0 : i32
    %mul3A_1 = arith.constant 632 : i32
    %mul3A_2 = arith.muli %arg1, %mul3A_1 : i32
    %mul3A_3 = arith.constant 632 : i32
    %mul3A_4 = arith.muli %arg1, %mul3A_3 : i32
    %dma_start3A = arith.constant 0 : i32
    %dma_start3A_5 = tpu.memref_slice %arg10[%mul3A_4, %dma_start3A] : memref<10112x64xf32, #tpu.memory_space<vmem_shared>> -> memref<632x64xf32, #tpu.memory_space<vmem_shared>>
    %dma_start3A_6 = arith.constant 0 : i32
    %dma_start3A_7 = tpu.memref_slice %arg2[%mul3A_2, %dma_start3A_6] : memref<10112x64xf32, #tpu.memory_space<hbm>> -> memref<632x64xf32, #tpu.memory_space<hbm>>
    tpu.enqueue_dma source(%dma_start3A_7 : memref<632x64xf32, #tpu.memory_space<hbm>>) target(%dma_start3A_5 : memref<632x64xf32, #tpu.memory_space<vmem_shared>>) target_semaphore(%arg12 : memref<!tpu.dma_semaphore, #tpu.memory_space<semaphore_mem>>)
    %mul3A_8 = arith.constant 632 : i32
    %mul3A_9 = arith.muli %arg1, %mul3A_8 : i32
    %add3A_10 = arith.constant 0 : i32
    %add3A_11 = arith.addi %mul3A_9, %add3A_10 : i32
    %dma_start3A_12 = arith.constant 0 : i32
    %dma_start3A_13 = tpu.memref_slice %arg9[%add3A_11, %dma_start3A_12] : memref<10112x64xf32, #tpu.memory_space<vmem_shared>> -> memref<112x64xf32, #tpu.memory_space<vmem_shared>>
    %dma_start3A_14 = arith.constant 10000 : i32
    %dma_start3A_15 = arith.constant 0 : i32
    %dma_start3A_16 = tpu.memref_slice %arg2[%dma_start3A_14, %dma_start3A_15] : memref<10112x64xf32, #tpu.memory_space<hbm>> -> memref<112x64xf32, #tpu.memory_space<hbm>>
    tpu.enqueue_dma source(%dma_start3A_16 : memref<112x64xf32, #tpu.memory_space<hbm>>) target(%dma_start3A_13 : memref<112x64xf32, #tpu.memory_space<vmem_shared>>) target_semaphore(%arg14 : memref<!tpu.dma_semaphore, #tpu.memory_space<semaphore_mem>>)
    %mul3A_17 = arith.constant 632 : i32
    %mul3A_18 = arith.muli %arg1, %mul3A_17 : i32
    %add3A_19 = arith.constant 112 : i32
    %add3A_20 = arith.addi %mul3A_18, %add3A_19 : i32
    %dma_start3A_21 = arith.constant 0 : i32
    %dma_start3A_22 = tpu.memref_slice %arg9[%add3A_20, %dma_start3A_21] : memref<10112x64xf32, #tpu.memory_space<vmem_shared>> -> memref<112x64xf32, #tpu.memory_space<vmem_shared>>
    %dma_start3A_23 = arith.constant 10000 : i32
    %dma_start3A_24 = arith.constant 0 : i32
    %dma_start3A_25 = tpu.memref_slice %arg2[%dma_start3A_23, %dma_start3A_24] : memref<10112x64xf32, #tpu.memory_space<hbm>> -> memref<112x64xf32, #tpu.memory_space<hbm>>
    tpu.enqueue_dma source(%dma_start3A_25 : memref<112x64xf32, #tpu.memory_space<hbm>>) target(%dma_start3A_22 : memref<112x64xf32, #tpu.memory_space<vmem_shared>>) target_semaphore(%arg14 : memref<!tpu.dma_semaphore, #tpu.memory_space<semaphore_mem>>)
    %mul3A_26 = arith.constant 632 : i32
    %mul3A_27 = arith.muli %arg1, %mul3A_26 : i32
    %add3A_28 = arith.constant 224 : i32
    %add3A_29 = arith.addi %mul3A_27, %add3A_28 : i32
    %dma_start3A_30 = arith.constant 0 : i32
    %dma_start3A_31 = tpu.memref_slice %arg9[%add3A_29, %dma_start3A_30] : memref<10112x64xf32, #tpu.memory_space<vmem_shared>> -> memref<112x64xf32, #tpu.memory_space<vmem_shared>>
    %dma_start3A_32 = arith.constant 10000 : i32
    %dma_start3A_33 = arith.constant 0 : i32
    %dma_start3A_34 = tpu.memref_slice %arg2[%dma_start3A_32, %dma_start3A_33] : memref<10112x64xf32, #tpu.memory_space<hbm>> -> memref<112x64xf32, #tpu.memory_space<hbm>>
    tpu.enqueue_dma source(%dma_start3A_34 : memref<112x64xf32, #tpu.memory_space<hbm>>) target(%dma_start3A_31 : memref<112x64xf32, #tpu.memory_space<vmem_shared>>) target_semaphore(%arg14 : memref<!tpu.dma_semaphore, #tpu.memory_space<semaphore_mem>>)
    %mul3A_35 = arith.constant 632 : i32
    %mul3A_36 = arith.muli %arg1, %mul3A_35 : i32
    %add3A_37 = arith.constant 336 : i32
    %add3A_38 = arith.addi %mul3A_36, %add3A_37 : i32
    %dma_start3A_39 = arith.constant 0 : i32
    %dma_start3A_40 = tpu.memref_slice %arg9[%add3A_38, %dma_start3A_39] : memref<10112x64xf32, #tpu.memory_space<vmem_shared>> -> memref<112x64xf32, #tpu.memory_space<vmem_shared>>
    %dma_start3A_41 = arith.constant 10000 : i32
    %dma_start3A_42 = arith.constant 0 : i32
    %dma_start3A_43 = tpu.memref_slice %arg2[%dma_start3A_41, %dma_start3A_42] : memref<10112x64xf32, #tpu.memory_space<hbm>> -> memref<112x64xf32, #tpu.memory_space<hbm>>
    tpu.enqueue_dma source(%dma_start3A_43 : memref<112x64xf32, #tpu.memory_space<hbm>>) target(%dma_start3A_40 : memref<112x64xf32, #tpu.memory_space<vmem_shared>>) target_semaphore(%arg14 : memref<!tpu.dma_semaphore, #tpu.memory_space<semaphore_mem>>)
    %mul3A_44 = arith.constant 632 : i32
    %mul3A_45 = arith.muli %arg1, %mul3A_44 : i32
    %add3A_46 = arith.constant 448 : i32
    %add3A_47 = arith.addi %mul3A_45, %add3A_46 : i32
    %dma_start3A_48 = arith.constant 0 : i32
    %dma_start3A_49 = tpu.memref_slice %arg9[%add3A_47, %dma_start3A_48] : memref<10112x64xf32, #tpu.memory_space<vmem_shared>> -> memref<112x64xf32, #tpu.memory_space<vmem_shared>>
    %dma_start3A_50 = arith.constant 10000 : i32
    %dma_start3A_51 = arith.constant 0 : i32
    %dma_start3A_52 = tpu.memref_slice %arg2[%dma_start3A_50, %dma_start3A_51] : memref<10112x64xf32, #tpu.memory_space<hbm>> -> memref<112x64xf32, #tpu.memory_space<hbm>>
    tpu.enqueue_dma source(%dma_start3A_52 : memref<112x64xf32, #tpu.memory_space<hbm>>) target(%dma_start3A_49 : memref<112x64xf32, #tpu.memory_space<vmem_shared>>) target_semaphore(%arg14 : memref<!tpu.dma_semaphore, #tpu.memory_space<semaphore_mem>>)
    %mul3A_53 = arith.constant 632 : i32
    %mul3A_54 = arith.muli %arg1, %mul3A_53 : i32
    %add3A_55 = arith.constant 560 : i32
    %add3A_56 = arith.addi %mul3A_54, %add3A_55 : i32
    %dma_start3A_57 = arith.constant 0 : i32
    %dma_start3A_58 = tpu.memref_slice %arg9[%add3A_56, %dma_start3A_57] : memref<10112x64xf32, #tpu.memory_space<vmem_shared>> -> memref<72x64xf32, #tpu.memory_space<vmem_shared>>
    %dma_start3A_59 = arith.constant 10000 : i32
    %dma_start3A_60 = arith.constant 0 : i32
    %dma_start3A_61 = tpu.memref_slice %arg2[%dma_start3A_59, %dma_start3A_60] : memref<10112x64xf32, #tpu.memory_space<hbm>> -> memref<72x64xf32, #tpu.memory_space<hbm>>
    tpu.enqueue_dma source(%dma_start3A_61 : memref<72x64xf32, #tpu.memory_space<hbm>>) target(%dma_start3A_58 : memref<72x64xf32, #tpu.memory_space<vmem_shared>>) target_semaphore(%arg14 : memref<!tpu.dma_semaphore, #tpu.memory_space<semaphore_mem>>)
    "tpu.region"() ({
      %run_scoped3A = tpu.sem_alloc : memref<!tpu.dma_semaphore, #tpu.memory_space<semaphore_mem>>
      %dma_start3A_159 = arith.constant 0 : i32
      %dma_start3A_160 = arith.constant 0 : i32
      %dma_start3A_161 = tpu.memref_slice %arg3[%add3A, %dma_start3A_159, %dma_start3A_160] : memref<32x40x256xi32, #tpu.memory_space<hbm>> -> memref<1x40x256xi32, #tpu.memory_space<hbm>>
      %dma_start3A_162 = tpu.memref_squeeze %dma_start3A_161 : memref<1x40x256xi32, #tpu.memory_space<hbm>> -> memref<40x256xi32, #tpu.memory_space<hbm>>
      %dma_start3A_163 = arith.constant 0 : i32
      %dma_start3A_164 = arith.constant 0 : i32
      %dma_start3A_165 = tpu.memref_slice %arg3[%add3A, %dma_start3A_163, %dma_start3A_164] : memref<32x40x256xi32, #tpu.memory_space<hbm>> -> memref<1x40x256xi32, #tpu.memory_space<hbm>>
      %dma_start3A_166 = tpu.memref_squeeze %dma_start3A_165 : memref<1x40x256xi32, #tpu.memory_space<hbm>> -> memref<40x256xi32, #tpu.memory_space<hbm>>
      tpu.enqueue_dma source(%dma_start3A_166 : memref<40x256xi32, #tpu.memory_space<hbm>>) target(%arg6 : memref<40x256xi32, #tpu.memory_space<vmem>>) target_semaphore(%run_scoped3A : memref<!tpu.dma_semaphore, #tpu.memory_space<semaphore_mem>>)
      %dma_wait3A_167 = arith.constant 0 : i32
      %dma_wait3A_168 = arith.constant 0 : i32
      %dma_wait3A_169 = tpu.memref_slice %arg3[%add3A, %dma_wait3A_167, %dma_wait3A_168] : memref<32x40x256xi32, #tpu.memory_space<hbm>> -> memref<1x40x256xi32, #tpu.memory_space<hbm>>
      %dma_wait3A_170 = tpu.memref_squeeze %dma_wait3A_169 : memref<1x40x256xi32, #tpu.memory_space<hbm>> -> memref<40x256xi32, #tpu.memory_space<hbm>>
      %dma_wait3A_171 = arith.constant 0 : i32
      %dma_wait3A_172 = arith.constant 0 : i32
      %dma_wait3A_173 = tpu.memref_slice %arg3[%add3A, %dma_wait3A_171, %dma_wait3A_172] : memref<32x40x256xi32, #tpu.memory_space<hbm>> -> memref<1x40x256xi32, #tpu.memory_space<hbm>>
      %dma_wait3A_174 = tpu.memref_squeeze %dma_wait3A_173 : memref<1x40x256xi32, #tpu.memory_space<hbm>> -> memref<40x256xi32, #tpu.memory_space<hbm>>
      tpu.wait_dma2 semaphore(%run_scoped3A : memref<!tpu.dma_semaphore, #tpu.memory_space<semaphore_mem>>) src(%dma_wait3A_174 : memref<40x256xi32, #tpu.memory_space<hbm>>) dst(%arg6 : memref<40x256xi32, #tpu.memory_space<vmem>>)
      tpu.yield
    }) : () -> ()
    %dma_start3A_62 = arith.constant 0 : i32
    %dma_start3A_63 = arith.constant 0 : i32
    %dma_start3A_64 = arith.constant 0 : i32
    %dma_start3A_65 = tpu.memref_slice %arg7[%dma_start3A_63, %dma_start3A_64] : memref<2x256xi32, #tpu.memory_space<vmem>> -> memref<1x256xi32, #tpu.memory_space<vmem>>
    %dma_start3A_66 = tpu.memref_squeeze %dma_start3A_65 : memref<1x256xi32, #tpu.memory_space<vmem>> -> memref<256xi32, #tpu.memory_space<vmem>>
    %dma_start3A_67 = arith.constant 0 : i32
    %dma_start3A_68 = tpu.memref_slice %arg4[%add3A, %dma_start3A_62, %dma_start3A_67] : memref<32x40x256xi32, #tpu.memory_space<hbm>> -> memref<1x1x256xi32, #tpu.memory_space<hbm>>
    %dma_start3A_69 = tpu.memref_squeeze %dma_start3A_68 : memref<1x1x256xi32, #tpu.memory_space<hbm>> -> memref<256xi32, #tpu.memory_space<hbm>>
    %dma_start3A_70 = arith.constant 0 : i32
    %dma_start3A_71 = tpu.memref_slice %arg7[%dma_start3A_63, %dma_start3A_70] : memref<2x256xi32, #tpu.memory_space<vmem>> -> memref<1x256xi32, #tpu.memory_space<vmem>>
    %dma_start3A_72 = tpu.memref_squeeze %dma_start3A_71 : memref<1x256xi32, #tpu.memory_space<vmem>> -> memref<256xi32, #tpu.memory_space<vmem>>
    %dma_start3A_73 = arith.constant 0 : i32
    %dma_start3A_74 = tpu.memref_slice %arg4[%add3A, %dma_start3A_62, %dma_start3A_73] : memref<32x40x256xi32, #tpu.memory_space<hbm>> -> memref<1x1x256xi32, #tpu.memory_space<hbm>>
    %dma_start3A_75 = tpu.memref_squeeze %dma_start3A_74 : memref<1x1x256xi32, #tpu.memory_space<hbm>> -> memref<256xi32, #tpu.memory_space<hbm>>
    tpu.enqueue_dma source(%dma_start3A_75 : memref<256xi32, #tpu.memory_space<hbm>>) target(%dma_start3A_72 : memref<256xi32, #tpu.memory_space<vmem>>) target_semaphore(%arg13 : memref<!tpu.dma_semaphore, #tpu.memory_space<semaphore_mem>>)
    %mul3A_76 = arith.constant 632 : i32
    %mul3A_77 = arith.muli %arg1, %mul3A_76 : i32
    %add3A_78 = arith.constant 0 : i32
    %add3A_79 = arith.addi %mul3A_77, %add3A_78 : i32
    %dma_wait3A = arith.constant 0 : i32
    %dma_wait3A_80 = tpu.memref_slice %arg9[%add3A_79, %dma_wait3A] : memref<10112x64xf32, #tpu.memory_space<vmem_shared>> -> memref<112x64xf32, #tpu.memory_space<vmem_shared>>
    %dma_wait3A_81 = arith.constant 10000 : i32
    %dma_wait3A_82 = arith.constant 0 : i32
    %dma_wait3A_83 = tpu.memref_slice %arg2[%dma_wait3A_81, %dma_wait3A_82] : memref<10112x64xf32, #tpu.memory_space<hbm>> -> memref<112x64xf32, #tpu.memory_space<hbm>>
    tpu.wait_dma2 semaphore(%arg14 : memref<!tpu.dma_semaphore, #tpu.memory_space<semaphore_mem>>) src(%dma_wait3A_83 : memref<112x64xf32, #tpu.memory_space<hbm>>) dst(%dma_wait3A_80 : memref<112x64xf32, #tpu.memory_space<vmem_shared>>)
    %mul3A_84 = arith.constant 632 : i32
    %mul3A_85 = arith.muli %arg1, %mul3A_84 : i32
    %add3A_86 = arith.constant 112 : i32
    %add3A_87 = arith.addi %mul3A_85, %add3A_86 : i32
    %dma_wait3A_88 = arith.constant 0 : i32
    %dma_wait3A_89 = tpu.memref_slice %arg9[%add3A_87, %dma_wait3A_88] : memref<10112x64xf32, #tpu.memory_space<vmem_shared>> -> memref<112x64xf32, #tpu.memory_space<vmem_shared>>
    %dma_wait3A_90 = arith.constant 10000 : i32
    %dma_wait3A_91 = arith.constant 0 : i32
    %dma_wait3A_92 = tpu.memref_slice %arg2[%dma_wait3A_90, %dma_wait3A_91] : memref<10112x64xf32, #tpu.memory_space<hbm>> -> memref<112x64xf32, #tpu.memory_space<hbm>>
    tpu.wait_dma2 semaphore(%arg14 : memref<!tpu.dma_semaphore, #tpu.memory_space<semaphore_mem>>) src(%dma_wait3A_92 : memref<112x64xf32, #tpu.memory_space<hbm>>) dst(%dma_wait3A_89 : memref<112x64xf32, #tpu.memory_space<vmem_shared>>)
    %mul3A_93 = arith.constant 632 : i32
    %mul3A_94 = arith.muli %arg1, %mul3A_93 : i32
    %add3A_95 = arith.constant 224 : i32
    %add3A_96 = arith.addi %mul3A_94, %add3A_95 : i32
    %dma_wait3A_97 = arith.constant 0 : i32
    %dma_wait3A_98 = tpu.memref_slice %arg9[%add3A_96, %dma_wait3A_97] : memref<10112x64xf32, #tpu.memory_space<vmem_shared>> -> memref<112x64xf32, #tpu.memory_space<vmem_shared>>
    %dma_wait3A_99 = arith.constant 10000 : i32
    %dma_wait3A_100 = arith.constant 0 : i32
    %dma_wait3A_101 = tpu.memref_slice %arg2[%dma_wait3A_99, %dma_wait3A_100] : memref<10112x64xf32, #tpu.memory_space<hbm>> -> memref<112x64xf32, #tpu.memory_space<hbm>>
    tpu.wait_dma2 semaphore(%arg14 : memref<!tpu.dma_semaphore, #tpu.memory_space<semaphore_mem>>) src(%dma_wait3A_101 : memref<112x64xf32, #tpu.memory_space<hbm>>) dst(%dma_wait3A_98 : memref<112x64xf32, #tpu.memory_space<vmem_shared>>)
    %mul3A_102 = arith.constant 632 : i32
    %mul3A_103 = arith.muli %arg1, %mul3A_102 : i32
    %add3A_104 = arith.constant 336 : i32
    %add3A_105 = arith.addi %mul3A_103, %add3A_104 : i32
    %dma_wait3A_106 = arith.constant 0 : i32
    %dma_wait3A_107 = tpu.memref_slice %arg9[%add3A_105, %dma_wait3A_106] : memref<10112x64xf32, #tpu.memory_space<vmem_shared>> -> memref<112x64xf32, #tpu.memory_space<vmem_shared>>
    %dma_wait3A_108 = arith.constant 10000 : i32
    %dma_wait3A_109 = arith.constant 0 : i32
    %dma_wait3A_110 = tpu.memref_slice %arg2[%dma_wait3A_108, %dma_wait3A_109] : memref<10112x64xf32, #tpu.memory_space<hbm>> -> memref<112x64xf32, #tpu.memory_space<hbm>>
    tpu.wait_dma2 semaphore(%arg14 : memref<!tpu.dma_semaphore, #tpu.memory_space<semaphore_mem>>) src(%dma_wait3A_110 : memref<112x64xf32, #tpu.memory_space<hbm>>) dst(%dma_wait3A_107 : memref<112x64xf32, #tpu.memory_space<vmem_shared>>)
    %mul3A_111 = arith.constant 632 : i32
    %mul3A_112 = arith.muli %arg1, %mul3A_111 : i32
    %add3A_113 = arith.constant 448 : i32
    %add3A_114 = arith.addi %mul3A_112, %add3A_113 : i32
    %dma_wait3A_115 = arith.constant 0 : i32
    %dma_wait3A_116 = tpu.memref_slice %arg9[%add3A_114, %dma_wait3A_115] : memref<10112x64xf32, #tpu.memory_space<vmem_shared>> -> memref<112x64xf32, #tpu.memory_space<vmem_shared>>
    %dma_wait3A_117 = arith.constant 10000 : i32
    %dma_wait3A_118 = arith.constant 0 : i32
    %dma_wait3A_119 = tpu.memref_slice %arg2[%dma_wait3A_117, %dma_wait3A_118] : memref<10112x64xf32, #tpu.memory_space<hbm>> -> memref<112x64xf32, #tpu.memory_space<hbm>>
    tpu.wait_dma2 semaphore(%arg14 : memref<!tpu.dma_semaphore, #tpu.memory_space<semaphore_mem>>) src(%dma_wait3A_119 : memref<112x64xf32, #tpu.memory_space<hbm>>) dst(%dma_wait3A_116 : memref<112x64xf32, #tpu.memory_space<vmem_shared>>)
    %mul3A_120 = arith.constant 632 : i32
    %mul3A_121 = arith.muli %arg1, %mul3A_120 : i32
    %add3A_122 = arith.constant 560 : i32
    %add3A_123 = arith.addi %mul3A_121, %add3A_122 : i32
    %dma_wait3A_124 = arith.constant 0 : i32
    %dma_wait3A_125 = tpu.memref_slice %arg9[%add3A_123, %dma_wait3A_124] : memref<10112x64xf32, #tpu.memory_space<vmem_shared>> -> memref<72x64xf32, #tpu.memory_space<vmem_shared>>
    %dma_wait3A_126 = arith.constant 10000 : i32
    %dma_wait3A_127 = arith.constant 0 : i32
    %dma_wait3A_128 = tpu.memref_slice %arg2[%dma_wait3A_126, %dma_wait3A_127] : memref<10112x64xf32, #tpu.memory_space<hbm>> -> memref<72x64xf32, #tpu.memory_space<hbm>>
    tpu.wait_dma2 semaphore(%arg14 : memref<!tpu.dma_semaphore, #tpu.memory_space<semaphore_mem>>) src(%dma_wait3A_128 : memref<72x64xf32, #tpu.memory_space<hbm>>) dst(%dma_wait3A_125 : memref<72x64xf32, #tpu.memory_space<vmem_shared>>)
    %mul3A_129 = arith.constant 632 : i32
    %mul3A_130 = arith.muli %arg1, %mul3A_129 : i32
    %mul3A_131 = arith.constant 632 : i32
    %mul3A_132 = arith.muli %arg1, %mul3A_131 : i32
    %dma_wait3A_133 = arith.constant 0 : i32
    %dma_wait3A_134 = tpu.memref_slice %arg10[%mul3A_132, %dma_wait3A_133] : memref<10112x64xf32, #tpu.memory_space<vmem_shared>> -> memref<632x64xf32, #tpu.memory_space<vmem_shared>>
    %dma_wait3A_135 = arith.constant 0 : i32
    %dma_wait3A_136 = tpu.memref_slice %arg2[%mul3A_130, %dma_wait3A_135] : memref<10112x64xf32, #tpu.memory_space<hbm>> -> memref<632x64xf32, #tpu.memory_space<hbm>>
    tpu.wait_dma2 semaphore(%arg12 : memref<!tpu.dma_semaphore, #tpu.memory_space<semaphore_mem>>) src(%dma_wait3A_136 : memref<632x64xf32, #tpu.memory_space<hbm>>) dst(%dma_wait3A_134 : memref<632x64xf32, #tpu.memory_space<vmem_shared>>)
    %barrier3A = arith.constant 0 : index
    tpu.barrier barrier_id(%barrier3A)
    %dma_start3A_137 = arith.constant 0 : i32
    %dma_start3A_138 = arith.constant 0 : i32
    %dma_start3A_139 = arith.constant 0 : i32
    %dma_start3A_140 = arith.constant 0 : i32
    %dma_start3A_141 = tpu.memref_slice %arg8[%dma_start3A_138, %dma_start3A_139, %dma_start3A_140] : memref<2x256x64xf32, #tpu.memory_space<vmem>> -> memref<1x256x64xf32, #tpu.memory_space<vmem>>
    %dma_start3A_142 = tpu.memref_squeeze %dma_start3A_141 : memref<1x256x64xf32, #tpu.memory_space<vmem>> -> memref<256x64xf32, #tpu.memory_space<vmem>>
    %dma_start3A_143 = arith.constant 0 : i32
    %dma_start3A_144 = tpu.memref_slice %arg6[%dma_start3A_137, %dma_start3A_143] : memref<40x256xi32, #tpu.memory_space<vmem>> -> memref<1x256xi32, #tpu.memory_space<vmem>>
    %dma_start3A_145 = tpu.memref_squeeze %dma_start3A_144 : memref<1x256xi32, #tpu.memory_space<vmem>> -> memref<256xi32, #tpu.memory_space<vmem>>
    %dma_start3A_146 = arith.constant 0 : i32
    %dma_start3A_147 = arith.constant 0 : i32
    %dma_start3A_148 = tpu.memref_slice %arg10[%dma_start3A_146, %dma_start3A_147] : memref<10112x64xf32, #tpu.memory_space<vmem_shared>> -> memref<10112x64xf32, #tpu.memory_space<vmem_shared>>
    tpu.enqueue_indirect_dma source(%dma_start3A_148 : memref<10112x64xf32, #tpu.memory_space<vmem_shared>>) target(%dma_start3A_142 : memref<256x64xf32, #tpu.memory_space<vmem>>) offsets(%dma_start3A_145 : memref<256xi32, #tpu.memory_space<vmem>>) semaphore(%arg11 : memref<!tpu.dma_semaphore, #tpu.memory_space<semaphore_mem>>)
    %scan3A = arith.constant 0 : i32
    %scan3A_149 = arith.constant 0 : i32
    %scan3A_150 = arith.constant 20 : i32
    %scan3A_151 = arith.addi %scan3A_149, %scan3A_150 : i32
    %scan3A_152 = arith.constant 1 : i32
    scf.for %scan3A_159 = %scan3A_149 to %scan3A_151 step %scan3A_152  : i32 {
      %mul3A_160 = arith.constant 2 : i32
      %mul3A_161 = arith.muli %scan3A_159, %mul3A_160 : i32
      %add3A_162 = arith.constant 0 : i32
      %add3A_163 = arith.addi %mul3A_161, %add3A_162 : i32
      %add3A_164 = arith.constant 1 : i32
      %add3A_165 = arith.addi %add3A_163, %add3A_164 : i32
      %dma_wait3A_166 = arith.constant 0 : i32
      %dma_wait3A_167 = arith.constant 0 : i32
      %dma_wait3A_168 = arith.constant 0 : i32
      %dma_wait3A_169 = tpu.memref_slice %arg8[%dma_wait3A_166, %dma_wait3A_167, %dma_wait3A_168] : memref<2x256x64xf32, #tpu.memory_space<vmem>> -> memref<1x256x64xf32, #tpu.memory_space<vmem>>
      %dma_wait3A_170 = tpu.memref_squeeze %dma_wait3A_169 : memref<1x256x64xf32, #tpu.memory_space<vmem>> -> memref<256x64xf32, #tpu.memory_space<vmem>>
      %dma_wait3A_171 = arith.constant 0 : i32
      %dma_wait3A_172 = arith.constant 0 : i32
      %dma_wait3A_173 = tpu.memref_slice %arg10[%dma_wait3A_171, %dma_wait3A_172] : memref<10112x64xf32, #tpu.memory_space<vmem_shared>> -> memref<256x64xf32, #tpu.memory_space<vmem_shared>>
      %dma_wait3A_174 = arith.constant 0 : i32
      %dma_wait3A_175 = arith.constant 0 : i32
      %dma_wait3A_176 = tpu.memref_slice %arg8[%dma_wait3A_166, %dma_wait3A_174, %dma_wait3A_175] : memref<2x256x64xf32, #tpu.memory_space<vmem>> -> memref<1x256x64xf32, #tpu.memory_space<vmem>>
      %dma_wait3A_177 = tpu.memref_squeeze %dma_wait3A_176 : memref<1x256x64xf32, #tpu.memory_space<vmem>> -> memref<256x64xf32, #tpu.memory_space<vmem>>
      %dma_wait3A_178 = arith.constant 0 : i32
      %dma_wait3A_179 = arith.constant 0 : i32
      %dma_wait3A_180 = tpu.memref_slice %arg10[%dma_wait3A_178, %dma_wait3A_179] : memref<10112x64xf32, #tpu.memory_space<vmem_shared>> -> memref<256x64xf32, #tpu.memory_space<vmem_shared>>
      tpu.wait_dma2 semaphore(%arg11 : memref<!tpu.dma_semaphore, #tpu.memory_space<semaphore_mem>>) src(%dma_wait3A_180 : memref<256x64xf32, #tpu.memory_space<vmem_shared>>) dst(%dma_wait3A_177 : memref<256x64xf32, #tpu.memory_space<vmem>>)
      %lt3A = arith.constant 40 : i32
      %lt3A_181 = arith.cmpi slt, %add3A_165, %lt3A : i32
      %convert_element_type3A = arith.extui %lt3A_181 : i1 to i32
      %cond3A = arith.constant 0 : i32
      %cond3A_182 = arith.cmpi ne, %convert_element_type3A, %cond3A : i32
      scf.if %cond3A_182 {
        %dma_start3A_240 = arith.constant 1 : i32
        %dma_start3A_241 = arith.constant 0 : i32
        %dma_start3A_242 = arith.constant 0 : i32
        %dma_start3A_243 = tpu.memref_slice %arg8[%dma_start3A_240, %dma_start3A_241, %dma_start3A_242] : memref<2x256x64xf32, #tpu.memory_space<vmem>> -> memref<1x256x64xf32, #tpu.memory_space<vmem>>
        %dma_start3A_244 = tpu.memref_squeeze %dma_start3A_243 : memref<1x256x64xf32, #tpu.memory_space<vmem>> -> memref<256x64xf32, #tpu.memory_space<vmem>>
        %dma_start3A_245 = arith.constant 0 : i32
        %dma_start3A_246 = tpu.memref_slice %arg6[%add3A_165, %dma_start3A_245] : memref<40x256xi32, #tpu.memory_space<vmem>> -> memref<1x256xi32, #tpu.memory_space<vmem>>
        %dma_start3A_247 = tpu.memref_squeeze %dma_start3A_246 : memref<1x256xi32, #tpu.memory_space<vmem>> -> memref<256xi32, #tpu.memory_space<vmem>>
        %dma_start3A_248 = arith.constant 0 : i32
        %dma_start3A_249 = arith.constant 0 : i32
        %dma_start3A_250 = tpu.memref_slice %arg10[%dma_start3A_248, %dma_start3A_249] : memref<10112x64xf32, #tpu.memory_space<vmem_shared>> -> memref<10112x64xf32, #tpu.memory_space<vmem_shared>>
        tpu.enqueue_indirect_dma source(%dma_start3A_250 : memref<10112x64xf32, #tpu.memory_space<vmem_shared>>) target(%dma_start3A_244 : memref<256x64xf32, #tpu.memory_space<vmem>>) offsets(%dma_start3A_247 : memref<256xi32, #tpu.memory_space<vmem>>) semaphore(%arg11 : memref<!tpu.dma_semaphore, #tpu.memory_space<semaphore_mem>>)
        %dma_start3A_251 = arith.constant 1 : i32
        %dma_start3A_252 = arith.constant 0 : i32
        %dma_start3A_253 = tpu.memref_slice %arg7[%dma_start3A_251, %dma_start3A_252] : memref<2x256xi32, #tpu.memory_space<vmem>> -> memref<1x256xi32, #tpu.memory_space<vmem>>
        %dma_start3A_254 = tpu.memref_squeeze %dma_start3A_253 : memref<1x256xi32, #tpu.memory_space<vmem>> -> memref<256xi32, #tpu.memory_space<vmem>>
        %dma_start3A_255 = arith.constant 0 : i32
        %dma_start3A_256 = tpu.memref_slice %arg4[%add3A, %add3A_165, %dma_start3A_255] : memref<32x40x256xi32, #tpu.memory_space<hbm>> -> memref<1x1x256xi32, #tpu.memory_space<hbm>>
        %dma_start3A_257 = tpu.memref_squeeze %dma_start3A_256 : memref<1x1x256xi32, #tpu.memory_space<hbm>> -> memref<256xi32, #tpu.memory_space<hbm>>
        %dma_start3A_258 = arith.constant 0 : i32
        %dma_start3A_259 = tpu.memref_slice %arg7[%dma_start3A_251, %dma_start3A_258] : memref<2x256xi32, #tpu.memory_space<vmem>> -> memref<1x256xi32, #tpu.memory_space<vmem>>
        %dma_start3A_260 = tpu.memref_squeeze %dma_start3A_259 : memref<1x256xi32, #tpu.memory_space<vmem>> -> memref<256xi32, #tpu.memory_space<vmem>>
        %dma_start3A_261 = arith.constant 0 : i32
        %dma_start3A_262 = tpu.memref_slice %arg4[%add3A, %add3A_165, %dma_start3A_261] : memref<32x40x256xi32, #tpu.memory_space<hbm>> -> memref<1x1x256xi32, #tpu.memory_space<hbm>>
        %dma_start3A_263 = tpu.memref_squeeze %dma_start3A_262 : memref<1x1x256xi32, #tpu.memory_space<hbm>> -> memref<256xi32, #tpu.memory_space<hbm>>
        tpu.enqueue_dma source(%dma_start3A_263 : memref<256xi32, #tpu.memory_space<hbm>>) target(%dma_start3A_260 : memref<256xi32, #tpu.memory_space<vmem>>) target_semaphore(%arg13 : memref<!tpu.dma_semaphore, #tpu.memory_space<semaphore_mem>>)
      } else {
      }
      %dma_wait3A_183 = arith.constant 0 : i32
      %dma_wait3A_184 = arith.constant 0 : i32
      %dma_wait3A_185 = arith.constant 0 : i32
      %dma_wait3A_186 = tpu.memref_slice %arg7[%dma_wait3A_184, %dma_wait3A_185] : memref<2x256xi32, #tpu.memory_space<vmem>> -> memref<1x256xi32, #tpu.memory_space<vmem>>
      %dma_wait3A_187 = tpu.memref_squeeze %dma_wait3A_186 : memref<1x256xi32, #tpu.memory_space<vmem>> -> memref<256xi32, #tpu.memory_space<vmem>>
      %dma_wait3A_188 = arith.constant 0 : i32
      %dma_wait3A_189 = tpu.memref_slice %arg4[%add3A, %dma_wait3A_183, %dma_wait3A_188] : memref<32x40x256xi32, #tpu.memory_space<hbm>> -> memref<1x1x256xi32, #tpu.memory_space<hbm>>
      %dma_wait3A_190 = tpu.memref_squeeze %dma_wait3A_189 : memref<1x1x256xi32, #tpu.memory_space<hbm>> -> memref<256xi32, #tpu.memory_space<hbm>>
      %dma_wait3A_191 = arith.constant 0 : i32
      %dma_wait3A_192 = tpu.memref_slice %arg7[%dma_wait3A_184, %dma_wait3A_191] : memref<2x256xi32, #tpu.memory_space<vmem>> -> memref<1x256xi32, #tpu.memory_space<vmem>>
      %dma_wait3A_193 = tpu.memref_squeeze %dma_wait3A_192 : memref<1x256xi32, #tpu.memory_space<vmem>> -> memref<256xi32, #tpu.memory_space<vmem>>
      %dma_wait3A_194 = arith.constant 0 : i32
      %dma_wait3A_195 = tpu.memref_slice %arg4[%add3A, %dma_wait3A_183, %dma_wait3A_194] : memref<32x40x256xi32, #tpu.memory_space<hbm>> -> memref<1x1x256xi32, #tpu.memory_space<hbm>>
      %dma_wait3A_196 = tpu.memref_squeeze %dma_wait3A_195 : memref<1x1x256xi32, #tpu.memory_space<hbm>> -> memref<256xi32, #tpu.memory_space<hbm>>
      tpu.wait_dma2 semaphore(%arg13 : memref<!tpu.dma_semaphore, #tpu.memory_space<semaphore_mem>>) src(%dma_wait3A_196 : memref<256xi32, #tpu.memory_space<hbm>>) dst(%dma_wait3A_193 : memref<256xi32, #tpu.memory_space<vmem>>)
      %run_scoped3A = arith.constant 0 : i32
      %run_scoped3A_197 = arith.constant 0 : i32
      "tpu.region"() ({
        %run_scoped3A_240 = tpu.sem_alloc : memref<!tpu.dma_semaphore, #tpu.memory_space<semaphore_mem>>
        %dma_start3A_241 = arith.constant 0 : i32
        %dma_start3A_242 = arith.constant 0 : i32
        %dma_start3A_243 = tpu.memref_slice %arg8[%run_scoped3A, %dma_start3A_241, %dma_start3A_242] : memref<2x256x64xf32, #tpu.memory_space<vmem>> -> memref<1x256x64xf32, #tpu.memory_space<vmem>>
        %dma_start3A_244 = tpu.memref_squeeze %dma_start3A_243 : memref<1x256x64xf32, #tpu.memory_space<vmem>> -> memref<256x64xf32, #tpu.memory_space<vmem>>
        %dma_start3A_245 = arith.constant 0 : i32
        %dma_start3A_246 = tpu.memref_slice %arg7[%run_scoped3A_197, %dma_start3A_245] : memref<2x256xi32, #tpu.memory_space<vmem>> -> memref<1x256xi32, #tpu.memory_space<vmem>>
        %dma_start3A_247 = tpu.memref_squeeze %dma_start3A_246 : memref<1x256xi32, #tpu.memory_space<vmem>> -> memref<256xi32, #tpu.memory_space<vmem>>
        %dma_start3A_248 = arith.constant 0 : i32
        %dma_start3A_249 = arith.constant 0 : i32
        %dma_start3A_250 = tpu.memref_slice %arg9[%dma_start3A_248, %dma_start3A_249] : memref<10112x64xf32, #tpu.memory_space<vmem_shared>> -> memref<10112x64xf32, #tpu.memory_space<vmem_shared>>
        tpu.enqueue_indirect_dma source(%dma_start3A_244 : memref<256x64xf32, #tpu.memory_space<vmem>>) target(%dma_start3A_250 : memref<10112x64xf32, #tpu.memory_space<vmem_shared>>) offsets(%dma_start3A_247 : memref<256xi32, #tpu.memory_space<vmem>>) semaphore(%run_scoped3A_240 : memref<!tpu.dma_semaphore, #tpu.memory_space<semaphore_mem>>) {add = true}
        %dma_wait3A_251 = arith.constant 0 : i32
        %dma_wait3A_252 = arith.constant 0 : i32
        %dma_wait3A_253 = tpu.memref_slice %arg8[%run_scoped3A, %dma_wait3A_251, %dma_wait3A_252] : memref<2x256x64xf32, #tpu.memory_space<vmem>> -> memref<1x256x64xf32, #tpu.memory_space<vmem>>
        %dma_wait3A_254 = tpu.memref_squeeze %dma_wait3A_253 : memref<1x256x64xf32, #tpu.memory_space<vmem>> -> memref<256x64xf32, #tpu.memory_space<vmem>>
        %dma_wait3A_255 = arith.constant 0 : i32
        %dma_wait3A_256 = tpu.memref_slice %arg7[%run_scoped3A_197, %dma_wait3A_255] : memref<2x256xi32, #tpu.memory_space<vmem>> -> memref<1x256xi32, #tpu.memory_space<vmem>>
        %dma_wait3A_257 = tpu.memref_squeeze %dma_wait3A_256 : memref<1x256xi32, #tpu.memory_space<vmem>> -> memref<256xi32, #tpu.memory_space<vmem>>
        %dma_wait3A_258 = arith.constant 0 : i32
        %dma_wait3A_259 = arith.constant 0 : i32
        %dma_wait3A_260 = tpu.memref_slice %arg9[%dma_wait3A_258, %dma_wait3A_259] : memref<10112x64xf32, #tpu.memory_space<vmem_shared>> -> memref<10112x64xf32, #tpu.memory_space<vmem_shared>>
        tpu.wait_indirect_dma semaphore(%run_scoped3A_240 : memref<!tpu.dma_semaphore, #tpu.memory_space<semaphore_mem>>) src(%dma_wait3A_254 : memref<256x64xf32, #tpu.memory_space<vmem>>) dst(%dma_wait3A_260 : memref<10112x64xf32, #tpu.memory_space<vmem_shared>>)
        tpu.yield
      }) : () -> ()
      %mul3A_198 = arith.constant 2 : i32
      %mul3A_199 = arith.muli %scan3A_159, %mul3A_198 : i32
      %add3A_200 = arith.constant 1 : i32
      %add3A_201 = arith.addi %mul3A_199, %add3A_200 : i32
      %add3A_202 = arith.constant 1 : i32
      %add3A_203 = arith.addi %add3A_201, %add3A_202 : i32
      %dma_wait3A_204 = arith.constant 1 : i32
      %dma_wait3A_205 = arith.constant 0 : i32
      %dma_wait3A_206 = arith.constant 0 : i32
      %dma_wait3A_207 = tpu.memref_slice %arg8[%dma_wait3A_204, %dma_wait3A_205, %dma_wait3A_206] : memref<2x256x64xf32, #tpu.memory_space<vmem>> -> memref<1x256x64xf32, #tpu.memory_space<vmem>>
      %dma_wait3A_208 = tpu.memref_squeeze %dma_wait3A_207 : memref<1x256x64xf32, #tpu.memory_space<vmem>> -> memref<256x64xf32, #tpu.memory_space<vmem>>
      %dma_wait3A_209 = arith.constant 0 : i32
      %dma_wait3A_210 = arith.constant 0 : i32
      %dma_wait3A_211 = tpu.memref_slice %arg10[%dma_wait3A_209, %dma_wait3A_210] : memref<10112x64xf32, #tpu.memory_space<vmem_shared>> -> memref<256x64xf32, #tpu.memory_space<vmem_shared>>
      %dma_wait3A_212 = arith.constant 0 : i32
      %dma_wait3A_213 = arith.constant 0 : i32
      %dma_wait3A_214 = tpu.memref_slice %arg8[%dma_wait3A_204, %dma_wait3A_212, %dma_wait3A_213] : memref<2x256x64xf32, #tpu.memory_space<vmem>> -> memref<1x256x64xf32, #tpu.memory_space<vmem>>
      %dma_wait3A_215 = tpu.memref_squeeze %dma_wait3A_214 : memref<1x256x64xf32, #tpu.memory_space<vmem>> -> memref<256x64xf32, #tpu.memory_space<vmem>>
      %dma_wait3A_216 = arith.constant 0 : i32
      %dma_wait3A_217 = arith.constant 0 : i32
      %dma_wait3A_218 = tpu.memref_slice %arg10[%dma_wait3A_216, %dma_wait3A_217] : memref<10112x64xf32, #tpu.memory_space<vmem_shared>> -> memref<256x64xf32, #tpu.memory_space<vmem_shared>>
      tpu.wait_dma2 semaphore(%arg11 : memref<!tpu.dma_semaphore, #tpu.memory_space<semaphore_mem>>) src(%dma_wait3A_218 : memref<256x64xf32, #tpu.memory_space<vmem_shared>>) dst(%dma_wait3A_215 : memref<256x64xf32, #tpu.memory_space<vmem>>)
      %lt3A_219 = arith.constant 40 : i32
      %lt3A_220 = arith.cmpi slt, %add3A_203, %lt3A_219 : i32
      %convert_element_type3A_221 = arith.extui %lt3A_220 : i1 to i32
      %cond3A_222 = arith.constant 0 : i32
      %cond3A_223 = arith.cmpi ne, %convert_element_type3A_221, %cond3A_222 : i32
      scf.if %cond3A_223 {
        %dma_start3A_240 = arith.constant 0 : i32
        %dma_start3A_241 = arith.constant 0 : i32
        %dma_start3A_242 = arith.constant 0 : i32
        %dma_start3A_243 = tpu.memref_slice %arg8[%dma_start3A_240, %dma_start3A_241, %dma_start3A_242] : memref<2x256x64xf32, #tpu.memory_space<vmem>> -> memref<1x256x64xf32, #tpu.memory_space<vmem>>
        %dma_start3A_244 = tpu.memref_squeeze %dma_start3A_243 : memref<1x256x64xf32, #tpu.memory_space<vmem>> -> memref<256x64xf32, #tpu.memory_space<vmem>>
        %dma_start3A_245 = arith.constant 0 : i32
        %dma_start3A_246 = tpu.memref_slice %arg6[%add3A_203, %dma_start3A_245] : memref<40x256xi32, #tpu.memory_space<vmem>> -> memref<1x256xi32, #tpu.memory_space<vmem>>
        %dma_start3A_247 = tpu.memref_squeeze %dma_start3A_246 : memref<1x256xi32, #tpu.memory_space<vmem>> -> memref<256xi32, #tpu.memory_space<vmem>>
        %dma_start3A_248 = arith.constant 0 : i32
        %dma_start3A_249 = arith.constant 0 : i32
        %dma_start3A_250 = tpu.memref_slice %arg10[%dma_start3A_248, %dma_start3A_249] : memref<10112x64xf32, #tpu.memory_space<vmem_shared>> -> memref<10112x64xf32, #tpu.memory_space<vmem_shared>>
        tpu.enqueue_indirect_dma source(%dma_start3A_250 : memref<10112x64xf32, #tpu.memory_space<vmem_shared>>) target(%dma_start3A_244 : memref<256x64xf32, #tpu.memory_space<vmem>>) offsets(%dma_start3A_247 : memref<256xi32, #tpu.memory_space<vmem>>) semaphore(%arg11 : memref<!tpu.dma_semaphore, #tpu.memory_space<semaphore_mem>>)
        %dma_start3A_251 = arith.constant 0 : i32
        %dma_start3A_252 = arith.constant 0 : i32
        %dma_start3A_253 = tpu.memref_slice %arg7[%dma_start3A_251, %dma_start3A_252] : memref<2x256xi32, #tpu.memory_space<vmem>> -> memref<1x256xi32, #tpu.memory_space<vmem>>
        %dma_start3A_254 = tpu.memref_squeeze %dma_start3A_253 : memref<1x256xi32, #tpu.memory_space<vmem>> -> memref<256xi32, #tpu.memory_space<vmem>>
        %dma_start3A_255 = arith.constant 0 : i32
        %dma_start3A_256 = tpu.memref_slice %arg4[%add3A, %add3A_203, %dma_start3A_255] : memref<32x40x256xi32, #tpu.memory_space<hbm>> -> memref<1x1x256xi32, #tpu.memory_space<hbm>>
        %dma_start3A_257 = tpu.memref_squeeze %dma_start3A_256 : memref<1x1x256xi32, #tpu.memory_space<hbm>> -> memref<256xi32, #tpu.memory_space<hbm>>
        %dma_start3A_258 = arith.constant 0 : i32
        %dma_start3A_259 = tpu.memref_slice %arg7[%dma_start3A_251, %dma_start3A_258] : memref<2x256xi32, #tpu.memory_space<vmem>> -> memref<1x256xi32, #tpu.memory_space<vmem>>
        %dma_start3A_260 = tpu.memref_squeeze %dma_start3A_259 : memref<1x256xi32, #tpu.memory_space<vmem>> -> memref<256xi32, #tpu.memory_space<vmem>>
        %dma_start3A_261 = arith.constant 0 : i32
        %dma_start3A_262 = tpu.memref_slice %arg4[%add3A, %add3A_203, %dma_start3A_261] : memref<32x40x256xi32, #tpu.memory_space<hbm>> -> memref<1x1x256xi32, #tpu.memory_space<hbm>>
        %dma_start3A_263 = tpu.memref_squeeze %dma_start3A_262 : memref<1x1x256xi32, #tpu.memory_space<hbm>> -> memref<256xi32, #tpu.memory_space<hbm>>
        tpu.enqueue_dma source(%dma_start3A_263 : memref<256xi32, #tpu.memory_space<hbm>>) target(%dma_start3A_260 : memref<256xi32, #tpu.memory_space<vmem>>) target_semaphore(%arg13 : memref<!tpu.dma_semaphore, #tpu.memory_space<semaphore_mem>>)
      } else {
      }
      %dma_wait3A_224 = arith.constant 0 : i32
      %dma_wait3A_225 = arith.constant 1 : i32
      %dma_wait3A_226 = arith.constant 0 : i32
      %dma_wait3A_227 = tpu.memref_slice %arg7[%dma_wait3A_225, %dma_wait3A_226] : memref<2x256xi32, #tpu.memory_space<vmem>> -> memref<1x256xi32, #tpu.memory_space<vmem>>
      %dma_wait3A_228 = tpu.memref_squeeze %dma_wait3A_227 : memref<1x256xi32, #tpu.memory_space<vmem>> -> memref<256xi32, #tpu.memory_space<vmem>>
      %dma_wait3A_229 = arith.constant 0 : i32
      %dma_wait3A_230 = tpu.memref_slice %arg4[%add3A, %dma_wait3A_224, %dma_wait3A_229] : memref<32x40x256xi32, #tpu.memory_space<hbm>> -> memref<1x1x256xi32, #tpu.memory_space<hbm>>
      %dma_wait3A_231 = tpu.memref_squeeze %dma_wait3A_230 : memref<1x1x256xi32, #tpu.memory_space<hbm>> -> memref<256xi32, #tpu.memory_space<hbm>>
      %dma_wait3A_232 = arith.constant 0 : i32
      %dma_wait3A_233 = tpu.memref_slice %arg7[%dma_wait3A_225, %dma_wait3A_232] : memref<2x256xi32, #tpu.memory_space<vmem>> -> memref<1x256xi32, #tpu.memory_space<vmem>>
      %dma_wait3A_234 = tpu.memref_squeeze %dma_wait3A_233 : memref<1x256xi32, #tpu.memory_space<vmem>> -> memref<256xi32, #tpu.memory_space<vmem>>
      %dma_wait3A_235 = arith.constant 0 : i32
      %dma_wait3A_236 = tpu.memref_slice %arg4[%add3A, %dma_wait3A_224, %dma_wait3A_235] : memref<32x40x256xi32, #tpu.memory_space<hbm>> -> memref<1x1x256xi32, #tpu.memory_space<hbm>>
      %dma_wait3A_237 = tpu.memref_squeeze %dma_wait3A_236 : memref<1x1x256xi32, #tpu.memory_space<hbm>> -> memref<256xi32, #tpu.memory_space<hbm>>
      tpu.wait_dma2 semaphore(%arg13 : memref<!tpu.dma_semaphore, #tpu.memory_space<semaphore_mem>>) src(%dma_wait3A_237 : memref<256xi32, #tpu.memory_space<hbm>>) dst(%dma_wait3A_234 : memref<256xi32, #tpu.memory_space<vmem>>)
      %run_scoped3A_238 = arith.constant 1 : i32
      %run_scoped3A_239 = arith.constant 1 : i32
      "tpu.region"() ({
        %run_scoped3A_240 = tpu.sem_alloc : memref<!tpu.dma_semaphore, #tpu.memory_space<semaphore_mem>>
        %dma_start3A_241 = arith.constant 0 : i32
        %dma_start3A_242 = arith.constant 0 : i32
        %dma_start3A_243 = tpu.memref_slice %arg8[%run_scoped3A_238, %dma_start3A_241, %dma_start3A_242] : memref<2x256x64xf32, #tpu.memory_space<vmem>> -> memref<1x256x64xf32, #tpu.memory_space<vmem>>
        %dma_start3A_244 = tpu.memref_squeeze %dma_start3A_243 : memref<1x256x64xf32, #tpu.memory_space<vmem>> -> memref<256x64xf32, #tpu.memory_space<vmem>>
        %dma_start3A_245 = arith.constant 0 : i32
        %dma_start3A_246 = tpu.memref_slice %arg7[%run_scoped3A_239, %dma_start3A_245] : memref<2x256xi32, #tpu.memory_space<vmem>> -> memref<1x256xi32, #tpu.memory_space<vmem>>
        %dma_start3A_247 = tpu.memref_squeeze %dma_start3A_246 : memref<1x256xi32, #tpu.memory_space<vmem>> -> memref<256xi32, #tpu.memory_space<vmem>>
        %dma_start3A_248 = arith.constant 0 : i32
        %dma_start3A_249 = arith.constant 0 : i32
        %dma_start3A_250 = tpu.memref_slice %arg9[%dma_start3A_248, %dma_start3A_249] : memref<10112x64xf32, #tpu.memory_space<vmem_shared>> -> memref<10112x64xf32, #tpu.memory_space<vmem_shared>>
        tpu.enqueue_indirect_dma source(%dma_start3A_244 : memref<256x64xf32, #tpu.memory_space<vmem>>) target(%dma_start3A_250 : memref<10112x64xf32, #tpu.memory_space<vmem_shared>>) offsets(%dma_start3A_247 : memref<256xi32, #tpu.memory_space<vmem>>) semaphore(%run_scoped3A_240 : memref<!tpu.dma_semaphore, #tpu.memory_space<semaphore_mem>>) {add = true}
        %dma_wait3A_251 = arith.constant 0 : i32
        %dma_wait3A_252 = arith.constant 0 : i32
        %dma_wait3A_253 = tpu.memref_slice %arg8[%run_scoped3A_238, %dma_wait3A_251, %dma_wait3A_252] : memref<2x256x64xf32, #tpu.memory_space<vmem>> -> memref<1x256x64xf32, #tpu.memory_space<vmem>>
        %dma_wait3A_254 = tpu.memref_squeeze %dma_wait3A_253 : memref<1x256x64xf32, #tpu.memory_space<vmem>> -> memref<256x64xf32, #tpu.memory_space<vmem>>
        %dma_wait3A_255 = arith.constant 0 : i32
        %dma_wait3A_256 = tpu.memref_slice %arg7[%run_scoped3A_239, %dma_wait3A_255] : memref<2x256xi32, #tpu.memory_space<vmem>> -> memref<1x256xi32, #tpu.memory_space<vmem>>
        %dma_wait3A_257 = tpu.memref_squeeze %dma_wait3A_256 : memref<1x256xi32, #tpu.memory_space<vmem>> -> memref<256xi32, #tpu.memory_space<vmem>>
        %dma_wait3A_258 = arith.constant 0 : i32
        %dma_wait3A_259 = arith.constant 0 : i32
        %dma_wait3A_260 = tpu.memref_slice %arg9[%dma_wait3A_258, %dma_wait3A_259] : memref<10112x64xf32, #tpu.memory_space<vmem_shared>> -> memref<10112x64xf32, #tpu.memory_space<vmem_shared>>
        tpu.wait_indirect_dma semaphore(%run_scoped3A_240 : memref<!tpu.dma_semaphore, #tpu.memory_space<semaphore_mem>>) src(%dma_wait3A_254 : memref<256x64xf32, #tpu.memory_space<vmem>>) dst(%dma_wait3A_260 : memref<10112x64xf32, #tpu.memory_space<vmem_shared>>)
        tpu.yield
      }) : () -> ()
    }
    %scan3A_153 = arith.constant 20 : i32
    %barrier3A_154 = arith.constant 0 : index
    tpu.barrier barrier_id(%barrier3A_154)
    %mul3A_155 = arith.constant 632 : i32
    %mul3A_156 = arith.muli %arg1, %mul3A_155 : i32
    %mul3A_157 = arith.constant 632 : i32
    %mul3A_158 = arith.muli %arg1, %mul3A_157 : i32
    "tpu.region"() ({
      %run_scoped3A = tpu.sem_alloc : memref<!tpu.dma_semaphore, #tpu.memory_space<semaphore_mem>>
      %dma_start3A_159 = arith.constant 0 : i32
      %dma_start3A_160 = tpu.memref_slice %arg5[%arg0, %mul3A_158, %dma_start3A_159] : memref<2x10112x64xf32, #tpu.memory_space<hbm>> -> memref<1x632x64xf32, #tpu.memory_space<hbm>>
      %dma_start3A_161 = tpu.memref_squeeze %dma_start3A_160 : memref<1x632x64xf32, #tpu.memory_space<hbm>> -> memref<632x64xf32, #tpu.memory_space<hbm>>
      %dma_start3A_162 = arith.constant 0 : i32
      %dma_start3A_163 = tpu.memref_slice %arg9[%mul3A_156, %dma_start3A_162] : memref<10112x64xf32, #tpu.memory_space<vmem_shared>> -> memref<632x64xf32, #tpu.memory_space<vmem_shared>>
      tpu.enqueue_dma source(%dma_start3A_163 : memref<632x64xf32, #tpu.memory_space<vmem_shared>>) target(%dma_start3A_161 : memref<632x64xf32, #tpu.memory_space<hbm>>) target_semaphore(%run_scoped3A : memref<!tpu.dma_semaphore, #tpu.memory_space<semaphore_mem>>)
      %dma_wait3A_164 = arith.constant 0 : i32
      %dma_wait3A_165 = tpu.memref_slice %arg5[%arg0, %mul3A_158, %dma_wait3A_164] : memref<2x10112x64xf32, #tpu.memory_space<hbm>> -> memref<1x632x64xf32, #tpu.memory_space<hbm>>
      %dma_wait3A_166 = tpu.memref_squeeze %dma_wait3A_165 : memref<1x632x64xf32, #tpu.memory_space<hbm>> -> memref<632x64xf32, #tpu.memory_space<hbm>>
      %dma_wait3A_167 = arith.constant 0 : i32
      %dma_wait3A_168 = tpu.memref_slice %arg9[%mul3A_156, %dma_wait3A_167] : memref<10112x64xf32, #tpu.memory_space<vmem_shared>> -> memref<632x64xf32, #tpu.memory_space<vmem_shared>>
      tpu.wait_dma2 semaphore(%run_scoped3A : memref<!tpu.dma_semaphore, #tpu.memory_space<semaphore_mem>>) src(%dma_wait3A_168 : memref<632x64xf32, #tpu.memory_space<vmem_shared>>) dst(%dma_wait3A_166 : memref<632x64xf32, #tpu.memory_space<hbm>>)
      tpu.yield
    }) : () -> ()
    return
  }
}

#map = affine_map<(d0, d1) -> (0, 0)>
#map1 = affine_map<(d0, d1) -> (0, 0, 0)>
module attributes {stable_mosaic.version = 14 : i64} {
  func.func @_sc_agg(%arg0: i32, %arg1: i32, %arg2: memref<10112x64xf32, #tpu.memory_space<hbm>>, %arg3: memref<32x40x256xi32, #tpu.memory_space<hbm>>, %arg4: memref<32x40x256xi32, #tpu.memory_space<hbm>>, %arg5: memref<2x10112x64xf32, #tpu.memory_space<hbm>>, %arg6: memref<40x256xi32, #tpu.memory_space<vmem>>, %arg7: memref<2x256xi32, #tpu.memory_space<vmem>>, %arg8: memref<2x256x64xf32, #tpu.memory_space<vmem>>, %arg9: memref<10112x64xf32, #tpu.memory_space<vmem_shared>>, %arg10: memref<10112x64xf32, #tpu.memory_space<vmem_shared>>, %arg11: memref<!tpu.dma_semaphore, #tpu.memory_space<semaphore_mem>>, %arg12: memref<!tpu.dma_semaphore, #tpu.memory_space<semaphore_mem>>, %arg13: memref<!tpu.dma_semaphore, #tpu.memory_space<semaphore_mem>>, %arg14: memref<!tpu.dma_semaphore, #tpu.memory_space<semaphore_mem>>) attributes {dimension_semantics = [#tpu.dimension_semantics<core_parallel>, #tpu.dimension_semantics<subcore_parallel>], iteration_bounds = array<i64: 2, 16>, scalar_prefetch = 0 : i64, scratch_operands = 9 : i64, tpu.core_type = #tpu.core_type<sc_vector_subcore>, window_params = [{transform_indices = #map}, {transform_indices = #map1}, {transform_indices = #map1}, {transform_indices = #map1}]} {
    %mul3A = arith.constant 2 : i32
    %mul3A_0 = arith.muli %arg1, %mul3A : i32
    %add3A = arith.addi %mul3A_0, %arg0 : i32
    %mul3A_1 = arith.constant 632 : i32
    %mul3A_2 = arith.muli %arg1, %mul3A_1 : i32
    %mul3A_3 = arith.constant 632 : i32
    %mul3A_4 = arith.muli %arg1, %mul3A_3 : i32
    %dma_start3A = arith.constant 0 : i32
    %dma_start3A_5 = tpu.memref_slice %arg10[%mul3A_4, %dma_start3A] : memref<10112x64xf32, #tpu.memory_space<vmem_shared>> -> memref<632x64xf32, #tpu.memory_space<vmem_shared>>
    %dma_start3A_6 = arith.constant 0 : i32
    %dma_start3A_7 = tpu.memref_slice %arg2[%mul3A_2, %dma_start3A_6] : memref<10112x64xf32, #tpu.memory_space<hbm>> -> memref<632x64xf32, #tpu.memory_space<hbm>>
    tpu.enqueue_dma source(%dma_start3A_7 : memref<632x64xf32, #tpu.memory_space<hbm>>) target(%dma_start3A_5 : memref<632x64xf32, #tpu.memory_space<vmem_shared>>) target_semaphore(%arg12 : memref<!tpu.dma_semaphore, #tpu.memory_space<semaphore_mem>>)
    %mul3A_8 = arith.constant 632 : i32
    %mul3A_9 = arith.muli %arg1, %mul3A_8 : i32
    %add3A_10 = arith.constant 0 : i32
    %add3A_11 = arith.addi %mul3A_9, %add3A_10 : i32
    %dma_start3A_12 = arith.constant 0 : i32
    %dma_start3A_13 = tpu.memref_slice %arg9[%add3A_11, %dma_start3A_12] : memref<10112x64xf32, #tpu.memory_space<vmem_shared>> -> memref<112x64xf32, #tpu.memory_space<vmem_shared>>
    %dma_start3A_14 = arith.constant 10000 : i32
    %dma_start3A_15 = arith.constant 0 : i32
    %dma_start3A_16 = tpu.memref_slice %arg2[%dma_start3A_14, %dma_start3A_15] : memref<10112x64xf32, #tpu.memory_space<hbm>> -> memref<112x64xf32, #tpu.memory_space<hbm>>
    tpu.enqueue_dma source(%dma_start3A_16 : memref<112x64xf32, #tpu.memory_space<hbm>>) target(%dma_start3A_13 : memref<112x64xf32, #tpu.memory_space<vmem_shared>>) target_semaphore(%arg14 : memref<!tpu.dma_semaphore, #tpu.memory_space<semaphore_mem>>)
    %mul3A_17 = arith.constant 632 : i32
    %mul3A_18 = arith.muli %arg1, %mul3A_17 : i32
    %add3A_19 = arith.constant 112 : i32
    %add3A_20 = arith.addi %mul3A_18, %add3A_19 : i32
    %dma_start3A_21 = arith.constant 0 : i32
    %dma_start3A_22 = tpu.memref_slice %arg9[%add3A_20, %dma_start3A_21] : memref<10112x64xf32, #tpu.memory_space<vmem_shared>> -> memref<112x64xf32, #tpu.memory_space<vmem_shared>>
    %dma_start3A_23 = arith.constant 10000 : i32
    %dma_start3A_24 = arith.constant 0 : i32
    %dma_start3A_25 = tpu.memref_slice %arg2[%dma_start3A_23, %dma_start3A_24] : memref<10112x64xf32, #tpu.memory_space<hbm>> -> memref<112x64xf32, #tpu.memory_space<hbm>>
    tpu.enqueue_dma source(%dma_start3A_25 : memref<112x64xf32, #tpu.memory_space<hbm>>) target(%dma_start3A_22 : memref<112x64xf32, #tpu.memory_space<vmem_shared>>) target_semaphore(%arg14 : memref<!tpu.dma_semaphore, #tpu.memory_space<semaphore_mem>>)
    %mul3A_26 = arith.constant 632 : i32
    %mul3A_27 = arith.muli %arg1, %mul3A_26 : i32
    %add3A_28 = arith.constant 224 : i32
    %add3A_29 = arith.addi %mul3A_27, %add3A_28 : i32
    %dma_start3A_30 = arith.constant 0 : i32
    %dma_start3A_31 = tpu.memref_slice %arg9[%add3A_29, %dma_start3A_30] : memref<10112x64xf32, #tpu.memory_space<vmem_shared>> -> memref<112x64xf32, #tpu.memory_space<vmem_shared>>
    %dma_start3A_32 = arith.constant 10000 : i32
    %dma_start3A_33 = arith.constant 0 : i32
    %dma_start3A_34 = tpu.memref_slice %arg2[%dma_start3A_32, %dma_start3A_33] : memref<10112x64xf32, #tpu.memory_space<hbm>> -> memref<112x64xf32, #tpu.memory_space<hbm>>
    tpu.enqueue_dma source(%dma_start3A_34 : memref<112x64xf32, #tpu.memory_space<hbm>>) target(%dma_start3A_31 : memref<112x64xf32, #tpu.memory_space<vmem_shared>>) target_semaphore(%arg14 : memref<!tpu.dma_semaphore, #tpu.memory_space<semaphore_mem>>)
    %mul3A_35 = arith.constant 632 : i32
    %mul3A_36 = arith.muli %arg1, %mul3A_35 : i32
    %add3A_37 = arith.constant 336 : i32
    %add3A_38 = arith.addi %mul3A_36, %add3A_37 : i32
    %dma_start3A_39 = arith.constant 0 : i32
    %dma_start3A_40 = tpu.memref_slice %arg9[%add3A_38, %dma_start3A_39] : memref<10112x64xf32, #tpu.memory_space<vmem_shared>> -> memref<112x64xf32, #tpu.memory_space<vmem_shared>>
    %dma_start3A_41 = arith.constant 10000 : i32
    %dma_start3A_42 = arith.constant 0 : i32
    %dma_start3A_43 = tpu.memref_slice %arg2[%dma_start3A_41, %dma_start3A_42] : memref<10112x64xf32, #tpu.memory_space<hbm>> -> memref<112x64xf32, #tpu.memory_space<hbm>>
    tpu.enqueue_dma source(%dma_start3A_43 : memref<112x64xf32, #tpu.memory_space<hbm>>) target(%dma_start3A_40 : memref<112x64xf32, #tpu.memory_space<vmem_shared>>) target_semaphore(%arg14 : memref<!tpu.dma_semaphore, #tpu.memory_space<semaphore_mem>>)
    %mul3A_44 = arith.constant 632 : i32
    %mul3A_45 = arith.muli %arg1, %mul3A_44 : i32
    %add3A_46 = arith.constant 448 : i32
    %add3A_47 = arith.addi %mul3A_45, %add3A_46 : i32
    %dma_start3A_48 = arith.constant 0 : i32
    %dma_start3A_49 = tpu.memref_slice %arg9[%add3A_47, %dma_start3A_48] : memref<10112x64xf32, #tpu.memory_space<vmem_shared>> -> memref<112x64xf32, #tpu.memory_space<vmem_shared>>
    %dma_start3A_50 = arith.constant 10000 : i32
    %dma_start3A_51 = arith.constant 0 : i32
    %dma_start3A_52 = tpu.memref_slice %arg2[%dma_start3A_50, %dma_start3A_51] : memref<10112x64xf32, #tpu.memory_space<hbm>> -> memref<112x64xf32, #tpu.memory_space<hbm>>
    tpu.enqueue_dma source(%dma_start3A_52 : memref<112x64xf32, #tpu.memory_space<hbm>>) target(%dma_start3A_49 : memref<112x64xf32, #tpu.memory_space<vmem_shared>>) target_semaphore(%arg14 : memref<!tpu.dma_semaphore, #tpu.memory_space<semaphore_mem>>)
    %mul3A_53 = arith.constant 632 : i32
    %mul3A_54 = arith.muli %arg1, %mul3A_53 : i32
    %add3A_55 = arith.constant 560 : i32
    %add3A_56 = arith.addi %mul3A_54, %add3A_55 : i32
    %dma_start3A_57 = arith.constant 0 : i32
    %dma_start3A_58 = tpu.memref_slice %arg9[%add3A_56, %dma_start3A_57] : memref<10112x64xf32, #tpu.memory_space<vmem_shared>> -> memref<72x64xf32, #tpu.memory_space<vmem_shared>>
    %dma_start3A_59 = arith.constant 10000 : i32
    %dma_start3A_60 = arith.constant 0 : i32
    %dma_start3A_61 = tpu.memref_slice %arg2[%dma_start3A_59, %dma_start3A_60] : memref<10112x64xf32, #tpu.memory_space<hbm>> -> memref<72x64xf32, #tpu.memory_space<hbm>>
    tpu.enqueue_dma source(%dma_start3A_61 : memref<72x64xf32, #tpu.memory_space<hbm>>) target(%dma_start3A_58 : memref<72x64xf32, #tpu.memory_space<vmem_shared>>) target_semaphore(%arg14 : memref<!tpu.dma_semaphore, #tpu.memory_space<semaphore_mem>>)
    "tpu.region"() ({
      %run_scoped3A = tpu.sem_alloc : memref<!tpu.dma_semaphore, #tpu.memory_space<semaphore_mem>>
      %dma_start3A_159 = arith.constant 0 : i32
      %dma_start3A_160 = arith.constant 0 : i32
      %dma_start3A_161 = tpu.memref_slice %arg3[%add3A, %dma_start3A_159, %dma_start3A_160] : memref<32x40x256xi32, #tpu.memory_space<hbm>> -> memref<1x40x256xi32, #tpu.memory_space<hbm>>
      %dma_start3A_162 = tpu.memref_squeeze %dma_start3A_161 : memref<1x40x256xi32, #tpu.memory_space<hbm>> -> memref<40x256xi32, #tpu.memory_space<hbm>>
      %dma_start3A_163 = arith.constant 0 : i32
      %dma_start3A_164 = arith.constant 0 : i32
      %dma_start3A_165 = tpu.memref_slice %arg3[%add3A, %dma_start3A_163, %dma_start3A_164] : memref<32x40x256xi32, #tpu.memory_space<hbm>> -> memref<1x40x256xi32, #tpu.memory_space<hbm>>
      %dma_start3A_166 = tpu.memref_squeeze %dma_start3A_165 : memref<1x40x256xi32, #tpu.memory_space<hbm>> -> memref<40x256xi32, #tpu.memory_space<hbm>>
      tpu.enqueue_dma source(%dma_start3A_166 : memref<40x256xi32, #tpu.memory_space<hbm>>) target(%arg6 : memref<40x256xi32, #tpu.memory_space<vmem>>) target_semaphore(%run_scoped3A : memref<!tpu.dma_semaphore, #tpu.memory_space<semaphore_mem>>)
      %dma_wait3A_167 = arith.constant 0 : i32
      %dma_wait3A_168 = arith.constant 0 : i32
      %dma_wait3A_169 = tpu.memref_slice %arg3[%add3A, %dma_wait3A_167, %dma_wait3A_168] : memref<32x40x256xi32, #tpu.memory_space<hbm>> -> memref<1x40x256xi32, #tpu.memory_space<hbm>>
      %dma_wait3A_170 = tpu.memref_squeeze %dma_wait3A_169 : memref<1x40x256xi32, #tpu.memory_space<hbm>> -> memref<40x256xi32, #tpu.memory_space<hbm>>
      %dma_wait3A_171 = arith.constant 0 : i32
      %dma_wait3A_172 = arith.constant 0 : i32
      %dma_wait3A_173 = tpu.memref_slice %arg3[%add3A, %dma_wait3A_171, %dma_wait3A_172] : memref<32x40x256xi32, #tpu.memory_space<hbm>> -> memref<1x40x256xi32, #tpu.memory_space<hbm>>
      %dma_wait3A_174 = tpu.memref_squeeze %dma_wait3A_173 : memref<1x40x256xi32, #tpu.memory_space<hbm>> -> memref<40x256xi32, #tpu.memory_space<hbm>>
      tpu.wait_dma2 semaphore(%run_scoped3A : memref<!tpu.dma_semaphore, #tpu.memory_space<semaphore_mem>>) src(%dma_wait3A_174 : memref<40x256xi32, #tpu.memory_space<hbm>>) dst(%arg6 : memref<40x256xi32, #tpu.memory_space<vmem>>)
      tpu.yield
    }) : () -> ()
    %dma_start3A_62 = arith.constant 0 : i32
    %dma_start3A_63 = arith.constant 0 : i32
    %dma_start3A_64 = arith.constant 0 : i32
    %dma_start3A_65 = tpu.memref_slice %arg7[%dma_start3A_63, %dma_start3A_64] : memref<2x256xi32, #tpu.memory_space<vmem>> -> memref<1x256xi32, #tpu.memory_space<vmem>>
    %dma_start3A_66 = tpu.memref_squeeze %dma_start3A_65 : memref<1x256xi32, #tpu.memory_space<vmem>> -> memref<256xi32, #tpu.memory_space<vmem>>
    %dma_start3A_67 = arith.constant 0 : i32
    %dma_start3A_68 = tpu.memref_slice %arg4[%add3A, %dma_start3A_62, %dma_start3A_67] : memref<32x40x256xi32, #tpu.memory_space<hbm>> -> memref<1x1x256xi32, #tpu.memory_space<hbm>>
    %dma_start3A_69 = tpu.memref_squeeze %dma_start3A_68 : memref<1x1x256xi32, #tpu.memory_space<hbm>> -> memref<256xi32, #tpu.memory_space<hbm>>
    %dma_start3A_70 = arith.constant 0 : i32
    %dma_start3A_71 = tpu.memref_slice %arg7[%dma_start3A_63, %dma_start3A_70] : memref<2x256xi32, #tpu.memory_space<vmem>> -> memref<1x256xi32, #tpu.memory_space<vmem>>
    %dma_start3A_72 = tpu.memref_squeeze %dma_start3A_71 : memref<1x256xi32, #tpu.memory_space<vmem>> -> memref<256xi32, #tpu.memory_space<vmem>>
    %dma_start3A_73 = arith.constant 0 : i32
    %dma_start3A_74 = tpu.memref_slice %arg4[%add3A, %dma_start3A_62, %dma_start3A_73] : memref<32x40x256xi32, #tpu.memory_space<hbm>> -> memref<1x1x256xi32, #tpu.memory_space<hbm>>
    %dma_start3A_75 = tpu.memref_squeeze %dma_start3A_74 : memref<1x1x256xi32, #tpu.memory_space<hbm>> -> memref<256xi32, #tpu.memory_space<hbm>>
    tpu.enqueue_dma source(%dma_start3A_75 : memref<256xi32, #tpu.memory_space<hbm>>) target(%dma_start3A_72 : memref<256xi32, #tpu.memory_space<vmem>>) target_semaphore(%arg13 : memref<!tpu.dma_semaphore, #tpu.memory_space<semaphore_mem>>)
    %mul3A_76 = arith.constant 632 : i32
    %mul3A_77 = arith.muli %arg1, %mul3A_76 : i32
    %add3A_78 = arith.constant 0 : i32
    %add3A_79 = arith.addi %mul3A_77, %add3A_78 : i32
    %dma_wait3A = arith.constant 0 : i32
    %dma_wait3A_80 = tpu.memref_slice %arg9[%add3A_79, %dma_wait3A] : memref<10112x64xf32, #tpu.memory_space<vmem_shared>> -> memref<112x64xf32, #tpu.memory_space<vmem_shared>>
    %dma_wait3A_81 = arith.constant 10000 : i32
    %dma_wait3A_82 = arith.constant 0 : i32
    %dma_wait3A_83 = tpu.memref_slice %arg2[%dma_wait3A_81, %dma_wait3A_82] : memref<10112x64xf32, #tpu.memory_space<hbm>> -> memref<112x64xf32, #tpu.memory_space<hbm>>
    tpu.wait_dma2 semaphore(%arg14 : memref<!tpu.dma_semaphore, #tpu.memory_space<semaphore_mem>>) src(%dma_wait3A_83 : memref<112x64xf32, #tpu.memory_space<hbm>>) dst(%dma_wait3A_80 : memref<112x64xf32, #tpu.memory_space<vmem_shared>>)
    %mul3A_84 = arith.constant 632 : i32
    %mul3A_85 = arith.muli %arg1, %mul3A_84 : i32
    %add3A_86 = arith.constant 112 : i32
    %add3A_87 = arith.addi %mul3A_85, %add3A_86 : i32
    %dma_wait3A_88 = arith.constant 0 : i32
    %dma_wait3A_89 = tpu.memref_slice %arg9[%add3A_87, %dma_wait3A_88] : memref<10112x64xf32, #tpu.memory_space<vmem_shared>> -> memref<112x64xf32, #tpu.memory_space<vmem_shared>>
    %dma_wait3A_90 = arith.constant 10000 : i32
    %dma_wait3A_91 = arith.constant 0 : i32
    %dma_wait3A_92 = tpu.memref_slice %arg2[%dma_wait3A_90, %dma_wait3A_91] : memref<10112x64xf32, #tpu.memory_space<hbm>> -> memref<112x64xf32, #tpu.memory_space<hbm>>
    tpu.wait_dma2 semaphore(%arg14 : memref<!tpu.dma_semaphore, #tpu.memory_space<semaphore_mem>>) src(%dma_wait3A_92 : memref<112x64xf32, #tpu.memory_space<hbm>>) dst(%dma_wait3A_89 : memref<112x64xf32, #tpu.memory_space<vmem_shared>>)
    %mul3A_93 = arith.constant 632 : i32
    %mul3A_94 = arith.muli %arg1, %mul3A_93 : i32
    %add3A_95 = arith.constant 224 : i32
    %add3A_96 = arith.addi %mul3A_94, %add3A_95 : i32
    %dma_wait3A_97 = arith.constant 0 : i32
    %dma_wait3A_98 = tpu.memref_slice %arg9[%add3A_96, %dma_wait3A_97] : memref<10112x64xf32, #tpu.memory_space<vmem_shared>> -> memref<112x64xf32, #tpu.memory_space<vmem_shared>>
    %dma_wait3A_99 = arith.constant 10000 : i32
    %dma_wait3A_100 = arith.constant 0 : i32
    %dma_wait3A_101 = tpu.memref_slice %arg2[%dma_wait3A_99, %dma_wait3A_100] : memref<10112x64xf32, #tpu.memory_space<hbm>> -> memref<112x64xf32, #tpu.memory_space<hbm>>
    tpu.wait_dma2 semaphore(%arg14 : memref<!tpu.dma_semaphore, #tpu.memory_space<semaphore_mem>>) src(%dma_wait3A_101 : memref<112x64xf32, #tpu.memory_space<hbm>>) dst(%dma_wait3A_98 : memref<112x64xf32, #tpu.memory_space<vmem_shared>>)
    %mul3A_102 = arith.constant 632 : i32
    %mul3A_103 = arith.muli %arg1, %mul3A_102 : i32
    %add3A_104 = arith.constant 336 : i32
    %add3A_105 = arith.addi %mul3A_103, %add3A_104 : i32
    %dma_wait3A_106 = arith.constant 0 : i32
    %dma_wait3A_107 = tpu.memref_slice %arg9[%add3A_105, %dma_wait3A_106] : memref<10112x64xf32, #tpu.memory_space<vmem_shared>> -> memref<112x64xf32, #tpu.memory_space<vmem_shared>>
    %dma_wait3A_108 = arith.constant 10000 : i32
    %dma_wait3A_109 = arith.constant 0 : i32
    %dma_wait3A_110 = tpu.memref_slice %arg2[%dma_wait3A_108, %dma_wait3A_109] : memref<10112x64xf32, #tpu.memory_space<hbm>> -> memref<112x64xf32, #tpu.memory_space<hbm>>
    tpu.wait_dma2 semaphore(%arg14 : memref<!tpu.dma_semaphore, #tpu.memory_space<semaphore_mem>>) src(%dma_wait3A_110 : memref<112x64xf32, #tpu.memory_space<hbm>>) dst(%dma_wait3A_107 : memref<112x64xf32, #tpu.memory_space<vmem_shared>>)
    %mul3A_111 = arith.constant 632 : i32
    %mul3A_112 = arith.muli %arg1, %mul3A_111 : i32
    %add3A_113 = arith.constant 448 : i32
    %add3A_114 = arith.addi %mul3A_112, %add3A_113 : i32
    %dma_wait3A_115 = arith.constant 0 : i32
    %dma_wait3A_116 = tpu.memref_slice %arg9[%add3A_114, %dma_wait3A_115] : memref<10112x64xf32, #tpu.memory_space<vmem_shared>> -> memref<112x64xf32, #tpu.memory_space<vmem_shared>>
    %dma_wait3A_117 = arith.constant 10000 : i32
    %dma_wait3A_118 = arith.constant 0 : i32
    %dma_wait3A_119 = tpu.memref_slice %arg2[%dma_wait3A_117, %dma_wait3A_118] : memref<10112x64xf32, #tpu.memory_space<hbm>> -> memref<112x64xf32, #tpu.memory_space<hbm>>
    tpu.wait_dma2 semaphore(%arg14 : memref<!tpu.dma_semaphore, #tpu.memory_space<semaphore_mem>>) src(%dma_wait3A_119 : memref<112x64xf32, #tpu.memory_space<hbm>>) dst(%dma_wait3A_116 : memref<112x64xf32, #tpu.memory_space<vmem_shared>>)
    %mul3A_120 = arith.constant 632 : i32
    %mul3A_121 = arith.muli %arg1, %mul3A_120 : i32
    %add3A_122 = arith.constant 560 : i32
    %add3A_123 = arith.addi %mul3A_121, %add3A_122 : i32
    %dma_wait3A_124 = arith.constant 0 : i32
    %dma_wait3A_125 = tpu.memref_slice %arg9[%add3A_123, %dma_wait3A_124] : memref<10112x64xf32, #tpu.memory_space<vmem_shared>> -> memref<72x64xf32, #tpu.memory_space<vmem_shared>>
    %dma_wait3A_126 = arith.constant 10000 : i32
    %dma_wait3A_127 = arith.constant 0 : i32
    %dma_wait3A_128 = tpu.memref_slice %arg2[%dma_wait3A_126, %dma_wait3A_127] : memref<10112x64xf32, #tpu.memory_space<hbm>> -> memref<72x64xf32, #tpu.memory_space<hbm>>
    tpu.wait_dma2 semaphore(%arg14 : memref<!tpu.dma_semaphore, #tpu.memory_space<semaphore_mem>>) src(%dma_wait3A_128 : memref<72x64xf32, #tpu.memory_space<hbm>>) dst(%dma_wait3A_125 : memref<72x64xf32, #tpu.memory_space<vmem_shared>>)
    %mul3A_129 = arith.constant 632 : i32
    %mul3A_130 = arith.muli %arg1, %mul3A_129 : i32
    %mul3A_131 = arith.constant 632 : i32
    %mul3A_132 = arith.muli %arg1, %mul3A_131 : i32
    %dma_wait3A_133 = arith.constant 0 : i32
    %dma_wait3A_134 = tpu.memref_slice %arg10[%mul3A_132, %dma_wait3A_133] : memref<10112x64xf32, #tpu.memory_space<vmem_shared>> -> memref<632x64xf32, #tpu.memory_space<vmem_shared>>
    %dma_wait3A_135 = arith.constant 0 : i32
    %dma_wait3A_136 = tpu.memref_slice %arg2[%mul3A_130, %dma_wait3A_135] : memref<10112x64xf32, #tpu.memory_space<hbm>> -> memref<632x64xf32, #tpu.memory_space<hbm>>
    tpu.wait_dma2 semaphore(%arg12 : memref<!tpu.dma_semaphore, #tpu.memory_space<semaphore_mem>>) src(%dma_wait3A_136 : memref<632x64xf32, #tpu.memory_space<hbm>>) dst(%dma_wait3A_134 : memref<632x64xf32, #tpu.memory_space<vmem_shared>>)
    %barrier3A = arith.constant 0 : index
    tpu.barrier barrier_id(%barrier3A)
    %dma_start3A_137 = arith.constant 0 : i32
    %dma_start3A_138 = arith.constant 0 : i32
    %dma_start3A_139 = arith.constant 0 : i32
    %dma_start3A_140 = arith.constant 0 : i32
    %dma_start3A_141 = tpu.memref_slice %arg8[%dma_start3A_138, %dma_start3A_139, %dma_start3A_140] : memref<2x256x64xf32, #tpu.memory_space<vmem>> -> memref<1x256x64xf32, #tpu.memory_space<vmem>>
    %dma_start3A_142 = tpu.memref_squeeze %dma_start3A_141 : memref<1x256x64xf32, #tpu.memory_space<vmem>> -> memref<256x64xf32, #tpu.memory_space<vmem>>
    %dma_start3A_143 = arith.constant 0 : i32
    %dma_start3A_144 = tpu.memref_slice %arg6[%dma_start3A_137, %dma_start3A_143] : memref<40x256xi32, #tpu.memory_space<vmem>> -> memref<1x256xi32, #tpu.memory_space<vmem>>
    %dma_start3A_145 = tpu.memref_squeeze %dma_start3A_144 : memref<1x256xi32, #tpu.memory_space<vmem>> -> memref<256xi32, #tpu.memory_space<vmem>>
    %dma_start3A_146 = arith.constant 0 : i32
    %dma_start3A_147 = arith.constant 0 : i32
    %dma_start3A_148 = tpu.memref_slice %arg10[%dma_start3A_146, %dma_start3A_147] : memref<10112x64xf32, #tpu.memory_space<vmem_shared>> -> memref<10112x64xf32, #tpu.memory_space<vmem_shared>>
    tpu.enqueue_indirect_dma source(%dma_start3A_148 : memref<10112x64xf32, #tpu.memory_space<vmem_shared>>) target(%dma_start3A_142 : memref<256x64xf32, #tpu.memory_space<vmem>>) offsets(%dma_start3A_145 : memref<256xi32, #tpu.memory_space<vmem>>) semaphore(%arg11 : memref<!tpu.dma_semaphore, #tpu.memory_space<semaphore_mem>>)
    %scan3A = arith.constant 0 : i32
    %scan3A_149 = arith.constant 0 : i32
    %scan3A_150 = arith.constant 20 : i32
    %scan3A_151 = arith.addi %scan3A_149, %scan3A_150 : i32
    %scan3A_152 = arith.constant 1 : i32
    scf.for %scan3A_159 = %scan3A_149 to %scan3A_151 step %scan3A_152  : i32 {
      %mul3A_160 = arith.constant 2 : i32
      %mul3A_161 = arith.muli %scan3A_159, %mul3A_160 : i32
      %add3A_162 = arith.constant 0 : i32
      %add3A_163 = arith.addi %mul3A_161, %add3A_162 : i32
      %add3A_164 = arith.constant 1 : i32
      %add3A_165 = arith.addi %add3A_163, %add3A_164 : i32
      %dma_wait3A_166 = arith.constant 0 : i32
      %dma_wait3A_167 = arith.constant 0 : i32
      %dma_wait3A_168 = arith.constant 0 : i32
      %dma_wait3A_169 = tpu.memref_slice %arg8[%dma_wait3A_166, %dma_wait3A_167, %dma_wait3A_168] : memref<2x256x64xf32, #tpu.memory_space<vmem>> -> memref<1x256x64xf32, #tpu.memory_space<vmem>>
      %dma_wait3A_170 = tpu.memref_squeeze %dma_wait3A_169 : memref<1x256x64xf32, #tpu.memory_space<vmem>> -> memref<256x64xf32, #tpu.memory_space<vmem>>
      %dma_wait3A_171 = arith.constant 0 : i32
      %dma_wait3A_172 = arith.constant 0 : i32
      %dma_wait3A_173 = tpu.memref_slice %arg10[%dma_wait3A_171, %dma_wait3A_172] : memref<10112x64xf32, #tpu.memory_space<vmem_shared>> -> memref<256x64xf32, #tpu.memory_space<vmem_shared>>
      %dma_wait3A_174 = arith.constant 0 : i32
      %dma_wait3A_175 = arith.constant 0 : i32
      %dma_wait3A_176 = tpu.memref_slice %arg8[%dma_wait3A_166, %dma_wait3A_174, %dma_wait3A_175] : memref<2x256x64xf32, #tpu.memory_space<vmem>> -> memref<1x256x64xf32, #tpu.memory_space<vmem>>
      %dma_wait3A_177 = tpu.memref_squeeze %dma_wait3A_176 : memref<1x256x64xf32, #tpu.memory_space<vmem>> -> memref<256x64xf32, #tpu.memory_space<vmem>>
      %dma_wait3A_178 = arith.constant 0 : i32
      %dma_wait3A_179 = arith.constant 0 : i32
      %dma_wait3A_180 = tpu.memref_slice %arg10[%dma_wait3A_178, %dma_wait3A_179] : memref<10112x64xf32, #tpu.memory_space<vmem_shared>> -> memref<256x64xf32, #tpu.memory_space<vmem_shared>>
      tpu.wait_dma2 semaphore(%arg11 : memref<!tpu.dma_semaphore, #tpu.memory_space<semaphore_mem>>) src(%dma_wait3A_180 : memref<256x64xf32, #tpu.memory_space<vmem_shared>>) dst(%dma_wait3A_177 : memref<256x64xf32, #tpu.memory_space<vmem>>)
      %lt3A = arith.constant 40 : i32
      %lt3A_181 = arith.cmpi slt, %add3A_165, %lt3A : i32
      %convert_element_type3A = arith.extui %lt3A_181 : i1 to i32
      %cond3A = arith.constant 0 : i32
      %cond3A_182 = arith.cmpi ne, %convert_element_type3A, %cond3A : i32
      scf.if %cond3A_182 {
        %dma_start3A_240 = arith.constant 1 : i32
        %dma_start3A_241 = arith.constant 0 : i32
        %dma_start3A_242 = arith.constant 0 : i32
        %dma_start3A_243 = tpu.memref_slice %arg8[%dma_start3A_240, %dma_start3A_241, %dma_start3A_242] : memref<2x256x64xf32, #tpu.memory_space<vmem>> -> memref<1x256x64xf32, #tpu.memory_space<vmem>>
        %dma_start3A_244 = tpu.memref_squeeze %dma_start3A_243 : memref<1x256x64xf32, #tpu.memory_space<vmem>> -> memref<256x64xf32, #tpu.memory_space<vmem>>
        %dma_start3A_245 = arith.constant 0 : i32
        %dma_start3A_246 = tpu.memref_slice %arg6[%add3A_165, %dma_start3A_245] : memref<40x256xi32, #tpu.memory_space<vmem>> -> memref<1x256xi32, #tpu.memory_space<vmem>>
        %dma_start3A_247 = tpu.memref_squeeze %dma_start3A_246 : memref<1x256xi32, #tpu.memory_space<vmem>> -> memref<256xi32, #tpu.memory_space<vmem>>
        %dma_start3A_248 = arith.constant 0 : i32
        %dma_start3A_249 = arith.constant 0 : i32
        %dma_start3A_250 = tpu.memref_slice %arg10[%dma_start3A_248, %dma_start3A_249] : memref<10112x64xf32, #tpu.memory_space<vmem_shared>> -> memref<10112x64xf32, #tpu.memory_space<vmem_shared>>
        tpu.enqueue_indirect_dma source(%dma_start3A_250 : memref<10112x64xf32, #tpu.memory_space<vmem_shared>>) target(%dma_start3A_244 : memref<256x64xf32, #tpu.memory_space<vmem>>) offsets(%dma_start3A_247 : memref<256xi32, #tpu.memory_space<vmem>>) semaphore(%arg11 : memref<!tpu.dma_semaphore, #tpu.memory_space<semaphore_mem>>)
        %dma_start3A_251 = arith.constant 1 : i32
        %dma_start3A_252 = arith.constant 0 : i32
        %dma_start3A_253 = tpu.memref_slice %arg7[%dma_start3A_251, %dma_start3A_252] : memref<2x256xi32, #tpu.memory_space<vmem>> -> memref<1x256xi32, #tpu.memory_space<vmem>>
        %dma_start3A_254 = tpu.memref_squeeze %dma_start3A_253 : memref<1x256xi32, #tpu.memory_space<vmem>> -> memref<256xi32, #tpu.memory_space<vmem>>
        %dma_start3A_255 = arith.constant 0 : i32
        %dma_start3A_256 = tpu.memref_slice %arg4[%add3A, %add3A_165, %dma_start3A_255] : memref<32x40x256xi32, #tpu.memory_space<hbm>> -> memref<1x1x256xi32, #tpu.memory_space<hbm>>
        %dma_start3A_257 = tpu.memref_squeeze %dma_start3A_256 : memref<1x1x256xi32, #tpu.memory_space<hbm>> -> memref<256xi32, #tpu.memory_space<hbm>>
        %dma_start3A_258 = arith.constant 0 : i32
        %dma_start3A_259 = tpu.memref_slice %arg7[%dma_start3A_251, %dma_start3A_258] : memref<2x256xi32, #tpu.memory_space<vmem>> -> memref<1x256xi32, #tpu.memory_space<vmem>>
        %dma_start3A_260 = tpu.memref_squeeze %dma_start3A_259 : memref<1x256xi32, #tpu.memory_space<vmem>> -> memref<256xi32, #tpu.memory_space<vmem>>
        %dma_start3A_261 = arith.constant 0 : i32
        %dma_start3A_262 = tpu.memref_slice %arg4[%add3A, %add3A_165, %dma_start3A_261] : memref<32x40x256xi32, #tpu.memory_space<hbm>> -> memref<1x1x256xi32, #tpu.memory_space<hbm>>
        %dma_start3A_263 = tpu.memref_squeeze %dma_start3A_262 : memref<1x1x256xi32, #tpu.memory_space<hbm>> -> memref<256xi32, #tpu.memory_space<hbm>>
        tpu.enqueue_dma source(%dma_start3A_263 : memref<256xi32, #tpu.memory_space<hbm>>) target(%dma_start3A_260 : memref<256xi32, #tpu.memory_space<vmem>>) target_semaphore(%arg13 : memref<!tpu.dma_semaphore, #tpu.memory_space<semaphore_mem>>)
      } else {
      }
      %dma_wait3A_183 = arith.constant 0 : i32
      %dma_wait3A_184 = arith.constant 0 : i32
      %dma_wait3A_185 = arith.constant 0 : i32
      %dma_wait3A_186 = tpu.memref_slice %arg7[%dma_wait3A_184, %dma_wait3A_185] : memref<2x256xi32, #tpu.memory_space<vmem>> -> memref<1x256xi32, #tpu.memory_space<vmem>>
      %dma_wait3A_187 = tpu.memref_squeeze %dma_wait3A_186 : memref<1x256xi32, #tpu.memory_space<vmem>> -> memref<256xi32, #tpu.memory_space<vmem>>
      %dma_wait3A_188 = arith.constant 0 : i32
      %dma_wait3A_189 = tpu.memref_slice %arg4[%add3A, %dma_wait3A_183, %dma_wait3A_188] : memref<32x40x256xi32, #tpu.memory_space<hbm>> -> memref<1x1x256xi32, #tpu.memory_space<hbm>>
      %dma_wait3A_190 = tpu.memref_squeeze %dma_wait3A_189 : memref<1x1x256xi32, #tpu.memory_space<hbm>> -> memref<256xi32, #tpu.memory_space<hbm>>
      %dma_wait3A_191 = arith.constant 0 : i32
      %dma_wait3A_192 = tpu.memref_slice %arg7[%dma_wait3A_184, %dma_wait3A_191] : memref<2x256xi32, #tpu.memory_space<vmem>> -> memref<1x256xi32, #tpu.memory_space<vmem>>
      %dma_wait3A_193 = tpu.memref_squeeze %dma_wait3A_192 : memref<1x256xi32, #tpu.memory_space<vmem>> -> memref<256xi32, #tpu.memory_space<vmem>>
      %dma_wait3A_194 = arith.constant 0 : i32
      %dma_wait3A_195 = tpu.memref_slice %arg4[%add3A, %dma_wait3A_183, %dma_wait3A_194] : memref<32x40x256xi32, #tpu.memory_space<hbm>> -> memref<1x1x256xi32, #tpu.memory_space<hbm>>
      %dma_wait3A_196 = tpu.memref_squeeze %dma_wait3A_195 : memref<1x1x256xi32, #tpu.memory_space<hbm>> -> memref<256xi32, #tpu.memory_space<hbm>>
      tpu.wait_dma2 semaphore(%arg13 : memref<!tpu.dma_semaphore, #tpu.memory_space<semaphore_mem>>) src(%dma_wait3A_196 : memref<256xi32, #tpu.memory_space<hbm>>) dst(%dma_wait3A_193 : memref<256xi32, #tpu.memory_space<vmem>>)
      %run_scoped3A = arith.constant 0 : i32
      %run_scoped3A_197 = arith.constant 0 : i32
      "tpu.region"() ({
        %run_scoped3A_240 = tpu.sem_alloc : memref<!tpu.dma_semaphore, #tpu.memory_space<semaphore_mem>>
        %dma_start3A_241 = arith.constant 0 : i32
        %dma_start3A_242 = arith.constant 0 : i32
        %dma_start3A_243 = tpu.memref_slice %arg8[%run_scoped3A, %dma_start3A_241, %dma_start3A_242] : memref<2x256x64xf32, #tpu.memory_space<vmem>> -> memref<1x256x64xf32, #tpu.memory_space<vmem>>
        %dma_start3A_244 = tpu.memref_squeeze %dma_start3A_243 : memref<1x256x64xf32, #tpu.memory_space<vmem>> -> memref<256x64xf32, #tpu.memory_space<vmem>>
        %dma_start3A_245 = arith.constant 0 : i32
        %dma_start3A_246 = tpu.memref_slice %arg7[%run_scoped3A_197, %dma_start3A_245] : memref<2x256xi32, #tpu.memory_space<vmem>> -> memref<1x256xi32, #tpu.memory_space<vmem>>
        %dma_start3A_247 = tpu.memref_squeeze %dma_start3A_246 : memref<1x256xi32, #tpu.memory_space<vmem>> -> memref<256xi32, #tpu.memory_space<vmem>>
        %dma_start3A_248 = arith.constant 0 : i32
        %dma_start3A_249 = arith.constant 0 : i32
        %dma_start3A_250 = tpu.memref_slice %arg9[%dma_start3A_248, %dma_start3A_249] : memref<10112x64xf32, #tpu.memory_space<vmem_shared>> -> memref<10112x64xf32, #tpu.memory_space<vmem_shared>>
        tpu.enqueue_indirect_dma source(%dma_start3A_244 : memref<256x64xf32, #tpu.memory_space<vmem>>) target(%dma_start3A_250 : memref<10112x64xf32, #tpu.memory_space<vmem_shared>>) offsets(%dma_start3A_247 : memref<256xi32, #tpu.memory_space<vmem>>) semaphore(%run_scoped3A_240 : memref<!tpu.dma_semaphore, #tpu.memory_space<semaphore_mem>>) {add = true}
        %dma_wait3A_251 = arith.constant 0 : i32
        %dma_wait3A_252 = arith.constant 0 : i32
        %dma_wait3A_253 = tpu.memref_slice %arg8[%run_scoped3A, %dma_wait3A_251, %dma_wait3A_252] : memref<2x256x64xf32, #tpu.memory_space<vmem>> -> memref<1x256x64xf32, #tpu.memory_space<vmem>>
        %dma_wait3A_254 = tpu.memref_squeeze %dma_wait3A_253 : memref<1x256x64xf32, #tpu.memory_space<vmem>> -> memref<256x64xf32, #tpu.memory_space<vmem>>
        %dma_wait3A_255 = arith.constant 0 : i32
        %dma_wait3A_256 = tpu.memref_slice %arg7[%run_scoped3A_197, %dma_wait3A_255] : memref<2x256xi32, #tpu.memory_space<vmem>> -> memref<1x256xi32, #tpu.memory_space<vmem>>
        %dma_wait3A_257 = tpu.memref_squeeze %dma_wait3A_256 : memref<1x256xi32, #tpu.memory_space<vmem>> -> memref<256xi32, #tpu.memory_space<vmem>>
        %dma_wait3A_258 = arith.constant 0 : i32
        %dma_wait3A_259 = arith.constant 0 : i32
        %dma_wait3A_260 = tpu.memref_slice %arg9[%dma_wait3A_258, %dma_wait3A_259] : memref<10112x64xf32, #tpu.memory_space<vmem_shared>> -> memref<10112x64xf32, #tpu.memory_space<vmem_shared>>
        tpu.wait_indirect_dma semaphore(%run_scoped3A_240 : memref<!tpu.dma_semaphore, #tpu.memory_space<semaphore_mem>>) src(%dma_wait3A_254 : memref<256x64xf32, #tpu.memory_space<vmem>>) dst(%dma_wait3A_260 : memref<10112x64xf32, #tpu.memory_space<vmem_shared>>)
        tpu.yield
      }) : () -> ()
      %mul3A_198 = arith.constant 2 : i32
      %mul3A_199 = arith.muli %scan3A_159, %mul3A_198 : i32
      %add3A_200 = arith.constant 1 : i32
      %add3A_201 = arith.addi %mul3A_199, %add3A_200 : i32
      %add3A_202 = arith.constant 1 : i32
      %add3A_203 = arith.addi %add3A_201, %add3A_202 : i32
      %dma_wait3A_204 = arith.constant 1 : i32
      %dma_wait3A_205 = arith.constant 0 : i32
      %dma_wait3A_206 = arith.constant 0 : i32
      %dma_wait3A_207 = tpu.memref_slice %arg8[%dma_wait3A_204, %dma_wait3A_205, %dma_wait3A_206] : memref<2x256x64xf32, #tpu.memory_space<vmem>> -> memref<1x256x64xf32, #tpu.memory_space<vmem>>
      %dma_wait3A_208 = tpu.memref_squeeze %dma_wait3A_207 : memref<1x256x64xf32, #tpu.memory_space<vmem>> -> memref<256x64xf32, #tpu.memory_space<vmem>>
      %dma_wait3A_209 = arith.constant 0 : i32
      %dma_wait3A_210 = arith.constant 0 : i32
      %dma_wait3A_211 = tpu.memref_slice %arg10[%dma_wait3A_209, %dma_wait3A_210] : memref<10112x64xf32, #tpu.memory_space<vmem_shared>> -> memref<256x64xf32, #tpu.memory_space<vmem_shared>>
      %dma_wait3A_212 = arith.constant 0 : i32
      %dma_wait3A_213 = arith.constant 0 : i32
      %dma_wait3A_214 = tpu.memref_slice %arg8[%dma_wait3A_204, %dma_wait3A_212, %dma_wait3A_213] : memref<2x256x64xf32, #tpu.memory_space<vmem>> -> memref<1x256x64xf32, #tpu.memory_space<vmem>>
      %dma_wait3A_215 = tpu.memref_squeeze %dma_wait3A_214 : memref<1x256x64xf32, #tpu.memory_space<vmem>> -> memref<256x64xf32, #tpu.memory_space<vmem>>
      %dma_wait3A_216 = arith.constant 0 : i32
      %dma_wait3A_217 = arith.constant 0 : i32
      %dma_wait3A_218 = tpu.memref_slice %arg10[%dma_wait3A_216, %dma_wait3A_217] : memref<10112x64xf32, #tpu.memory_space<vmem_shared>> -> memref<256x64xf32, #tpu.memory_space<vmem_shared>>
      tpu.wait_dma2 semaphore(%arg11 : memref<!tpu.dma_semaphore, #tpu.memory_space<semaphore_mem>>) src(%dma_wait3A_218 : memref<256x64xf32, #tpu.memory_space<vmem_shared>>) dst(%dma_wait3A_215 : memref<256x64xf32, #tpu.memory_space<vmem>>)
      %lt3A_219 = arith.constant 40 : i32
      %lt3A_220 = arith.cmpi slt, %add3A_203, %lt3A_219 : i32
      %convert_element_type3A_221 = arith.extui %lt3A_220 : i1 to i32
      %cond3A_222 = arith.constant 0 : i32
      %cond3A_223 = arith.cmpi ne, %convert_element_type3A_221, %cond3A_222 : i32
      scf.if %cond3A_223 {
        %dma_start3A_240 = arith.constant 0 : i32
        %dma_start3A_241 = arith.constant 0 : i32
        %dma_start3A_242 = arith.constant 0 : i32
        %dma_start3A_243 = tpu.memref_slice %arg8[%dma_start3A_240, %dma_start3A_241, %dma_start3A_242] : memref<2x256x64xf32, #tpu.memory_space<vmem>> -> memref<1x256x64xf32, #tpu.memory_space<vmem>>
        %dma_start3A_244 = tpu.memref_squeeze %dma_start3A_243 : memref<1x256x64xf32, #tpu.memory_space<vmem>> -> memref<256x64xf32, #tpu.memory_space<vmem>>
        %dma_start3A_245 = arith.constant 0 : i32
        %dma_start3A_246 = tpu.memref_slice %arg6[%add3A_203, %dma_start3A_245] : memref<40x256xi32, #tpu.memory_space<vmem>> -> memref<1x256xi32, #tpu.memory_space<vmem>>
        %dma_start3A_247 = tpu.memref_squeeze %dma_start3A_246 : memref<1x256xi32, #tpu.memory_space<vmem>> -> memref<256xi32, #tpu.memory_space<vmem>>
        %dma_start3A_248 = arith.constant 0 : i32
        %dma_start3A_249 = arith.constant 0 : i32
        %dma_start3A_250 = tpu.memref_slice %arg10[%dma_start3A_248, %dma_start3A_249] : memref<10112x64xf32, #tpu.memory_space<vmem_shared>> -> memref<10112x64xf32, #tpu.memory_space<vmem_shared>>
        tpu.enqueue_indirect_dma source(%dma_start3A_250 : memref<10112x64xf32, #tpu.memory_space<vmem_shared>>) target(%dma_start3A_244 : memref<256x64xf32, #tpu.memory_space<vmem>>) offsets(%dma_start3A_247 : memref<256xi32, #tpu.memory_space<vmem>>) semaphore(%arg11 : memref<!tpu.dma_semaphore, #tpu.memory_space<semaphore_mem>>)
        %dma_start3A_251 = arith.constant 0 : i32
        %dma_start3A_252 = arith.constant 0 : i32
        %dma_start3A_253 = tpu.memref_slice %arg7[%dma_start3A_251, %dma_start3A_252] : memref<2x256xi32, #tpu.memory_space<vmem>> -> memref<1x256xi32, #tpu.memory_space<vmem>>
        %dma_start3A_254 = tpu.memref_squeeze %dma_start3A_253 : memref<1x256xi32, #tpu.memory_space<vmem>> -> memref<256xi32, #tpu.memory_space<vmem>>
        %dma_start3A_255 = arith.constant 0 : i32
        %dma_start3A_256 = tpu.memref_slice %arg4[%add3A, %add3A_203, %dma_start3A_255] : memref<32x40x256xi32, #tpu.memory_space<hbm>> -> memref<1x1x256xi32, #tpu.memory_space<hbm>>
        %dma_start3A_257 = tpu.memref_squeeze %dma_start3A_256 : memref<1x1x256xi32, #tpu.memory_space<hbm>> -> memref<256xi32, #tpu.memory_space<hbm>>
        %dma_start3A_258 = arith.constant 0 : i32
        %dma_start3A_259 = tpu.memref_slice %arg7[%dma_start3A_251, %dma_start3A_258] : memref<2x256xi32, #tpu.memory_space<vmem>> -> memref<1x256xi32, #tpu.memory_space<vmem>>
        %dma_start3A_260 = tpu.memref_squeeze %dma_start3A_259 : memref<1x256xi32, #tpu.memory_space<vmem>> -> memref<256xi32, #tpu.memory_space<vmem>>
        %dma_start3A_261 = arith.constant 0 : i32
        %dma_start3A_262 = tpu.memref_slice %arg4[%add3A, %add3A_203, %dma_start3A_261] : memref<32x40x256xi32, #tpu.memory_space<hbm>> -> memref<1x1x256xi32, #tpu.memory_space<hbm>>
        %dma_start3A_263 = tpu.memref_squeeze %dma_start3A_262 : memref<1x1x256xi32, #tpu.memory_space<hbm>> -> memref<256xi32, #tpu.memory_space<hbm>>
        tpu.enqueue_dma source(%dma_start3A_263 : memref<256xi32, #tpu.memory_space<hbm>>) target(%dma_start3A_260 : memref<256xi32, #tpu.memory_space<vmem>>) target_semaphore(%arg13 : memref<!tpu.dma_semaphore, #tpu.memory_space<semaphore_mem>>)
      } else {
      }
      %dma_wait3A_224 = arith.constant 0 : i32
      %dma_wait3A_225 = arith.constant 1 : i32
      %dma_wait3A_226 = arith.constant 0 : i32
      %dma_wait3A_227 = tpu.memref_slice %arg7[%dma_wait3A_225, %dma_wait3A_226] : memref<2x256xi32, #tpu.memory_space<vmem>> -> memref<1x256xi32, #tpu.memory_space<vmem>>
      %dma_wait3A_228 = tpu.memref_squeeze %dma_wait3A_227 : memref<1x256xi32, #tpu.memory_space<vmem>> -> memref<256xi32, #tpu.memory_space<vmem>>
      %dma_wait3A_229 = arith.constant 0 : i32
      %dma_wait3A_230 = tpu.memref_slice %arg4[%add3A, %dma_wait3A_224, %dma_wait3A_229] : memref<32x40x256xi32, #tpu.memory_space<hbm>> -> memref<1x1x256xi32, #tpu.memory_space<hbm>>
      %dma_wait3A_231 = tpu.memref_squeeze %dma_wait3A_230 : memref<1x1x256xi32, #tpu.memory_space<hbm>> -> memref<256xi32, #tpu.memory_space<hbm>>
      %dma_wait3A_232 = arith.constant 0 : i32
      %dma_wait3A_233 = tpu.memref_slice %arg7[%dma_wait3A_225, %dma_wait3A_232] : memref<2x256xi32, #tpu.memory_space<vmem>> -> memref<1x256xi32, #tpu.memory_space<vmem>>
      %dma_wait3A_234 = tpu.memref_squeeze %dma_wait3A_233 : memref<1x256xi32, #tpu.memory_space<vmem>> -> memref<256xi32, #tpu.memory_space<vmem>>
      %dma_wait3A_235 = arith.constant 0 : i32
      %dma_wait3A_236 = tpu.memref_slice %arg4[%add3A, %dma_wait3A_224, %dma_wait3A_235] : memref<32x40x256xi32, #tpu.memory_space<hbm>> -> memref<1x1x256xi32, #tpu.memory_space<hbm>>
      %dma_wait3A_237 = tpu.memref_squeeze %dma_wait3A_236 : memref<1x1x256xi32, #tpu.memory_space<hbm>> -> memref<256xi32, #tpu.memory_space<hbm>>
      tpu.wait_dma2 semaphore(%arg13 : memref<!tpu.dma_semaphore, #tpu.memory_space<semaphore_mem>>) src(%dma_wait3A_237 : memref<256xi32, #tpu.memory_space<hbm>>) dst(%dma_wait3A_234 : memref<256xi32, #tpu.memory_space<vmem>>)
      %run_scoped3A_238 = arith.constant 1 : i32
      %run_scoped3A_239 = arith.constant 1 : i32
      "tpu.region"() ({
        %run_scoped3A_240 = tpu.sem_alloc : memref<!tpu.dma_semaphore, #tpu.memory_space<semaphore_mem>>
        %dma_start3A_241 = arith.constant 0 : i32
        %dma_start3A_242 = arith.constant 0 : i32
        %dma_start3A_243 = tpu.memref_slice %arg8[%run_scoped3A_238, %dma_start3A_241, %dma_start3A_242] : memref<2x256x64xf32, #tpu.memory_space<vmem>> -> memref<1x256x64xf32, #tpu.memory_space<vmem>>
        %dma_start3A_244 = tpu.memref_squeeze %dma_start3A_243 : memref<1x256x64xf32, #tpu.memory_space<vmem>> -> memref<256x64xf32, #tpu.memory_space<vmem>>
        %dma_start3A_245 = arith.constant 0 : i32
        %dma_start3A_246 = tpu.memref_slice %arg7[%run_scoped3A_239, %dma_start3A_245] : memref<2x256xi32, #tpu.memory_space<vmem>> -> memref<1x256xi32, #tpu.memory_space<vmem>>
        %dma_start3A_247 = tpu.memref_squeeze %dma_start3A_246 : memref<1x256xi32, #tpu.memory_space<vmem>> -> memref<256xi32, #tpu.memory_space<vmem>>
        %dma_start3A_248 = arith.constant 0 : i32
        %dma_start3A_249 = arith.constant 0 : i32
        %dma_start3A_250 = tpu.memref_slice %arg9[%dma_start3A_248, %dma_start3A_249] : memref<10112x64xf32, #tpu.memory_space<vmem_shared>> -> memref<10112x64xf32, #tpu.memory_space<vmem_shared>>
        tpu.enqueue_indirect_dma source(%dma_start3A_244 : memref<256x64xf32, #tpu.memory_space<vmem>>) target(%dma_start3A_250 : memref<10112x64xf32, #tpu.memory_space<vmem_shared>>) offsets(%dma_start3A_247 : memref<256xi32, #tpu.memory_space<vmem>>) semaphore(%run_scoped3A_240 : memref<!tpu.dma_semaphore, #tpu.memory_space<semaphore_mem>>) {add = true}
        %dma_wait3A_251 = arith.constant 0 : i32
        %dma_wait3A_252 = arith.constant 0 : i32
        %dma_wait3A_253 = tpu.memref_slice %arg8[%run_scoped3A_238, %dma_wait3A_251, %dma_wait3A_252] : memref<2x256x64xf32, #tpu.memory_space<vmem>> -> memref<1x256x64xf32, #tpu.memory_space<vmem>>
        %dma_wait3A_254 = tpu.memref_squeeze %dma_wait3A_253 : memref<1x256x64xf32, #tpu.memory_space<vmem>> -> memref<256x64xf32, #tpu.memory_space<vmem>>
        %dma_wait3A_255 = arith.constant 0 : i32
        %dma_wait3A_256 = tpu.memref_slice %arg7[%run_scoped3A_239, %dma_wait3A_255] : memref<2x256xi32, #tpu.memory_space<vmem>> -> memref<1x256xi32, #tpu.memory_space<vmem>>
        %dma_wait3A_257 = tpu.memref_squeeze %dma_wait3A_256 : memref<1x256xi32, #tpu.memory_space<vmem>> -> memref<256xi32, #tpu.memory_space<vmem>>
        %dma_wait3A_258 = arith.constant 0 : i32
        %dma_wait3A_259 = arith.constant 0 : i32
        %dma_wait3A_260 = tpu.memref_slice %arg9[%dma_wait3A_258, %dma_wait3A_259] : memref<10112x64xf32, #tpu.memory_space<vmem_shared>> -> memref<10112x64xf32, #tpu.memory_space<vmem_shared>>
        tpu.wait_indirect_dma semaphore(%run_scoped3A_240 : memref<!tpu.dma_semaphore, #tpu.memory_space<semaphore_mem>>) src(%dma_wait3A_254 : memref<256x64xf32, #tpu.memory_space<vmem>>) dst(%dma_wait3A_260 : memref<10112x64xf32, #tpu.memory_space<vmem_shared>>)
        tpu.yield
      }) : () -> ()
    }
    %scan3A_153 = arith.constant 20 : i32
    %barrier3A_154 = arith.constant 0 : index
    tpu.barrier barrier_id(%barrier3A_154)
    %mul3A_155 = arith.constant 632 : i32
    %mul3A_156 = arith.muli %arg1, %mul3A_155 : i32
    %mul3A_157 = arith.constant 632 : i32
    %mul3A_158 = arith.muli %arg1, %mul3A_157 : i32
    "tpu.region"() ({
      %run_scoped3A = tpu.sem_alloc : memref<!tpu.dma_semaphore, #tpu.memory_space<semaphore_mem>>
      %dma_start3A_159 = arith.constant 0 : i32
      %dma_start3A_160 = tpu.memref_slice %arg5[%arg0, %mul3A_158, %dma_start3A_159] : memref<2x10112x64xf32, #tpu.memory_space<hbm>> -> memref<1x632x64xf32, #tpu.memory_space<hbm>>
      %dma_start3A_161 = tpu.memref_squeeze %dma_start3A_160 : memref<1x632x64xf32, #tpu.memory_space<hbm>> -> memref<632x64xf32, #tpu.memory_space<hbm>>
      %dma_start3A_162 = arith.constant 0 : i32
      %dma_start3A_163 = tpu.memref_slice %arg9[%mul3A_156, %dma_start3A_162] : memref<10112x64xf32, #tpu.memory_space<vmem_shared>> -> memref<632x64xf32, #tpu.memory_space<vmem_shared>>
      tpu.enqueue_dma source(%dma_start3A_163 : memref<632x64xf32, #tpu.memory_space<vmem_shared>>) target(%dma_start3A_161 : memref<632x64xf32, #tpu.memory_space<hbm>>) target_semaphore(%run_scoped3A : memref<!tpu.dma_semaphore, #tpu.memory_space<semaphore_mem>>)
      %dma_wait3A_164 = arith.constant 0 : i32
      %dma_wait3A_165 = tpu.memref_slice %arg5[%arg0, %mul3A_158, %dma_wait3A_164] : memref<2x10112x64xf32, #tpu.memory_space<hbm>> -> memref<1x632x64xf32, #tpu.memory_space<hbm>>
      %dma_wait3A_166 = tpu.memref_squeeze %dma_wait3A_165 : memref<1x632x64xf32, #tpu.memory_space<hbm>> -> memref<632x64xf32, #tpu.memory_space<hbm>>
      %dma_wait3A_167 = arith.constant 0 : i32
      %dma_wait3A_168 = tpu.memref_slice %arg9[%mul3A_156, %dma_wait3A_167] : memref<10112x64xf32, #tpu.memory_space<vmem_shared>> -> memref<632x64xf32, #tpu.memory_space<vmem_shared>>
      tpu.wait_dma2 semaphore(%run_scoped3A : memref<!tpu.dma_semaphore, #tpu.memory_space<semaphore_mem>>) src(%dma_wait3A_168 : memref<632x64xf32, #tpu.memory_space<vmem_shared>>) dst(%dma_wait3A_166 : memref<632x64xf32, #tpu.memory_space<hbm>>)
      tpu.yield
    }) : () -> ()
    return
  }
}

module attributes {stable_mosaic.version = 14 : i64} {
  func.func @_tc_first_body(%arg0: i32, %arg1: memref<2528x128xf32, #tpu.memory_space<vmem>>, %arg2: memref<128x64xf32, #tpu.memory_space<vmem>>, %arg3: memref<2528x64xf32, #tpu.memory_space<vmem>>) attributes {dimension_semantics = [#tpu.dimension_semantics<arbitrary>], iteration_bounds = array<i64: 4>, scalar_prefetch = 0 : i64, scratch_operands = 0 : i64, tpu.core_type = #tpu.core_type<tc>, window_params = [{transform_indices = @transform_0, window_bounds = array<i64: 2528, 128>}, {pipeline_mode = #tpu.pipeline_mode<synchronous>, transform_indices = @transform_1, window_bounds = array<i64: 128, 64>}, {transform_indices = @transform_2, window_bounds = array<i64: 2528, 64>}]} {
    %get3A = arith.constant 0 : index
    %get3A_0 = arith.constant 0 : index
    %get3A_1 = vector.load %arg1[%get3A, %get3A_0] : memref<2528x128xf32, #tpu.memory_space<vmem>>, vector<2528x128xf32>
    %get3A_2 = arith.constant 0 : index
    %get3A_3 = arith.constant 0 : index
    %get3A_4 = vector.load %arg2[%get3A_2, %get3A_3] : memref<128x64xf32, #tpu.memory_space<vmem>>, vector<128x64xf32>
    %dot_general3A = arith.constant dense<0.000000e+00> : vector<2528x64xf32>
    %dot_general3A_5 = tpu.matmul %get3A_1, %get3A_4, %dot_general3A {dimension_numbers = #tpu.dot_dimension_numbers<[1], [0], [0], [1], [0, 0, 1, 1], [], []>, transpose_lhs_hint = false} : vector<2528x128xf32>, vector<128x64xf32>, vector<2528x64xf32> -> vector<2528x64xf32>
    %swap3A = arith.constant 0 : index
    %swap3A_6 = arith.constant 0 : index
    %swap3A_7 = vector.load %arg3[%swap3A, %swap3A_6] : memref<2528x64xf32, #tpu.memory_space<vmem>>, vector<2528x64xf32>
    tpu.vector_store %arg3[%swap3A, %swap3A_6], %dot_general3A_5 {strides = array<i32>} : memref<2528x64xf32, #tpu.memory_space<vmem>>, vector<2528x64xf32>,
    return
  }
  func.func @transform_0(%arg0: i32) -> (i32, i32) {
    %c0_i32 = arith.constant 0 : i32
    %c0_i32_0 = arith.constant 0 : i32
    return %arg0, %c0_i32 : i32, i32
  }
  func.func @transform_1(%arg0: i32) -> (i32, i32) {
    %c0_i32 = arith.constant 0 : i32
    %c0_i32_0 = arith.constant 0 : i32
    %c0_i32_1 = arith.constant 0 : i32
    return %c0_i32, %c0_i32_0 : i32, i32
  }
  func.func @transform_2(%arg0: i32) -> (i32, i32) {
    %c0_i32 = arith.constant 0 : i32
    %c0_i32_0 = arith.constant 0 : i32
    return %arg0, %c0_i32 : i32, i32
  }
}

module attributes {stable_mosaic.version = 14 : i64} {
  func.func @_tc_mid_body(%arg0: i32, %arg1: memref<2528x64xf32, #tpu.memory_space<vmem>>, %arg2: memref<2x2528x64xf32, #tpu.memory_space<vmem>>, %arg3: memref<1x64xf32, #tpu.memory_space<vmem>>, %arg4: memref<64x64xf32, #tpu.memory_space<vmem>>, %arg5: memref<1x64xf32, #tpu.memory_space<vmem>>, %arg6: memref<64x64xf32, #tpu.memory_space<vmem>>, %arg7: memref<2528x64xf32, #tpu.memory_space<vmem>>) attributes {dimension_semantics = [#tpu.dimension_semantics<arbitrary>], iteration_bounds = array<i64: 4>, scalar_prefetch = 0 : i64, scratch_operands = 0 : i64, tpu.core_type = #tpu.core_type<tc>, window_params = [{transform_indices = @transform_0, window_bounds = array<i64: 2528, 64>}, {transform_indices = @transform_1, window_bounds = array<i64: 2, 2528, 64>}, {pipeline_mode = #tpu.pipeline_mode<synchronous>, transform_indices = @transform_2, window_bounds = array<i64: 1, 64>}, {pipeline_mode = #tpu.pipeline_mode<synchronous>, transform_indices = @transform_3, window_bounds = array<i64: 64, 64>}, {pipeline_mode = #tpu.pipeline_mode<synchronous>, transform_indices = @transform_4, window_bounds = array<i64: 1, 64>}, {pipeline_mode = #tpu.pipeline_mode<synchronous>, transform_indices = @transform_5, window_bounds = array<i64: 64, 64>}, {transform_indices = @transform_6, window_bounds = array<i64: 2528, 64>}]} {
    %get3A = arith.constant 0 : index
    %get3A_0 = arith.constant 0 : index
    %get3A_1 = vector.load %arg1[%get3A, %get3A_0] : memref<2528x64xf32, #tpu.memory_space<vmem>>, vector<2528x64xf32>
    %get3A_2 = arith.constant 0 : index
    %get3A_3 = arith.constant 0 : index
    %get3A_4 = arith.constant 0 : index
    %get3A_5 = vector.load %arg2[%get3A_2, %get3A_3, %get3A_4] : memref<2x2528x64xf32, #tpu.memory_space<vmem>>, vector<1x2528x64xf32>
    %get3A_6 = vector.shape_cast %get3A_5 : vector<1x2528x64xf32> to vector<2528x64xf32>
    %add3A = arith.addf %get3A_1, %get3A_6 : vector<2528x64xf32>
    %get3A_7 = arith.constant 1 : index
    %get3A_8 = arith.constant 0 : index
    %get3A_9 = arith.constant 0 : index
    %get3A_10 = vector.load %arg2[%get3A_7, %get3A_8, %get3A_9] : memref<2x2528x64xf32, #tpu.memory_space<vmem>>, vector<1x2528x64xf32>
    %get3A_11 = vector.shape_cast %get3A_10 : vector<1x2528x64xf32> to vector<2528x64xf32>
    %add3A_12 = arith.addf %add3A, %get3A_11 : vector<2528x64xf32>
    %get3A_13 = arith.constant 0 : index
    %get3A_14 = arith.constant 0 : index
    %get3A_15 = vector.load %arg3[%get3A_13, %get3A_14] : memref<1x64xf32, #tpu.memory_space<vmem>>, vector<1x64xf32>
    %add3A_16 = vector.broadcast %get3A_15 : vector<1x64xf32> to vector<2528x64xf32>
    %add3A_17 = arith.addf %add3A_12, %add3A_16 : vector<2528x64xf32>
    %max3A = arith.constant 0.000000e+00 : f32
    %max3A_18 = vector.broadcast %max3A : f32 to vector<2528x64xf32>
    %max3A_19 = arith.maximumf %add3A_17, %max3A_18 : vector<2528x64xf32>
    %get3A_20 = arith.constant 0 : index
    %get3A_21 = arith.constant 0 : index
    %get3A_22 = vector.load %arg4[%get3A_20, %get3A_21] : memref<64x64xf32, #tpu.memory_space<vmem>>, vector<64x64xf32>
    %dot_general3A = arith.constant dense<0.000000e+00> : vector<2528x64xf32>
    %dot_general3A_23 = tpu.matmul %max3A_19, %get3A_22, %dot_general3A {dimension_numbers = #tpu.dot_dimension_numbers<[1], [0], [0], [1], [0, 0, 1, 1], [], []>, transpose_lhs_hint = false} : vector<2528x64xf32>, vector<64x64xf32>, vector<2528x64xf32> -> vector<2528x64xf32>
    %get3A_24 = arith.constant 0 : index
    %get3A_25 = arith.constant 0 : index
    %get3A_26 = vector.load %arg5[%get3A_24, %get3A_25] : memref<1x64xf32, #tpu.memory_space<vmem>>, vector<1x64xf32>
    %add3A_27 = vector.broadcast %get3A_26 : vector<1x64xf32> to vector<2528x64xf32>
    %add3A_28 = arith.addf %dot_general3A_23, %add3A_27 : vector<2528x64xf32>
    %max3A_29 = arith.constant 0.000000e+00 : f32
    %max3A_30 = vector.broadcast %max3A_29 : f32 to vector<2528x64xf32>
    %max3A_31 = arith.maximumf %add3A_28, %max3A_30 : vector<2528x64xf32>
    %get3A_32 = arith.constant 0 : index
    %get3A_33 = arith.constant 0 : index
    %get3A_34 = vector.load %arg6[%get3A_32, %get3A_33] : memref<64x64xf32, #tpu.memory_space<vmem>>, vector<64x64xf32>
    %dot_general3A_35 = arith.constant dense<0.000000e+00> : vector<2528x64xf32>
    %dot_general3A_36 = tpu.matmul %max3A_31, %get3A_34, %dot_general3A_35 {dimension_numbers = #tpu.dot_dimension_numbers<[1], [0], [0], [1], [0, 0, 1, 1], [], []>, transpose_lhs_hint = false} : vector<2528x64xf32>, vector<64x64xf32>, vector<2528x64xf32> -> vector<2528x64xf32>
    %mul3A = arith.constant 2528 : i32
    %mul3A_37 = arith.muli %arg0, %mul3A : i32
    %iota3A = tpu.iota {dimensions = array<i32: 0>} : vector<2528x1xi32>
    %add3A_38 = vector.broadcast %mul3A_37 : i32 to vector<2528x1xi32>
    %add3A_39 = arith.addi %add3A_38, %iota3A : vector<2528x1xi32>
    %lt3A = arith.constant 10000 : i32
    %lt3A_40 = vector.broadcast %lt3A : i32 to vector<2528x1xi32>
    %lt3A_41 = arith.cmpi slt, %add3A_39, %lt3A_40 : vector<2528x1xi32>
    %jit3A = arith.constant 0.000000e+00 : f32
    %broadcast_in_dim3A = vector.shape_cast %lt3A_41 : vector<2528x1xi1> to vector<2528x1xi1>
    %broadcast_in_dim3A_42 = vector.broadcast %broadcast_in_dim3A : vector<2528x1xi1> to vector<2528x64xi1>
    %broadcast_in_dim3A_43 = vector.broadcast %jit3A : f32 to vector<2528x64xf32>
    %select_n3A = arith.select %broadcast_in_dim3A_42, %dot_general3A_36, %broadcast_in_dim3A_43 : vector<2528x64xi1>, vector<2528x64xf32>
    %swap3A = arith.constant 0 : index
    %swap3A_44 = arith.constant 0 : index
    %swap3A_45 = vector.load %arg7[%swap3A, %swap3A_44] : memref<2528x64xf32, #tpu.memory_space<vmem>>, vector<2528x64xf32>
    tpu.vector_store %arg7[%swap3A, %swap3A_44], %select_n3A {strides = array<i32>} : memref<2528x64xf32, #tpu.memory_space<vmem>>, vector<2528x64xf32>,
    return
  }
  func.func @transform_0(%arg0: i32) -> (i32, i32) {
    %c0_i32 = arith.constant 0 : i32
    %c0_i32_0 = arith.constant 0 : i32
    return %arg0, %c0_i32 : i32, i32
  }
  func.func @transform_1(%arg0: i32) -> (i32, i32, i32) {
    %c0_i32 = arith.constant 0 : i32
    %c0_i32_0 = arith.constant 0 : i32
    %c0_i32_1 = arith.constant 0 : i32
    return %c0_i32, %arg0, %c0_i32_0 : i32, i32, i32
  }
  func.func @transform_2(%arg0: i32) -> (i32, i32) {
    %c0_i32 = arith.constant 0 : i32
    %c0_i32_0 = arith.constant 0 : i32
    %c0_i32_1 = arith.constant 0 : i32
    return %c0_i32, %c0_i32_0 : i32, i32
  }
  func.func @transform_3(%arg0: i32) -> (i32, i32) {
    %c0_i32 = arith.constant 0 : i32
    %c0_i32_0 = arith.constant 0 : i32
    %c0_i32_1 = arith.constant 0 : i32
    return %c0_i32, %c0_i32_0 : i32, i32
  }
  func.func @transform_4(%arg0: i32) -> (i32, i32) {
    %c0_i32 = arith.constant 0 : i32
    %c0_i32_0 = arith.constant 0 : i32
    %c0_i32_1 = arith.constant 0 : i32
    return %c0_i32, %c0_i32_0 : i32, i32
  }
  func.func @transform_5(%arg0: i32) -> (i32, i32) {
    %c0_i32 = arith.constant 0 : i32
    %c0_i32_0 = arith.constant 0 : i32
    %c0_i32_1 = arith.constant 0 : i32
    return %c0_i32, %c0_i32_0 : i32, i32
  }
  func.func @transform_6(%arg0: i32) -> (i32, i32) {
    %c0_i32 = arith.constant 0 : i32
    %c0_i32_0 = arith.constant 0 : i32
    return %arg0, %c0_i32 : i32, i32
  }
}

module attributes {stable_mosaic.version = 14 : i64} {
  func.func @_tc_final_body(%arg0: i32, %arg1: memref<2528x64xf32, #tpu.memory_space<vmem>>, %arg2: memref<2x2528x64xf32, #tpu.memory_space<vmem>>, %arg3: memref<1x64xf32, #tpu.memory_space<vmem>>, %arg4: memref<64x64xf32, #tpu.memory_space<vmem>>, %arg5: memref<1x64xf32, #tpu.memory_space<vmem>>, %arg6: memref<1x1x2528xi32, #tpu.memory_space<vmem>>, %arg7: memref<64x64xf32, #tpu.memory_space<vmem>>, %arg8: memref<1x64xf32, #tpu.memory_space<vmem>>, %arg9: memref<64x64xf32, #tpu.memory_space<vmem>>, %arg10: memref<1x64xf32, #tpu.memory_space<vmem>>, %arg11: memref<256x64xf32, #tpu.memory_space<vmem>>, %arg12: memref<256x64xf32, #tpu.memory_space<vmem>>) attributes {dimension_semantics = [#tpu.dimension_semantics<arbitrary>], iteration_bounds = array<i64: 4>, scalar_prefetch = 0 : i64, scratch_operands = 1 : i64, tpu.core_type = #tpu.core_type<tc>, window_params = [{transform_indices = @transform_0, window_bounds = array<i64: 2528, 64>}, {transform_indices = @transform_1, window_bounds = array<i64: 2, 2528, 64>}, {pipeline_mode = #tpu.pipeline_mode<synchronous>, transform_indices = @transform_2, window_bounds = array<i64: 1, 64>}, {pipeline_mode = #tpu.pipeline_mode<synchronous>, transform_indices = @transform_3, window_bounds = array<i64: 64, 64>}, {pipeline_mode = #tpu.pipeline_mode<synchronous>, transform_indices = @transform_4, window_bounds = array<i64: 1, 64>}, {transform_indices = @transform_5, window_bounds = array<i64: 1, 1, 2528>}, {pipeline_mode = #tpu.pipeline_mode<synchronous>, transform_indices = @transform_6, window_bounds = array<i64: 64, 64>}, {pipeline_mode = #tpu.pipeline_mode<synchronous>, transform_indices = @transform_7, window_bounds = array<i64: 1, 64>}, {pipeline_mode = #tpu.pipeline_mode<synchronous>, transform_indices = @transform_8, window_bounds = array<i64: 64, 64>}, {pipeline_mode = #tpu.pipeline_mode<synchronous>, transform_indices = @transform_9, window_bounds = array<i64: 1, 64>}, {pipeline_mode = #tpu.pipeline_mode<synchronous>, transform_indices = @transform_10, window_bounds = array<i64: 256, 64>}]} {
    %eq3A = arith.constant 0 : i32
    %eq3A_0 = arith.cmpi eq, %arg0, %eq3A : i32
    %convert_element_type3A = arith.extui %eq3A_0 : i1 to i32
    %cond3A = arith.constant 0 : i32
    %cond3A_1 = arith.cmpi ne, %convert_element_type3A, %cond3A : i32
    scf.if %cond3A_1 {
      %broadcast_in_dim3A_65 = arith.constant 0.000000e+00 : f32
      %broadcast_in_dim3A_66 = vector.broadcast %broadcast_in_dim3A_65 : f32 to vector<256x64xf32>
      %swap3A_67 = arith.constant 0 : index
      %swap3A_68 = arith.constant 0 : index
      %swap3A_69 = vector.load %arg12[%swap3A_67, %swap3A_68] : memref<256x64xf32, #tpu.memory_space<vmem>>, vector<256x64xf32>
      tpu.vector_store %arg12[%swap3A_67, %swap3A_68], %broadcast_in_dim3A_66 {strides = array<i32>} : memref<256x64xf32, #tpu.memory_space<vmem>>, vector<256x64xf32>,
    } else {
    }
    %get3A = arith.constant 0 : index
    %get3A_2 = arith.constant 0 : index
    %get3A_3 = vector.load %arg1[%get3A, %get3A_2] : memref<2528x64xf32, #tpu.memory_space<vmem>>, vector<2528x64xf32>
    %get3A_4 = arith.constant 0 : index
    %get3A_5 = arith.constant 0 : index
    %get3A_6 = arith.constant 0 : index
    %get3A_7 = vector.load %arg2[%get3A_4, %get3A_5, %get3A_6] : memref<2x2528x64xf32, #tpu.memory_space<vmem>>, vector<1x2528x64xf32>
    %get3A_8 = vector.shape_cast %get3A_7 : vector<1x2528x64xf32> to vector<2528x64xf32>
    %add3A = arith.addf %get3A_3, %get3A_8 : vector<2528x64xf32>
    %get3A_9 = arith.constant 1 : index
    %get3A_10 = arith.constant 0 : index
    %get3A_11 = arith.constant 0 : index
    %get3A_12 = vector.load %arg2[%get3A_9, %get3A_10, %get3A_11] : memref<2x2528x64xf32, #tpu.memory_space<vmem>>, vector<1x2528x64xf32>
    %get3A_13 = vector.shape_cast %get3A_12 : vector<1x2528x64xf32> to vector<2528x64xf32>
    %add3A_14 = arith.addf %add3A, %get3A_13 : vector<2528x64xf32>
    %get3A_15 = arith.constant 0 : index
    %get3A_16 = arith.constant 0 : index
    %get3A_17 = vector.load %arg3[%get3A_15, %get3A_16] : memref<1x64xf32, #tpu.memory_space<vmem>>, vector<1x64xf32>
    %add3A_18 = vector.broadcast %get3A_17 : vector<1x64xf32> to vector<2528x64xf32>
    %add3A_19 = arith.addf %add3A_14, %add3A_18 : vector<2528x64xf32>
    %max3A = arith.constant 0.000000e+00 : f32
    %max3A_20 = vector.broadcast %max3A : f32 to vector<2528x64xf32>
    %max3A_21 = arith.maximumf %add3A_19, %max3A_20 : vector<2528x64xf32>
    %get3A_22 = arith.constant 0 : index
    %get3A_23 = arith.constant 0 : index
    %get3A_24 = vector.load %arg4[%get3A_22, %get3A_23] : memref<64x64xf32, #tpu.memory_space<vmem>>, vector<64x64xf32>
    %dot_general3A = arith.constant dense<0.000000e+00> : vector<2528x64xf32>
    %dot_general3A_25 = tpu.matmul %max3A_21, %get3A_24, %dot_general3A {dimension_numbers = #tpu.dot_dimension_numbers<[1], [0], [0], [1], [0, 0, 1, 1], [], []>, transpose_lhs_hint = false} : vector<2528x64xf32>, vector<64x64xf32>, vector<2528x64xf32> -> vector<2528x64xf32>
    %get3A_26 = arith.constant 0 : index
    %get3A_27 = arith.constant 0 : index
    %get3A_28 = vector.load %arg5[%get3A_26, %get3A_27] : memref<1x64xf32, #tpu.memory_space<vmem>>, vector<1x64xf32>
    %add3A_29 = vector.broadcast %get3A_28 : vector<1x64xf32> to vector<2528x64xf32>
    %add3A_30 = arith.addf %dot_general3A_25, %add3A_29 : vector<2528x64xf32>
    %max3A_31 = arith.constant 0.000000e+00 : f32
    %max3A_32 = vector.broadcast %max3A_31 : f32 to vector<2528x64xf32>
    %max3A_33 = arith.maximumf %add3A_30, %max3A_32 : vector<2528x64xf32>
    %mul3A = arith.constant 2528 : i32
    %mul3A_34 = arith.muli %arg0, %mul3A : i32
    %iota3A = tpu.iota {dimensions = array<i32: 0>} : vector<2528x1xi32>
    %add3A_35 = vector.broadcast %mul3A_34 : i32 to vector<2528x1xi32>
    %add3A_36 = arith.addi %add3A_35, %iota3A : vector<2528x1xi32>
    %lt3A = arith.constant 10000 : i32
    %lt3A_37 = vector.broadcast %lt3A : i32 to vector<2528x1xi32>
    %lt3A_38 = arith.cmpi slt, %add3A_36, %lt3A_37 : vector<2528x1xi32>
    %jit3A = arith.constant 0.000000e+00 : f32
    %broadcast_in_dim3A = vector.shape_cast %lt3A_38 : vector<2528x1xi1> to vector<2528x1xi1>
    %broadcast_in_dim3A_39 = vector.broadcast %broadcast_in_dim3A : vector<2528x1xi1> to vector<2528x64xi1>
    %broadcast_in_dim3A_40 = vector.broadcast %jit3A : f32 to vector<2528x64xf32>
    %select_n3A = arith.select %broadcast_in_dim3A_39, %max3A_33, %broadcast_in_dim3A_40 : vector<2528x64xi1>, vector<2528x64xf32>
    %get3A_41 = arith.constant 0 : index
    %get3A_42 = arith.constant 0 : index
    %get3A_43 = arith.constant 0 : index
    %get3A_44 = vector.load %arg6[%get3A_41, %get3A_42, %get3A_43] : memref<1x1x2528xi32, #tpu.memory_space<vmem>>, vector<1x1x2528xi32>
    %get3A_45 = vector.shape_cast %get3A_44 : vector<1x1x2528xi32> to vector<2528xi32>
    %broadcast_in_dim3A_46 = vector.shape_cast %get3A_45 : vector<2528xi32> to vector<2528x1xi32>
    %iota3A_47 = tpu.iota {dimensions = array<i32: 1>} : vector<2528x256xi32>
    %eq3A_48 = vector.broadcast %broadcast_in_dim3A_46 : vector<2528x1xi32> to vector<2528x256xi32>
    %eq3A_49 = arith.cmpi eq, %eq3A_48, %iota3A_47 : vector<2528x256xi32>
    %convert_element_type3A_50 = arith.extui %eq3A_49 : vector<2528x256xi1> to vector<2528x256xi32>
    %convert_element_type3A_51 = arith.sitofp %convert_element_type3A_50 : vector<2528x256xi32> to vector<2528x256xf32>
    %get3A_52 = arith.constant 0 : index
    %get3A_53 = arith.constant 0 : index
    %get3A_54 = vector.load %arg12[%get3A_52, %get3A_53] : memref<256x64xf32, #tpu.memory_space<vmem>>, vector<256x64xf32>
    %dot_general3A_55 = arith.constant dense<0.000000e+00> : vector<256x64xf32>
    %dot_general3A_56 = tpu.matmul %convert_element_type3A_51, %select_n3A, %dot_general3A_55 {dimension_numbers = #tpu.dot_dimension_numbers<[0], [0], [1], [1], [0, 1, 1, 1], [], []>, transpose_lhs_hint = false} : vector<2528x256xf32>, vector<2528x64xf32>, vector<256x64xf32> -> vector<256x64xf32>
    %add3A_57 = arith.addf %get3A_54, %dot_general3A_56 : vector<256x64xf32>
    %swap3A = arith.constant 0 : index
    %swap3A_58 = arith.constant 0 : index
    %swap3A_59 = vector.load %arg12[%swap3A, %swap3A_58] : memref<256x64xf32, #tpu.memory_space<vmem>>, vector<256x64xf32>
    tpu.vector_store %arg12[%swap3A, %swap3A_58], %add3A_57 {strides = array<i32>} : memref<256x64xf32, #tpu.memory_space<vmem>>, vector<256x64xf32>,
    %eq3A_60 = arith.constant 3 : i32
    %eq3A_61 = arith.cmpi eq, %arg0, %eq3A_60 : i32
    %convert_element_type3A_62 = arith.extui %eq3A_61 : i1 to i32
    %cond3A_63 = arith.constant 0 : i32
    %cond3A_64 = arith.cmpi ne, %convert_element_type3A_62, %cond3A_63 : i32
    scf.if %cond3A_64 {
      %get3A_65 = arith.constant 0 : index
      %get3A_66 = arith.constant 0 : index
      %get3A_67 = vector.load %arg12[%get3A_65, %get3A_66] : memref<256x64xf32, #tpu.memory_space<vmem>>, vector<256x64xf32>
      %get3A_68 = arith.constant 0 : index
      %get3A_69 = arith.constant 0 : index
      %get3A_70 = vector.load %arg7[%get3A_68, %get3A_69] : memref<64x64xf32, #tpu.memory_space<vmem>>, vector<64x64xf32>
      %dot_general3A_71 = arith.constant dense<0.000000e+00> : vector<256x64xf32>
      %dot_general3A_72 = tpu.matmul %get3A_67, %get3A_70, %dot_general3A_71 {dimension_numbers = #tpu.dot_dimension_numbers<[1], [0], [0], [1], [0, 0, 1, 1], [], []>, transpose_lhs_hint = false} : vector<256x64xf32>, vector<64x64xf32>, vector<256x64xf32> -> vector<256x64xf32>
      %get3A_73 = arith.constant 0 : index
      %get3A_74 = arith.constant 0 : index
      %get3A_75 = vector.load %arg8[%get3A_73, %get3A_74] : memref<1x64xf32, #tpu.memory_space<vmem>>, vector<1x64xf32>
      %add3A_76 = vector.broadcast %get3A_75 : vector<1x64xf32> to vector<256x64xf32>
      %add3A_77 = arith.addf %dot_general3A_72, %add3A_76 : vector<256x64xf32>
      %max3A_78 = arith.constant 0.000000e+00 : f32
      %max3A_79 = vector.broadcast %max3A_78 : f32 to vector<256x64xf32>
      %max3A_80 = arith.maximumf %add3A_77, %max3A_79 : vector<256x64xf32>
      %get3A_81 = arith.constant 0 : index
      %get3A_82 = arith.constant 0 : index
      %get3A_83 = vector.load %arg9[%get3A_81, %get3A_82] : memref<64x64xf32, #tpu.memory_space<vmem>>, vector<64x64xf32>
      %dot_general3A_84 = arith.constant dense<0.000000e+00> : vector<256x64xf32>
      %dot_general3A_85 = tpu.matmul %max3A_80, %get3A_83, %dot_general3A_84 {dimension_numbers = #tpu.dot_dimension_numbers<[1], [0], [0], [1], [0, 0, 1, 1], [], []>, transpose_lhs_hint = false} : vector<256x64xf32>, vector<64x64xf32>, vector<256x64xf32> -> vector<256x64xf32>
      %get3A_86 = arith.constant 0 : index
      %get3A_87 = arith.constant 0 : index
      %get3A_88 = vector.load %arg10[%get3A_86, %get3A_87] : memref<1x64xf32, #tpu.memory_space<vmem>>, vector<1x64xf32>
      %add3A_89 = vector.broadcast %get3A_88 : vector<1x64xf32> to vector<256x64xf32>
      %add3A_90 = arith.addf %dot_general3A_85, %add3A_89 : vector<256x64xf32>
      %swap3A_91 = arith.constant 0 : index
      %swap3A_92 = arith.constant 0 : index
      %swap3A_93 = vector.load %arg11[%swap3A_91, %swap3A_92] : memref<256x64xf32, #tpu.memory_space<vmem>>, vector<256x64xf32>
      tpu.vector_store %arg11[%swap3A_91, %swap3A_92], %add3A_90 {strides = array<i32>} : memref<256x64xf32, #tpu.memory_space<vmem>>, vector<256x64xf32>,
    } else {
    }
    return
  }
  func.func @transform_0(%arg0: i32) -> (i32, i32) {
    %c0_i32 = arith.constant 0 : i32
    %c0_i32_0 = arith.constant 0 : i32
    return %arg0, %c0_i32 : i32, i32
  }
  func.func @transform_1(%arg0: i32) -> (i32, i32, i32) {
    %c0_i32 = arith.constant 0 : i32
    %c0_i32_0 = arith.constant 0 : i32
    %c0_i32_1 = arith.constant 0 : i32
    return %c0_i32, %arg0, %c0_i32_0 : i32, i32, i32
  }
  func.func @transform_2(%arg0: i32) -> (i32, i32) {
    %c0_i32 = arith.constant 0 : i32
    %c0_i32_0 = arith.constant 0 : i32
    %c0_i32_1 = arith.constant 0 : i32
    return %c0_i32, %c0_i32_0 : i32, i32
  }
  func.func @transform_3(%arg0: i32) -> (i32, i32) {
    %c0_i32 = arith.constant 0 : i32
    %c0_i32_0 = arith.constant 0 : i32
    %c0_i32_1 = arith.constant 0 : i32
    return %c0_i32, %c0_i32_0 : i32, i32
  }
  func.func @transform_4(%arg0: i32) -> (i32, i32) {
    %c0_i32 = arith.constant 0 : i32
    %c0_i32_0 = arith.constant 0 : i32
    %c0_i32_1 = arith.constant 0 : i32
    return %c0_i32, %c0_i32_0 : i32, i32
  }
  func.func @transform_5(%arg0: i32) -> (i32, i32, i32) {
    %c0_i32 = arith.constant 0 : i32
    %c0_i32_0 = arith.constant 0 : i32
    %c0_i32_1 = arith.constant 0 : i32
    return %arg0, %c0_i32, %c0_i32_0 : i32, i32, i32
  }
  func.func @transform_6(%arg0: i32) -> (i32, i32) {
    %c0_i32 = arith.constant 0 : i32
    %c0_i32_0 = arith.constant 0 : i32
    %c0_i32_1 = arith.constant 0 : i32
    return %c0_i32, %c0_i32_0 : i32, i32
  }
  func.func @transform_7(%arg0: i32) -> (i32, i32) {
    %c0_i32 = arith.constant 0 : i32
    %c0_i32_0 = arith.constant 0 : i32
    %c0_i32_1 = arith.constant 0 : i32
    return %c0_i32, %c0_i32_0 : i32, i32
  }
  func.func @transform_8(%arg0: i32) -> (i32, i32) {
    %c0_i32 = arith.constant 0 : i32
    %c0_i32_0 = arith.constant 0 : i32
    %c0_i32_1 = arith.constant 0 : i32
    return %c0_i32, %c0_i32_0 : i32, i32
  }
  func.func @transform_9(%arg0: i32) -> (i32, i32) {
    %c0_i32 = arith.constant 0 : i32
    %c0_i32_0 = arith.constant 0 : i32
    %c0_i32_1 = arith.constant 0 : i32
    return %c0_i32, %c0_i32_0 : i32, i32
  }
  func.func @transform_10(%arg0: i32) -> (i32, i32) {
    %c0_i32 = arith.constant 0 : i32
    %c0_i32_0 = arith.constant 0 : i32
    %c0_i32_1 = arith.constant 0 : i32
    return %c0_i32, %c0_i32_0 : i32, i32
  }
}

</mosaic_0001>

<sc_bundles>
// kernel: kernel.13.cloned.1.call-start
scs
__scs_entry_jumppad:
0x0: {  	(pc) =	sbr.rel $0x88, $3  }
0x1: {  	(tag) =	ssettag $0x0;
	lr =	simm.s32 $0x1  }
0x2: {  	[smem:$0x3F86] =	sst lr;
	_ =	strace $0xD0000000  }
0x3: {  	_ = 	snop  }
0x4: {  	_ = 	snop  }
0x5: {  	_ = 	snop  }
0x6: {  	_ = 	snop  }
0x7: {  	_ = 	snop  }
__scs_overlays_trampoline_lowered:
0x8: {  	[smem:$0x3F95] =	sst s0  }
0x9: {  	[smem:$0x3F96] =	sst s1  }
0xa: {  	[smem:$0x3F97] =	sst s2  }
0xb: {  	[smem:$0x3F98] =	sst s3  }
0xc: {  	[smem:$0x3F99] =	sst s4  }
0xd: {  	[smem:$0x3F9A] =	sst s5  }
0xe: {  	[smem:$0x3F9B] =	sst s6  }
0xf: {  	[smem:$0x3F9C] =	sst s7  }
0x10: {  	[smem:$0x3F9D] =	sst s8  }
0x11: {  	[smem:$0x3F9E] =	sst s9;
	s0 =	simm.s32 @!p0 $0x0  }
0x12: {  	s1 =	sld [smem:$0x3F84];
	s0 =	simm.s32 @p0 $0x1  }
0x13: {  	[smem:$0x3F9F] =	sst s0;
	s0 =	simm.s32 @!p1 $0x0  }
0x14: {  	s2 =	sld [smem:$0x3F83];
	s0 =	simm.s32 @p1 $0x1  }
0x15: {  	[smem:$0x3FA0] =	sst s0;
	s0 =	simm.s32 @!p2 $0x0  }
0x16: {  	s3 =	sld [smem:$0x3FDB];
	s0 =	simm.s32 @p2 $0x1  }
0x17: {  	s4 =	simm.s32 $0x1BF5;
	[smem:$0x3FA2] =	sst s0  }
0x18: {  	s0 =	sld [smem:$0x3F85];
	_ =	swait.ge [sflag:s4], $0x0  }
0x19: {  	s7 =	sld [smem:$0x3F86]  }
0x1a: {  	s8 =	sadd.s32 $0xFFFFE003, lr  }
0x1b: {  	s9 =	sadd.s32 $0xFFFFFEF7, lr;
	s5 =	simm.s32 $0xFFFFFFFF;
	p2 =	slt.u32 s8, $0xFFFFF086  }
0x1c: {  	p1 =	slt.u32 s9, $0xF7A;
	s5 =	simm.s32 @!p2 $0x0  }
0x1d: {  	s5 =	simm.s32 @p1 $0x1;
	p0 =	seq.s32 s7, s2  }
0x1e: {  	s7 =	smul.u32 @!p0 $0xF7A, s2;
	p2 =	seq.s32 @!p0 s5, $0x0  }
0x1f: {  	s9 =	smul.u32 $0xF7A, s1;
	s8 =	simm.s32 @!p0 $0x1BF5;
	p2 =	por !p2, p0  }
0x20: {  	[sflag:s8] =	ssyncset.s32 @!p0 $0xFFFFF086;
	s6 =	sadd.s32 @!p0 s3, s7;
	s7 =	simm.s32 @!p0 $0x108  }
0x21: {  	s3 =	sadd.s32 s3, s9;
	s6 =	sadd.s32 @!p0 $0x88, s6;
	s7 =	simm.s32 @p2 $0x1082  }
0x22: {  	[simem:s7], [sflag:s8] =	dma.local @!p0 [hbm:s6], $0xF7A  }
0x23: {  	s9 =	sor.u32 $0xD0000000, s2;
	s6 =	simm.s32 $0x108;
	_ =	swait.ge @!p0 [sflag:s8], $0x0  }
0x24: {  	s3 =	sadd.s32 $0x88, s3;
	s6 =	simm.s32 @!p1 $0x1082;
	[sflag:s4] =	ssyncset.s32 $0xFFFFF086  }
0x25: {  	[simem:s6], [sflag:s4] =	dma.local [hbm:s3], $0xF7A  }
0x26: {  	[smem:$0x3F86] =	sst s1;
	(tag) =	ssettag s2;
	_ =	strace s9  }
0x27: {  	s1 =	sld [smem:$0x3F96]  }
0x28: {  	s2 =	sld [smem:$0x3F97]  }
0x29: {  	s4 =	sld [smem:$0x3F99]  }
0x2a: {  	p0 =	seq.s32 s5, $0x0;
	s5 =	sld [smem:$0x3F9A]  }
0x2b: {  	s6 =	sld [smem:$0x3F9B]  }
0x2c: {  	s7 =	sld [smem:$0x3F9C]  }
0x2d: {  	s3 =	simm.s32 $0x108;
	s8 =	sld [smem:$0x3F9D]  }
0x2e: {  	s3 =	simm.s32 @!p0 $0x1082;
	s9 =	sld [smem:$0x3F9E]  }
0x2f: {  	lr =	sadd.s32 s0, s3;
	s0 =	sld [smem:$0x3F95]  }
0x30: {  	s3 =	sld [smem:$0x3F98]  }
0x31: {  	[smem:$0x3FA1] =	sst s10  }
0x32: {  	s10 =	sld [smem:$0x3F9F];
	_ =	sdelay $0x3  }
0x33: {  	p0 =	seq.s32 s10, $0x1;
	s10 =	sld [smem:$0x3FA1];
	_ =	sdelay $0x3  }
0x34: {  	[smem:$0x3FA1] =	sst s10  }
0x35: {  	s10 =	sld [smem:$0x3FA0];
	_ =	sdelay $0x3  }
0x36: {  	p1 =	seq.s32 s10, $0x1;
	s10 =	sld [smem:$0x3FA1];
	_ =	sdelay $0x3  }
0x37: {  	[smem:$0x3FA1] =	sst s10  }
0x38: {  	s10 =	sld [smem:$0x3FA2]  }
0x39: {  	_ = 	snop;
	(pc) =	sbr.ind lr, $3  }
0x3a: {  	_ = 	snop  }
0x3b: {  	_ = 	snop  }
0x3c: {  	p2 =	seq.s32 s10, $0x1;
	s10 =	sld [smem:$0x3FA1]  }
0x3d: {  	_ =	shalt  }
0x3e: {  	_ =	shalt  }
0x3f: {  	_ =	shalt  }
0x40: {  	_ =	shalt  }
0x41: {  	_ =	shalt  }
0x42: {  	_ =	shalt  }
0x43: {  	_ =	shalt  }
0x44: {  	_ =	shalt  }
0x45: {  	_ =	shalt  }
0x46: {  	_ =	shalt  }
0x47: {  	_ =	shalt  }
0x48: {  	_ =	shalt  }
0x49: {  	_ =	shalt  }
0x4a: {  	_ =	shalt  }
0x4b: {  	_ =	shalt  }
0x4c: {  	_ =	shalt  }
0x4d: {  	_ =	shalt  }
0x4e: {  	_ =	shalt  }
0x4f: {  	_ =	shalt  }
0x50: {  	_ =	shalt  }
0x51: {  	_ =	shalt  }
0x52: {  	_ =	shalt  }
0x53: {  	_ =	shalt  }
0x54: {  	_ =	shalt  }
0x55: {  	_ =	shalt  }
0x56: {  	_ =	shalt  }
0x57: {  	_ =	shalt  }
0x58: {  	_ =	shalt  }
0x59: {  	_ =	shalt  }
0x5a: {  	_ =	shalt  }
0x5b: {  	_ =	shalt  }
0x5c: {  	_ =	shalt  }
0x5d: {  	_ =	shalt  }
0x5e: {  	_ =	shalt  }
0x5f: {  	_ =	shalt  }
0x60: {  	_ =	shalt  }
0x61: {  	_ =	shalt  }
0x62: {  	_ =	shalt  }
0x63: {  	_ =	shalt  }
0x64: {  	_ =	shalt  }
0x65: {  	_ =	shalt  }
0x66: {  	_ =	shalt  }
0x67: {  	_ =	shalt  }
0x68: {  	_ =	shalt  }
0x69: {  	_ =	shalt  }
0x6a: {  	_ =	shalt  }
0x6b: {  	_ =	shalt  }
0x6c: {  	_ =	shalt  }
0x6d: {  	_ =	shalt  }
0x6e: {  	_ =	shalt  }
0x6f: {  	_ =	shalt  }
0x70: {  	_ =	shalt  }
0x71: {  	_ =	shalt  }
0x72: {  	_ =	shalt  }
0x73: {  	_ =	shalt  }
0x74: {  	_ =	shalt  }
0x75: {  	_ =	shalt  }
0x76: {  	_ =	shalt  }
0x77: {  	_ =	shalt  }
0x78: {  	_ =	shalt  }
0x79: {  	_ =	shalt  }
0x7a: {  	_ =	shalt  }
0x7b: {  	_ =	shalt  }
0x7c: {  	_ =	shalt  }
0x7d: {  	_ =	shalt  }
0x7e: {  	_ =	shalt  }
0x7f: {  	_ =	shalt  }
0x80: {  	_ =	shalt  }
0x81: {  	_ =	shalt  }
0x82: {  	_ =	shalt  }
0x83: {  	_ =	shalt  }
0x84: {  	_ =	shalt  }
0x85: {  	_ =	shalt  }
0x86: {  	_ =	shalt  }
0x87: {  	_ =	shalt  }
.Lfunc_end0:
.L_simem_size_0:
called_computation_lowered:
.L_overlay_start_0:
0x88: {  	s2 =	sld [smem:$0x3FD9]  }
0x89: {  	s3 =	sld [smem:$0x3FFE];
	_ =	sdelay $0x1  }
0x8a: {  	s1 =	srdreg.scid  }
0x8b: {  	s0 =	sand.u32 $0x1, s1  }
0x8c: {  	s16 =	sshll.u32 s0, $0xA;
	s2 =	sadd.s32 s3, s2  }
0x8d: {  	s2 =	sadd.s32 s2, s16  }
0x8e: {  	[smem:$0x3FAD] =	sst s2  }
0x8f: {  	_ = 	snop  }
0x90: {  	(tm) =	ssettm $0x1  }
0x91: {  	s17 =	sld [smem:$0x3FFB];
	_ =	sdelay $0x3  }
0x92: {  	_ =	strace s17  }
0x93: {  	s2 =	sld [smem:$0x3FFC];
	_ =	sdelay $0x3  }
0x94: {  	_ =	strace s2  }
0x95: {  	s2 =	sld [smem:$0x3FFD];
	_ =	sdelay $0x3  }
0x96: {  	_ =	strace s2  }
0x97: {  	_ =	strace $0x8FFFFFFF  }
0x98: {  	s18 =	sld [smem:$0x3FDB];
	_ =	sdelay $0x1  }
0x99: {  	s19 =	simm.s32 $_scs_section_size  }
0x9a: {  	s4 =	simm.s32 $_size__tile_overlayer_lowered;
	s5 =	simm.s32 $_tile_overlayer_lowered  }
0x9b: {  	s22 =	simm.s32 $0x1BFF;
	s21 =	sshll.u32 s5, $0x1;
	s2 =	sadd.s32 s19, s18  }
0x9c: {  	s6 =	simm.s32 $0x0;
	s20 =	sshll.u32 s4, $0x1;
	s4 =	sadd.s32 s21, s2  }
0x9d: {  	[timem:s6], [sflag:s22] =	dma.local [hbm:s4], s20  }
0x9e: {  	_ =	swait.ge [sflag:s22], s20  }
0x9f: {  	s3 =	ssub.s32 $0x0, s20;
	[sflag:s22] =	ssyncset.done $0x0  }
0xa0: {  	[sflag:s22] =	ssyncadd.s32 s3;
	_ =	sdelay $0x1  }
0xa1: {  	s23 =	simm.s32 $0x1B8B  }
0xa2: {  	_ =	swait.ge [sflag:s23], $0x1  }
0xa3: {  	[sflag:s23] =	ssyncset.done $0x0  }
0xa4: {  	s25 =	simm.s32 $0x1B8E;
	s24 =	sld [smem:$0x3FFE];
	[sflag:s23] =	ssyncadd.s32 $0xFFFFFFFF  }
0xa5: {  	s26 =	simm.s32 $execute0_lowered;
	[smem:$0x3FD2] =	sst s25  }
0xa6: {  	s4 =	sshll.u32 s26, $0x1;
	_ =	strace $0x80000046;
	[dreg:$0x1] =	wrdreg $0xFFFFFFFF  }
0xa7: {  	s28 =	simm.s32 $_size_execute0_lowered;
	s2 =	sadd.s32 s2, s4;
	[dreg:$0x0] =	wrdreg $0x0  }
0xa8: {  	s4 =	sshll.u32 s28, $0x1;
	[dreg:$0x2] =	wrdreg s2  }
0xa9: {  	[dreg:$0x3] =	wrdreg s4  }
0xaa: {  	[dreg:$0x4] =	wrdreg $0xC0  }
0xab: {  	_ =	task [dreg:s6], $0x5FFFF  }
0xac: {  	[dreg:$0x1] =	wrdreg $0xFFFFFFFF  }
0xad: {  	[dreg:$0x0] =	wrdreg $0x60  }
0xae: {  	[dreg:$0x2] =	wrdreg s24  }
0xaf: {  	[dreg:$0x3] =	wrdreg $0x148000  }
0xb0: {  	[dreg:$0x4] =	wrdreg $0xAA000  }
0xb1: {  	[dreg:$0x5] =	wrdreg $0x9  }
0xb2: {  	_ =	task.clear_ibuf [dreg:s6], $0x6FFFF;
	_ =	strace $0x90000046  }
0xb3: {  	s29 =	simm.s32 $0x9;
	_ =	strace $0x80000048  }
0xb4: {  	_ =	swait.ge [sflag:s29], $0x1  }
0xb5: {  	[sflag:s29] =	ssyncadd.s32 $0xFFFFFFFF  }
0xb6: {  	_ =	strace $0x90000048  }
0xb7: {  	_ =	sfence  }
0xb8: {  	s30 =	sld [smem:$0x0];
	_ =	sdelay $0x2  }
0xb9: {  	s31 =	sshll.u32 s1, $0xD;
	s1 =	sshrl.u32 s1, $0x2  }
0xba: {  	s3 =	sand.u32 $0x4000, s31;
	s1 =	sadd.s32 s1, s30  }
0xbb: {  	s0 =	sor.u32 s3, s0;
	s1 =	sshll.u32 s1, $0x11  }
0xbc: {  	s0 =	sor.u32 s1, s0  }
0xbd: {  	s0 =	sadd.s32 $0x8F2B, s0  }
0xbe: {  	[sflag:s0] =	ssyncadd.remote.s32 $0x1  }
0xbf: {  	_ =	sfence.sel $0xFFFF  }
0xc0: {  	[dreg:$0x0] =	wrdreg $0xFFFFFFFF;
	(pc) =	sbr.abs _section_cstart, $3  }
0xc1: {  	[dreg:$0x1] =	wrdreg $0xFFFFFFFF  }
0xc2: {  	_ =	task.clear_ibuf [dreg:s6], $0x2FFFF;
	_ =	strace $0x9FFFFFFF  }
0xc3: {  	(tm) =	ssettm $0x7FFFFFFF  }
tec
execute0_lowered:
.L_overlay_start_1:
0x0: {  	(tag) =	ssettag $0x1  }
0x1: {  	s0 =	rddreg [dreg:$0x0];
	s14 =	stileid.u32  }
0x2: {  	s1 =	srdreg.scid;
	s2 =	rddreg [dreg:$0x1]  }
0x3: {  	s3 =	rddreg [dreg:$0x2];
	s28 =	simm.s32 $0x2;
	s29 =	simm.s32 $0x2A00  }
0x4: {  	s30 =	simm.s32 $0x1;
	s31 =	simm.s32 $0x100;
	s5 =	smul.u32 $0x9E00, s14  }
0x5: {  	s1 =	sand.u32 $0x1, s1;
	s4 =	sshll.u32 s14, $0x1;
	s12 =	smul.u32 $0x27800, s14  }
0x6: {  	s16 =	sadd.s32 $0x4000, s0;
	s18 =	sshll.u32 s14, $0x6;
	s19 =	smul.u32 $0x5000, s14  }
0x7: {  	s6 =	sor.u32 s1, s4;
	s4 =	simm.s32 $0x0;
	s8 =	smul.u32 $0x9E000, s1  }
0x8: {  	s9 =	ssub.s32 $0x2, s1;
	s26 =	sor.u32 $0x1C02, s18;
	s1 =	smul.u32 $0x2800, s1  }
0x9: {  	s14 =	smov.u32 s18;
	s18 =	sor.u32 $0x1C04, s18;
	s6 =	smul.u32 $0x2800, s6  }
0xa: {  	[smem:$0x7FF] =	sst s4;
	s7 =	sshrl.u32 s5, $0x3;
	s11 =	sshrl.u32 s9, $0x1  }
0xb: {  	s17 =	sadd.s32 s5, s2;
	s25 =	sshrl.u32 s12, $0x2;
	_ =	strace $0x80000047  }
0xc: {  	s7 =	sadd.s32 s7, s0;
	s8 =	sadd.s32 s5, s8;
	s13 =	ssub.s32 s9, s11  }
0xd: {  	[dreg:$0x5] =	wrdreg s26;
	s5 =	sadd.s32 s5, s3;
	s11 =	sadd.s32 s25, s3  }
0xe: {  	s9 =	sadd.s32 $0x2B880, s0;
	s1 =	sadd.s32 s1, s19;
	s17 =	sshrl.u32 s17, $0x3  }
0xf: {  	s6 =	sshrl.u32 s6, $0x3;
	s8 =	sshrl.u32 s8, $0x3;
	s7 =	sadd.s32 $0x18000, s7  }
0x10: {  	[dreg:$0x6] =	wrdreg s5;
	s12 =	sadd.s32 $0x1C00, s11;
	s20 =	sadd.s32 $0x3800, s11  }
0x11: {  	s21 =	sadd.s32 $0x5400, s11;
	s22 =	sadd.s32 $0x7000, s11;
	s5 =	sadd.s32 $0x8C00, s11  }
0x12: {  	s24 =	smax.u32 s13, $0x1;
	s25 =	sor.u32 $0x100, s1;
	s1 =	sor.u32 $0x200, s1  }
0x13: {  	s10 =	sadd.s32 s6, s0;
	s8 =	sadd.s32 s8, s0;
	[dreg:$0x4] =	wrdreg s7  }
0x14: {  	s11 =	sadd.s32 s16, s6;
	[dreg:$0x9] =	wrdreg s24;
	s6 =	sshrl.u32 s25, $0x3  }
0x15: {  	s1 =	sshrl.u32 s1, $0x3;
	s19 =	sshrl.u32 s12, $0x3;
	s20 =	sshrl.u32 s20, $0x3  }
0x16: {  	s21 =	sshrl.u32 s21, $0x3;
	s22 =	sshrl.u32 s22, $0x3;
	s24 =	simm.s32 $0x5  }
0x17: {  	s25 =	simm.s32 $0x2800;
	s0 =	simm.s32 $0x2900;
	s10 =	sadd.s32 $0xE000, s10  }
0x18: {  	s7 =	simm.s32 $0x0;
	s23 =	sadd.s32 $0x2BC00, s8;
	[dreg:$0x7] =	wrdreg s10  }
0x19: {  	s26 =	sadd.s32 $0x4E0, s11;
	s15 =	sadd.s32 s6, s16;
	[dreg:$0x8] =	wrdreg s23  }
0x1a: {  	s16 =	sadd.s32 s1, s16;
	s1 =	simm.s32 $0x6A00;
	[dreg:$0xa] =	wrdreg s26  }
0x1b: {  	s23 =	sshrl.u32 s5, $0x3;
	s26 =	simm.s32 $0x4;
	s5 =	simm.s32 $0x3  }
.LBB2_1:
0x1c: {  	s6 =	rddreg [dreg:$0x4]  }
0x1d: {  	s8 =	rddreg [dreg:$0x5]  }
0x1e: {  	[spmem:s17], [sflag:s8] =	dma.local [hbm:s6], $0x13C0  }
0x1f: {  	s6 =	rddreg [dreg:$0x6]  }
0x20: {  	s8 =	sshrl.u32 s6, $0x3  }
0x21: {  	[spmem:s8], [sflag:s18] =	dma.local [hbm:s9], $0x380  }
0x22: {  	[spmem:s19], [sflag:s18] =	dma.local [hbm:s9], $0x380  }
0x23: {  	[spmem:s20], [sflag:s18] =	dma.local [hbm:s9], $0x380  }
0x24: {  	[spmem:s21], [sflag:s18] =	dma.local [hbm:s9], $0x380  }
0x25: {  	[spmem:s22], [sflag:s18] =	dma.local [hbm:s9], $0x380  }
0x26: {  	[spmem:s23], [sflag:s18] =	dma.local [hbm:s9], $0x240  }
0x27: {  	s13 =	rddreg [dreg:$0x7]  }
0x28: {  	[tilespmem:s4], [sflag:$0x5] =	stream.linear.gather [hbm4b:s13+s4], $0x2800, $0x38;
	[tilespmem:$0x1E600] =	vst v63  }
0x29: {  	_ =	swait.ge [sflag:s24], $0x2800  }
0x2a: {  	[sflag:s24] =	ssyncset.done $0x0  }
0x2b: {  	[sflag:s24] =	ssyncadd.s32 $0xFFFFD800  }
0x2c: {  	[tilespmem:s25], [sflag:$0x3] =	stream.linear.gather [hbm4b:s11+s4], $0x100, $0x38;
	[tilespmem:$0x1E600] =	vst v63  }
0x2d: {  	_ =	swait.ge [sflag:s26], $0x380  }
0x2e: {  	[sflag:s26] =	ssyncset.done $0x0  }
0x2f: {  	[sflag:s26] =	ssyncadd.s32 $0xFFFFFC80  }
0x30: {  	_ =	swait.ge [sflag:s26], $0x380  }
0x31: {  	[sflag:s26] =	ssyncset.done $0x0  }
0x32: {  	[sflag:s26] =	ssyncadd.s32 $0xFFFFFC80  }
0x33: {  	_ =	swait.ge [sflag:s26], $0x380  }
0x34: {  	[sflag:s26] =	ssyncset.done $0x0  }
0x35: {  	[sflag:s26] =	ssyncadd.s32 $0xFFFFFC80  }
0x36: {  	_ =	swait.ge [sflag:s26], $0x380  }
0x37: {  	[sflag:s26] =	ssyncset.done $0x0  }
0x38: {  	[sflag:s26] =	ssyncadd.s32 $0xFFFFFC80  }
0x39: {  	_ =	swait.ge [sflag:s26], $0x380  }
0x3a: {  	[sflag:s26] =	ssyncset.done $0x0  }
0x3b: {  	[sflag:s26] =	ssyncadd.s32 $0xFFFFFC80  }
0x3c: {  	_ =	swait.ge [sflag:s26], $0x240  }
0x3d: {  	[sflag:s26] =	ssyncset.done $0x0  }
0x3e: {  	[sflag:s26] =	ssyncadd.s32 $0xFFFFFDC0  }
0x3f: {  	_ =	swait.ge [sflag:s28], $0x13C0  }
0x40: {  	[sflag:s28] =	ssyncset.done $0x0  }
0x41: {  	[sflag:s28] =	ssyncadd.s32 $0xFFFFEC40  }
0x42: {  	[bflag:$0x0] =	sbarrier.arrive $0xFFFF  }
0x43: {  	[tilespmem:s29], [sflag:$0x1] =	stream.indirect.gather [spmem:s2], $0x40, s4, s31, $0xb8;
	[tilespmem:$0x1E600] =	vst v63  }
0x44: {  	_ =	swait.ge [sflag:s30], $0x4000  }
0x45: {  	[sflag:s30] =	ssyncset.done $0x0  }
0x46: {  	[sflag:s30] =	ssyncadd.s32 $0xFFFFC000  }
0x47: {  	[tilespmem:s1], [sflag:$0x1] =	stream.indirect.gather [spmem:s2], $0x40, s31, s31, $0xb8;
	[tilespmem:$0x1E600] =	vst v63  }
0x48: {  	s10 =	sadd.s32 $0x0, s15  }
0x49: {  	[tilespmem:s0], [sflag:$0x3] =	stream.linear.gather [hbm4b:s10+s4], $0x100, $0x38;
	[tilespmem:$0x1E600] =	vst v63  }
0x4a: {  	_ =	swait.ge [sflag:s5], $0x100  }
0x4b: {  	[sflag:s5] =	ssyncset.done $0x0  }
0x4c: {  	[sflag:s5] =	ssyncadd.s32 $0xFFFFFF00  }
0x4d: {  	[spmem:s3] =	stream.indirect.scatter.add.f32 [tilespmem:s29], [sflag:$0x5], $0x40, s25, s31, $0xb8;
	[tilespmem:$0x1E600] =	vst v63  }
0x4e: {  	_ =	swait.ge [sflag:s24], $0x4000  }
0x4f: {  	[sflag:s24] =	ssyncset.done $0x0  }
0x50: {  	[sflag:s24] =	ssyncadd.s32 $0xFFFFC000  }
0x51: {  	_ =	swait.ge [sflag:s30], $0x4000  }
0x52: {  	[sflag:s30] =	ssyncset.done $0x0  }
0x53: {  	s12 =	simm.s32 $0x200;
	[sflag:s30] =	ssyncadd.s32 $0xFFFFC000  }
0x54: {  	[tilespmem:s29], [sflag:$0x1] =	stream.indirect.gather [spmem:s2], $0x40, s12, s31, $0xb8;
	[tilespmem:$0x1E600] =	vst v63  }
0x55: {  	s13 =	sadd.s32 $0x0, s16  }
0x56: {  	[tilespmem:s25], [sflag:$0x3] =	stream.linear.gather [hbm4b:s13+s4], $0x100, $0x38;
	[tilespmem:$0x1E600] =	vst v63  }
0x57: {  	_ =	swait.ge [sflag:s5], $0x100  }
0x58: {  	[sflag:s5] =	ssyncset.done $0x0  }
0x59: {  	[sflag:s5] =	ssyncadd.s32 $0xFFFFFF00  }
0x5a: {  	[spmem:s3] =	stream.indirect.scatter.add.f32 [tilespmem:s1], [sflag:$0x5], $0x40, s0, s31, $0xb8;
	[tilespmem:$0x1E600] =	vst v63  }
0x5b: {  	_ =	swait.ge [sflag:s24], $0x4000  }
0x5c: {  	s6 =	simm.s32 $0x100;
	s10 =	simm.s32 $0x40;
	[sflag:s24] =	ssyncset.done $0x0  }
.LBB2_2:
0x5d: {  	p0 =	sne.s32 s10, $0x480;
	[sflag:s24] =	ssyncadd.s32 $0xFFFFC000;
	s6 =	sadd.s32 $0x200, s6  }
0x5e: {  	s12 =	smov.u32 s10;
	s10 =	sadd.s32 $0x40, s10;
	_ =	swait.ge [sflag:s30], $0x4000  }
0x5f: {  	[sflag:s30] =	ssyncset.done $0x0  }
0x60: {  	[sflag:s30] =	ssyncadd.s32 $0xFFFFC000  }
0x61: {  	[tilespmem:s1], [sflag:$0x1] =	stream.indirect.gather [spmem:s2], $0x40, s6, s31, $0xb8;
	[tilespmem:$0x1E600] =	vst v63  }
0x62: {  	s13 =	sadd.s32 s12, s15  }
0x63: {  	[tilespmem:s0], [sflag:$0x3] =	stream.linear.gather [hbm4b:s13+s4], $0x100, $0x38;
	[tilespmem:$0x1E600] =	vst v63  }
0x64: {  	_ =	swait.ge [sflag:s5], $0x100  }
0x65: {  	[sflag:s5] =	ssyncset.done $0x0  }
0x66: {  	[sflag:s5] =	ssyncadd.s32 $0xFFFFFF00  }
0x67: {  	[spmem:s3] =	stream.indirect.scatter.add.f32 [tilespmem:s29], [sflag:$0x5], $0x40, s25, s31, $0xb8;
	[tilespmem:$0x1E600] =	vst v63  }
0x68: {  	_ =	swait.ge [sflag:s24], $0x4000  }
0x69: {  	[sflag:s24] =	ssyncset.done $0x0  }
0x6a: {  	[sflag:s24] =	ssyncadd.s32 $0xFFFFC000  }
0x6b: {  	_ =	swait.ge [sflag:s30], $0x4000  }
0x6c: {  	[sflag:s30] =	ssyncset.done $0x0  }
0x6d: {  	s13 =	sadd.s32 $0x100, s6;
	[sflag:s30] =	ssyncadd.s32 $0xFFFFC000  }
0x6e: {  	[tilespmem:s29], [sflag:$0x1] =	stream.indirect.gather [spmem:s2], $0x40, s13, s31, $0xb8;
	[tilespmem:$0x1E600] =	vst v63  }
0x6f: {  	s12 =	sadd.s32 s12, s16  }
0x70: {  	[tilespmem:s25], [sflag:$0x3] =	stream.linear.gather [hbm4b:s12+s4], $0x100, $0x38;
	[tilespmem:$0x1E600] =	vst v63  }
0x71: {  	_ =	swait.ge [sflag:s5], $0x100  }
.Ltmp0:
0x72: {  	[sflag:s5] =	ssyncset.done $0x0;
	(pc) =	sbr.rel @p0 .LBB2_2-.Ltmp0, $4  }
0x73: {  	[sflag:s5] =	ssyncadd.s32 $0xFFFFFF00  }
0x74: {  	[spmem:s3] =	stream.indirect.scatter.add.f32 [tilespmem:s1], [sflag:$0x5], $0x40, s0, s31, $0xb8;
	[tilespmem:$0x1E600] =	vst v63  }
0x75: {  	_ =	swait.ge [sflag:s24], $0x4000  }
0x76: {  	[sflag:s24] =	ssyncset.done $0x0  }
0x77: {  	[sflag:s24] =	ssyncadd.s32 $0xFFFFC000  }
0x78: {  	_ =	swait.ge [sflag:s30], $0x4000  }
0x79: {  	[sflag:s30] =	ssyncset.done $0x0  }
0x7a: {  	s6 =	simm.s32 $0x2700;
	[sflag:s30] =	ssyncadd.s32 $0xFFFFC000  }
0x7b: {  	[tilespmem:s1], [sflag:$0x1] =	stream.indirect.gather [spmem:s2], $0x40, s6, s31, $0xb8;
	[tilespmem:$0x1E600] =	vst v63  }
0x7c: {  	s10 =	rddreg [dreg:$0xa]  }
0x7d: {  	[tilespmem:s0], [sflag:$0x3] =	stream.linear.gather [hbm4b:s10+s4], $0x100, $0x38;
	[tilespmem:$0x1E600] =	vst v63  }
0x7e: {  	_ =	swait.ge [sflag:s5], $0x100  }
0x7f: {  	[sflag:s5] =	ssyncset.done $0x0  }
0x80: {  	[sflag:s5] =	ssyncadd.s32 $0xFFFFFF00  }
0x81: {  	[spmem:s3] =	stream.indirect.scatter.add.f32 [tilespmem:s29], [sflag:$0x5], $0x40, s25, s31, $0xb8;
	[tilespmem:$0x1E600] =	vst v63  }
0x82: {  	_ =	swait.ge [sflag:s24], $0x4000  }
0x83: {  	[sflag:s24] =	ssyncset.done $0x0  }
0x84: {  	[sflag:s24] =	ssyncadd.s32 $0xFFFFC000  }
0x85: {  	_ =	swait.ge [sflag:s30], $0x4000  }
0x86: {  	[sflag:s30] =	ssyncset.done $0x0  }
0x87: {  	[sflag:s30] =	ssyncadd.s32 $0xFFFFC000  }
0x88: {  	_ =	swait.ge [sflag:s5], $0x100  }
0x89: {  	[sflag:s5] =	ssyncset.done $0x0  }
0x8a: {  	[sflag:s5] =	ssyncadd.s32 $0xFFFFFF00  }
0x8b: {  	[spmem:s3] =	stream.indirect.scatter.add.f32 [tilespmem:s1], [sflag:$0x5], $0x40, s0, s31, $0xb8;
	[tilespmem:$0x1E600] =	vst v63  }
0x8c: {  	_ =	swait.ge [sflag:s24], $0x4000  }
0x8d: {  	[sflag:s24] =	ssyncset.done $0x0  }
0x8e: {  	[sflag:s24] =	ssyncadd.s32 $0xFFFFC000  }
0x8f: {  	[bflag:$0x0] =	sbarrier.arrive $0xFFFF  }
0x90: {  	s12 =	sor.u32 $0x1C05, s14;
	s10 =	rddreg [dreg:$0x8]  }
0x91: {  	[hbm:s10], [sflag:s12] =	dma.local [spmem:s8], $0x13C0  }
0x92: {  	_ =	swait.ge [sflag:s24], $0x13C0  }
0x93: {  	s7 =	sadd.s32 $0x1, s7;
	s13 =	rddreg [dreg:$0x9]  }
0x94: {  	p0 =	sne.s32 s7, s13  }
.Ltmp1:
0x95: {  	_ = 	snop;
	(pc) =	sbr.rel @p0 .LBB2_1-.Ltmp1, $3  }
0x96: {  	_ =	sdelay $0x1  }
0x97: {  	[sflag:s24] =	ssyncset.done $0x0  }
0x98: {  	[sflag:s24] =	ssyncadd.s32 $0xFFFFEC40  }
0x99: {  	_ =	sfence.sel $0x180000  }
0x9a: {  	[bflag:$0x0] =	sbarrier.arrive $0xFFFF  }
0x9b: {  	_ =	strace $0x90000047  }
0x9c: {  	s0 =	stileid.u32;
	[bflag:$0x2] =	sbarrier.arrive $0xFFFF  }
0x9d: {  	p0 =	sne.s32 s0, $0x0;
	s0 =	rddreg [dreg:$0x3]  }
0x9e: {  	s0 =	sadd.s32 @!p0 $0x100000, s0  }
0x9f: {  	[sflag:s0] =	ssyncadd.tile.s32 @!p0 $0x1;
	_ =	shalt  }
.Lfunc_end2:
_tile_overlayer_lowered:
.L_overlay_start_2:
0xa0: {  	(tag) =	ssettag $0x2  }
0xa1: {  	s0 =	rddreg [dreg:$0x0];
	s2 =	stileid.u32  }
0xa2: {  	s1 =	rddreg [dreg:$0x1];
	p0 =	sne.s32 s2, $0x0  }
0xa3: {  	s3 =	rddreg [dreg:$0x2];
	[bflag:$0x3] =	sbarrier.arrive $0xFFFF;
	s2 =	simm.s32 @!p0 $0x1C05  }
0xa4: {  	[timem:s3], [sflag:s2] =	dma.local @!p0 [hbm:s0], s1  }
0xa5: {  	s0 =	simm.s32 @!p0 $0x5  }
0xa6: {  	_ =	swait.ge @!p0 [sflag:s0], s1  }
0xa7: {  	s1 =	ssub.s32 @!p0 $0x0, s1;
	[sflag:s0] =	ssyncset.done @!p0 $0x0  }
0xa8: {  	[sflag:s0] =	ssyncadd.s32 @!p0 s1  }
0xa9: {  	[bflag:$0x3] =	sbarrier.arrive $0xFFFF  }
0xaa: {  	_ =	shalt  }

// kernel: kernel.16.cloned.1.call-start
scs
__scs_entry_jumppad:
0x0: {  	(pc) =	sbr.rel $0x88, $3  }
0x1: {  	(tag) =	ssettag $0x0;
	lr =	simm.s32 $0x1  }
0x2: {  	[smem:$0x3F86] =	sst lr;
	_ =	strace $0xD0000000  }
0x3: {  	_ = 	snop  }
0x4: {  	_ = 	snop  }
0x5: {  	_ = 	snop  }
0x6: {  	_ = 	snop  }
0x7: {  	_ = 	snop  }
__scs_overlays_trampoline_lowered:
0x8: {  	[smem:$0x3F95] =	sst s0  }
0x9: {  	[smem:$0x3F96] =	sst s1  }
0xa: {  	[smem:$0x3F97] =	sst s2  }
0xb: {  	[smem:$0x3F98] =	sst s3  }
0xc: {  	[smem:$0x3F99] =	sst s4  }
0xd: {  	[smem:$0x3F9A] =	sst s5  }
0xe: {  	[smem:$0x3F9B] =	sst s6  }
0xf: {  	[smem:$0x3F9C] =	sst s7  }
0x10: {  	[smem:$0x3F9D] =	sst s8  }
0x11: {  	[smem:$0x3F9E] =	sst s9;
	s0 =	simm.s32 @!p0 $0x0  }
0x12: {  	s1 =	sld [smem:$0x3F84];
	s0 =	simm.s32 @p0 $0x1  }
0x13: {  	[smem:$0x3F9F] =	sst s0;
	s0 =	simm.s32 @!p1 $0x0  }
0x14: {  	s2 =	sld [smem:$0x3F83];
	s0 =	simm.s32 @p1 $0x1  }
0x15: {  	[smem:$0x3FA0] =	sst s0;
	s0 =	simm.s32 @!p2 $0x0  }
0x16: {  	s3 =	sld [smem:$0x3FDB];
	s0 =	simm.s32 @p2 $0x1  }
0x17: {  	s4 =	simm.s32 $0x1BF5;
	[smem:$0x3FA2] =	sst s0  }
0x18: {  	s0 =	sld [smem:$0x3F85];
	_ =	swait.ge [sflag:s4], $0x0  }
0x19: {  	s7 =	sld [smem:$0x3F86]  }
0x1a: {  	s8 =	sadd.s32 $0xFFFFE003, lr  }
0x1b: {  	s9 =	sadd.s32 $0xFFFFFEF7, lr;
	s5 =	simm.s32 $0xFFFFFFFF;
	p2 =	slt.u32 s8, $0xFFFFF086  }
0x1c: {  	p1 =	slt.u32 s9, $0xF7A;
	s5 =	simm.s32 @!p2 $0x0  }
0x1d: {  	s5 =	simm.s32 @p1 $0x1;
	p0 =	seq.s32 s7, s2  }
0x1e: {  	s7 =	smul.u32 @!p0 $0xF7A, s2;
	p2 =	seq.s32 @!p0 s5, $0x0  }
0x1f: {  	s9 =	smul.u32 $0xF7A, s1;
	s8 =	simm.s32 @!p0 $0x1BF5;
	p2 =	por !p2, p0  }
0x20: {  	[sflag:s8] =	ssyncset.s32 @!p0 $0xFFFFF086;
	s6 =	sadd.s32 @!p0 s3, s7;
	s7 =	simm.s32 @!p0 $0x108  }
0x21: {  	s3 =	sadd.s32 s3, s9;
	s6 =	sadd.s32 @!p0 $0x88, s6;
	s7 =	simm.s32 @p2 $0x1082  }
0x22: {  	[simem:s7], [sflag:s8] =	dma.local @!p0 [hbm:s6], $0xF7A  }
0x23: {  	s9 =	sor.u32 $0xD0000000, s2;
	s6 =	simm.s32 $0x108;
	_ =	swait.ge @!p0 [sflag:s8], $0x0  }
0x24: {  	s3 =	sadd.s32 $0x88, s3;
	s6 =	simm.s32 @!p1 $0x1082;
	[sflag:s4] =	ssyncset.s32 $0xFFFFF086  }
0x25: {  	[simem:s6], [sflag:s4] =	dma.local [hbm:s3], $0xF7A  }
0x26: {  	[smem:$0x3F86] =	sst s1;
	(tag) =	ssettag s2;
	_ =	strace s9  }
0x27: {  	s1 =	sld [smem:$0x3F96]  }
0x28: {  	s2 =	sld [smem:$0x3F97]  }
0x29: {  	s4 =	sld [smem:$0x3F99]  }
0x2a: {  	p0 =	seq.s32 s5, $0x0;
	s5 =	sld [smem:$0x3F9A]  }
0x2b: {  	s6 =	sld [smem:$0x3F9B]  }
0x2c: {  	s7 =	sld [smem:$0x3F9C]  }
0x2d: {  	s3 =	simm.s32 $0x108;
	s8 =	sld [smem:$0x3F9D]  }
0x2e: {  	s3 =	simm.s32 @!p0 $0x1082;
	s9 =	sld [smem:$0x3F9E]  }
0x2f: {  	lr =	sadd.s32 s0, s3;
	s0 =	sld [smem:$0x3F95]  }
0x30: {  	s3 =	sld [smem:$0x3F98]  }
0x31: {  	[smem:$0x3FA1] =	sst s10  }
0x32: {  	s10 =	sld [smem:$0x3F9F];
	_ =	sdelay $0x3  }
0x33: {  	p0 =	seq.s32 s10, $0x1;
	s10 =	sld [smem:$0x3FA1];
	_ =	sdelay $0x3  }
0x34: {  	[smem:$0x3FA1] =	sst s10  }
0x35: {  	s10 =	sld [smem:$0x3FA0];
	_ =	sdelay $0x3  }
0x36: {  	p1 =	seq.s32 s10, $0x1;
	s10 =	sld [smem:$0x3FA1];
	_ =	sdelay $0x3  }
0x37: {  	[smem:$0x3FA1] =	sst s10  }
0x38: {  	s10 =	sld [smem:$0x3FA2]  }
0x39: {  	_ = 	snop;
	(pc) =	sbr.ind lr, $3  }
0x3a: {  	_ = 	snop  }
0x3b: {  	_ = 	snop  }
0x3c: {  	p2 =	seq.s32 s10, $0x1;
	s10 =	sld [smem:$0x3FA1]  }
0x3d: {  	_ =	shalt  }
0x3e: {  	_ =	shalt  }
0x3f: {  	_ =	shalt  }
0x40: {  	_ =	shalt  }
0x41: {  	_ =	shalt  }
0x42: {  	_ =	shalt  }
0x43: {  	_ =	shalt  }
0x44: {  	_ =	shalt  }
0x45: {  	_ =	shalt  }
0x46: {  	_ =	shalt  }
0x47: {  	_ =	shalt  }
0x48: {  	_ =	shalt  }
0x49: {  	_ =	shalt  }
0x4a: {  	_ =	shalt  }
0x4b: {  	_ =	shalt  }
0x4c: {  	_ =	shalt  }
0x4d: {  	_ =	shalt  }
0x4e: {  	_ =	shalt  }
0x4f: {  	_ =	shalt  }
0x50: {  	_ =	shalt  }
0x51: {  	_ =	shalt  }
0x52: {  	_ =	shalt  }
0x53: {  	_ =	shalt  }
0x54: {  	_ =	shalt  }
0x55: {  	_ =	shalt  }
0x56: {  	_ =	shalt  }
0x57: {  	_ =	shalt  }
0x58: {  	_ =	shalt  }
0x59: {  	_ =	shalt  }
0x5a: {  	_ =	shalt  }
0x5b: {  	_ =	shalt  }
0x5c: {  	_ =	shalt  }
0x5d: {  	_ =	shalt  }
0x5e: {  	_ =	shalt  }
0x5f: {  	_ =	shalt  }
0x60: {  	_ =	shalt  }
0x61: {  	_ =	shalt  }
0x62: {  	_ =	shalt  }
0x63: {  	_ =	shalt  }
0x64: {  	_ =	shalt  }
0x65: {  	_ =	shalt  }
0x66: {  	_ =	shalt  }
0x67: {  	_ =	shalt  }
0x68: {  	_ =	shalt  }
0x69: {  	_ =	shalt  }
0x6a: {  	_ =	shalt  }
0x6b: {  	_ =	shalt  }
0x6c: {  	_ =	shalt  }
0x6d: {  	_ =	shalt  }
0x6e: {  	_ =	shalt  }
0x6f: {  	_ =	shalt  }
0x70: {  	_ =	shalt  }
0x71: {  	_ =	shalt  }
0x72: {  	_ =	shalt  }
0x73: {  	_ =	shalt  }
0x74: {  	_ =	shalt  }
0x75: {  	_ =	shalt  }
0x76: {  	_ =	shalt  }
0x77: {  	_ =	shalt  }
0x78: {  	_ =	shalt  }
0x79: {  	_ =	shalt  }
0x7a: {  	_ =	shalt  }
0x7b: {  	_ =	shalt  }
0x7c: {  	_ =	shalt  }
0x7d: {  	_ =	shalt  }
0x7e: {  	_ =	shalt  }
0x7f: {  	_ =	shalt  }
0x80: {  	_ =	shalt  }
0x81: {  	_ =	shalt  }
0x82: {  	_ =	shalt  }
0x83: {  	_ =	shalt  }
0x84: {  	_ =	shalt  }
0x85: {  	_ =	shalt  }
0x86: {  	_ =	shalt  }
0x87: {  	_ =	shalt  }
.Lfunc_end0:
.L_simem_size_0:
called_computation.1_lowered:
.L_overlay_start_0:
0x88: {  	s2 =	sld [smem:$0x3FD9]  }
0x89: {  	s3 =	sld [smem:$0x3FFE];
	_ =	sdelay $0x1  }
0x8a: {  	s1 =	srdreg.scid  }
0x8b: {  	s0 =	sand.u32 $0x1, s1  }
0x8c: {  	s16 =	sshll.u32 s0, $0xA;
	s2 =	sadd.s32 s3, s2  }
0x8d: {  	s2 =	sadd.s32 s2, s16  }
0x8e: {  	[smem:$0x3FAD] =	sst s2  }
0x8f: {  	_ = 	snop  }
0x90: {  	(tm) =	ssettm $0x1  }
0x91: {  	s17 =	sld [smem:$0x3FFB];
	_ =	sdelay $0x3  }
0x92: {  	_ =	strace s17  }
0x93: {  	s2 =	sld [smem:$0x3FFC];
	_ =	sdelay $0x3  }
0x94: {  	_ =	strace s2  }
0x95: {  	s2 =	sld [smem:$0x3FFD];
	_ =	sdelay $0x3  }
0x96: {  	_ =	strace s2  }
0x97: {  	_ =	strace $0x8FFFFFFF  }
0x98: {  	s18 =	sld [smem:$0x3FDB];
	_ =	sdelay $0x1  }
0x99: {  	s19 =	simm.s32 $_scs_section_size  }
0x9a: {  	s4 =	simm.s32 $_size__tile_overlayer_lowered;
	s5 =	simm.s32 $_tile_overlayer_lowered  }
0x9b: {  	s22 =	simm.s32 $0x1BFF;
	s21 =	sshll.u32 s5, $0x1;
	s2 =	sadd.s32 s19, s18  }
0x9c: {  	s6 =	simm.s32 $0x0;
	s20 =	sshll.u32 s4, $0x1;
	s4 =	sadd.s32 s21, s2  }
0x9d: {  	[timem:s6], [sflag:s22] =	dma.local [hbm:s4], s20  }
0x9e: {  	_ =	swait.ge [sflag:s22], s20  }
0x9f: {  	s3 =	ssub.s32 $0x0, s20;
	[sflag:s22] =	ssyncset.done $0x0  }
0xa0: {  	[sflag:s22] =	ssyncadd.s32 s3;
	_ =	sdelay $0x1  }
0xa1: {  	s23 =	simm.s32 $0x1B8B  }
0xa2: {  	_ =	swait.ge [sflag:s23], $0x1  }
0xa3: {  	[sflag:s23] =	ssyncset.done $0x0  }
0xa4: {  	s25 =	simm.s32 $0x1B8E;
	s24 =	sld [smem:$0x3FFE];
	[sflag:s23] =	ssyncadd.s32 $0xFFFFFFFF  }
0xa5: {  	s26 =	simm.s32 $execute0_lowered;
	[smem:$0x3FD2] =	sst s25  }
0xa6: {  	s4 =	sshll.u32 s26, $0x1;
	_ =	strace $0x80000049;
	[dreg:$0x1] =	wrdreg $0xFFFFFFFF  }
0xa7: {  	s28 =	simm.s32 $_size_execute0_lowered;
	s2 =	sadd.s32 s2, s4;
	[dreg:$0x0] =	wrdreg $0x0  }
0xa8: {  	s4 =	sshll.u32 s28, $0x1;
	[dreg:$0x2] =	wrdreg s2  }
0xa9: {  	[dreg:$0x3] =	wrdreg s4  }
0xaa: {  	[dreg:$0x4] =	wrdreg $0xC0  }
0xab: {  	_ =	task [dreg:s6], $0x5FFFF  }
0xac: {  	[dreg:$0x1] =	wrdreg $0xFFFFFFFF  }
0xad: {  	[dreg:$0x0] =	wrdreg $0x60  }
0xae: {  	[dreg:$0x2] =	wrdreg s24  }
0xaf: {  	[dreg:$0x3] =	wrdreg $0x148000  }
0xb0: {  	[dreg:$0x4] =	wrdreg $0xAA000  }
0xb1: {  	[dreg:$0x5] =	wrdreg $0x9  }
0xb2: {  	_ =	task.clear_ibuf [dreg:s6], $0x6FFFF;
	_ =	strace $0x90000049  }
0xb3: {  	s29 =	simm.s32 $0x9;
	_ =	strace $0x8000004B  }
0xb4: {  	_ =	swait.ge [sflag:s29], $0x1  }
0xb5: {  	[sflag:s29] =	ssyncadd.s32 $0xFFFFFFFF  }
0xb6: {  	_ =	strace $0x9000004B  }
0xb7: {  	_ =	sfence  }
0xb8: {  	s30 =	sld [smem:$0x0];
	_ =	sdelay $0x2  }
0xb9: {  	s31 =	sshll.u32 s1, $0xD;
	s1 =	sshrl.u32 s1, $0x2  }
0xba: {  	s3 =	sand.u32 $0x4000, s31;
	s1 =	sadd.s32 s1, s30  }
0xbb: {  	s0 =	sor.u32 s3, s0;
	s1 =	sshll.u32 s1, $0x11  }
0xbc: {  	s0 =	sor.u32 s1, s0  }
0xbd: {  	s0 =	sadd.s32 $0x8F2B, s0  }
0xbe: {  	[sflag:s0] =	ssyncadd.remote.s32 $0x1  }
0xbf: {  	_ =	sfence.sel $0xFFFF  }
0xc0: {  	[dreg:$0x0] =	wrdreg $0xFFFFFFFF;
	(pc) =	sbr.abs _section_cstart, $3  }
0xc1: {  	[dreg:$0x1] =	wrdreg $0xFFFFFFFF  }
0xc2: {  	_ =	task.clear_ibuf [dreg:s6], $0x2FFFF;
	_ =	strace $0x9FFFFFFF  }
0xc3: {  	(tm) =	ssettm $0x7FFFFFFF  }
tec
execute0_lowered:
.L_overlay_start_1:
0x0: {  	(tag) =	ssettag $0x1  }
0x1: {  	s0 =	rddreg [dreg:$0x0];
	s14 =	stileid.u32  }
0x2: {  	s1 =	srdreg.scid;
	s2 =	rddreg [dreg:$0x1]  }
0x3: {  	s3 =	rddreg [dreg:$0x2];
	s28 =	simm.s32 $0x2;
	s29 =	simm.s32 $0x2A00  }
0x4: {  	s30 =	simm.s32 $0x1;
	s31 =	simm.s32 $0x100;
	s5 =	smul.u32 $0x9E00, s14  }
0x5: {  	s1 =	sand.u32 $0x1, s1;
	s4 =	sshll.u32 s14, $0x1;
	s12 =	smul.u32 $0x27800, s14  }
0x6: {  	s16 =	sadd.s32 $0x4000, s0;
	s18 =	sshll.u32 s14, $0x6;
	s19 =	smul.u32 $0x5000, s14  }
0x7: {  	s6 =	sor.u32 s1, s4;
	s4 =	simm.s32 $0x0;
	s8 =	smul.u32 $0x9E000, s1  }
0x8: {  	s9 =	ssub.s32 $0x2, s1;
	s26 =	sor.u32 $0x1C02, s18;
	s1 =	smul.u32 $0x2800, s1  }
0x9: {  	s14 =	smov.u32 s18;
	s18 =	sor.u32 $0x1C04, s18;
	s6 =	smul.u32 $0x2800, s6  }
0xa: {  	[smem:$0x7FF] =	sst s4;
	s7 =	sshrl.u32 s5, $0x3;
	s11 =	sshrl.u32 s9, $0x1  }
0xb: {  	s17 =	sadd.s32 s5, s2;
	s25 =	sshrl.u32 s12, $0x2;
	_ =	strace $0x8000004A  }
0xc: {  	s7 =	sadd.s32 s7, s0;
	s8 =	sadd.s32 s5, s8;
	s13 =	ssub.s32 s9, s11  }
0xd: {  	[dreg:$0x5] =	wrdreg s26;
	s5 =	sadd.s32 s5, s3;
	s11 =	sadd.s32 s25, s3  }
0xe: {  	s9 =	sadd.s32 $0x2B880, s0;
	s1 =	sadd.s32 s1, s19;
	s17 =	sshrl.u32 s17, $0x3  }
0xf: {  	s6 =	sshrl.u32 s6, $0x3;
	s8 =	sshrl.u32 s8, $0x3;
	s7 =	sadd.s32 $0x18000, s7  }
0x10: {  	[dreg:$0x6] =	wrdreg s5;
	s12 =	sadd.s32 $0x1C00, s11;
	s20 =	sadd.s32 $0x3800, s11  }
0x11: {  	s21 =	sadd.s32 $0x5400, s11;
	s22 =	sadd.s32 $0x7000, s11;
	s5 =	sadd.s32 $0x8C00, s11  }
0x12: {  	s24 =	smax.u32 s13, $0x1;
	s25 =	sor.u32 $0x100, s1;
	s1 =	sor.u32 $0x200, s1  }
0x13: {  	s10 =	sadd.s32 s6, s0;
	s8 =	sadd.s32 s8, s0;
	[dreg:$0x4] =	wrdreg s7  }
0x14: {  	s11 =	sadd.s32 s16, s6;
	[dreg:$0x9] =	wrdreg s24;
	s6 =	sshrl.u32 s25, $0x3  }
0x15: {  	s1 =	sshrl.u32 s1, $0x3;
	s19 =	sshrl.u32 s12, $0x3;
	s20 =	sshrl.u32 s20, $0x3  }
0x16: {  	s21 =	sshrl.u32 s21, $0x3;
	s22 =	sshrl.u32 s22, $0x3;
	s24 =	simm.s32 $0x5  }
0x17: {  	s25 =	simm.s32 $0x2800;
	s0 =	simm.s32 $0x2900;
	s10 =	sadd.s32 $0xE000, s10  }
0x18: {  	s7 =	simm.s32 $0x0;
	s23 =	sadd.s32 $0x2BC00, s8;
	[dreg:$0x7] =	wrdreg s10  }
0x19: {  	s26 =	sadd.s32 $0x4E0, s11;
	s15 =	sadd.s32 s6, s16;
	[dreg:$0x8] =	wrdreg s23  }
0x1a: {  	s16 =	sadd.s32 s1, s16;
	s1 =	simm.s32 $0x6A00;
	[dreg:$0xa] =	wrdreg s26  }
0x1b: {  	s23 =	sshrl.u32 s5, $0x3;
	s26 =	simm.s32 $0x4;
	s5 =	simm.s32 $0x3  }
.LBB2_1:
0x1c: {  	s6 =	rddreg [dreg:$0x4]  }
0x1d: {  	s8 =	rddreg [dreg:$0x5]  }
0x1e: {  	[spmem:s17], [sflag:s8] =	dma.local [hbm:s6], $0x13C0  }
0x1f: {  	s6 =	rddreg [dreg:$0x6]  }
0x20: {  	s8 =	sshrl.u32 s6, $0x3  }
0x21: {  	[spmem:s8], [sflag:s18] =	dma.local [hbm:s9], $0x380  }
0x22: {  	[spmem:s19], [sflag:s18] =	dma.local [hbm:s9], $0x380  }
0x23: {  	[spmem:s20], [sflag:s18] =	dma.local [hbm:s9], $0x380  }
0x24: {  	[spmem:s21], [sflag:s18] =	dma.local [hbm:s9], $0x380  }
0x25: {  	[spmem:s22], [sflag:s18] =	dma.local [hbm:s9], $0x380  }
0x26: {  	[spmem:s23], [sflag:s18] =	dma.local [hbm:s9], $0x240  }
0x27: {  	s13 =	rddreg [dreg:$0x7]  }
0x28: {  	[tilespmem:s4], [sflag:$0x5] =	stream.linear.gather [hbm4b:s13+s4], $0x2800, $0x38;
	[tilespmem:$0x1E600] =	vst v63  }
0x29: {  	_ =	swait.ge [sflag:s24], $0x2800  }
0x2a: {  	[sflag:s24] =	ssyncset.done $0x0  }
0x2b: {  	[sflag:s24] =	ssyncadd.s32 $0xFFFFD800  }
0x2c: {  	[tilespmem:s25], [sflag:$0x3] =	stream.linear.gather [hbm4b:s11+s4], $0x100, $0x38;
	[tilespmem:$0x1E600] =	vst v63  }
0x2d: {  	_ =	swait.ge [sflag:s26], $0x380  }
0x2e: {  	[sflag:s26] =	ssyncset.done $0x0  }
0x2f: {  	[sflag:s26] =	ssyncadd.s32 $0xFFFFFC80  }
0x30: {  	_ =	swait.ge [sflag:s26], $0x380  }
0x31: {  	[sflag:s26] =	ssyncset.done $0x0  }
0x32: {  	[sflag:s26] =	ssyncadd.s32 $0xFFFFFC80  }
0x33: {  	_ =	swait.ge [sflag:s26], $0x380  }
0x34: {  	[sflag:s26] =	ssyncset.done $0x0  }
0x35: {  	[sflag:s26] =	ssyncadd.s32 $0xFFFFFC80  }
0x36: {  	_ =	swait.ge [sflag:s26], $0x380  }
0x37: {  	[sflag:s26] =	ssyncset.done $0x0  }
0x38: {  	[sflag:s26] =	ssyncadd.s32 $0xFFFFFC80  }
0x39: {  	_ =	swait.ge [sflag:s26], $0x380  }
0x3a: {  	[sflag:s26] =	ssyncset.done $0x0  }
0x3b: {  	[sflag:s26] =	ssyncadd.s32 $0xFFFFFC80  }
0x3c: {  	_ =	swait.ge [sflag:s26], $0x240  }
0x3d: {  	[sflag:s26] =	ssyncset.done $0x0  }
0x3e: {  	[sflag:s26] =	ssyncadd.s32 $0xFFFFFDC0  }
0x3f: {  	_ =	swait.ge [sflag:s28], $0x13C0  }
0x40: {  	[sflag:s28] =	ssyncset.done $0x0  }
0x41: {  	[sflag:s28] =	ssyncadd.s32 $0xFFFFEC40  }
0x42: {  	[bflag:$0x0] =	sbarrier.arrive $0xFFFF  }
0x43: {  	[tilespmem:s29], [sflag:$0x1] =	stream.indirect.gather [spmem:s2], $0x40, s4, s31, $0xb8;
	[tilespmem:$0x1E600] =	vst v63  }
0x44: {  	_ =	swait.ge [sflag:s30], $0x4000  }
0x45: {  	[sflag:s30] =	ssyncset.done $0x0  }
0x46: {  	[sflag:s30] =	ssyncadd.s32 $0xFFFFC000  }
0x47: {  	[tilespmem:s1], [sflag:$0x1] =	stream.indirect.gather [spmem:s2], $0x40, s31, s31, $0xb8;
	[tilespmem:$0x1E600] =	vst v63  }
0x48: {  	s10 =	sadd.s32 $0x0, s15  }
0x49: {  	[tilespmem:s0], [sflag:$0x3] =	stream.linear.gather [hbm4b:s10+s4], $0x100, $0x38;
	[tilespmem:$0x1E600] =	vst v63  }
0x4a: {  	_ =	swait.ge [sflag:s5], $0x100  }
0x4b: {  	[sflag:s5] =	ssyncset.done $0x0  }
0x4c: {  	[sflag:s5] =	ssyncadd.s32 $0xFFFFFF00  }
0x4d: {  	[spmem:s3] =	stream.indirect.scatter.add.f32 [tilespmem:s29], [sflag:$0x5], $0x40, s25, s31, $0xb8;
	[tilespmem:$0x1E600] =	vst v63  }
0x4e: {  	_ =	swait.ge [sflag:s24], $0x4000  }
0x4f: {  	[sflag:s24] =	ssyncset.done $0x0  }
0x50: {  	[sflag:s24] =	ssyncadd.s32 $0xFFFFC000  }
0x51: {  	_ =	swait.ge [sflag:s30], $0x4000  }
0x52: {  	[sflag:s30] =	ssyncset.done $0x0  }
0x53: {  	s12 =	simm.s32 $0x200;
	[sflag:s30] =	ssyncadd.s32 $0xFFFFC000  }
0x54: {  	[tilespmem:s29], [sflag:$0x1] =	stream.indirect.gather [spmem:s2], $0x40, s12, s31, $0xb8;
	[tilespmem:$0x1E600] =	vst v63  }
0x55: {  	s13 =	sadd.s32 $0x0, s16  }
0x56: {  	[tilespmem:s25], [sflag:$0x3] =	stream.linear.gather [hbm4b:s13+s4], $0x100, $0x38;
	[tilespmem:$0x1E600] =	vst v63  }
0x57: {  	_ =	swait.ge [sflag:s5], $0x100  }
0x58: {  	[sflag:s5] =	ssyncset.done $0x0  }
0x59: {  	[sflag:s5] =	ssyncadd.s32 $0xFFFFFF00  }
0x5a: {  	[spmem:s3] =	stream.indirect.scatter.add.f32 [tilespmem:s1], [sflag:$0x5], $0x40, s0, s31, $0xb8;
	[tilespmem:$0x1E600] =	vst v63  }
0x5b: {  	_ =	swait.ge [sflag:s24], $0x4000  }
0x5c: {  	s6 =	simm.s32 $0x100;
	s10 =	simm.s32 $0x40;
	[sflag:s24] =	ssyncset.done $0x0  }
.LBB2_2:
0x5d: {  	p0 =	sne.s32 s10, $0x480;
	[sflag:s24] =	ssyncadd.s32 $0xFFFFC000;
	s6 =	sadd.s32 $0x200, s6  }
0x5e: {  	s12 =	smov.u32 s10;
	s10 =	sadd.s32 $0x40, s10;
	_ =	swait.ge [sflag:s30], $0x4000  }
0x5f: {  	[sflag:s30] =	ssyncset.done $0x0  }
0x60: {  	[sflag:s30] =	ssyncadd.s32 $0xFFFFC000  }
0x61: {  	[tilespmem:s1], [sflag:$0x1] =	stream.indirect.gather [spmem:s2], $0x40, s6, s31, $0xb8;
	[tilespmem:$0x1E600] =	vst v63  }
0x62: {  	s13 =	sadd.s32 s12, s15  }
0x63: {  	[tilespmem:s0], [sflag:$0x3] =	stream.linear.gather [hbm4b:s13+s4], $0x100, $0x38;
	[tilespmem:$0x1E600] =	vst v63  }
0x64: {  	_ =	swait.ge [sflag:s5], $0x100  }
0x65: {  	[sflag:s5] =	ssyncset.done $0x0  }
0x66: {  	[sflag:s5] =	ssyncadd.s32 $0xFFFFFF00  }
0x67: {  	[spmem:s3] =	stream.indirect.scatter.add.f32 [tilespmem:s29], [sflag:$0x5], $0x40, s25, s31, $0xb8;
	[tilespmem:$0x1E600] =	vst v63  }
0x68: {  	_ =	swait.ge [sflag:s24], $0x4000  }
0x69: {  	[sflag:s24] =	ssyncset.done $0x0  }
0x6a: {  	[sflag:s24] =	ssyncadd.s32 $0xFFFFC000  }
0x6b: {  	_ =	swait.ge [sflag:s30], $0x4000  }
0x6c: {  	[sflag:s30] =	ssyncset.done $0x0  }
0x6d: {  	s13 =	sadd.s32 $0x100, s6;
	[sflag:s30] =	ssyncadd.s32 $0xFFFFC000  }
0x6e: {  	[tilespmem:s29], [sflag:$0x1] =	stream.indirect.gather [spmem:s2], $0x40, s13, s31, $0xb8;
	[tilespmem:$0x1E600] =	vst v63  }
0x6f: {  	s12 =	sadd.s32 s12, s16  }
0x70: {  	[tilespmem:s25], [sflag:$0x3] =	stream.linear.gather [hbm4b:s12+s4], $0x100, $0x38;
	[tilespmem:$0x1E600] =	vst v63  }
0x71: {  	_ =	swait.ge [sflag:s5], $0x100  }
.Ltmp0:
0x72: {  	[sflag:s5] =	ssyncset.done $0x0;
	(pc) =	sbr.rel @p0 .LBB2_2-.Ltmp0, $4  }
0x73: {  	[sflag:s5] =	ssyncadd.s32 $0xFFFFFF00  }
0x74: {  	[spmem:s3] =	stream.indirect.scatter.add.f32 [tilespmem:s1], [sflag:$0x5], $0x40, s0, s31, $0xb8;
	[tilespmem:$0x1E600] =	vst v63  }
0x75: {  	_ =	swait.ge [sflag:s24], $0x4000  }
0x76: {  	[sflag:s24] =	ssyncset.done $0x0  }
0x77: {  	[sflag:s24] =	ssyncadd.s32 $0xFFFFC000  }
0x78: {  	_ =	swait.ge [sflag:s30], $0x4000  }
0x79: {  	[sflag:s30] =	ssyncset.done $0x0  }
0x7a: {  	s6 =	simm.s32 $0x2700;
	[sflag:s30] =	ssyncadd.s32 $0xFFFFC000  }
0x7b: {  	[tilespmem:s1], [sflag:$0x1] =	stream.indirect.gather [spmem:s2], $0x40, s6, s31, $0xb8;
	[tilespmem:$0x1E600] =	vst v63  }
0x7c: {  	s10 =	rddreg [dreg:$0xa]  }
0x7d: {  	[tilespmem:s0], [sflag:$0x3] =	stream.linear.gather [hbm4b:s10+s4], $0x100, $0x38;
	[tilespmem:$0x1E600] =	vst v63  }
0x7e: {  	_ =	swait.ge [sflag:s5], $0x100  }
0x7f: {  	[sflag:s5] =	ssyncset.done $0x0  }
0x80: {  	[sflag:s5] =	ssyncadd.s32 $0xFFFFFF00  }
0x81: {  	[spmem:s3] =	stream.indirect.scatter.add.f32 [tilespmem:s29], [sflag:$0x5], $0x40, s25, s31, $0xb8;
	[tilespmem:$0x1E600] =	vst v63  }
0x82: {  	_ =	swait.ge [sflag:s24], $0x4000  }
0x83: {  	[sflag:s24] =	ssyncset.done $0x0  }
0x84: {  	[sflag:s24] =	ssyncadd.s32 $0xFFFFC000  }
0x85: {  	_ =	swait.ge [sflag:s30], $0x4000  }
0x86: {  	[sflag:s30] =	ssyncset.done $0x0  }
0x87: {  	[sflag:s30] =	ssyncadd.s32 $0xFFFFC000  }
0x88: {  	_ =	swait.ge [sflag:s5], $0x100  }
0x89: {  	[sflag:s5] =	ssyncset.done $0x0  }
0x8a: {  	[sflag:s5] =	ssyncadd.s32 $0xFFFFFF00  }
0x8b: {  	[spmem:s3] =	stream.indirect.scatter.add.f32 [tilespmem:s1], [sflag:$0x5], $0x40, s0, s31, $0xb8;
	[tilespmem:$0x1E600] =	vst v63  }
0x8c: {  	_ =	swait.ge [sflag:s24], $0x4000  }
0x8d: {  	[sflag:s24] =	ssyncset.done $0x0  }
0x8e: {  	[sflag:s24] =	ssyncadd.s32 $0xFFFFC000  }
0x8f: {  	[bflag:$0x0] =	sbarrier.arrive $0xFFFF  }
0x90: {  	s12 =	sor.u32 $0x1C05, s14;
	s10 =	rddreg [dreg:$0x8]  }
0x91: {  	[hbm:s10], [sflag:s12] =	dma.local [spmem:s8], $0x13C0  }
0x92: {  	_ =	swait.ge [sflag:s24], $0x13C0  }
0x93: {  	s7 =	sadd.s32 $0x1, s7;
	s13 =	rddreg [dreg:$0x9]  }
0x94: {  	p0 =	sne.s32 s7, s13  }
.Ltmp1:
0x95: {  	_ = 	snop;
	(pc) =	sbr.rel @p0 .LBB2_1-.Ltmp1, $3  }
0x96: {  	_ =	sdelay $0x1  }
0x97: {  	[sflag:s24] =	ssyncset.done $0x0  }
0x98: {  	[sflag:s24] =	ssyncadd.s32 $0xFFFFEC40  }
0x99: {  	_ =	sfence.sel $0x180000  }
0x9a: {  	[bflag:$0x0] =	sbarrier.arrive $0xFFFF  }
0x9b: {  	_ =	strace $0x9000004A  }
0x9c: {  	s0 =	stileid.u32;
	[bflag:$0x2] =	sbarrier.arrive $0xFFFF  }
0x9d: {  	p0 =	sne.s32 s0, $0x0;
	s0 =	rddreg [dreg:$0x3]  }
0x9e: {  	s0 =	sadd.s32 @!p0 $0x100000, s0  }
0x9f: {  	[sflag:s0] =	ssyncadd.tile.s32 @!p0 $0x1;
	_ =	shalt  }
.Lfunc_end2:
_tile_overlayer_lowered:
.L_overlay_start_2:
0xa0: {  	(tag) =	ssettag $0x2  }
0xa1: {  	s0 =	rddreg [dreg:$0x0];
	s2 =	stileid.u32  }
0xa2: {  	s1 =	rddreg [dreg:$0x1];
	p0 =	sne.s32 s2, $0x0  }
0xa3: {  	s3 =	rddreg [dreg:$0x2];
	[bflag:$0x3] =	sbarrier.arrive $0xFFFF;
	s2 =	simm.s32 @!p0 $0x1C05  }
0xa4: {  	[timem:s3], [sflag:s2] =	dma.local @!p0 [hbm:s0], s1  }
0xa5: {  	s0 =	simm.s32 @!p0 $0x5  }
0xa6: {  	_ =	swait.ge @!p0 [sflag:s0], s1  }
0xa7: {  	s1 =	ssub.s32 @!p0 $0x0, s1;
	[sflag:s0] =	ssyncset.done @!p0 $0x0  }
0xa8: {  	[sflag:s0] =	ssyncadd.s32 @!p0 s1  }
0xa9: {  	[bflag:$0x3] =	sbarrier.arrive $0xFFFF  }
0xaa: {  	_ =	shalt  }

// kernel: kernel.19.cloned.1.call-start
scs
__scs_entry_jumppad:
0x0: {  	(pc) =	sbr.rel $0x88, $3  }
0x1: {  	(tag) =	ssettag $0x0;
	lr =	simm.s32 $0x1  }
0x2: {  	[smem:$0x3F86] =	sst lr;
	_ =	strace $0xD0000000  }
0x3: {  	_ = 	snop  }
0x4: {  	_ = 	snop  }
0x5: {  	_ = 	snop  }
0x6: {  	_ = 	snop  }
0x7: {  	_ = 	snop  }
__scs_overlays_trampoline_lowered:
0x8: {  	[smem:$0x3F95] =	sst s0  }
0x9: {  	[smem:$0x3F96] =	sst s1  }
0xa: {  	[smem:$0x3F97] =	sst s2  }
0xb: {  	[smem:$0x3F98] =	sst s3  }
0xc: {  	[smem:$0x3F99] =	sst s4  }
0xd: {  	[smem:$0x3F9A] =	sst s5  }
0xe: {  	[smem:$0x3F9B] =	sst s6  }
0xf: {  	[smem:$0x3F9C] =	sst s7  }
0x10: {  	[smem:$0x3F9D] =	sst s8  }
0x11: {  	[smem:$0x3F9E] =	sst s9;
	s0 =	simm.s32 @!p0 $0x0  }
0x12: {  	s1 =	sld [smem:$0x3F84];
	s0 =	simm.s32 @p0 $0x1  }
0x13: {  	[smem:$0x3F9F] =	sst s0;
	s0 =	simm.s32 @!p1 $0x0  }
0x14: {  	s2 =	sld [smem:$0x3F83];
	s0 =	simm.s32 @p1 $0x1  }
0x15: {  	[smem:$0x3FA0] =	sst s0;
	s0 =	simm.s32 @!p2 $0x0  }
0x16: {  	s3 =	sld [smem:$0x3FDB];
	s0 =	simm.s32 @p2 $0x1  }
0x17: {  	s4 =	simm.s32 $0x1BF5;
	[smem:$0x3FA2] =	sst s0  }
0x18: {  	s0 =	sld [smem:$0x3F85];
	_ =	swait.ge [sflag:s4], $0x0  }
0x19: {  	s7 =	sld [smem:$0x3F86]  }
0x1a: {  	s8 =	sadd.s32 $0xFFFFE003, lr  }
0x1b: {  	s9 =	sadd.s32 $0xFFFFFEF7, lr;
	s5 =	simm.s32 $0xFFFFFFFF;
	p2 =	slt.u32 s8, $0xFFFFF086  }
0x1c: {  	p1 =	slt.u32 s9, $0xF7A;
	s5 =	simm.s32 @!p2 $0x0  }
0x1d: {  	s5 =	simm.s32 @p1 $0x1;
	p0 =	seq.s32 s7, s2  }
0x1e: {  	s7 =	smul.u32 @!p0 $0xF7A, s2;
	p2 =	seq.s32 @!p0 s5, $0x0  }
0x1f: {  	s9 =	smul.u32 $0xF7A, s1;
	s8 =	simm.s32 @!p0 $0x1BF5;
	p2 =	por !p2, p0  }
0x20: {  	[sflag:s8] =	ssyncset.s32 @!p0 $0xFFFFF086;
	s6 =	sadd.s32 @!p0 s3, s7;
	s7 =	simm.s32 @!p0 $0x108  }
0x21: {  	s3 =	sadd.s32 s3, s9;
	s6 =	sadd.s32 @!p0 $0x88, s6;
	s7 =	simm.s32 @p2 $0x1082  }
0x22: {  	[simem:s7], [sflag:s8] =	dma.local @!p0 [hbm:s6], $0xF7A  }
0x23: {  	s9 =	sor.u32 $0xD0000000, s2;
	s6 =	simm.s32 $0x108;
	_ =	swait.ge @!p0 [sflag:s8], $0x0  }
0x24: {  	s3 =	sadd.s32 $0x88, s3;
	s6 =	simm.s32 @!p1 $0x1082;
	[sflag:s4] =	ssyncset.s32 $0xFFFFF086  }
0x25: {  	[simem:s6], [sflag:s4] =	dma.local [hbm:s3], $0xF7A  }
0x26: {  	[smem:$0x3F86] =	sst s1;
	(tag) =	ssettag s2;
	_ =	strace s9  }
0x27: {  	s1 =	sld [smem:$0x3F96]  }
0x28: {  	s2 =	sld [smem:$0x3F97]  }
0x29: {  	s4 =	sld [smem:$0x3F99]  }
0x2a: {  	p0 =	seq.s32 s5, $0x0;
	s5 =	sld [smem:$0x3F9A]  }
0x2b: {  	s6 =	sld [smem:$0x3F9B]  }
0x2c: {  	s7 =	sld [smem:$0x3F9C]  }
0x2d: {  	s3 =	simm.s32 $0x108;
	s8 =	sld [smem:$0x3F9D]  }
0x2e: {  	s3 =	simm.s32 @!p0 $0x1082;
	s9 =	sld [smem:$0x3F9E]  }
0x2f: {  	lr =	sadd.s32 s0, s3;
	s0 =	sld [smem:$0x3F95]  }
0x30: {  	s3 =	sld [smem:$0x3F98]  }
0x31: {  	[smem:$0x3FA1] =	sst s10  }
0x32: {  	s10 =	sld [smem:$0x3F9F];
	_ =	sdelay $0x3  }
0x33: {  	p0 =	seq.s32 s10, $0x1;
	s10 =	sld [smem:$0x3FA1];
	_ =	sdelay $0x3  }
0x34: {  	[smem:$0x3FA1] =	sst s10  }
0x35: {  	s10 =	sld [smem:$0x3FA0];
	_ =	sdelay $0x3  }
0x36: {  	p1 =	seq.s32 s10, $0x1;
	s10 =	sld [smem:$0x3FA1];
	_ =	sdelay $0x3  }
0x37: {  	[smem:$0x3FA1] =	sst s10  }
0x38: {  	s10 =	sld [smem:$0x3FA2]  }
0x39: {  	_ = 	snop;
	(pc) =	sbr.ind lr, $3  }
0x3a: {  	_ = 	snop  }
0x3b: {  	_ = 	snop  }
0x3c: {  	p2 =	seq.s32 s10, $0x1;
	s10 =	sld [smem:$0x3FA1]  }
0x3d: {  	_ =	shalt  }
0x3e: {  	_ =	shalt  }
0x3f: {  	_ =	shalt  }
0x40: {  	_ =	shalt  }
0x41: {  	_ =	shalt  }
0x42: {  	_ =	shalt  }
0x43: {  	_ =	shalt  }
0x44: {  	_ =	shalt  }
0x45: {  	_ =	shalt  }
0x46: {  	_ =	shalt  }
0x47: {  	_ =	shalt  }
0x48: {  	_ =	shalt  }
0x49: {  	_ =	shalt  }
0x4a: {  	_ =	shalt  }
0x4b: {  	_ =	shalt  }
0x4c: {  	_ =	shalt  }
0x4d: {  	_ =	shalt  }
0x4e: {  	_ =	shalt  }
0x4f: {  	_ =	shalt  }
0x50: {  	_ =	shalt  }
0x51: {  	_ =	shalt  }
0x52: {  	_ =	shalt  }
0x53: {  	_ =	shalt  }
0x54: {  	_ =	shalt  }
0x55: {  	_ =	shalt  }
0x56: {  	_ =	shalt  }
0x57: {  	_ =	shalt  }
0x58: {  	_ =	shalt  }
0x59: {  	_ =	shalt  }
0x5a: {  	_ =	shalt  }
0x5b: {  	_ =	shalt  }
0x5c: {  	_ =	shalt  }
0x5d: {  	_ =	shalt  }
0x5e: {  	_ =	shalt  }
0x5f: {  	_ =	shalt  }
0x60: {  	_ =	shalt  }
0x61: {  	_ =	shalt  }
0x62: {  	_ =	shalt  }
0x63: {  	_ =	shalt  }
0x64: {  	_ =	shalt  }
0x65: {  	_ =	shalt  }
0x66: {  	_ =	shalt  }
0x67: {  	_ =	shalt  }
0x68: {  	_ =	shalt  }
0x69: {  	_ =	shalt  }
0x6a: {  	_ =	shalt  }
0x6b: {  	_ =	shalt  }
0x6c: {  	_ =	shalt  }
0x6d: {  	_ =	shalt  }
0x6e: {  	_ =	shalt  }
0x6f: {  	_ =	shalt  }
0x70: {  	_ =	shalt  }
0x71: {  	_ =	shalt  }
0x72: {  	_ =	shalt  }
0x73: {  	_ =	shalt  }
0x74: {  	_ =	shalt  }
0x75: {  	_ =	shalt  }
0x76: {  	_ =	shalt  }
0x77: {  	_ =	shalt  }
0x78: {  	_ =	shalt  }
0x79: {  	_ =	shalt  }
0x7a: {  	_ =	shalt  }
0x7b: {  	_ =	shalt  }
0x7c: {  	_ =	shalt  }
0x7d: {  	_ =	shalt  }
0x7e: {  	_ =	shalt  }
0x7f: {  	_ =	shalt  }
0x80: {  	_ =	shalt  }
0x81: {  	_ =	shalt  }
0x82: {  	_ =	shalt  }
0x83: {  	_ =	shalt  }
0x84: {  	_ =	shalt  }
0x85: {  	_ =	shalt  }
0x86: {  	_ =	shalt  }
0x87: {  	_ =	shalt  }
.Lfunc_end0:
.L_simem_size_0:
called_computation.2_lowered:
.L_overlay_start_0:
0x88: {  	s2 =	sld [smem:$0x3FD9]  }
0x89: {  	s3 =	sld [smem:$0x3FFE];
	_ =	sdelay $0x1  }
0x8a: {  	s1 =	srdreg.scid  }
0x8b: {  	s0 =	sand.u32 $0x1, s1  }
0x8c: {  	s16 =	sshll.u32 s0, $0xA;
	s2 =	sadd.s32 s3, s2  }
0x8d: {  	s2 =	sadd.s32 s2, s16  }
0x8e: {  	[smem:$0x3FAD] =	sst s2  }
0x8f: {  	_ = 	snop  }
0x90: {  	(tm) =	ssettm $0x1  }
0x91: {  	s17 =	sld [smem:$0x3FFB];
	_ =	sdelay $0x3  }
0x92: {  	_ =	strace s17  }
0x93: {  	s2 =	sld [smem:$0x3FFC];
	_ =	sdelay $0x3  }
0x94: {  	_ =	strace s2  }
0x95: {  	s2 =	sld [smem:$0x3FFD];
	_ =	sdelay $0x3  }
0x96: {  	_ =	strace s2  }
0x97: {  	_ =	strace $0x8FFFFFFF  }
0x98: {  	s18 =	sld [smem:$0x3FDB];
	_ =	sdelay $0x1  }
0x99: {  	s19 =	simm.s32 $_scs_section_size  }
0x9a: {  	s4 =	simm.s32 $_size__tile_overlayer_lowered;
	s5 =	simm.s32 $_tile_overlayer_lowered  }
0x9b: {  	s22 =	simm.s32 $0x1BFF;
	s21 =	sshll.u32 s5, $0x1;
	s2 =	sadd.s32 s19, s18  }
0x9c: {  	s6 =	simm.s32 $0x0;
	s20 =	sshll.u32 s4, $0x1;
	s4 =	sadd.s32 s21, s2  }
0x9d: {  	[timem:s6], [sflag:s22] =	dma.local [hbm:s4], s20  }
0x9e: {  	_ =	swait.ge [sflag:s22], s20  }
0x9f: {  	s3 =	ssub.s32 $0x0, s20;
	[sflag:s22] =	ssyncset.done $0x0  }
0xa0: {  	[sflag:s22] =	ssyncadd.s32 s3;
	_ =	sdelay $0x1  }
0xa1: {  	s23 =	simm.s32 $0x1B8B  }
0xa2: {  	_ =	swait.ge [sflag:s23], $0x1  }
0xa3: {  	[sflag:s23] =	ssyncset.done $0x0  }
0xa4: {  	s25 =	simm.s32 $0x1B8E;
	s24 =	sld [smem:$0x3FFE];
	[sflag:s23] =	ssyncadd.s32 $0xFFFFFFFF  }
0xa5: {  	s26 =	simm.s32 $execute0_lowered;
	[smem:$0x3FD2] =	sst s25  }
0xa6: {  	s4 =	sshll.u32 s26, $0x1;
	_ =	strace $0x8000004C;
	[dreg:$0x1] =	wrdreg $0xFFFFFFFF  }
0xa7: {  	s28 =	simm.s32 $_size_execute0_lowered;
	s2 =	sadd.s32 s2, s4;
	[dreg:$0x0] =	wrdreg $0x0  }
0xa8: {  	s4 =	sshll.u32 s28, $0x1;
	[dreg:$0x2] =	wrdreg s2  }
0xa9: {  	[dreg:$0x3] =	wrdreg s4  }
0xaa: {  	[dreg:$0x4] =	wrdreg $0xC0  }
0xab: {  	_ =	task [dreg:s6], $0x5FFFF  }
0xac: {  	[dreg:$0x1] =	wrdreg $0xFFFFFFFF  }
0xad: {  	[dreg:$0x0] =	wrdreg $0x60  }
0xae: {  	[dreg:$0x2] =	wrdreg s24  }
0xaf: {  	[dreg:$0x3] =	wrdreg $0x148000  }
0xb0: {  	[dreg:$0x4] =	wrdreg $0xAA000  }
0xb1: {  	[dreg:$0x5] =	wrdreg $0x9  }
0xb2: {  	_ =	task.clear_ibuf [dreg:s6], $0x6FFFF;
	_ =	strace $0x9000004C  }
0xb3: {  	s29 =	simm.s32 $0x9;
	_ =	strace $0x8000004E  }
0xb4: {  	_ =	swait.ge [sflag:s29], $0x1  }
0xb5: {  	[sflag:s29] =	ssyncadd.s32 $0xFFFFFFFF  }
0xb6: {  	_ =	strace $0x9000004E  }
0xb7: {  	_ =	sfence  }
0xb8: {  	s30 =	sld [smem:$0x0];
	_ =	sdelay $0x2  }
0xb9: {  	s31 =	sshll.u32 s1, $0xD;
	s1 =	sshrl.u32 s1, $0x2  }
0xba: {  	s3 =	sand.u32 $0x4000, s31;
	s1 =	sadd.s32 s1, s30  }
0xbb: {  	s0 =	sor.u32 s3, s0;
	s1 =	sshll.u32 s1, $0x11  }
0xbc: {  	s0 =	sor.u32 s1, s0  }
0xbd: {  	s0 =	sadd.s32 $0x8F2B, s0  }
0xbe: {  	[sflag:s0] =	ssyncadd.remote.s32 $0x1  }
0xbf: {  	_ =	sfence.sel $0xFFFF  }
0xc0: {  	[dreg:$0x0] =	wrdreg $0xFFFFFFFF;
	(pc) =	sbr.abs _section_cstart, $3  }
0xc1: {  	[dreg:$0x1] =	wrdreg $0xFFFFFFFF  }
0xc2: {  	_ =	task.clear_ibuf [dreg:s6], $0x2FFFF;
	_ =	strace $0x9FFFFFFF  }
0xc3: {  	(tm) =	ssettm $0x7FFFFFFF  }
tec
execute0_lowered:
.L_overlay_start_1:
0x0: {  	(tag) =	ssettag $0x1  }
0x1: {  	s0 =	rddreg [dreg:$0x0];
	s14 =	stileid.u32  }
0x2: {  	s1 =	srdreg.scid;
	s2 =	rddreg [dreg:$0x1]  }
0x3: {  	s3 =	rddreg [dreg:$0x2];
	s28 =	simm.s32 $0x2;
	s29 =	simm.s32 $0x2A00  }
0x4: {  	s30 =	simm.s32 $0x1;
	s31 =	simm.s32 $0x100;
	s5 =	smul.u32 $0x9E00, s14  }
0x5: {  	s1 =	sand.u32 $0x1, s1;
	s4 =	sshll.u32 s14, $0x1;
	s12 =	smul.u32 $0x27800, s14  }
0x6: {  	s16 =	sadd.s32 $0x4000, s0;
	s18 =	sshll.u32 s14, $0x6;
	s19 =	smul.u32 $0x5000, s14  }
0x7: {  	s6 =	sor.u32 s1, s4;
	s4 =	simm.s32 $0x0;
	s8 =	smul.u32 $0x9E000, s1  }
0x8: {  	s9 =	ssub.s32 $0x2, s1;
	s26 =	sor.u32 $0x1C02, s18;
	s1 =	smul.u32 $0x2800, s1  }
0x9: {  	s14 =	smov.u32 s18;
	s18 =	sor.u32 $0x1C04, s18;
	s6 =	smul.u32 $0x2800, s6  }
0xa: {  	[smem:$0x7FF] =	sst s4;
	s7 =	sshrl.u32 s5, $0x3;
	s11 =	sshrl.u32 s9, $0x1  }
0xb: {  	s17 =	sadd.s32 s5, s2;
	s25 =	sshrl.u32 s12, $0x2;
	_ =	strace $0x8000004D  }
0xc: {  	s7 =	sadd.s32 s7, s0;
	s8 =	sadd.s32 s5, s8;
	s13 =	ssub.s32 s9, s11  }
0xd: {  	[dreg:$0x5] =	wrdreg s26;
	s5 =	sadd.s32 s5, s3;
	s11 =	sadd.s32 s25, s3  }
0xe: {  	s9 =	sadd.s32 $0x2B880, s0;
	s1 =	sadd.s32 s1, s19;
	s17 =	sshrl.u32 s17, $0x3  }
0xf: {  	s6 =	sshrl.u32 s6, $0x3;
	s8 =	sshrl.u32 s8, $0x3;
	s7 =	sadd.s32 $0x18000, s7  }
0x10: {  	[dreg:$0x6] =	wrdreg s5;
	s12 =	sadd.s32 $0x1C00, s11;
	s20 =	sadd.s32 $0x3800, s11  }
0x11: {  	s21 =	sadd.s32 $0x5400, s11;
	s22 =	sadd.s32 $0x7000, s11;
	s5 =	sadd.s32 $0x8C00, s11  }
0x12: {  	s24 =	smax.u32 s13, $0x1;
	s25 =	sor.u32 $0x100, s1;
	s1 =	sor.u32 $0x200, s1  }
0x13: {  	s10 =	sadd.s32 s6, s0;
	s8 =	sadd.s32 s8, s0;
	[dreg:$0x4] =	wrdreg s7  }
0x14: {  	s11 =	sadd.s32 s16, s6;
	[dreg:$0x9] =	wrdreg s24;
	s6 =	sshrl.u32 s25, $0x3  }
0x15: {  	s1 =	sshrl.u32 s1, $0x3;
	s19 =	sshrl.u32 s12, $0x3;
	s20 =	sshrl.u32 s20, $0x3  }
0x16: {  	s21 =	sshrl.u32 s21, $0x3;
	s22 =	sshrl.u32 s22, $0x3;
	s24 =	simm.s32 $0x5  }
0x17: {  	s25 =	simm.s32 $0x2800;
	s0 =	simm.s32 $0x2900;
	s10 =	sadd.s32 $0xE000, s10  }
0x18: {  	s7 =	simm.s32 $0x0;
	s23 =	sadd.s32 $0x2BC00, s8;
	[dreg:$0x7] =	wrdreg s10  }
0x19: {  	s26 =	sadd.s32 $0x4E0, s11;
	s15 =	sadd.s32 s6, s16;
	[dreg:$0x8] =	wrdreg s23  }
0x1a: {  	s16 =	sadd.s32 s1, s16;
	s1 =	simm.s32 $0x6A00;
	[dreg:$0xa] =	wrdreg s26  }
0x1b: {  	s23 =	sshrl.u32 s5, $0x3;
	s26 =	simm.s32 $0x4;
	s5 =	simm.s32 $0x3  }
.LBB2_1:
0x1c: {  	s6 =	rddreg [dreg:$0x4]  }
0x1d: {  	s8 =	rddreg [dreg:$0x5]  }
0x1e: {  	[spmem:s17], [sflag:s8] =	dma.local [hbm:s6], $0x13C0  }
0x1f: {  	s6 =	rddreg [dreg:$0x6]  }
0x20: {  	s8 =	sshrl.u32 s6, $0x3  }
0x21: {  	[spmem:s8], [sflag:s18] =	dma.local [hbm:s9], $0x380  }
0x22: {  	[spmem:s19], [sflag:s18] =	dma.local [hbm:s9], $0x380  }
0x23: {  	[spmem:s20], [sflag:s18] =	dma.local [hbm:s9], $0x380  }
0x24: {  	[spmem:s21], [sflag:s18] =	dma.local [hbm:s9], $0x380  }
0x25: {  	[spmem:s22], [sflag:s18] =	dma.local [hbm:s9], $0x380  }
0x26: {  	[spmem:s23], [sflag:s18] =	dma.local [hbm:s9], $0x240  }
0x27: {  	s13 =	rddreg [dreg:$0x7]  }
0x28: {  	[tilespmem:s4], [sflag:$0x5] =	stream.linear.gather [hbm4b:s13+s4], $0x2800, $0x38;
	[tilespmem:$0x1E600] =	vst v63  }
0x29: {  	_ =	swait.ge [sflag:s24], $0x2800  }
0x2a: {  	[sflag:s24] =	ssyncset.done $0x0  }
0x2b: {  	[sflag:s24] =	ssyncadd.s32 $0xFFFFD800  }
0x2c: {  	[tilespmem:s25], [sflag:$0x3] =	stream.linear.gather [hbm4b:s11+s4], $0x100, $0x38;
	[tilespmem:$0x1E600] =	vst v63  }
0x2d: {  	_ =	swait.ge [sflag:s26], $0x380  }
0x2e: {  	[sflag:s26] =	ssyncset.done $0x0  }
0x2f: {  	[sflag:s26] =	ssyncadd.s32 $0xFFFFFC80  }
0x30: {  	_ =	swait.ge [sflag:s26], $0x380  }
0x31: {  	[sflag:s26] =	ssyncset.done $0x0  }
0x32: {  	[sflag:s26] =	ssyncadd.s32 $0xFFFFFC80  }
0x33: {  	_ =	swait.ge [sflag:s26], $0x380  }
0x34: {  	[sflag:s26] =	ssyncset.done $0x0  }
0x35: {  	[sflag:s26] =	ssyncadd.s32 $0xFFFFFC80  }
0x36: {  	_ =	swait.ge [sflag:s26], $0x380  }
0x37: {  	[sflag:s26] =	ssyncset.done $0x0  }
0x38: {  	[sflag:s26] =	ssyncadd.s32 $0xFFFFFC80  }
0x39: {  	_ =	swait.ge [sflag:s26], $0x380  }
0x3a: {  	[sflag:s26] =	ssyncset.done $0x0  }
0x3b: {  	[sflag:s26] =	ssyncadd.s32 $0xFFFFFC80  }
0x3c: {  	_ =	swait.ge [sflag:s26], $0x240  }
0x3d: {  	[sflag:s26] =	ssyncset.done $0x0  }
0x3e: {  	[sflag:s26] =	ssyncadd.s32 $0xFFFFFDC0  }
0x3f: {  	_ =	swait.ge [sflag:s28], $0x13C0  }
0x40: {  	[sflag:s28] =	ssyncset.done $0x0  }
0x41: {  	[sflag:s28] =	ssyncadd.s32 $0xFFFFEC40  }
0x42: {  	[bflag:$0x0] =	sbarrier.arrive $0xFFFF  }
0x43: {  	[tilespmem:s29], [sflag:$0x1] =	stream.indirect.gather [spmem:s2], $0x40, s4, s31, $0xb8;
	[tilespmem:$0x1E600] =	vst v63  }
0x44: {  	_ =	swait.ge [sflag:s30], $0x4000  }
0x45: {  	[sflag:s30] =	ssyncset.done $0x0  }
0x46: {  	[sflag:s30] =	ssyncadd.s32 $0xFFFFC000  }
0x47: {  	[tilespmem:s1], [sflag:$0x1] =	stream.indirect.gather [spmem:s2], $0x40, s31, s31, $0xb8;
	[tilespmem:$0x1E600] =	vst v63  }
0x48: {  	s10 =	sadd.s32 $0x0, s15  }
0x49: {  	[tilespmem:s0], [sflag:$0x3] =	stream.linear.gather [hbm4b:s10+s4], $0x100, $0x38;
	[tilespmem:$0x1E600] =	vst v63  }
0x4a: {  	_ =	swait.ge [sflag:s5], $0x100  }
0x4b: {  	[sflag:s5] =	ssyncset.done $0x0  }
0x4c: {  	[sflag:s5] =	ssyncadd.s32 $0xFFFFFF00  }
0x4d: {  	[spmem:s3] =	stream.indirect.scatter.add.f32 [tilespmem:s29], [sflag:$0x5], $0x40, s25, s31, $0xb8;
	[tilespmem:$0x1E600] =	vst v63  }
0x4e: {  	_ =	swait.ge [sflag:s24], $0x4000  }
0x4f: {  	[sflag:s24] =	ssyncset.done $0x0  }
0x50: {  	[sflag:s24] =	ssyncadd.s32 $0xFFFFC000  }
0x51: {  	_ =	swait.ge [sflag:s30], $0x4000  }
0x52: {  	[sflag:s30] =	ssyncset.done $0x0  }
0x53: {  	s12 =	simm.s32 $0x200;
	[sflag:s30] =	ssyncadd.s32 $0xFFFFC000  }
0x54: {  	[tilespmem:s29], [sflag:$0x1] =	stream.indirect.gather [spmem:s2], $0x40, s12, s31, $0xb8;
	[tilespmem:$0x1E600] =	vst v63  }
0x55: {  	s13 =	sadd.s32 $0x0, s16  }
0x56: {  	[tilespmem:s25], [sflag:$0x3] =	stream.linear.gather [hbm4b:s13+s4], $0x100, $0x38;
	[tilespmem:$0x1E600] =	vst v63  }
0x57: {  	_ =	swait.ge [sflag:s5], $0x100  }
0x58: {  	[sflag:s5] =	ssyncset.done $0x0  }
0x59: {  	[sflag:s5] =	ssyncadd.s32 $0xFFFFFF00  }
0x5a: {  	[spmem:s3] =	stream.indirect.scatter.add.f32 [tilespmem:s1], [sflag:$0x5], $0x40, s0, s31, $0xb8;
	[tilespmem:$0x1E600] =	vst v63  }
0x5b: {  	_ =	swait.ge [sflag:s24], $0x4000  }
0x5c: {  	s6 =	simm.s32 $0x100;
	s10 =	simm.s32 $0x40;
	[sflag:s24] =	ssyncset.done $0x0  }
.LBB2_2:
0x5d: {  	p0 =	sne.s32 s10, $0x480;
	[sflag:s24] =	ssyncadd.s32 $0xFFFFC000;
	s6 =	sadd.s32 $0x200, s6  }
0x5e: {  	s12 =	smov.u32 s10;
	s10 =	sadd.s32 $0x40, s10;
	_ =	swait.ge [sflag:s30], $0x4000  }
0x5f: {  	[sflag:s30] =	ssyncset.done $0x0  }
0x60: {  	[sflag:s30] =	ssyncadd.s32 $0xFFFFC000  }
0x61: {  	[tilespmem:s1], [sflag:$0x1] =	stream.indirect.gather [spmem:s2], $0x40, s6, s31, $0xb8;
	[tilespmem:$0x1E600] =	vst v63  }
0x62: {  	s13 =	sadd.s32 s12, s15  }
0x63: {  	[tilespmem:s0], [sflag:$0x3] =	stream.linear.gather [hbm4b:s13+s4], $0x100, $0x38;
	[tilespmem:$0x1E600] =	vst v63  }
0x64: {  	_ =	swait.ge [sflag:s5], $0x100  }
0x65: {  	[sflag:s5] =	ssyncset.done $0x0  }
0x66: {  	[sflag:s5] =	ssyncadd.s32 $0xFFFFFF00  }
0x67: {  	[spmem:s3] =	stream.indirect.scatter.add.f32 [tilespmem:s29], [sflag:$0x5], $0x40, s25, s31, $0xb8;
	[tilespmem:$0x1E600] =	vst v63  }
0x68: {  	_ =	swait.ge [sflag:s24], $0x4000  }
0x69: {  	[sflag:s24] =	ssyncset.done $0x0  }
0x6a: {  	[sflag:s24] =	ssyncadd.s32 $0xFFFFC000  }
0x6b: {  	_ =	swait.ge [sflag:s30], $0x4000  }
0x6c: {  	[sflag:s30] =	ssyncset.done $0x0  }
0x6d: {  	s13 =	sadd.s32 $0x100, s6;
	[sflag:s30] =	ssyncadd.s32 $0xFFFFC000  }
0x6e: {  	[tilespmem:s29], [sflag:$0x1] =	stream.indirect.gather [spmem:s2], $0x40, s13, s31, $0xb8;
	[tilespmem:$0x1E600] =	vst v63  }
0x6f: {  	s12 =	sadd.s32 s12, s16  }
0x70: {  	[tilespmem:s25], [sflag:$0x3] =	stream.linear.gather [hbm4b:s12+s4], $0x100, $0x38;
	[tilespmem:$0x1E600] =	vst v63  }
0x71: {  	_ =	swait.ge [sflag:s5], $0x100  }
.Ltmp0:
0x72: {  	[sflag:s5] =	ssyncset.done $0x0;
	(pc) =	sbr.rel @p0 .LBB2_2-.Ltmp0, $4  }
0x73: {  	[sflag:s5] =	ssyncadd.s32 $0xFFFFFF00  }
0x74: {  	[spmem:s3] =	stream.indirect.scatter.add.f32 [tilespmem:s1], [sflag:$0x5], $0x40, s0, s31, $0xb8;
	[tilespmem:$0x1E600] =	vst v63  }
0x75: {  	_ =	swait.ge [sflag:s24], $0x4000  }
0x76: {  	[sflag:s24] =	ssyncset.done $0x0  }
0x77: {  	[sflag:s24] =	ssyncadd.s32 $0xFFFFC000  }
0x78: {  	_ =	swait.ge [sflag:s30], $0x4000  }
0x79: {  	[sflag:s30] =	ssyncset.done $0x0  }
0x7a: {  	s6 =	simm.s32 $0x2700;
	[sflag:s30] =	ssyncadd.s32 $0xFFFFC000  }
0x7b: {  	[tilespmem:s1], [sflag:$0x1] =	stream.indirect.gather [spmem:s2], $0x40, s6, s31, $0xb8;
	[tilespmem:$0x1E600] =	vst v63  }
0x7c: {  	s10 =	rddreg [dreg:$0xa]  }
0x7d: {  	[tilespmem:s0], [sflag:$0x3] =	stream.linear.gather [hbm4b:s10+s4], $0x100, $0x38;
	[tilespmem:$0x1E600] =	vst v63  }
0x7e: {  	_ =	swait.ge [sflag:s5], $0x100  }
0x7f: {  	[sflag:s5] =	ssyncset.done $0x0  }
0x80: {  	[sflag:s5] =	ssyncadd.s32 $0xFFFFFF00  }
0x81: {  	[spmem:s3] =	stream.indirect.scatter.add.f32 [tilespmem:s29], [sflag:$0x5], $0x40, s25, s31, $0xb8;
	[tilespmem:$0x1E600] =	vst v63  }
0x82: {  	_ =	swait.ge [sflag:s24], $0x4000  }
0x83: {  	[sflag:s24] =	ssyncset.done $0x0  }
0x84: {  	[sflag:s24] =	ssyncadd.s32 $0xFFFFC000  }
0x85: {  	_ =	swait.ge [sflag:s30], $0x4000  }
0x86: {  	[sflag:s30] =	ssyncset.done $0x0  }
0x87: {  	[sflag:s30] =	ssyncadd.s32 $0xFFFFC000  }
0x88: {  	_ =	swait.ge [sflag:s5], $0x100  }
0x89: {  	[sflag:s5] =	ssyncset.done $0x0  }
0x8a: {  	[sflag:s5] =	ssyncadd.s32 $0xFFFFFF00  }
0x8b: {  	[spmem:s3] =	stream.indirect.scatter.add.f32 [tilespmem:s1], [sflag:$0x5], $0x40, s0, s31, $0xb8;
	[tilespmem:$0x1E600] =	vst v63  }
0x8c: {  	_ =	swait.ge [sflag:s24], $0x4000  }
0x8d: {  	[sflag:s24] =	ssyncset.done $0x0  }
0x8e: {  	[sflag:s24] =	ssyncadd.s32 $0xFFFFC000  }
0x8f: {  	[bflag:$0x0] =	sbarrier.arrive $0xFFFF  }
0x90: {  	s12 =	sor.u32 $0x1C05, s14;
	s10 =	rddreg [dreg:$0x8]  }
0x91: {  	[hbm:s10], [sflag:s12] =	dma.local [spmem:s8], $0x13C0  }
0x92: {  	_ =	swait.ge [sflag:s24], $0x13C0  }
0x93: {  	s7 =	sadd.s32 $0x1, s7;
	s13 =	rddreg [dreg:$0x9]  }
0x94: {  	p0 =	sne.s32 s7, s13  }
.Ltmp1:
0x95: {  	_ = 	snop;
	(pc) =	sbr.rel @p0 .LBB2_1-.Ltmp1, $3  }
0x96: {  	_ =	sdelay $0x1  }
0x97: {  	[sflag:s24] =	ssyncset.done $0x0  }
0x98: {  	[sflag:s24] =	ssyncadd.s32 $0xFFFFEC40  }
0x99: {  	_ =	sfence.sel $0x180000  }
0x9a: {  	[bflag:$0x0] =	sbarrier.arrive $0xFFFF  }
0x9b: {  	_ =	strace $0x9000004D  }
0x9c: {  	s0 =	stileid.u32;
	[bflag:$0x2] =	sbarrier.arrive $0xFFFF  }
0x9d: {  	p0 =	sne.s32 s0, $0x0;
	s0 =	rddreg [dreg:$0x3]  }
0x9e: {  	s0 =	sadd.s32 @!p0 $0x100000, s0  }
0x9f: {  	[sflag:s0] =	ssyncadd.tile.s32 @!p0 $0x1;
	_ =	shalt  }
.Lfunc_end2:
_tile_overlayer_lowered:
.L_overlay_start_2:
0xa0: {  	(tag) =	ssettag $0x2  }
0xa1: {  	s0 =	rddreg [dreg:$0x0];
	s2 =	stileid.u32  }
0xa2: {  	s1 =	rddreg [dreg:$0x1];
	p0 =	sne.s32 s2, $0x0  }
0xa3: {  	s3 =	rddreg [dreg:$0x2];
	[bflag:$0x3] =	sbarrier.arrive $0xFFFF;
	s2 =	simm.s32 @!p0 $0x1C05  }
0xa4: {  	[timem:s3], [sflag:s2] =	dma.local @!p0 [hbm:s0], s1  }
0xa5: {  	s0 =	simm.s32 @!p0 $0x5  }
0xa6: {  	_ =	swait.ge @!p0 [sflag:s0], s1  }
0xa7: {  	s1 =	ssub.s32 @!p0 $0x0, s1;
	[sflag:s0] =	ssyncset.done @!p0 $0x0  }
0xa8: {  	[sflag:s0] =	ssyncadd.s32 @!p0 s1  }
0xa9: {  	[bflag:$0x3] =	sbarrier.arrive $0xFFFF  }
0xaa: {  	_ =	shalt  }

// kernel: kernel.22.cloned.1.call-start
scs
__scs_entry_jumppad:
0x0: {  	(pc) =	sbr.rel $0x88, $3  }
0x1: {  	(tag) =	ssettag $0x0;
	lr =	simm.s32 $0x1  }
0x2: {  	[smem:$0x3F86] =	sst lr;
	_ =	strace $0xD0000000  }
0x3: {  	_ = 	snop  }
0x4: {  	_ = 	snop  }
0x5: {  	_ = 	snop  }
0x6: {  	_ = 	snop  }
0x7: {  	_ = 	snop  }
__scs_overlays_trampoline_lowered:
0x8: {  	[smem:$0x3F95] =	sst s0  }
0x9: {  	[smem:$0x3F96] =	sst s1  }
0xa: {  	[smem:$0x3F97] =	sst s2  }
0xb: {  	[smem:$0x3F98] =	sst s3  }
0xc: {  	[smem:$0x3F99] =	sst s4  }
0xd: {  	[smem:$0x3F9A] =	sst s5  }
0xe: {  	[smem:$0x3F9B] =	sst s6  }
0xf: {  	[smem:$0x3F9C] =	sst s7  }
0x10: {  	[smem:$0x3F9D] =	sst s8  }
0x11: {  	[smem:$0x3F9E] =	sst s9;
	s0 =	simm.s32 @!p0 $0x0  }
0x12: {  	s1 =	sld [smem:$0x3F84];
	s0 =	simm.s32 @p0 $0x1  }
0x13: {  	[smem:$0x3F9F] =	sst s0;
	s0 =	simm.s32 @!p1 $0x0  }
0x14: {  	s2 =	sld [smem:$0x3F83];
	s0 =	simm.s32 @p1 $0x1  }
0x15: {  	[smem:$0x3FA0] =	sst s0;
	s0 =	simm.s32 @!p2 $0x0  }
0x16: {  	s3 =	sld [smem:$0x3FDB];
	s0 =	simm.s32 @p2 $0x1  }
0x17: {  	s4 =	simm.s32 $0x1BF5;
	[smem:$0x3FA2] =	sst s0  }
0x18: {  	s0 =	sld [smem:$0x3F85];
	_ =	swait.ge [sflag:s4], $0x0  }
0x19: {  	s7 =	sld [smem:$0x3F86]  }
0x1a: {  	s8 =	sadd.s32 $0xFFFFE003, lr  }
0x1b: {  	s9 =	sadd.s32 $0xFFFFFEF7, lr;
	s5 =	simm.s32 $0xFFFFFFFF;
	p2 =	slt.u32 s8, $0xFFFFF086  }
0x1c: {  	p1 =	slt.u32 s9, $0xF7A;
	s5 =	simm.s32 @!p2 $0x0  }
0x1d: {  	s5 =	simm.s32 @p1 $0x1;
	p0 =	seq.s32 s7, s2  }
0x1e: {  	s7 =	smul.u32 @!p0 $0xF7A, s2;
	p2 =	seq.s32 @!p0 s5, $0x0  }
0x1f: {  	s9 =	smul.u32 $0xF7A, s1;
	s8 =	simm.s32 @!p0 $0x1BF5;
	p2 =	por !p2, p0  }
0x20: {  	[sflag:s8] =	ssyncset.s32 @!p0 $0xFFFFF086;
	s6 =	sadd.s32 @!p0 s3, s7;
	s7 =	simm.s32 @!p0 $0x108  }
0x21: {  	s3 =	sadd.s32 s3, s9;
	s6 =	sadd.s32 @!p0 $0x88, s6;
	s7 =	simm.s32 @p2 $0x1082  }
0x22: {  	[simem:s7], [sflag:s8] =	dma.local @!p0 [hbm:s6], $0xF7A  }
0x23: {  	s9 =	sor.u32 $0xD0000000, s2;
	s6 =	simm.s32 $0x108;
	_ =	swait.ge @!p0 [sflag:s8], $0x0  }
0x24: {  	s3 =	sadd.s32 $0x88, s3;
	s6 =	simm.s32 @!p1 $0x1082;
	[sflag:s4] =	ssyncset.s32 $0xFFFFF086  }
0x25: {  	[simem:s6], [sflag:s4] =	dma.local [hbm:s3], $0xF7A  }
0x26: {  	[smem:$0x3F86] =	sst s1;
	(tag) =	ssettag s2;
	_ =	strace s9  }
0x27: {  	s1 =	sld [smem:$0x3F96]  }
0x28: {  	s2 =	sld [smem:$0x3F97]  }
0x29: {  	s4 =	sld [smem:$0x3F99]  }
0x2a: {  	p0 =	seq.s32 s5, $0x0;
	s5 =	sld [smem:$0x3F9A]  }
0x2b: {  	s6 =	sld [smem:$0x3F9B]  }
0x2c: {  	s7 =	sld [smem:$0x3F9C]  }
0x2d: {  	s3 =	simm.s32 $0x108;
	s8 =	sld [smem:$0x3F9D]  }
0x2e: {  	s3 =	simm.s32 @!p0 $0x1082;
	s9 =	sld [smem:$0x3F9E]  }
0x2f: {  	lr =	sadd.s32 s0, s3;
	s0 =	sld [smem:$0x3F95]  }
0x30: {  	s3 =	sld [smem:$0x3F98]  }
0x31: {  	[smem:$0x3FA1] =	sst s10  }
0x32: {  	s10 =	sld [smem:$0x3F9F];
	_ =	sdelay $0x3  }
0x33: {  	p0 =	seq.s32 s10, $0x1;
	s10 =	sld [smem:$0x3FA1];
	_ =	sdelay $0x3  }
0x34: {  	[smem:$0x3FA1] =	sst s10  }
0x35: {  	s10 =	sld [smem:$0x3FA0];
	_ =	sdelay $0x3  }
0x36: {  	p1 =	seq.s32 s10, $0x1;
	s10 =	sld [smem:$0x3FA1];
	_ =	sdelay $0x3  }
0x37: {  	[smem:$0x3FA1] =	sst s10  }
0x38: {  	s10 =	sld [smem:$0x3FA2]  }
0x39: {  	_ = 	snop;
	(pc) =	sbr.ind lr, $3  }
0x3a: {  	_ = 	snop  }
0x3b: {  	_ = 	snop  }
0x3c: {  	p2 =	seq.s32 s10, $0x1;
	s10 =	sld [smem:$0x3FA1]  }
0x3d: {  	_ =	shalt  }
0x3e: {  	_ =	shalt  }
0x3f: {  	_ =	shalt  }
0x40: {  	_ =	shalt  }
0x41: {  	_ =	shalt  }
0x42: {  	_ =	shalt  }
0x43: {  	_ =	shalt  }
0x44: {  	_ =	shalt  }
0x45: {  	_ =	shalt  }
0x46: {  	_ =	shalt  }
0x47: {  	_ =	shalt  }
0x48: {  	_ =	shalt  }
0x49: {  	_ =	shalt  }
0x4a: {  	_ =	shalt  }
0x4b: {  	_ =	shalt  }
0x4c: {  	_ =	shalt  }
0x4d: {  	_ =	shalt  }
0x4e: {  	_ =	shalt  }
0x4f: {  	_ =	shalt  }
0x50: {  	_ =	shalt  }
0x51: {  	_ =	shalt  }
0x52: {  	_ =	shalt  }
0x53: {  	_ =	shalt  }
0x54: {  	_ =	shalt  }
0x55: {  	_ =	shalt  }
0x56: {  	_ =	shalt  }
0x57: {  	_ =	shalt  }
0x58: {  	_ =	shalt  }
0x59: {  	_ =	shalt  }
0x5a: {  	_ =	shalt  }
0x5b: {  	_ =	shalt  }
0x5c: {  	_ =	shalt  }
0x5d: {  	_ =	shalt  }
0x5e: {  	_ =	shalt  }
0x5f: {  	_ =	shalt  }
0x60: {  	_ =	shalt  }
0x61: {  	_ =	shalt  }
0x62: {  	_ =	shalt  }
0x63: {  	_ =	shalt  }
0x64: {  	_ =	shalt  }
0x65: {  	_ =	shalt  }
0x66: {  	_ =	shalt  }
0x67: {  	_ =	shalt  }
0x68: {  	_ =	shalt  }
0x69: {  	_ =	shalt  }
0x6a: {  	_ =	shalt  }
0x6b: {  	_ =	shalt  }
0x6c: {  	_ =	shalt  }
0x6d: {  	_ =	shalt  }
0x6e: {  	_ =	shalt  }
0x6f: {  	_ =	shalt  }
0x70: {  	_ =	shalt  }
0x71: {  	_ =	shalt  }
0x72: {  	_ =	shalt  }
0x73: {  	_ =	shalt  }
0x74: {  	_ =	shalt  }
0x75: {  	_ =	shalt  }
0x76: {  	_ =	shalt  }
0x77: {  	_ =	shalt  }
0x78: {  	_ =	shalt  }
0x79: {  	_ =	shalt  }
0x7a: {  	_ =	shalt  }
0x7b: {  	_ =	shalt  }
0x7c: {  	_ =	shalt  }
0x7d: {  	_ =	shalt  }
0x7e: {  	_ =	shalt  }
0x7f: {  	_ =	shalt  }
0x80: {  	_ =	shalt  }
0x81: {  	_ =	shalt  }
0x82: {  	_ =	shalt  }
0x83: {  	_ =	shalt  }
0x84: {  	_ =	shalt  }
0x85: {  	_ =	shalt  }
0x86: {  	_ =	shalt  }
0x87: {  	_ =	shalt  }
.Lfunc_end0:
.L_simem_size_0:
called_computation.3_lowered:
.L_overlay_start_0:
0x88: {  	s2 =	sld [smem:$0x3FD9]  }
0x89: {  	s3 =	sld [smem:$0x3FFE];
	_ =	sdelay $0x1  }
0x8a: {  	s1 =	srdreg.scid  }
0x8b: {  	s0 =	sand.u32 $0x1, s1  }
0x8c: {  	s16 =	sshll.u32 s0, $0xA;
	s2 =	sadd.s32 s3, s2  }
0x8d: {  	s2 =	sadd.s32 s2, s16  }
0x8e: {  	[smem:$0x3FAD] =	sst s2  }
0x8f: {  	_ = 	snop  }
0x90: {  	(tm) =	ssettm $0x1  }
0x91: {  	s17 =	sld [smem:$0x3FFB];
	_ =	sdelay $0x3  }
0x92: {  	_ =	strace s17  }
0x93: {  	s2 =	sld [smem:$0x3FFC];
	_ =	sdelay $0x3  }
0x94: {  	_ =	strace s2  }
0x95: {  	s2 =	sld [smem:$0x3FFD];
	_ =	sdelay $0x3  }
0x96: {  	_ =	strace s2  }
0x97: {  	_ =	strace $0x8FFFFFFF  }
0x98: {  	s18 =	sld [smem:$0x3FDB];
	_ =	sdelay $0x1  }
0x99: {  	s19 =	simm.s32 $_scs_section_size  }
0x9a: {  	s4 =	simm.s32 $_size__tile_overlayer_lowered;
	s5 =	simm.s32 $_tile_overlayer_lowered  }
0x9b: {  	s22 =	simm.s32 $0x1BFF;
	s21 =	sshll.u32 s5, $0x1;
	s2 =	sadd.s32 s19, s18  }
0x9c: {  	s6 =	simm.s32 $0x0;
	s20 =	sshll.u32 s4, $0x1;
	s4 =	sadd.s32 s21, s2  }
0x9d: {  	[timem:s6], [sflag:s22] =	dma.local [hbm:s4], s20  }
0x9e: {  	_ =	swait.ge [sflag:s22], s20  }
0x9f: {  	s3 =	ssub.s32 $0x0, s20;
	[sflag:s22] =	ssyncset.done $0x0  }
0xa0: {  	[sflag:s22] =	ssyncadd.s32 s3;
	_ =	sdelay $0x1  }
0xa1: {  	s23 =	simm.s32 $0x1B8B  }
0xa2: {  	_ =	swait.ge [sflag:s23], $0x1  }
0xa3: {  	[sflag:s23] =	ssyncset.done $0x0  }
0xa4: {  	s25 =	simm.s32 $0x1B8E;
	s24 =	sld [smem:$0x3FFE];
	[sflag:s23] =	ssyncadd.s32 $0xFFFFFFFF  }
0xa5: {  	s26 =	simm.s32 $execute0_lowered;
	[smem:$0x3FD2] =	sst s25  }
0xa6: {  	s4 =	sshll.u32 s26, $0x1;
	_ =	strace $0x8000004F;
	[dreg:$0x1] =	wrdreg $0xFFFFFFFF  }
0xa7: {  	s28 =	simm.s32 $_size_execute0_lowered;
	s2 =	sadd.s32 s2, s4;
	[dreg:$0x0] =	wrdreg $0x0  }
0xa8: {  	s4 =	sshll.u32 s28, $0x1;
	[dreg:$0x2] =	wrdreg s2  }
0xa9: {  	[dreg:$0x3] =	wrdreg s4  }
0xaa: {  	[dreg:$0x4] =	wrdreg $0xC0  }
0xab: {  	_ =	task [dreg:s6], $0x5FFFF  }
0xac: {  	[dreg:$0x1] =	wrdreg $0xFFFFFFFF  }
0xad: {  	[dreg:$0x0] =	wrdreg $0x60  }
0xae: {  	[dreg:$0x2] =	wrdreg s24  }
0xaf: {  	[dreg:$0x3] =	wrdreg $0x148000  }
0xb0: {  	[dreg:$0x4] =	wrdreg $0xAA000  }
0xb1: {  	[dreg:$0x5] =	wrdreg $0x9  }
0xb2: {  	_ =	task.clear_ibuf [dreg:s6], $0x6FFFF;
	_ =	strace $0x9000004F  }
0xb3: {  	s29 =	simm.s32 $0x9;
	_ =	strace $0x80000051  }
0xb4: {  	_ =	swait.ge [sflag:s29], $0x1  }
0xb5: {  	[sflag:s29] =	ssyncadd.s32 $0xFFFFFFFF  }
0xb6: {  	_ =	strace $0x90000051  }
0xb7: {  	_ =	sfence  }
0xb8: {  	s30 =	sld [smem:$0x0];
	_ =	sdelay $0x2  }
0xb9: {  	s31 =	sshll.u32 s1, $0xD;
	s1 =	sshrl.u32 s1, $0x2  }
0xba: {  	s3 =	sand.u32 $0x4000, s31;
	s1 =	sadd.s32 s1, s30  }
0xbb: {  	s0 =	sor.u32 s3, s0;
	s1 =	sshll.u32 s1, $0x11  }
0xbc: {  	s0 =	sor.u32 s1, s0  }
0xbd: {  	s0 =	sadd.s32 $0x8F2B, s0  }
0xbe: {  	[sflag:s0] =	ssyncadd.remote.s32 $0x1  }
0xbf: {  	_ =	sfence.sel $0xFFFF  }
0xc0: {  	[dreg:$0x0] =	wrdreg $0xFFFFFFFF;
	(pc) =	sbr.abs _section_cstart, $3  }
0xc1: {  	[dreg:$0x1] =	wrdreg $0xFFFFFFFF  }
0xc2: {  	_ =	task.clear_ibuf [dreg:s6], $0x2FFFF;
	_ =	strace $0x9FFFFFFF  }
0xc3: {  	(tm) =	ssettm $0x7FFFFFFF  }
tec
execute0_lowered:
.L_overlay_start_1:
0x0: {  	(tag) =	ssettag $0x1  }
0x1: {  	s0 =	rddreg [dreg:$0x0];
	s14 =	stileid.u32  }
0x2: {  	s1 =	srdreg.scid;
	s2 =	rddreg [dreg:$0x1]  }
0x3: {  	s3 =	rddreg [dreg:$0x2];
	s28 =	simm.s32 $0x2;
	s29 =	simm.s32 $0x2A00  }
0x4: {  	s30 =	simm.s32 $0x1;
	s31 =	simm.s32 $0x100;
	s5 =	smul.u32 $0x9E00, s14  }
0x5: {  	s1 =	sand.u32 $0x1, s1;
	s4 =	sshll.u32 s14, $0x1;
	s12 =	smul.u32 $0x27800, s14  }
0x6: {  	s16 =	sadd.s32 $0x4000, s0;
	s18 =	sshll.u32 s14, $0x6;
	s19 =	smul.u32 $0x5000, s14  }
0x7: {  	s6 =	sor.u32 s1, s4;
	s4 =	simm.s32 $0x0;
	s8 =	smul.u32 $0x9E000, s1  }
0x8: {  	s9 =	ssub.s32 $0x2, s1;
	s26 =	sor.u32 $0x1C02, s18;
	s1 =	smul.u32 $0x2800, s1  }
0x9: {  	s14 =	smov.u32 s18;
	s18 =	sor.u32 $0x1C04, s18;
	s6 =	smul.u32 $0x2800, s6  }
0xa: {  	[smem:$0x7FF] =	sst s4;
	s7 =	sshrl.u32 s5, $0x3;
	s11 =	sshrl.u32 s9, $0x1  }
0xb: {  	s17 =	sadd.s32 s5, s2;
	s25 =	sshrl.u32 s12, $0x2;
	_ =	strace $0x80000050  }
0xc: {  	s7 =	sadd.s32 s7, s0;
	s8 =	sadd.s32 s5, s8;
	s13 =	ssub.s32 s9, s11  }
0xd: {  	[dreg:$0x5] =	wrdreg s26;
	s5 =	sadd.s32 s5, s3;
	s11 =	sadd.s32 s25, s3  }
0xe: {  	s9 =	sadd.s32 $0x2B880, s0;
	s1 =	sadd.s32 s1, s19;
	s17 =	sshrl.u32 s17, $0x3  }
0xf: {  	s6 =	sshrl.u32 s6, $0x3;
	s8 =	sshrl.u32 s8, $0x3;
	s7 =	sadd.s32 $0x18000, s7  }
0x10: {  	[dreg:$0x6] =	wrdreg s5;
	s12 =	sadd.s32 $0x1C00, s11;
	s20 =	sadd.s32 $0x3800, s11  }
0x11: {  	s21 =	sadd.s32 $0x5400, s11;
	s22 =	sadd.s32 $0x7000, s11;
	s5 =	sadd.s32 $0x8C00, s11  }
0x12: {  	s24 =	smax.u32 s13, $0x1;
	s25 =	sor.u32 $0x100, s1;
	s1 =	sor.u32 $0x200, s1  }
0x13: {  	s10 =	sadd.s32 s6, s0;
	s8 =	sadd.s32 s8, s0;
	[dreg:$0x4] =	wrdreg s7  }
0x14: {  	s11 =	sadd.s32 s16, s6;
	[dreg:$0x9] =	wrdreg s24;
	s6 =	sshrl.u32 s25, $0x3  }
0x15: {  	s1 =	sshrl.u32 s1, $0x3;
	s19 =	sshrl.u32 s12, $0x3;
	s20 =	sshrl.u32 s20, $0x3  }
0x16: {  	s21 =	sshrl.u32 s21, $0x3;
	s22 =	sshrl.u32 s22, $0x3;
	s24 =	simm.s32 $0x5  }
0x17: {  	s25 =	simm.s32 $0x2800;
	s0 =	simm.s32 $0x2900;
	s10 =	sadd.s32 $0xE000, s10  }
0x18: {  	s7 =	simm.s32 $0x0;
	s23 =	sadd.s32 $0x2BC00, s8;
	[dreg:$0x7] =	wrdreg s10  }
0x19: {  	s26 =	sadd.s32 $0x4E0, s11;
	s15 =	sadd.s32 s6, s16;
	[dreg:$0x8] =	wrdreg s23  }
0x1a: {  	s16 =	sadd.s32 s1, s16;
	s1 =	simm.s32 $0x6A00;
	[dreg:$0xa] =	wrdreg s26  }
0x1b: {  	s23 =	sshrl.u32 s5, $0x3;
	s26 =	simm.s32 $0x4;
	s5 =	simm.s32 $0x3  }
.LBB2_1:
0x1c: {  	s6 =	rddreg [dreg:$0x4]  }
0x1d: {  	s8 =	rddreg [dreg:$0x5]  }
0x1e: {  	[spmem:s17], [sflag:s8] =	dma.local [hbm:s6], $0x13C0  }
0x1f: {  	s6 =	rddreg [dreg:$0x6]  }
0x20: {  	s8 =	sshrl.u32 s6, $0x3  }
0x21: {  	[spmem:s8], [sflag:s18] =	dma.local [hbm:s9], $0x380  }
0x22: {  	[spmem:s19], [sflag:s18] =	dma.local [hbm:s9], $0x380  }
0x23: {  	[spmem:s20], [sflag:s18] =	dma.local [hbm:s9], $0x380  }
0x24: {  	[spmem:s21], [sflag:s18] =	dma.local [hbm:s9], $0x380  }
0x25: {  	[spmem:s22], [sflag:s18] =	dma.local [hbm:s9], $0x380  }
0x26: {  	[spmem:s23], [sflag:s18] =	dma.local [hbm:s9], $0x240  }
0x27: {  	s13 =	rddreg [dreg:$0x7]  }
0x28: {  	[tilespmem:s4], [sflag:$0x5] =	stream.linear.gather [hbm4b:s13+s4], $0x2800, $0x38;
	[tilespmem:$0x1E600] =	vst v63  }
0x29: {  	_ =	swait.ge [sflag:s24], $0x2800  }
0x2a: {  	[sflag:s24] =	ssyncset.done $0x0  }
0x2b: {  	[sflag:s24] =	ssyncadd.s32 $0xFFFFD800  }
0x2c: {  	[tilespmem:s25], [sflag:$0x3] =	stream.linear.gather [hbm4b:s11+s4], $0x100, $0x38;
	[tilespmem:$0x1E600] =	vst v63  }
0x2d: {  	_ =	swait.ge [sflag:s26], $0x380  }
0x2e: {  	[sflag:s26] =	ssyncset.done $0x0  }
0x2f: {  	[sflag:s26] =	ssyncadd.s32 $0xFFFFFC80  }
0x30: {  	_ =	swait.ge [sflag:s26], $0x380  }
0x31: {  	[sflag:s26] =	ssyncset.done $0x0  }
0x32: {  	[sflag:s26] =	ssyncadd.s32 $0xFFFFFC80  }
0x33: {  	_ =	swait.ge [sflag:s26], $0x380  }
0x34: {  	[sflag:s26] =	ssyncset.done $0x0  }
0x35: {  	[sflag:s26] =	ssyncadd.s32 $0xFFFFFC80  }
0x36: {  	_ =	swait.ge [sflag:s26], $0x380  }
0x37: {  	[sflag:s26] =	ssyncset.done $0x0  }
0x38: {  	[sflag:s26] =	ssyncadd.s32 $0xFFFFFC80  }
0x39: {  	_ =	swait.ge [sflag:s26], $0x380  }
0x3a: {  	[sflag:s26] =	ssyncset.done $0x0  }
0x3b: {  	[sflag:s26] =	ssyncadd.s32 $0xFFFFFC80  }
0x3c: {  	_ =	swait.ge [sflag:s26], $0x240  }
0x3d: {  	[sflag:s26] =	ssyncset.done $0x0  }
0x3e: {  	[sflag:s26] =	ssyncadd.s32 $0xFFFFFDC0  }
0x3f: {  	_ =	swait.ge [sflag:s28], $0x13C0  }
0x40: {  	[sflag:s28] =	ssyncset.done $0x0  }
0x41: {  	[sflag:s28] =	ssyncadd.s32 $0xFFFFEC40  }
0x42: {  	[bflag:$0x0] =	sbarrier.arrive $0xFFFF  }
0x43: {  	[tilespmem:s29], [sflag:$0x1] =	stream.indirect.gather [spmem:s2], $0x40, s4, s31, $0xb8;
	[tilespmem:$0x1E600] =	vst v63  }
0x44: {  	_ =	swait.ge [sflag:s30], $0x4000  }
0x45: {  	[sflag:s30] =	ssyncset.done $0x0  }
0x46: {  	[sflag:s30] =	ssyncadd.s32 $0xFFFFC000  }
0x47: {  	[tilespmem:s1], [sflag:$0x1] =	stream.indirect.gather [spmem:s2], $0x40, s31, s31, $0xb8;
	[tilespmem:$0x1E600] =	vst v63  }
0x48: {  	s10 =	sadd.s32 $0x0, s15  }
0x49: {  	[tilespmem:s0], [sflag:$0x3] =	stream.linear.gather [hbm4b:s10+s4], $0x100, $0x38;
	[tilespmem:$0x1E600] =	vst v63  }
0x4a: {  	_ =	swait.ge [sflag:s5], $0x100  }
0x4b: {  	[sflag:s5] =	ssyncset.done $0x0  }
0x4c: {  	[sflag:s5] =	ssyncadd.s32 $0xFFFFFF00  }
0x4d: {  	[spmem:s3] =	stream.indirect.scatter.add.f32 [tilespmem:s29], [sflag:$0x5], $0x40, s25, s31, $0xb8;
	[tilespmem:$0x1E600] =	vst v63  }
0x4e: {  	_ =	swait.ge [sflag:s24], $0x4000  }
0x4f: {  	[sflag:s24] =	ssyncset.done $0x0  }
0x50: {  	[sflag:s24] =	ssyncadd.s32 $0xFFFFC000  }
0x51: {  	_ =	swait.ge [sflag:s30], $0x4000  }
0x52: {  	[sflag:s30] =	ssyncset.done $0x0  }
0x53: {  	s12 =	simm.s32 $0x200;
	[sflag:s30] =	ssyncadd.s32 $0xFFFFC000  }
0x54: {  	[tilespmem:s29], [sflag:$0x1] =	stream.indirect.gather [spmem:s2], $0x40, s12, s31, $0xb8;
	[tilespmem:$0x1E600] =	vst v63  }
0x55: {  	s13 =	sadd.s32 $0x0, s16  }
0x56: {  	[tilespmem:s25], [sflag:$0x3] =	stream.linear.gather [hbm4b:s13+s4], $0x100, $0x38;
	[tilespmem:$0x1E600] =	vst v63  }
0x57: {  	_ =	swait.ge [sflag:s5], $0x100  }
0x58: {  	[sflag:s5] =	ssyncset.done $0x0  }
0x59: {  	[sflag:s5] =	ssyncadd.s32 $0xFFFFFF00  }
0x5a: {  	[spmem:s3] =	stream.indirect.scatter.add.f32 [tilespmem:s1], [sflag:$0x5], $0x40, s0, s31, $0xb8;
	[tilespmem:$0x1E600] =	vst v63  }
0x5b: {  	_ =	swait.ge [sflag:s24], $0x4000  }
0x5c: {  	s6 =	simm.s32 $0x100;
	s10 =	simm.s32 $0x40;
	[sflag:s24] =	ssyncset.done $0x0  }
.LBB2_2:
0x5d: {  	p0 =	sne.s32 s10, $0x480;
	[sflag:s24] =	ssyncadd.s32 $0xFFFFC000;
	s6 =	sadd.s32 $0x200, s6  }
0x5e: {  	s12 =	smov.u32 s10;
	s10 =	sadd.s32 $0x40, s10;
	_ =	swait.ge [sflag:s30], $0x4000  }
0x5f: {  	[sflag:s30] =	ssyncset.done $0x0  }
0x60: {  	[sflag:s30] =	ssyncadd.s32 $0xFFFFC000  }
0x61: {  	[tilespmem:s1], [sflag:$0x1] =	stream.indirect.gather [spmem:s2], $0x40, s6, s31, $0xb8;
	[tilespmem:$0x1E600] =	vst v63  }
0x62: {  	s13 =	sadd.s32 s12, s15  }
0x63: {  	[tilespmem:s0], [sflag:$0x3] =	stream.linear.gather [hbm4b:s13+s4], $0x100, $0x38;
	[tilespmem:$0x1E600] =	vst v63  }
0x64: {  	_ =	swait.ge [sflag:s5], $0x100  }
0x65: {  	[sflag:s5] =	ssyncset.done $0x0  }
0x66: {  	[sflag:s5] =	ssyncadd.s32 $0xFFFFFF00  }
0x67: {  	[spmem:s3] =	stream.indirect.scatter.add.f32 [tilespmem:s29], [sflag:$0x5], $0x40, s25, s31, $0xb8;
	[tilespmem:$0x1E600] =	vst v63  }
0x68: {  	_ =	swait.ge [sflag:s24], $0x4000  }
0x69: {  	[sflag:s24] =	ssyncset.done $0x0  }
0x6a: {  	[sflag:s24] =	ssyncadd.s32 $0xFFFFC000  }
0x6b: {  	_ =	swait.ge [sflag:s30], $0x4000  }
0x6c: {  	[sflag:s30] =	ssyncset.done $0x0  }
0x6d: {  	s13 =	sadd.s32 $0x100, s6;
	[sflag:s30] =	ssyncadd.s32 $0xFFFFC000  }
0x6e: {  	[tilespmem:s29], [sflag:$0x1] =	stream.indirect.gather [spmem:s2], $0x40, s13, s31, $0xb8;
	[tilespmem:$0x1E600] =	vst v63  }
0x6f: {  	s12 =	sadd.s32 s12, s16  }
0x70: {  	[tilespmem:s25], [sflag:$0x3] =	stream.linear.gather [hbm4b:s12+s4], $0x100, $0x38;
	[tilespmem:$0x1E600] =	vst v63  }
0x71: {  	_ =	swait.ge [sflag:s5], $0x100  }
.Ltmp0:
0x72: {  	[sflag:s5] =	ssyncset.done $0x0;
	(pc) =	sbr.rel @p0 .LBB2_2-.Ltmp0, $4  }
0x73: {  	[sflag:s5] =	ssyncadd.s32 $0xFFFFFF00  }
0x74: {  	[spmem:s3] =	stream.indirect.scatter.add.f32 [tilespmem:s1], [sflag:$0x5], $0x40, s0, s31, $0xb8;
	[tilespmem:$0x1E600] =	vst v63  }
0x75: {  	_ =	swait.ge [sflag:s24], $0x4000  }
0x76: {  	[sflag:s24] =	ssyncset.done $0x0  }
0x77: {  	[sflag:s24] =	ssyncadd.s32 $0xFFFFC000  }
0x78: {  	_ =	swait.ge [sflag:s30], $0x4000  }
0x79: {  	[sflag:s30] =	ssyncset.done $0x0  }
0x7a: {  	s6 =	simm.s32 $0x2700;
	[sflag:s30] =	ssyncadd.s32 $0xFFFFC000  }
0x7b: {  	[tilespmem:s1], [sflag:$0x1] =	stream.indirect.gather [spmem:s2], $0x40, s6, s31, $0xb8;
	[tilespmem:$0x1E600] =	vst v63  }
0x7c: {  	s10 =	rddreg [dreg:$0xa]  }
0x7d: {  	[tilespmem:s0], [sflag:$0x3] =	stream.linear.gather [hbm4b:s10+s4], $0x100, $0x38;
	[tilespmem:$0x1E600] =	vst v63  }
0x7e: {  	_ =	swait.ge [sflag:s5], $0x100  }
0x7f: {  	[sflag:s5] =	ssyncset.done $0x0  }
0x80: {  	[sflag:s5] =	ssyncadd.s32 $0xFFFFFF00  }
0x81: {  	[spmem:s3] =	stream.indirect.scatter.add.f32 [tilespmem:s29], [sflag:$0x5], $0x40, s25, s31, $0xb8;
	[tilespmem:$0x1E600] =	vst v63  }
0x82: {  	_ =	swait.ge [sflag:s24], $0x4000  }
0x83: {  	[sflag:s24] =	ssyncset.done $0x0  }
0x84: {  	[sflag:s24] =	ssyncadd.s32 $0xFFFFC000  }
0x85: {  	_ =	swait.ge [sflag:s30], $0x4000  }
0x86: {  	[sflag:s30] =	ssyncset.done $0x0  }
0x87: {  	[sflag:s30] =	ssyncadd.s32 $0xFFFFC000  }
0x88: {  	_ =	swait.ge [sflag:s5], $0x100  }
0x89: {  	[sflag:s5] =	ssyncset.done $0x0  }
0x8a: {  	[sflag:s5] =	ssyncadd.s32 $0xFFFFFF00  }
0x8b: {  	[spmem:s3] =	stream.indirect.scatter.add.f32 [tilespmem:s1], [sflag:$0x5], $0x40, s0, s31, $0xb8;
	[tilespmem:$0x1E600] =	vst v63  }
0x8c: {  	_ =	swait.ge [sflag:s24], $0x4000  }
0x8d: {  	[sflag:s24] =	ssyncset.done $0x0  }
0x8e: {  	[sflag:s24] =	ssyncadd.s32 $0xFFFFC000  }
0x8f: {  	[bflag:$0x0] =	sbarrier.arrive $0xFFFF  }
0x90: {  	s12 =	sor.u32 $0x1C05, s14;
	s10 =	rddreg [dreg:$0x8]  }
0x91: {  	[hbm:s10], [sflag:s12] =	dma.local [spmem:s8], $0x13C0  }
0x92: {  	_ =	swait.ge [sflag:s24], $0x13C0  }
0x93: {  	s7 =	sadd.s32 $0x1, s7;
	s13 =	rddreg [dreg:$0x9]  }
0x94: {  	p0 =	sne.s32 s7, s13  }
.Ltmp1:
0x95: {  	_ = 	snop;
	(pc) =	sbr.rel @p0 .LBB2_1-.Ltmp1, $3  }
0x96: {  	_ =	sdelay $0x1  }
0x97: {  	[sflag:s24] =	ssyncset.done $0x0  }
0x98: {  	[sflag:s24] =	ssyncadd.s32 $0xFFFFEC40  }
0x99: {  	_ =	sfence.sel $0x180000  }
0x9a: {  	[bflag:$0x0] =	sbarrier.arrive $0xFFFF  }
0x9b: {  	_ =	strace $0x90000050  }
0x9c: {  	s0 =	stileid.u32;
	[bflag:$0x2] =	sbarrier.arrive $0xFFFF  }
0x9d: {  	p0 =	sne.s32 s0, $0x0;
	s0 =	rddreg [dreg:$0x3]  }
0x9e: {  	s0 =	sadd.s32 @!p0 $0x100000, s0  }
0x9f: {  	[sflag:s0] =	ssyncadd.tile.s32 @!p0 $0x1;
	_ =	shalt  }
.Lfunc_end2:
_tile_overlayer_lowered:
.L_overlay_start_2:
0xa0: {  	(tag) =	ssettag $0x2  }
0xa1: {  	s0 =	rddreg [dreg:$0x0];
	s2 =	stileid.u32  }
0xa2: {  	s1 =	rddreg [dreg:$0x1];
	p0 =	sne.s32 s2, $0x0  }
0xa3: {  	s3 =	rddreg [dreg:$0x2];
	[bflag:$0x3] =	sbarrier.arrive $0xFFFF;
	s2 =	simm.s32 @!p0 $0x1C05  }
0xa4: {  	[timem:s3], [sflag:s2] =	dma.local @!p0 [hbm:s0], s1  }
0xa5: {  	s0 =	simm.s32 @!p0 $0x5  }
0xa6: {  	_ =	swait.ge @!p0 [sflag:s0], s1  }
0xa7: {  	s1 =	ssub.s32 @!p0 $0x0, s1;
	[sflag:s0] =	ssyncset.done @!p0 $0x0  }
0xa8: {  	[sflag:s0] =	ssyncadd.s32 @!p0 s1  }
0xa9: {  	[bflag:$0x3] =	sbarrier.arrive $0xFFFF  }
0xaa: {  	_ =	shalt  }

// kernel: kernel.25.cloned.1.call-start
scs
__scs_entry_jumppad:
0x0: {  	(pc) =	sbr.rel $0x88, $3  }
0x1: {  	(tag) =	ssettag $0x0;
	lr =	simm.s32 $0x1  }
0x2: {  	[smem:$0x3F86] =	sst lr;
	_ =	strace $0xD0000000  }
0x3: {  	_ = 	snop  }
0x4: {  	_ = 	snop  }
0x5: {  	_ = 	snop  }
0x6: {  	_ = 	snop  }
0x7: {  	_ = 	snop  }
__scs_overlays_trampoline_lowered:
0x8: {  	[smem:$0x3F95] =	sst s0  }
0x9: {  	[smem:$0x3F96] =	sst s1  }
0xa: {  	[smem:$0x3F97] =	sst s2  }
0xb: {  	[smem:$0x3F98] =	sst s3  }
0xc: {  	[smem:$0x3F99] =	sst s4  }
0xd: {  	[smem:$0x3F9A] =	sst s5  }
0xe: {  	[smem:$0x3F9B] =	sst s6  }
0xf: {  	[smem:$0x3F9C] =	sst s7  }
0x10: {  	[smem:$0x3F9D] =	sst s8  }
0x11: {  	[smem:$0x3F9E] =	sst s9;
	s0 =	simm.s32 @!p0 $0x0  }
0x12: {  	s1 =	sld [smem:$0x3F84];
	s0 =	simm.s32 @p0 $0x1  }
0x13: {  	[smem:$0x3F9F] =	sst s0;
	s0 =	simm.s32 @!p1 $0x0  }
0x14: {  	s2 =	sld [smem:$0x3F83];
	s0 =	simm.s32 @p1 $0x1  }
0x15: {  	[smem:$0x3FA0] =	sst s0;
	s0 =	simm.s32 @!p2 $0x0  }
0x16: {  	s3 =	sld [smem:$0x3FDB];
	s0 =	simm.s32 @p2 $0x1  }
0x17: {  	s4 =	simm.s32 $0x1BF5;
	[smem:$0x3FA2] =	sst s0  }
0x18: {  	s0 =	sld [smem:$0x3F85];
	_ =	swait.ge [sflag:s4], $0x0  }
0x19: {  	s7 =	sld [smem:$0x3F86]  }
0x1a: {  	s8 =	sadd.s32 $0xFFFFE003, lr  }
0x1b: {  	s9 =	sadd.s32 $0xFFFFFEF7, lr;
	s5 =	simm.s32 $0xFFFFFFFF;
	p2 =	slt.u32 s8, $0xFFFFF086  }
0x1c: {  	p1 =	slt.u32 s9, $0xF7A;
	s5 =	simm.s32 @!p2 $0x0  }
0x1d: {  	s5 =	simm.s32 @p1 $0x1;
	p0 =	seq.s32 s7, s2  }
0x1e: {  	s7 =	smul.u32 @!p0 $0xF7A, s2;
	p2 =	seq.s32 @!p0 s5, $0x0  }
0x1f: {  	s9 =	smul.u32 $0xF7A, s1;
	s8 =	simm.s32 @!p0 $0x1BF5;
	p2 =	por !p2, p0  }
0x20: {  	[sflag:s8] =	ssyncset.s32 @!p0 $0xFFFFF086;
	s6 =	sadd.s32 @!p0 s3, s7;
	s7 =	simm.s32 @!p0 $0x108  }
0x21: {  	s3 =	sadd.s32 s3, s9;
	s6 =	sadd.s32 @!p0 $0x88, s6;
	s7 =	simm.s32 @p2 $0x1082  }
0x22: {  	[simem:s7], [sflag:s8] =	dma.local @!p0 [hbm:s6], $0xF7A  }
0x23: {  	s9 =	sor.u32 $0xD0000000, s2;
	s6 =	simm.s32 $0x108;
	_ =	swait.ge @!p0 [sflag:s8], $0x0  }
0x24: {  	s3 =	sadd.s32 $0x88, s3;
	s6 =	simm.s32 @!p1 $0x1082;
	[sflag:s4] =	ssyncset.s32 $0xFFFFF086  }
0x25: {  	[simem:s6], [sflag:s4] =	dma.local [hbm:s3], $0xF7A  }
0x26: {  	[smem:$0x3F86] =	sst s1;
	(tag) =	ssettag s2;
	_ =	strace s9  }
0x27: {  	s1 =	sld [smem:$0x3F96]  }
0x28: {  	s2 =	sld [smem:$0x3F97]  }
0x29: {  	s4 =	sld [smem:$0x3F99]  }
0x2a: {  	p0 =	seq.s32 s5, $0x0;
	s5 =	sld [smem:$0x3F9A]  }
0x2b: {  	s6 =	sld [smem:$0x3F9B]  }
0x2c: {  	s7 =	sld [smem:$0x3F9C]  }
0x2d: {  	s3 =	simm.s32 $0x108;
	s8 =	sld [smem:$0x3F9D]  }
0x2e: {  	s3 =	simm.s32 @!p0 $0x1082;
	s9 =	sld [smem:$0x3F9E]  }
0x2f: {  	lr =	sadd.s32 s0, s3;
	s0 =	sld [smem:$0x3F95]  }
0x30: {  	s3 =	sld [smem:$0x3F98]  }
0x31: {  	[smem:$0x3FA1] =	sst s10  }
0x32: {  	s10 =	sld [smem:$0x3F9F];
	_ =	sdelay $0x3  }
0x33: {  	p0 =	seq.s32 s10, $0x1;
	s10 =	sld [smem:$0x3FA1];
	_ =	sdelay $0x3  }
0x34: {  	[smem:$0x3FA1] =	sst s10  }
0x35: {  	s10 =	sld [smem:$0x3FA0];
	_ =	sdelay $0x3  }
0x36: {  	p1 =	seq.s32 s10, $0x1;
	s10 =	sld [smem:$0x3FA1];
	_ =	sdelay $0x3  }
0x37: {  	[smem:$0x3FA1] =	sst s10  }
0x38: {  	s10 =	sld [smem:$0x3FA2]  }
0x39: {  	_ = 	snop;
	(pc) =	sbr.ind lr, $3  }
0x3a: {  	_ = 	snop  }
0x3b: {  	_ = 	snop  }
0x3c: {  	p2 =	seq.s32 s10, $0x1;
	s10 =	sld [smem:$0x3FA1]  }
0x3d: {  	_ =	shalt  }
0x3e: {  	_ =	shalt  }
0x3f: {  	_ =	shalt  }
0x40: {  	_ =	shalt  }
0x41: {  	_ =	shalt  }
0x42: {  	_ =	shalt  }
0x43: {  	_ =	shalt  }
0x44: {  	_ =	shalt  }
0x45: {  	_ =	shalt  }
0x46: {  	_ =	shalt  }
0x47: {  	_ =	shalt  }
0x48: {  	_ =	shalt  }
0x49: {  	_ =	shalt  }
0x4a: {  	_ =	shalt  }
0x4b: {  	_ =	shalt  }
0x4c: {  	_ =	shalt  }
0x4d: {  	_ =	shalt  }
0x4e: {  	_ =	shalt  }
0x4f: {  	_ =	shalt  }
0x50: {  	_ =	shalt  }
0x51: {  	_ =	shalt  }
0x52: {  	_ =	shalt  }
0x53: {  	_ =	shalt  }
0x54: {  	_ =	shalt  }
0x55: {  	_ =	shalt  }
0x56: {  	_ =	shalt  }
0x57: {  	_ =	shalt  }
0x58: {  	_ =	shalt  }
0x59: {  	_ =	shalt  }
0x5a: {  	_ =	shalt  }
0x5b: {  	_ =	shalt  }
0x5c: {  	_ =	shalt  }
0x5d: {  	_ =	shalt  }
0x5e: {  	_ =	shalt  }
0x5f: {  	_ =	shalt  }
0x60: {  	_ =	shalt  }
0x61: {  	_ =	shalt  }
0x62: {  	_ =	shalt  }
0x63: {  	_ =	shalt  }
0x64: {  	_ =	shalt  }
0x65: {  	_ =	shalt  }
0x66: {  	_ =	shalt  }
0x67: {  	_ =	shalt  }
0x68: {  	_ =	shalt  }
0x69: {  	_ =	shalt  }
0x6a: {  	_ =	shalt  }
0x6b: {  	_ =	shalt  }
0x6c: {  	_ =	shalt  }
0x6d: {  	_ =	shalt  }
0x6e: {  	_ =	shalt  }
0x6f: {  	_ =	shalt  }
0x70: {  	_ =	shalt  }
0x71: {  	_ =	shalt  }
0x72: {  	_ =	shalt  }
0x73: {  	_ =	shalt  }
0x74: {  	_ =	shalt  }
0x75: {  	_ =	shalt  }
0x76: {  	_ =	shalt  }
0x77: {  	_ =	shalt  }
0x78: {  	_ =	shalt  }
0x79: {  	_ =	shalt  }
0x7a: {  	_ =	shalt  }
0x7b: {  	_ =	shalt  }
0x7c: {  	_ =	shalt  }
0x7d: {  	_ =	shalt  }
0x7e: {  	_ =	shalt  }
0x7f: {  	_ =	shalt  }
0x80: {  	_ =	shalt  }
0x81: {  	_ =	shalt  }
0x82: {  	_ =	shalt  }
0x83: {  	_ =	shalt  }
0x84: {  	_ =	shalt  }
0x85: {  	_ =	shalt  }
0x86: {  	_ =	shalt  }
0x87: {  	_ =	shalt  }
.Lfunc_end0:
.L_simem_size_0:
called_computation.4_lowered:
.L_overlay_start_0:
0x88: {  	s2 =	sld [smem:$0x3FD9]  }
0x89: {  	s3 =	sld [smem:$0x3FFE];
	_ =	sdelay $0x1  }
0x8a: {  	s1 =	srdreg.scid  }
0x8b: {  	s0 =	sand.u32 $0x1, s1  }
0x8c: {  	s16 =	sshll.u32 s0, $0xA;
	s2 =	sadd.s32 s3, s2  }
0x8d: {  	s2 =	sadd.s32 s2, s16  }
0x8e: {  	[smem:$0x3FAD] =	sst s2  }
0x8f: {  	_ = 	snop  }
0x90: {  	(tm) =	ssettm $0x1  }
0x91: {  	s17 =	sld [smem:$0x3FFB];
	_ =	sdelay $0x3  }
0x92: {  	_ =	strace s17  }
0x93: {  	s2 =	sld [smem:$0x3FFC];
	_ =	sdelay $0x3  }
0x94: {  	_ =	strace s2  }
0x95: {  	s2 =	sld [smem:$0x3FFD];
	_ =	sdelay $0x3  }
0x96: {  	_ =	strace s2  }
0x97: {  	_ =	strace $0x8FFFFFFF  }
0x98: {  	s18 =	sld [smem:$0x3FDB];
	_ =	sdelay $0x1  }
0x99: {  	s19 =	simm.s32 $_scs_section_size  }
0x9a: {  	s4 =	simm.s32 $_size__tile_overlayer_lowered;
	s5 =	simm.s32 $_tile_overlayer_lowered  }
0x9b: {  	s22 =	simm.s32 $0x1BFF;
	s21 =	sshll.u32 s5, $0x1;
	s2 =	sadd.s32 s19, s18  }
0x9c: {  	s6 =	simm.s32 $0x0;
	s20 =	sshll.u32 s4, $0x1;
	s4 =	sadd.s32 s21, s2  }
0x9d: {  	[timem:s6], [sflag:s22] =	dma.local [hbm:s4], s20  }
0x9e: {  	_ =	swait.ge [sflag:s22], s20  }
0x9f: {  	s3 =	ssub.s32 $0x0, s20;
	[sflag:s22] =	ssyncset.done $0x0  }
0xa0: {  	[sflag:s22] =	ssyncadd.s32 s3;
	_ =	sdelay $0x1  }
0xa1: {  	s23 =	simm.s32 $0x1B8B  }
0xa2: {  	_ =	swait.ge [sflag:s23], $0x1  }
0xa3: {  	[sflag:s23] =	ssyncset.done $0x0  }
0xa4: {  	s25 =	simm.s32 $0x1B8E;
	s24 =	sld [smem:$0x3FFE];
	[sflag:s23] =	ssyncadd.s32 $0xFFFFFFFF  }
0xa5: {  	s26 =	simm.s32 $execute0_lowered;
	[smem:$0x3FD2] =	sst s25  }
0xa6: {  	s4 =	sshll.u32 s26, $0x1;
	_ =	strace $0x80000052;
	[dreg:$0x1] =	wrdreg $0xFFFFFFFF  }
0xa7: {  	s28 =	simm.s32 $_size_execute0_lowered;
	s2 =	sadd.s32 s2, s4;
	[dreg:$0x0] =	wrdreg $0x0  }
0xa8: {  	s4 =	sshll.u32 s28, $0x1;
	[dreg:$0x2] =	wrdreg s2  }
0xa9: {  	[dreg:$0x3] =	wrdreg s4  }
0xaa: {  	[dreg:$0x4] =	wrdreg $0xC0  }
0xab: {  	_ =	task [dreg:s6], $0x5FFFF  }
0xac: {  	[dreg:$0x1] =	wrdreg $0xFFFFFFFF  }
0xad: {  	[dreg:$0x0] =	wrdreg $0x60  }
0xae: {  	[dreg:$0x2] =	wrdreg s24  }
0xaf: {  	[dreg:$0x3] =	wrdreg $0x148000  }
0xb0: {  	[dreg:$0x4] =	wrdreg $0xAA000  }
0xb1: {  	[dreg:$0x5] =	wrdreg $0x9  }
0xb2: {  	_ =	task.clear_ibuf [dreg:s6], $0x6FFFF;
	_ =	strace $0x90000052  }
0xb3: {  	s29 =	simm.s32 $0x9;
	_ =	strace $0x80000054  }
0xb4: {  	_ =	swait.ge [sflag:s29], $0x1  }
0xb5: {  	[sflag:s29] =	ssyncadd.s32 $0xFFFFFFFF  }
0xb6: {  	_ =	strace $0x90000054  }
0xb7: {  	_ =	sfence  }
0xb8: {  	s30 =	sld [smem:$0x0];
	_ =	sdelay $0x2  }
0xb9: {  	s31 =	sshll.u32 s1, $0xD;
	s1 =	sshrl.u32 s1, $0x2  }
0xba: {  	s3 =	sand.u32 $0x4000, s31;
	s1 =	sadd.s32 s1, s30  }
0xbb: {  	s0 =	sor.u32 s3, s0;
	s1 =	sshll.u32 s1, $0x11  }
0xbc: {  	s0 =	sor.u32 s1, s0  }
0xbd: {  	s0 =	sadd.s32 $0x8F2B, s0  }
0xbe: {  	[sflag:s0] =	ssyncadd.remote.s32 $0x1  }
0xbf: {  	_ =	sfence.sel $0xFFFF  }
0xc0: {  	[dreg:$0x0] =	wrdreg $0xFFFFFFFF;
	(pc) =	sbr.abs _section_cstart, $3  }
0xc1: {  	[dreg:$0x1] =	wrdreg $0xFFFFFFFF  }
0xc2: {  	_ =	task.clear_ibuf [dreg:s6], $0x2FFFF;
	_ =	strace $0x9FFFFFFF  }
0xc3: {  	(tm) =	ssettm $0x7FFFFFFF  }
tec
execute0_lowered:
.L_overlay_start_1:
0x0: {  	(tag) =	ssettag $0x1  }
0x1: {  	s0 =	rddreg [dreg:$0x0];
	s14 =	stileid.u32  }
0x2: {  	s1 =	srdreg.scid;
	s2 =	rddreg [dreg:$0x1]  }
0x3: {  	s3 =	rddreg [dreg:$0x2];
	s28 =	simm.s32 $0x2;
	s29 =	simm.s32 $0x2A00  }
0x4: {  	s30 =	simm.s32 $0x1;
	s31 =	simm.s32 $0x100;
	s5 =	smul.u32 $0x9E00, s14  }
0x5: {  	s1 =	sand.u32 $0x1, s1;
	s4 =	sshll.u32 s14, $0x1;
	s12 =	smul.u32 $0x27800, s14  }
0x6: {  	s16 =	sadd.s32 $0x4000, s0;
	s18 =	sshll.u32 s14, $0x6;
	s19 =	smul.u32 $0x5000, s14  }
0x7: {  	s6 =	sor.u32 s1, s4;
	s4 =	simm.s32 $0x0;
	s8 =	smul.u32 $0x9E000, s1  }
0x8: {  	s9 =	ssub.s32 $0x2, s1;
	s26 =	sor.u32 $0x1C02, s18;
	s1 =	smul.u32 $0x2800, s1  }
0x9: {  	s14 =	smov.u32 s18;
	s18 =	sor.u32 $0x1C04, s18;
	s6 =	smul.u32 $0x2800, s6  }
0xa: {  	[smem:$0x7FF] =	sst s4;
	s7 =	sshrl.u32 s5, $0x3;
	s11 =	sshrl.u32 s9, $0x1  }
0xb: {  	s17 =	sadd.s32 s5, s2;
	s25 =	sshrl.u32 s12, $0x2;
	_ =	strace $0x80000053  }
0xc: {  	s7 =	sadd.s32 s7, s0;
	s8 =	sadd.s32 s5, s8;
	s13 =	ssub.s32 s9, s11  }
0xd: {  	[dreg:$0x5] =	wrdreg s26;
	s5 =	sadd.s32 s5, s3;
	s11 =	sadd.s32 s25, s3  }
0xe: {  	s9 =	sadd.s32 $0x2B880, s0;
	s1 =	sadd.s32 s1, s19;
	s17 =	sshrl.u32 s17, $0x3  }
0xf: {  	s6 =	sshrl.u32 s6, $0x3;
	s8 =	sshrl.u32 s8, $0x3;
	s7 =	sadd.s32 $0x18000, s7  }
0x10: {  	[dreg:$0x6] =	wrdreg s5;
	s12 =	sadd.s32 $0x1C00, s11;
	s20 =	sadd.s32 $0x3800, s11  }
0x11: {  	s21 =	sadd.s32 $0x5400, s11;
	s22 =	sadd.s32 $0x7000, s11;
	s5 =	sadd.s32 $0x8C00, s11  }
0x12: {  	s24 =	smax.u32 s13, $0x1;
	s25 =	sor.u32 $0x100, s1;
	s1 =	sor.u32 $0x200, s1  }
0x13: {  	s10 =	sadd.s32 s6, s0;
	s8 =	sadd.s32 s8, s0;
	[dreg:$0x4] =	wrdreg s7  }
0x14: {  	s11 =	sadd.s32 s16, s6;
	[dreg:$0x9] =	wrdreg s24;
	s6 =	sshrl.u32 s25, $0x3  }
0x15: {  	s1 =	sshrl.u32 s1, $0x3;
	s19 =	sshrl.u32 s12, $0x3;
	s20 =	sshrl.u32 s20, $0x3  }
0x16: {  	s21 =	sshrl.u32 s21, $0x3;
	s22 =	sshrl.u32 s22, $0x3;
	s24 =	simm.s32 $0x5  }
0x17: {  	s25 =	simm.s32 $0x2800;
	s0 =	simm.s32 $0x2900;
	s10 =	sadd.s32 $0xE000, s10  }
0x18: {  	s7 =	simm.s32 $0x0;
	s23 =	sadd.s32 $0x2BC00, s8;
	[dreg:$0x7] =	wrdreg s10  }
0x19: {  	s26 =	sadd.s32 $0x4E0, s11;
	s15 =	sadd.s32 s6, s16;
	[dreg:$0x8] =	wrdreg s23  }
0x1a: {  	s16 =	sadd.s32 s1, s16;
	s1 =	simm.s32 $0x6A00;
	[dreg:$0xa] =	wrdreg s26  }
0x1b: {  	s23 =	sshrl.u32 s5, $0x3;
	s26 =	simm.s32 $0x4;
	s5 =	simm.s32 $0x3  }
.LBB2_1:
0x1c: {  	s6 =	rddreg [dreg:$0x4]  }
0x1d: {  	s8 =	rddreg [dreg:$0x5]  }
0x1e: {  	[spmem:s17], [sflag:s8] =	dma.local [hbm:s6], $0x13C0  }
0x1f: {  	s6 =	rddreg [dreg:$0x6]  }
0x20: {  	s8 =	sshrl.u32 s6, $0x3  }
0x21: {  	[spmem:s8], [sflag:s18] =	dma.local [hbm:s9], $0x380  }
0x22: {  	[spmem:s19], [sflag:s18] =	dma.local [hbm:s9], $0x380  }
0x23: {  	[spmem:s20], [sflag:s18] =	dma.local [hbm:s9], $0x380  }
0x24: {  	[spmem:s21], [sflag:s18] =	dma.local [hbm:s9], $0x380  }
0x25: {  	[spmem:s22], [sflag:s18] =	dma.local [hbm:s9], $0x380  }
0x26: {  	[spmem:s23], [sflag:s18] =	dma.local [hbm:s9], $0x240  }
0x27: {  	s13 =	rddreg [dreg:$0x7]  }
0x28: {  	[tilespmem:s4], [sflag:$0x5] =	stream.linear.gather [hbm4b:s13+s4], $0x2800, $0x38;
	[tilespmem:$0x1E600] =	vst v63  }
0x29: {  	_ =	swait.ge [sflag:s24], $0x2800  }
0x2a: {  	[sflag:s24] =	ssyncset.done $0x0  }
0x2b: {  	[sflag:s24] =	ssyncadd.s32 $0xFFFFD800  }
0x2c: {  	[tilespmem:s25], [sflag:$0x3] =	stream.linear.gather [hbm4b:s11+s4], $0x100, $0x38;
	[tilespmem:$0x1E600] =	vst v63  }
0x2d: {  	_ =	swait.ge [sflag:s26], $0x380  }
0x2e: {  	[sflag:s26] =	ssyncset.done $0x0  }
0x2f: {  	[sflag:s26] =	ssyncadd.s32 $0xFFFFFC80  }
0x30: {  	_ =	swait.ge [sflag:s26], $0x380  }
0x31: {  	[sflag:s26] =	ssyncset.done $0x0  }
0x32: {  	[sflag:s26] =	ssyncadd.s32 $0xFFFFFC80  }
0x33: {  	_ =	swait.ge [sflag:s26], $0x380  }
0x34: {  	[sflag:s26] =	ssyncset.done $0x0  }
0x35: {  	[sflag:s26] =	ssyncadd.s32 $0xFFFFFC80  }
0x36: {  	_ =	swait.ge [sflag:s26], $0x380  }
0x37: {  	[sflag:s26] =	ssyncset.done $0x0  }
0x38: {  	[sflag:s26] =	ssyncadd.s32 $0xFFFFFC80  }
0x39: {  	_ =	swait.ge [sflag:s26], $0x380  }
0x3a: {  	[sflag:s26] =	ssyncset.done $0x0  }
0x3b: {  	[sflag:s26] =	ssyncadd.s32 $0xFFFFFC80  }
0x3c: {  	_ =	swait.ge [sflag:s26], $0x240  }
0x3d: {  	[sflag:s26] =	ssyncset.done $0x0  }
0x3e: {  	[sflag:s26] =	ssyncadd.s32 $0xFFFFFDC0  }
0x3f: {  	_ =	swait.ge [sflag:s28], $0x13C0  }
0x40: {  	[sflag:s28] =	ssyncset.done $0x0  }
0x41: {  	[sflag:s28] =	ssyncadd.s32 $0xFFFFEC40  }
0x42: {  	[bflag:$0x0] =	sbarrier.arrive $0xFFFF  }
0x43: {  	[tilespmem:s29], [sflag:$0x1] =	stream.indirect.gather [spmem:s2], $0x40, s4, s31, $0xb8;
	[tilespmem:$0x1E600] =	vst v63  }
0x44: {  	_ =	swait.ge [sflag:s30], $0x4000  }
0x45: {  	[sflag:s30] =	ssyncset.done $0x0  }
0x46: {  	[sflag:s30] =	ssyncadd.s32 $0xFFFFC000  }
0x47: {  	[tilespmem:s1], [sflag:$0x1] =	stream.indirect.gather [spmem:s2], $0x40, s31, s31, $0xb8;
	[tilespmem:$0x1E600] =	vst v63  }
0x48: {  	s10 =	sadd.s32 $0x0, s15  }
0x49: {  	[tilespmem:s0], [sflag:$0x3] =	stream.linear.gather [hbm4b:s10+s4], $0x100, $0x38;
	[tilespmem:$0x1E600] =	vst v63  }
0x4a: {  	_ =	swait.ge [sflag:s5], $0x100  }
0x4b: {  	[sflag:s5] =	ssyncset.done $0x0  }
0x4c: {  	[sflag:s5] =	ssyncadd.s32 $0xFFFFFF00  }
0x4d: {  	[spmem:s3] =	stream.indirect.scatter.add.f32 [tilespmem:s29], [sflag:$0x5], $0x40, s25, s31, $0xb8;
	[tilespmem:$0x1E600] =	vst v63  }
0x4e: {  	_ =	swait.ge [sflag:s24], $0x4000  }
0x4f: {  	[sflag:s24] =	ssyncset.done $0x0  }
0x50: {  	[sflag:s24] =	ssyncadd.s32 $0xFFFFC000  }
0x51: {  	_ =	swait.ge [sflag:s30], $0x4000  }
0x52: {  	[sflag:s30] =	ssyncset.done $0x0  }
0x53: {  	s12 =	simm.s32 $0x200;
	[sflag:s30] =	ssyncadd.s32 $0xFFFFC000  }
0x54: {  	[tilespmem:s29], [sflag:$0x1] =	stream.indirect.gather [spmem:s2], $0x40, s12, s31, $0xb8;
	[tilespmem:$0x1E600] =	vst v63  }
0x55: {  	s13 =	sadd.s32 $0x0, s16  }
0x56: {  	[tilespmem:s25], [sflag:$0x3] =	stream.linear.gather [hbm4b:s13+s4], $0x100, $0x38;
	[tilespmem:$0x1E600] =	vst v63  }
0x57: {  	_ =	swait.ge [sflag:s5], $0x100  }
0x58: {  	[sflag:s5] =	ssyncset.done $0x0  }
0x59: {  	[sflag:s5] =	ssyncadd.s32 $0xFFFFFF00  }
0x5a: {  	[spmem:s3] =	stream.indirect.scatter.add.f32 [tilespmem:s1], [sflag:$0x5], $0x40, s0, s31, $0xb8;
	[tilespmem:$0x1E600] =	vst v63  }
0x5b: {  	_ =	swait.ge [sflag:s24], $0x4000  }
0x5c: {  	s6 =	simm.s32 $0x100;
	s10 =	simm.s32 $0x40;
	[sflag:s24] =	ssyncset.done $0x0  }
.LBB2_2:
0x5d: {  	p0 =	sne.s32 s10, $0x480;
	[sflag:s24] =	ssyncadd.s32 $0xFFFFC000;
	s6 =	sadd.s32 $0x200, s6  }
0x5e: {  	s12 =	smov.u32 s10;
	s10 =	sadd.s32 $0x40, s10;
	_ =	swait.ge [sflag:s30], $0x4000  }
0x5f: {  	[sflag:s30] =	ssyncset.done $0x0  }
0x60: {  	[sflag:s30] =	ssyncadd.s32 $0xFFFFC000  }
0x61: {  	[tilespmem:s1], [sflag:$0x1] =	stream.indirect.gather [spmem:s2], $0x40, s6, s31, $0xb8;
	[tilespmem:$0x1E600] =	vst v63  }
0x62: {  	s13 =	sadd.s32 s12, s15  }
0x63: {  	[tilespmem:s0], [sflag:$0x3] =	stream.linear.gather [hbm4b:s13+s4], $0x100, $0x38;
	[tilespmem:$0x1E600] =	vst v63  }
0x64: {  	_ =	swait.ge [sflag:s5], $0x100  }
0x65: {  	[sflag:s5] =	ssyncset.done $0x0  }
0x66: {  	[sflag:s5] =	ssyncadd.s32 $0xFFFFFF00  }
0x67: {  	[spmem:s3] =	stream.indirect.scatter.add.f32 [tilespmem:s29], [sflag:$0x5], $0x40, s25, s31, $0xb8;
	[tilespmem:$0x1E600] =	vst v63  }
0x68: {  	_ =	swait.ge [sflag:s24], $0x4000  }
0x69: {  	[sflag:s24] =	ssyncset.done $0x0  }
0x6a: {  	[sflag:s24] =	ssyncadd.s32 $0xFFFFC000  }
0x6b: {  	_ =	swait.ge [sflag:s30], $0x4000  }
0x6c: {  	[sflag:s30] =	ssyncset.done $0x0  }
0x6d: {  	s13 =	sadd.s32 $0x100, s6;
	[sflag:s30] =	ssyncadd.s32 $0xFFFFC000  }
0x6e: {  	[tilespmem:s29], [sflag:$0x1] =	stream.indirect.gather [spmem:s2], $0x40, s13, s31, $0xb8;
	[tilespmem:$0x1E600] =	vst v63  }
0x6f: {  	s12 =	sadd.s32 s12, s16  }
0x70: {  	[tilespmem:s25], [sflag:$0x3] =	stream.linear.gather [hbm4b:s12+s4], $0x100, $0x38;
	[tilespmem:$0x1E600] =	vst v63  }
0x71: {  	_ =	swait.ge [sflag:s5], $0x100  }
.Ltmp0:
0x72: {  	[sflag:s5] =	ssyncset.done $0x0;
	(pc) =	sbr.rel @p0 .LBB2_2-.Ltmp0, $4  }
0x73: {  	[sflag:s5] =	ssyncadd.s32 $0xFFFFFF00  }
0x74: {  	[spmem:s3] =	stream.indirect.scatter.add.f32 [tilespmem:s1], [sflag:$0x5], $0x40, s0, s31, $0xb8;
	[tilespmem:$0x1E600] =	vst v63  }
0x75: {  	_ =	swait.ge [sflag:s24], $0x4000  }
0x76: {  	[sflag:s24] =	ssyncset.done $0x0  }
0x77: {  	[sflag:s24] =	ssyncadd.s32 $0xFFFFC000  }
0x78: {  	_ =	swait.ge [sflag:s30], $0x4000  }
0x79: {  	[sflag:s30] =	ssyncset.done $0x0  }
0x7a: {  	s6 =	simm.s32 $0x2700;
	[sflag:s30] =	ssyncadd.s32 $0xFFFFC000  }
0x7b: {  	[tilespmem:s1], [sflag:$0x1] =	stream.indirect.gather [spmem:s2], $0x40, s6, s31, $0xb8;
	[tilespmem:$0x1E600] =	vst v63  }
0x7c: {  	s10 =	rddreg [dreg:$0xa]  }
0x7d: {  	[tilespmem:s0], [sflag:$0x3] =	stream.linear.gather [hbm4b:s10+s4], $0x100, $0x38;
	[tilespmem:$0x1E600] =	vst v63  }
0x7e: {  	_ =	swait.ge [sflag:s5], $0x100  }
0x7f: {  	[sflag:s5] =	ssyncset.done $0x0  }
0x80: {  	[sflag:s5] =	ssyncadd.s32 $0xFFFFFF00  }
0x81: {  	[spmem:s3] =	stream.indirect.scatter.add.f32 [tilespmem:s29], [sflag:$0x5], $0x40, s25, s31, $0xb8;
	[tilespmem:$0x1E600] =	vst v63  }
0x82: {  	_ =	swait.ge [sflag:s24], $0x4000  }
0x83: {  	[sflag:s24] =	ssyncset.done $0x0  }
0x84: {  	[sflag:s24] =	ssyncadd.s32 $0xFFFFC000  }
0x85: {  	_ =	swait.ge [sflag:s30], $0x4000  }
0x86: {  	[sflag:s30] =	ssyncset.done $0x0  }
0x87: {  	[sflag:s30] =	ssyncadd.s32 $0xFFFFC000  }
0x88: {  	_ =	swait.ge [sflag:s5], $0x100  }
0x89: {  	[sflag:s5] =	ssyncset.done $0x0  }
0x8a: {  	[sflag:s5] =	ssyncadd.s32 $0xFFFFFF00  }
0x8b: {  	[spmem:s3] =	stream.indirect.scatter.add.f32 [tilespmem:s1], [sflag:$0x5], $0x40, s0, s31, $0xb8;
	[tilespmem:$0x1E600] =	vst v63  }
0x8c: {  	_ =	swait.ge [sflag:s24], $0x4000  }
0x8d: {  	[sflag:s24] =	ssyncset.done $0x0  }
0x8e: {  	[sflag:s24] =	ssyncadd.s32 $0xFFFFC000  }
0x8f: {  	[bflag:$0x0] =	sbarrier.arrive $0xFFFF  }
0x90: {  	s12 =	sor.u32 $0x1C05, s14;
	s10 =	rddreg [dreg:$0x8]  }
0x91: {  	[hbm:s10], [sflag:s12] =	dma.local [spmem:s8], $0x13C0  }
0x92: {  	_ =	swait.ge [sflag:s24], $0x13C0  }
0x93: {  	s7 =	sadd.s32 $0x1, s7;
	s13 =	rddreg [dreg:$0x9]  }
0x94: {  	p0 =	sne.s32 s7, s13  }
.Ltmp1:
0x95: {  	_ = 	snop;
	(pc) =	sbr.rel @p0 .LBB2_1-.Ltmp1, $3  }
0x96: {  	_ =	sdelay $0x1  }
0x97: {  	[sflag:s24] =	ssyncset.done $0x0  }
0x98: {  	[sflag:s24] =	ssyncadd.s32 $0xFFFFEC40  }
0x99: {  	_ =	sfence.sel $0x180000  }
0x9a: {  	[bflag:$0x0] =	sbarrier.arrive $0xFFFF  }
0x9b: {  	_ =	strace $0x90000053  }
0x9c: {  	s0 =	stileid.u32;
	[bflag:$0x2] =	sbarrier.arrive $0xFFFF  }
0x9d: {  	p0 =	sne.s32 s0, $0x0;
	s0 =	rddreg [dreg:$0x3]  }
0x9e: {  	s0 =	sadd.s32 @!p0 $0x100000, s0  }
0x9f: {  	[sflag:s0] =	ssyncadd.tile.s32 @!p0 $0x1;
	_ =	shalt  }
.Lfunc_end2:
_tile_overlayer_lowered:
.L_overlay_start_2:
0xa0: {  	(tag) =	ssettag $0x2  }
0xa1: {  	s0 =	rddreg [dreg:$0x0];
	s2 =	stileid.u32  }
0xa2: {  	s1 =	rddreg [dreg:$0x1];
	p0 =	sne.s32 s2, $0x0  }
0xa3: {  	s3 =	rddreg [dreg:$0x2];
	[bflag:$0x3] =	sbarrier.arrive $0xFFFF;
	s2 =	simm.s32 @!p0 $0x1C05  }
0xa4: {  	[timem:s3], [sflag:s2] =	dma.local @!p0 [hbm:s0], s1  }
0xa5: {  	s0 =	simm.s32 @!p0 $0x5  }
0xa6: {  	_ =	swait.ge @!p0 [sflag:s0], s1  }
0xa7: {  	s1 =	ssub.s32 @!p0 $0x0, s1;
	[sflag:s0] =	ssyncset.done @!p0 $0x0  }
0xa8: {  	[sflag:s0] =	ssyncadd.s32 @!p0 s1  }
0xa9: {  	[bflag:$0x3] =	sbarrier.arrive $0xFFFF  }
0xaa: {  	_ =	shalt  }

</sc_bundles>
